<compile_context>
chip_gen: v7x
topology: tpu7x:2x2x1
jax: 0.10.2.dev20260603
libtpu: 0.0.44.dev20260713+nightly
codegen_flags: <defaults>
</compile_context>

<pallas_src>
import functools

import jax
import jax.numpy as jnp
from jax import lax
from jax.experimental import pallas as pl
from jax.experimental.pallas import tpu as pltpu
from jax.experimental.pallas import tpu_sc as plsc

N = 1024
E = 16384
HEADS = 16
TABLE_V = 50
MAX_ITERS = 49

NC = 2
NS = 16
LANES = 16
NW = NC * NS

ROWS_PER_TILE = N // NW
CHUNK = 2048
ROWS_PER_CHUNK = CHUNK // N
CHUNKS = ROWS_PER_TILE // ROWS_PER_CHUNK

_mesh = plsc.VectorSubcoreMesh(core_axis_name="c", subcore_axis_name="s")
_sc_params = pltpu.CompilerParams(needs_layout_passes=False)


@functools.partial(
    pl.kernel,
    out_type=jax.ShapeDtypeStruct((N, N), jnp.float32),
    mesh=_mesh,
    scratch_types=[
        pltpu.VMEM((2, E), jnp.int32),
        pltpu.VMEM((ROWS_PER_TILE, N), jnp.float32),
    ],
    compiler_params=_sc_params,
)
def _build_adj(edge_hbm, a_hbm, edges_v, a_v):
    wid = lax.axis_index("s") * NC + lax.axis_index("c")
    base_row = wid * ROWS_PER_TILE
    pltpu.sync_copy(edge_hbm, edges_v)

    @plsc.parallel_loop(0, ROWS_PER_TILE * N // LANES, 1, unroll=4)
    def _(i):
        r = lax.shift_right_logical(i, 6)
        c = lax.shift_left(jnp.bitwise_and(i, 63), 4)
        a_v[r, pl.ds(c, LANES)] = jnp.zeros((LANES,), jnp.float32)

    ones = jnp.ones((LANES,), jnp.float32)

    @plsc.parallel_loop(0, E // LANES, 1, unroll=4)
    def _(i):
        src = edges_v[0, pl.ds(i * LANES, LANES)]
        dst = edges_v[1, pl.ds(i * LANES, LANES)]
        mask = (src >= base_row) & (src < base_row + ROWS_PER_TILE)
        local_r = jnp.where(mask, src - base_row, 0)
        plsc.store_scatter(a_v, [local_r, dst], ones, mask=mask)
    pltpu.sync_copy(a_v, a_hbm.at[pl.ds(base_row, ROWS_PER_TILE), :])


def _bfs_body(a_ref, dist_ref, abf_ref, frontier_ref, cnt_ref):
    abf_ref[...] = a_ref[...].astype(jnp.int8)
    row = lax.broadcasted_iota(jnp.int32, (N, N), 0)
    col = lax.broadcasted_iota(jnp.int32, (N, N), 1)
    diag = row == col
    frontier_ref[...] = jnp.where(diag, 1, 0).astype(jnp.int8)
    dist_ref[...] = jnp.zeros((N, N), jnp.int32)

    def body(i, done):
        @pl.when(jnp.logical_not(done))
        def _():
            nxt = lax.dot_general(
                frontier_ref[...], abf_ref[...],
                (((1,), (0,)), ((), ())),
                preferred_element_type=jnp.int32,
            )
            new = (nxt > 0) & (dist_ref[...] == 0) & jnp.logical_not(diag)
            dist_ref[...] = jnp.where(new, i + 1, dist_ref[...])
            frontier_ref[...] = new.astype(jnp.int8)
            cnt_ref[0] = jnp.sum(new.astype(jnp.int32))

        return jnp.logical_or(done, cnt_ref[0] == 0)

    lax.fori_loop(0, MAX_ITERS, body, False)


_bfs = pl.pallas_call(
    _bfs_body,
    out_shape=jax.ShapeDtypeStruct((N, N), jnp.int32),
    scratch_shapes=[
        pltpu.VMEM((N, N), jnp.int8),
        pltpu.VMEM((N, N), jnp.int8),
        pltpu.SMEM((1,), jnp.int32),
    ],
)




@functools.partial(
    pl.kernel,
    out_type=jax.ShapeDtypeStruct((HEADS, N, N), jnp.float32),
    mesh=_mesh,
    scratch_types=[
        pltpu.VMEM((HEADS * TABLE_V,), jnp.float32),
        pltpu.VMEM((2, ROWS_PER_CHUNK, N), jnp.int32),
        pltpu.VMEM((2, HEADS, ROWS_PER_CHUNK, N), jnp.float32),
        pltpu.SemaphoreType.DMA((2,)),
        pltpu.SemaphoreType.DMA((2,)),
    ],
    compiler_params=_sc_params,
)
def _lookup(dist_hbm, ftab_hbm, out_hbm, tab_v, idx_v, out_v, in_sems, out_sems):
    wid = lax.axis_index("s") * NC + lax.axis_index("c")
    row_base = wid * ROWS_PER_TILE
    pltpu.sync_copy(ftab_hbm, tab_v)

    def in_desc(c, b):
        return pltpu.make_async_copy(
            dist_hbm.at[pl.ds(row_base + c * ROWS_PER_CHUNK, ROWS_PER_CHUNK), :],
            idx_v.at[b],
            in_sems.at[b],
        )

    def out_desc(c, b):
        return pltpu.make_async_copy(
            out_v.at[b],
            out_hbm.at[:, pl.ds(row_base + c * ROWS_PER_CHUNK, ROWS_PER_CHUNK), :],
            out_sems.at[b],
        )

    in_desc(0, 0).start()
    in_desc(1, 1).start()

    def chunk_pair(cp, carry):
        for b in range(2):
            c = cp * 2 + b
            in_desc(c, b).wait()

            @pl.when(cp > 0)
            def _():
                out_desc(c, b).wait()

            for r in range(ROWS_PER_CHUNK):
                @plsc.parallel_loop(0, N // LANES, 1, unroll=4)
                def _(cg):
                    col = cg * LANES
                    iv = idx_v[b, r, pl.ds(col, LANES)]
                    for h in range(HEADS):
                        vals = plsc.load_gather(tab_v, [iv + h * TABLE_V])
                        out_v[b, h, r, pl.ds(col, LANES)] = vals

            out_desc(c, b).start()

            @pl.when(c + 2 < CHUNKS)
            def _():
                in_desc(c + 2, b).start()
        return carry

    lax.fori_loop(0, CHUNKS // 2, chunk_pair, 0)
    out_desc(CHUNKS - 2, 0).wait()
    out_desc(CHUNKS - 1, 1).wait()


def kernel(x, edge_idx, table):
    del x
    a = _build_adj(edge_idx)
    dist = _bfs(a)
    ftab = jnp.transpose(table).reshape(HEADS * TABLE_V)
    return _lookup(dist, ftab)

# --- scband reference (transcript-rebuilt; emitter-appended) ---
"""Pipeline reference for scband-spatial-encoding-17935783428482 (READ-ONLY COPY).

The authoritative reference and input builder live on the scoring server;
editing this copy changes nothing except your own understanding.
"""

import jax, jax.numpy as jnp
import numpy as np
from jax import lax


def _shortest_path_matrix(edge_idx, n):
    # Faithful replacement for Data -> to_networkx -> nx.shortest_path_length:
    # directed unweighted all-pairs shortest paths via BFS frontier expansion.
    # Pairs that are unreachable remain 0, and dist(i,i)=0, exactly matching the
    # original code which writes into a zero-initialized int matrix.
    src = edge_idx[0]
    dst = edge_idx[1]
    A = jnp.zeros((n, n), dtype=jnp.float32).at[src, dst].set(1.0)
    dist0 = jnp.zeros((n, n), dtype=jnp.int32)
    reached0 = jnp.eye(n, dtype=bool)
    frontier0 = jnp.eye(n, dtype=bool)

    # cap at 49 so indices stay in-range for the size-50 embedding table
    def body(i, carry):
        dist, reached, frontier = carry
        d = (i + 1).astype(jnp.int32)
        nxt = (frontier.astype(jnp.float32) @ A) > 0.0
        new = nxt & (~reached)
        dist = jnp.where(new, d, dist)
        reached = reached | new
        return (dist, reached, new)

    dist, _, _ = lax.fori_loop(0, 49, body, (dist0, reached0, frontier0))
    return dist


def setup_inputs(seed: int = 0) -> dict:
    key = jax.random.key(seed)
    k1, k2, k3 = jax.random.split(key, 3)
    N, d_feat, head_num = 1024, 128, 16
    E = 16384
    x = jax.random.normal(k1, (N, d_feat), dtype=jnp.float32)
    edge_idx = jax.random.randint(k2, (2, E), 0, N).astype(jnp.int32)
    # nn.Embedding(50, head_num) weight
    table = jax.random.normal(k3, (50, head_num), dtype=jnp.float32)
    return {"x": x, "edge_idx": edge_idx, "table": table}


def reference(x, edge_idx, table):
    n = x.shape[0]
    dist = jnp.asarray(_shortest_path_matrix(edge_idx, n))  # int32 [N, N]
    # embedding lookup: [N, N] -> [N, N, head_num]
    out = jnp.take(table, dist, axis=0)
    # einops 'h w n -> n h w'
    out = jnp.transpose(out, (2, 0, 1))
    return out

if __name__ == "__main__":
    import jax
    _d = setup_inputs()
    print(jax.jit(kernel)(*tuple(_d.values())))

</pallas_src>

<mosaic_0001>
#map = affine_map<(d0, d1) -> (0, 0)>
#map1 = affine_map<(d0, d1) -> (0)>
#map2 = affine_map<(d0, d1) -> (0, 0, 0)>
module attributes {stable_mosaic.version = 14 : i64} {
  func.func @_lookup(%arg0: i32, %arg1: i32, %arg2: memref<1024x1024xi32, #tpu.memory_space<hbm>>, %arg3: memref<800xf32, #tpu.memory_space<hbm>>, %arg4: memref<16x1024x1024xf32, #tpu.memory_space<hbm>>, %arg5: memref<800xf32, #tpu.memory_space<vmem>>, %arg6: memref<2x2x1024xi32, #tpu.memory_space<vmem>>, %arg7: memref<2x16x2x1024xf32, #tpu.memory_space<vmem>>, %arg8: memref<2x!tpu.dma_semaphore, #tpu.memory_space<semaphore_mem>>, %arg9: memref<2x!tpu.dma_semaphore, #tpu.memory_space<semaphore_mem>>) attributes {dimension_semantics = [#tpu.dimension_semantics<core_parallel>, #tpu.dimension_semantics<subcore_parallel>], iteration_bounds = array<i64: 2, 16>, scalar_prefetch = 0 : i64, scratch_operands = 5 : i64, tpu.core_type = #tpu.core_type<sc_vector_subcore>, window_params = [{transform_indices = #map}, {transform_indices = #map1}, {transform_indices = #map2}]} {
    %mul3A = arith.constant 2 : i32
    %mul3A_0 = arith.muli %arg1, %mul3A : i32
    %add3A = arith.addi %mul3A_0, %arg0 : i32
    %mul3A_1 = arith.constant 32 : i32
    %mul3A_2 = arith.muli %add3A, %mul3A_1 : i32
    "tpu.region"() ({
      %run_scoped3A = tpu.sem_alloc : memref<!tpu.dma_semaphore, #tpu.memory_space<semaphore_mem>>
      tpu.enqueue_dma source(%arg3 : memref<800xf32, #tpu.memory_space<hbm>>) target(%arg5 : memref<800xf32, #tpu.memory_space<vmem>>) target_semaphore(%run_scoped3A : memref<!tpu.dma_semaphore, #tpu.memory_space<semaphore_mem>>)
      tpu.wait_dma2 semaphore(%run_scoped3A : memref<!tpu.dma_semaphore, #tpu.memory_space<semaphore_mem>>) src(%arg3 : memref<800xf32, #tpu.memory_space<hbm>>) dst(%arg5 : memref<800xf32, #tpu.memory_space<vmem>>)
      tpu.yield
    }) : () -> ()
    %add3A_3 = arith.constant 0 : i32
    %add3A_4 = arith.addi %mul3A_2, %add3A_3 : i32
    %dma_start3A = arith.constant 0 : i32
    %dma_start3A_5 = arith.constant 0 : i32
    %dma_start3A_6 = arith.constant 0 : i32
    %dma_start3A_7 = arith.constant 0 : i32
    %dma_start3A_8 = tpu.memref_slice %arg6[%dma_start3A, %dma_start3A_6, %dma_start3A_7] : memref<2x2x1024xi32, #tpu.memory_space<vmem>> -> memref<1x2x1024xi32, #tpu.memory_space<vmem>>
    %dma_start3A_9 = tpu.memref_squeeze %dma_start3A_8 : memref<1x2x1024xi32, #tpu.memory_space<vmem>> -> memref<2x1024xi32, #tpu.memory_space<vmem>>
    %dma_start3A_10 = arith.constant 0 : i32
    %dma_start3A_11 = tpu.memref_slice %arg2[%add3A_4, %dma_start3A_10] : memref<1024x1024xi32, #tpu.memory_space<hbm>> -> memref<2x1024xi32, #tpu.memory_space<hbm>>
    %dma_start3A_12 = tpu.memref_slice %arg8[%dma_start3A_5] : memref<2x!tpu.dma_semaphore, #tpu.memory_space<semaphore_mem>> -> memref<1x!tpu.dma_semaphore, #tpu.memory_space<semaphore_mem>>
    %dma_start3A_13 = tpu.memref_squeeze %dma_start3A_12 : memref<1x!tpu.dma_semaphore, #tpu.memory_space<semaphore_mem>> -> memref<!tpu.dma_semaphore, #tpu.memory_space<semaphore_mem>>
    %dma_start3A_14 = arith.constant 0 : i32
    %dma_start3A_15 = arith.constant 0 : i32
    %dma_start3A_16 = tpu.memref_slice %arg6[%dma_start3A, %dma_start3A_14, %dma_start3A_15] : memref<2x2x1024xi32, #tpu.memory_space<vmem>> -> memref<1x2x1024xi32, #tpu.memory_space<vmem>>
    %dma_start3A_17 = tpu.memref_squeeze %dma_start3A_16 : memref<1x2x1024xi32, #tpu.memory_space<vmem>> -> memref<2x1024xi32, #tpu.memory_space<vmem>>
    %dma_start3A_18 = arith.constant 0 : i32
    %dma_start3A_19 = tpu.memref_slice %arg2[%add3A_4, %dma_start3A_18] : memref<1024x1024xi32, #tpu.memory_space<hbm>> -> memref<2x1024xi32, #tpu.memory_space<hbm>>
    tpu.enqueue_dma source(%dma_start3A_19 : memref<2x1024xi32, #tpu.memory_space<hbm>>) target(%dma_start3A_17 : memref<2x1024xi32, #tpu.memory_space<vmem>>) target_semaphore(%dma_start3A_13 : memref<!tpu.dma_semaphore, #tpu.memory_space<semaphore_mem>>)
    %add3A_20 = arith.constant 2 : i32
    %add3A_21 = arith.addi %mul3A_2, %add3A_20 : i32
    %dma_start3A_22 = arith.constant 1 : i32
    %dma_start3A_23 = arith.constant 1 : i32
    %dma_start3A_24 = arith.constant 0 : i32
    %dma_start3A_25 = arith.constant 0 : i32
    %dma_start3A_26 = tpu.memref_slice %arg6[%dma_start3A_22, %dma_start3A_24, %dma_start3A_25] : memref<2x2x1024xi32, #tpu.memory_space<vmem>> -> memref<1x2x1024xi32, #tpu.memory_space<vmem>>
    %dma_start3A_27 = tpu.memref_squeeze %dma_start3A_26 : memref<1x2x1024xi32, #tpu.memory_space<vmem>> -> memref<2x1024xi32, #tpu.memory_space<vmem>>
    %dma_start3A_28 = arith.constant 0 : i32
    %dma_start3A_29 = tpu.memref_slice %arg2[%add3A_21, %dma_start3A_28] : memref<1024x1024xi32, #tpu.memory_space<hbm>> -> memref<2x1024xi32, #tpu.memory_space<hbm>>
    %dma_start3A_30 = tpu.memref_slice %arg8[%dma_start3A_23] : memref<2x!tpu.dma_semaphore, #tpu.memory_space<semaphore_mem>> -> memref<1x!tpu.dma_semaphore, #tpu.memory_space<semaphore_mem>>
    %dma_start3A_31 = tpu.memref_squeeze %dma_start3A_30 : memref<1x!tpu.dma_semaphore, #tpu.memory_space<semaphore_mem>> -> memref<!tpu.dma_semaphore, #tpu.memory_space<semaphore_mem>>
    %dma_start3A_32 = arith.constant 0 : i32
    %dma_start3A_33 = arith.constant 0 : i32
    %dma_start3A_34 = tpu.memref_slice %arg6[%dma_start3A_22, %dma_start3A_32, %dma_start3A_33] : memref<2x2x1024xi32, #tpu.memory_space<vmem>> -> memref<1x2x1024xi32, #tpu.memory_space<vmem>>
    %dma_start3A_35 = tpu.memref_squeeze %dma_start3A_34 : memref<1x2x1024xi32, #tpu.memory_space<vmem>> -> memref<2x1024xi32, #tpu.memory_space<vmem>>
    %dma_start3A_36 = arith.constant 0 : i32
    %dma_start3A_37 = tpu.memref_slice %arg2[%add3A_21, %dma_start3A_36] : memref<1024x1024xi32, #tpu.memory_space<hbm>> -> memref<2x1024xi32, #tpu.memory_space<hbm>>
    tpu.enqueue_dma source(%dma_start3A_37 : memref<2x1024xi32, #tpu.memory_space<hbm>>) target(%dma_start3A_35 : memref<2x1024xi32, #tpu.memory_space<vmem>>) target_semaphore(%dma_start3A_31 : memref<!tpu.dma_semaphore, #tpu.memory_space<semaphore_mem>>)
    %scan3A = arith.constant 0 : i32
    %scan3A_38 = arith.constant 0 : i32
    %scan3A_39 = arith.constant 8 : i32
    %scan3A_40 = arith.addi %scan3A_38, %scan3A_39 : i32
    %scan3A_41 = arith.constant 1 : i32
    scf.for %scan3A_86 = %scan3A_38 to %scan3A_40 step %scan3A_41  : i32 {
      %mul3A_87 = arith.constant 2 : i32
      %mul3A_88 = arith.muli %scan3A_86, %mul3A_87 : i32
      %add3A_89 = arith.constant 0 : i32
      %add3A_90 = arith.addi %mul3A_88, %add3A_89 : i32
      %mul3A_91 = arith.constant 2 : i32
      %mul3A_92 = arith.muli %add3A_90, %mul3A_91 : i32
      %add3A_93 = arith.addi %mul3A_2, %mul3A_92 : i32
      %dma_wait3A_94 = arith.constant 0 : i32
      %dma_wait3A_95 = arith.constant 0 : i32
      %dma_wait3A_96 = arith.constant 0 : i32
      %dma_wait3A_97 = arith.constant 0 : i32
      %dma_wait3A_98 = tpu.memref_slice %arg6[%dma_wait3A_94, %dma_wait3A_96, %dma_wait3A_97] : memref<2x2x1024xi32, #tpu.memory_space<vmem>> -> memref<1x2x1024xi32, #tpu.memory_space<vmem>>
      %dma_wait3A_99 = tpu.memref_squeeze %dma_wait3A_98 : memref<1x2x1024xi32, #tpu.memory_space<vmem>> -> memref<2x1024xi32, #tpu.memory_space<vmem>>
      %dma_wait3A_100 = arith.constant 0 : i32
      %dma_wait3A_101 = tpu.memref_slice %arg2[%add3A_93, %dma_wait3A_100] : memref<1024x1024xi32, #tpu.memory_space<hbm>> -> memref<2x1024xi32, #tpu.memory_space<hbm>>
      %dma_wait3A_102 = tpu.memref_slice %arg8[%dma_wait3A_95] : memref<2x!tpu.dma_semaphore, #tpu.memory_space<semaphore_mem>> -> memref<1x!tpu.dma_semaphore, #tpu.memory_space<semaphore_mem>>
      %dma_wait3A_103 = tpu.memref_squeeze %dma_wait3A_102 : memref<1x!tpu.dma_semaphore, #tpu.memory_space<semaphore_mem>> -> memref<!tpu.dma_semaphore, #tpu.memory_space<semaphore_mem>>
      %dma_wait3A_104 = arith.constant 0 : i32
      %dma_wait3A_105 = arith.constant 0 : i32
      %dma_wait3A_106 = tpu.memref_slice %arg6[%dma_wait3A_94, %dma_wait3A_104, %dma_wait3A_105] : memref<2x2x1024xi32, #tpu.memory_space<vmem>> -> memref<1x2x1024xi32, #tpu.memory_space<vmem>>
      %dma_wait3A_107 = tpu.memref_squeeze %dma_wait3A_106 : memref<1x2x1024xi32, #tpu.memory_space<vmem>> -> memref<2x1024xi32, #tpu.memory_space<vmem>>
      %dma_wait3A_108 = arith.constant 0 : i32
      %dma_wait3A_109 = tpu.memref_slice %arg2[%add3A_93, %dma_wait3A_108] : memref<1024x1024xi32, #tpu.memory_space<hbm>> -> memref<2x1024xi32, #tpu.memory_space<hbm>>
      tpu.wait_dma2 semaphore(%dma_wait3A_103 : memref<!tpu.dma_semaphore, #tpu.memory_space<semaphore_mem>>) src(%dma_wait3A_109 : memref<2x1024xi32, #tpu.memory_space<hbm>>) dst(%dma_wait3A_107 : memref<2x1024xi32, #tpu.memory_space<vmem>>)
      %gt3A = arith.constant 0 : i32
      %gt3A_110 = arith.cmpi sgt, %scan3A_86, %gt3A : i32
      %convert_element_type3A = arith.extui %gt3A_110 : i1 to i32
      %cond3A = arith.constant 0 : i32
      %cond3A_111 = arith.cmpi ne, %convert_element_type3A, %cond3A : i32
      scf.if %cond3A_111 {
        %mul3A_210 = arith.constant 2 : i32
        %mul3A_211 = arith.muli %add3A_90, %mul3A_210 : i32
        %add3A_212 = arith.addi %mul3A_2, %mul3A_211 : i32
        %dma_wait3A_213 = arith.constant 0 : i32
        %dma_wait3A_214 = arith.constant 0 : i32
        %dma_wait3A_215 = arith.constant 0 : i32
        %dma_wait3A_216 = arith.constant 0 : i32
        %dma_wait3A_217 = arith.constant 0 : i32
        %dma_wait3A_218 = tpu.memref_slice %arg7[%dma_wait3A_213, %dma_wait3A_215, %dma_wait3A_216, %dma_wait3A_217] : memref<2x16x2x1024xf32, #tpu.memory_space<vmem>> -> memref<1x16x2x1024xf32, #tpu.memory_space<vmem>>
        %dma_wait3A_219 = tpu.memref_squeeze %dma_wait3A_218 : memref<1x16x2x1024xf32, #tpu.memory_space<vmem>> -> memref<16x2x1024xf32, #tpu.memory_space<vmem>>
        %dma_wait3A_220 = arith.constant 0 : i32
        %dma_wait3A_221 = arith.constant 0 : i32
        %dma_wait3A_222 = tpu.memref_slice %arg4[%dma_wait3A_220, %add3A_212, %dma_wait3A_221] : memref<16x1024x1024xf32, #tpu.memory_space<hbm>> -> memref<16x2x1024xf32, #tpu.memory_space<hbm>>
        %dma_wait3A_223 = tpu.memref_slice %arg9[%dma_wait3A_214] : memref<2x!tpu.dma_semaphore, #tpu.memory_space<semaphore_mem>> -> memref<1x!tpu.dma_semaphore, #tpu.memory_space<semaphore_mem>>
        %dma_wait3A_224 = tpu.memref_squeeze %dma_wait3A_223 : memref<1x!tpu.dma_semaphore, #tpu.memory_space<semaphore_mem>> -> memref<!tpu.dma_semaphore, #tpu.memory_space<semaphore_mem>>
        %dma_wait3A_225 = arith.constant 0 : i32
        %dma_wait3A_226 = arith.constant 0 : i32
        %dma_wait3A_227 = tpu.memref_slice %arg4[%dma_wait3A_225, %add3A_212, %dma_wait3A_226] : memref<16x1024x1024xf32, #tpu.memory_space<hbm>> -> memref<16x2x1024xf32, #tpu.memory_space<hbm>>
        %dma_wait3A_228 = arith.constant 0 : i32
        %dma_wait3A_229 = arith.constant 0 : i32
        %dma_wait3A_230 = arith.constant 0 : i32
        %dma_wait3A_231 = tpu.memref_slice %arg7[%dma_wait3A_213, %dma_wait3A_228, %dma_wait3A_229, %dma_wait3A_230] : memref<2x16x2x1024xf32, #tpu.memory_space<vmem>> -> memref<1x16x2x1024xf32, #tpu.memory_space<vmem>>
        %dma_wait3A_232 = tpu.memref_squeeze %dma_wait3A_231 : memref<1x16x2x1024xf32, #tpu.memory_space<vmem>> -> memref<16x2x1024xf32, #tpu.memory_space<vmem>>
        tpu.wait_dma2 semaphore(%dma_wait3A_224 : memref<!tpu.dma_semaphore, #tpu.memory_space<semaphore_mem>>) src(%dma_wait3A_232 : memref<16x2x1024xf32, #tpu.memory_space<vmem>>) dst(%dma_wait3A_227 : memref<16x2x1024xf32, #tpu.memory_space<hbm>>)
      } else {
      }
      %parallel_loop3A = arith.constant 0 : i32
      %parallel_loop3A_112 = arith.constant 64 : i32
      %parallel_loop3A_113 = arith.constant 1 : i32
      scf.for %parallel_loop3A_210 = %parallel_loop3A to %parallel_loop3A_112 step %parallel_loop3A_113  : i32 {
        %parallel_loop3A_211 = arith.constant 16 : i32
        %parallel_loop3A_212 = arith.muli %parallel_loop3A_210, %parallel_loop3A_211 : i32
        %parallel_loop3A_213 = arith.constant 0 : i32
        %parallel_loop3A_214 = arith.constant 0 : i32
        %parallel_loop3A_215 = arith.index_cast %parallel_loop3A_213 : i32 to index
        %parallel_loop3A_216 = arith.index_cast %parallel_loop3A_214 : i32 to index
        %parallel_loop3A_217 = arith.index_cast %parallel_loop3A_212 : i32 to index
        %parallel_loop3A_218 = tpu.vector_load %arg6[%parallel_loop3A_215, %parallel_loop3A_216, %parallel_loop3A_217] {strides = array<i32>} : memref<2x2x1024xi32, #tpu.memory_space<vmem>>, vector<16xi32>,
        %parallel_loop3A_219 = arith.constant 0 : i32
        %parallel_loop3A_220 = vector.broadcast %parallel_loop3A_219 : i32 to vector<16xi32>
        %parallel_loop3A_221 = arith.addi %parallel_loop3A_218, %parallel_loop3A_220 : vector<16xi32>
        %parallel_loop3A_222 = tpu.vector_load_idx %arg5[%parallel_loop3A_221] : memref<800xf32, #tpu.memory_space<vmem>>[vector<16xi32>], vector<16xf32>,
        %parallel_loop3A_223 = arith.constant 0 : i32
        %parallel_loop3A_224 = arith.constant 0 : i32
        %parallel_loop3A_225 = arith.constant 0 : i32
        %parallel_loop3A_226 = arith.index_cast %parallel_loop3A_223 : i32 to index
        %parallel_loop3A_227 = arith.index_cast %parallel_loop3A_224 : i32 to index
        %parallel_loop3A_228 = arith.index_cast %parallel_loop3A_225 : i32 to index
        %parallel_loop3A_229 = arith.index_cast %parallel_loop3A_212 : i32 to index
        %parallel_loop3A_230 = tpu.vector_load %arg7[%parallel_loop3A_226, %parallel_loop3A_227, %parallel_loop3A_228, %parallel_loop3A_229] {strides = array<i32>} : memref<2x16x2x1024xf32, #tpu.memory_space<vmem>>, vector<16xf32>,
        tpu.vector_store %arg7[%parallel_loop3A_226, %parallel_loop3A_227, %parallel_loop3A_228, %parallel_loop3A_229], %parallel_loop3A_222 {strides = array<i32>} : memref<2x16x2x1024xf32, #tpu.memory_space<vmem>>, vector<16xf32>,
        %parallel_loop3A_231 = arith.constant 50 : i32
        %parallel_loop3A_232 = vector.broadcast %parallel_loop3A_231 : i32 to vector<16xi32>
        %parallel_loop3A_233 = arith.addi %parallel_loop3A_218, %parallel_loop3A_232 : vector<16xi32>
        %parallel_loop3A_234 = tpu.vector_load_idx %arg5[%parallel_loop3A_233] : memref<800xf32, #tpu.memory_space<vmem>>[vector<16xi32>], vector<16xf32>,
        %parallel_loop3A_235 = arith.constant 0 : i32
        %parallel_loop3A_236 = arith.constant 1 : i32
        %parallel_loop3A_237 = arith.constant 0 : i32
        %parallel_loop3A_238 = arith.index_cast %parallel_loop3A_235 : i32 to index
        %parallel_loop3A_239 = arith.index_cast %parallel_loop3A_236 : i32 to index
        %parallel_loop3A_240 = arith.index_cast %parallel_loop3A_237 : i32 to index
        %parallel_loop3A_241 = arith.index_cast %parallel_loop3A_212 : i32 to index
        %parallel_loop3A_242 = tpu.vector_load %arg7[%parallel_loop3A_238, %parallel_loop3A_239, %parallel_loop3A_240, %parallel_loop3A_241] {strides = array<i32>} : memref<2x16x2x1024xf32, #tpu.memory_space<vmem>>, vector<16xf32>,
        tpu.vector_store %arg7[%parallel_loop3A_238, %parallel_loop3A_239, %parallel_loop3A_240, %parallel_loop3A_241], %parallel_loop3A_234 {strides = array<i32>} : memref<2x16x2x1024xf32, #tpu.memory_space<vmem>>, vector<16xf32>,
        %parallel_loop3A_243 = arith.constant 100 : i32
        %parallel_loop3A_244 = vector.broadcast %parallel_loop3A_243 : i32 to vector<16xi32>
        %parallel_loop3A_245 = arith.addi %parallel_loop3A_218, %parallel_loop3A_244 : vector<16xi32>
        %parallel_loop3A_246 = tpu.vector_load_idx %arg5[%parallel_loop3A_245] : memref<800xf32, #tpu.memory_space<vmem>>[vector<16xi32>], vector<16xf32>,
        %parallel_loop3A_247 = arith.constant 0 : i32
        %parallel_loop3A_248 = arith.constant 2 : i32
        %parallel_loop3A_249 = arith.constant 0 : i32
        %parallel_loop3A_250 = arith.index_cast %parallel_loop3A_247 : i32 to index
        %parallel_loop3A_251 = arith.index_cast %parallel_loop3A_248 : i32 to index
        %parallel_loop3A_252 = arith.index_cast %parallel_loop3A_249 : i32 to index
        %parallel_loop3A_253 = arith.index_cast %parallel_loop3A_212 : i32 to index
        %parallel_loop3A_254 = tpu.vector_load %arg7[%parallel_loop3A_250, %parallel_loop3A_251, %parallel_loop3A_252, %parallel_loop3A_253] {strides = array<i32>} : memref<2x16x2x1024xf32, #tpu.memory_space<vmem>>, vector<16xf32>,
        tpu.vector_store %arg7[%parallel_loop3A_250, %parallel_loop3A_251, %parallel_loop3A_252, %parallel_loop3A_253], %parallel_loop3A_246 {strides = array<i32>} : memref<2x16x2x1024xf32, #tpu.memory_space<vmem>>, vector<16xf32>,
        %parallel_loop3A_255 = arith.constant 150 : i32
        %parallel_loop3A_256 = vector.broadcast %parallel_loop3A_255 : i32 to vector<16xi32>
        %parallel_loop3A_257 = arith.addi %parallel_loop3A_218, %parallel_loop3A_256 : vector<16xi32>
        %parallel_loop3A_258 = tpu.vector_load_idx %arg5[%parallel_loop3A_257] : memref<800xf32, #tpu.memory_space<vmem>>[vector<16xi32>], vector<16xf32>,
        %parallel_loop3A_259 = arith.constant 0 : i32
        %parallel_loop3A_260 = arith.constant 3 : i32
        %parallel_loop3A_261 = arith.constant 0 : i32
        %parallel_loop3A_262 = arith.index_cast %parallel_loop3A_259 : i32 to index
        %parallel_loop3A_263 = arith.index_cast %parallel_loop3A_260 : i32 to index
        %parallel_loop3A_264 = arith.index_cast %parallel_loop3A_261 : i32 to index
        %parallel_loop3A_265 = arith.index_cast %parallel_loop3A_212 : i32 to index
        %parallel_loop3A_266 = tpu.vector_load %arg7[%parallel_loop3A_262, %parallel_loop3A_263, %parallel_loop3A_264, %parallel_loop3A_265] {strides = array<i32>} : memref<2x16x2x1024xf32, #tpu.memory_space<vmem>>, vector<16xf32>,
        tpu.vector_store %arg7[%parallel_loop3A_262, %parallel_loop3A_263, %parallel_loop3A_264, %parallel_loop3A_265], %parallel_loop3A_258 {strides = array<i32>} : memref<2x16x2x1024xf32, #tpu.memory_space<vmem>>, vector<16xf32>,
        %parallel_loop3A_267 = arith.constant 200 : i32
        %parallel_loop3A_268 = vector.broadcast %parallel_loop3A_267 : i32 to vector<16xi32>
        %parallel_loop3A_269 = arith.addi %parallel_loop3A_218, %parallel_loop3A_268 : vector<16xi32>
        %parallel_loop3A_270 = tpu.vector_load_idx %arg5[%parallel_loop3A_269] : memref<800xf32, #tpu.memory_space<vmem>>[vector<16xi32>], vector<16xf32>,
        %parallel_loop3A_271 = arith.constant 0 : i32
        %parallel_loop3A_272 = arith.constant 4 : i32
        %parallel_loop3A_273 = arith.constant 0 : i32
        %parallel_loop3A_274 = arith.index_cast %parallel_loop3A_271 : i32 to index
        %parallel_loop3A_275 = arith.index_cast %parallel_loop3A_272 : i32 to index
        %parallel_loop3A_276 = arith.index_cast %parallel_loop3A_273 : i32 to index
        %parallel_loop3A_277 = arith.index_cast %parallel_loop3A_212 : i32 to index
        %parallel_loop3A_278 = tpu.vector_load %arg7[%parallel_loop3A_274, %parallel_loop3A_275, %parallel_loop3A_276, %parallel_loop3A_277] {strides = array<i32>} : memref<2x16x2x1024xf32, #tpu.memory_space<vmem>>, vector<16xf32>,
        tpu.vector_store %arg7[%parallel_loop3A_274, %parallel_loop3A_275, %parallel_loop3A_276, %parallel_loop3A_277], %parallel_loop3A_270 {strides = array<i32>} : memref<2x16x2x1024xf32, #tpu.memory_space<vmem>>, vector<16xf32>,
        %parallel_loop3A_279 = arith.constant 250 : i32
        %parallel_loop3A_280 = vector.broadcast %parallel_loop3A_279 : i32 to vector<16xi32>
        %parallel_loop3A_281 = arith.addi %parallel_loop3A_218, %parallel_loop3A_280 : vector<16xi32>
        %parallel_loop3A_282 = tpu.vector_load_idx %arg5[%parallel_loop3A_281] : memref<800xf32, #tpu.memory_space<vmem>>[vector<16xi32>], vector<16xf32>,
        %parallel_loop3A_283 = arith.constant 0 : i32
        %parallel_loop3A_284 = arith.constant 5 : i32
        %parallel_loop3A_285 = arith.constant 0 : i32
        %parallel_loop3A_286 = arith.index_cast %parallel_loop3A_283 : i32 to index
        %parallel_loop3A_287 = arith.index_cast %parallel_loop3A_284 : i32 to index
        %parallel_loop3A_288 = arith.index_cast %parallel_loop3A_285 : i32 to index
        %parallel_loop3A_289 = arith.index_cast %parallel_loop3A_212 : i32 to index
        %parallel_loop3A_290 = tpu.vector_load %arg7[%parallel_loop3A_286, %parallel_loop3A_287, %parallel_loop3A_288, %parallel_loop3A_289] {strides = array<i32>} : memref<2x16x2x1024xf32, #tpu.memory_space<vmem>>, vector<16xf32>,
        tpu.vector_store %arg7[%parallel_loop3A_286, %parallel_loop3A_287, %parallel_loop3A_288, %parallel_loop3A_289], %parallel_loop3A_282 {strides = array<i32>} : memref<2x16x2x1024xf32, #tpu.memory_space<vmem>>, vector<16xf32>,
        %parallel_loop3A_291 = arith.constant 300 : i32
        %parallel_loop3A_292 = vector.broadcast %parallel_loop3A_291 : i32 to vector<16xi32>
        %parallel_loop3A_293 = arith.addi %parallel_loop3A_218, %parallel_loop3A_292 : vector<16xi32>
        %parallel_loop3A_294 = tpu.vector_load_idx %arg5[%parallel_loop3A_293] : memref<800xf32, #tpu.memory_space<vmem>>[vector<16xi32>], vector<16xf32>,
        %parallel_loop3A_295 = arith.constant 0 : i32
        %parallel_loop3A_296 = arith.constant 6 : i32
        %parallel_loop3A_297 = arith.constant 0 : i32
        %parallel_loop3A_298 = arith.index_cast %parallel_loop3A_295 : i32 to index
        %parallel_loop3A_299 = arith.index_cast %parallel_loop3A_296 : i32 to index
        %parallel_loop3A_300 = arith.index_cast %parallel_loop3A_297 : i32 to index
        %parallel_loop3A_301 = arith.index_cast %parallel_loop3A_212 : i32 to index
        %parallel_loop3A_302 = tpu.vector_load %arg7[%parallel_loop3A_298, %parallel_loop3A_299, %parallel_loop3A_300, %parallel_loop3A_301] {strides = array<i32>} : memref<2x16x2x1024xf32, #tpu.memory_space<vmem>>, vector<16xf32>,
        tpu.vector_store %arg7[%parallel_loop3A_298, %parallel_loop3A_299, %parallel_loop3A_300, %parallel_loop3A_301], %parallel_loop3A_294 {strides = array<i32>} : memref<2x16x2x1024xf32, #tpu.memory_space<vmem>>, vector<16xf32>,
        %parallel_loop3A_303 = arith.constant 350 : i32
        %parallel_loop3A_304 = vector.broadcast %parallel_loop3A_303 : i32 to vector<16xi32>
        %parallel_loop3A_305 = arith.addi %parallel_loop3A_218, %parallel_loop3A_304 : vector<16xi32>
        %parallel_loop3A_306 = tpu.vector_load_idx %arg5[%parallel_loop3A_305] : memref<800xf32, #tpu.memory_space<vmem>>[vector<16xi32>], vector<16xf32>,
        %parallel_loop3A_307 = arith.constant 0 : i32
        %parallel_loop3A_308 = arith.constant 7 : i32
        %parallel_loop3A_309 = arith.constant 0 : i32
        %parallel_loop3A_310 = arith.index_cast %parallel_loop3A_307 : i32 to index
        %parallel_loop3A_311 = arith.index_cast %parallel_loop3A_308 : i32 to index
        %parallel_loop3A_312 = arith.index_cast %parallel_loop3A_309 : i32 to index
        %parallel_loop3A_313 = arith.index_cast %parallel_loop3A_212 : i32 to index
        %parallel_loop3A_314 = tpu.vector_load %arg7[%parallel_loop3A_310, %parallel_loop3A_311, %parallel_loop3A_312, %parallel_loop3A_313] {strides = array<i32>} : memref<2x16x2x1024xf32, #tpu.memory_space<vmem>>, vector<16xf32>,
        tpu.vector_store %arg7[%parallel_loop3A_310, %parallel_loop3A_311, %parallel_loop3A_312, %parallel_loop3A_313], %parallel_loop3A_306 {strides = array<i32>} : memref<2x16x2x1024xf32, #tpu.memory_space<vmem>>, vector<16xf32>,
        %parallel_loop3A_315 = arith.constant 400 : i32
        %parallel_loop3A_316 = vector.broadcast %parallel_loop3A_315 : i32 to vector<16xi32>
        %parallel_loop3A_317 = arith.addi %parallel_loop3A_218, %parallel_loop3A_316 : vector<16xi32>
        %parallel_loop3A_318 = tpu.vector_load_idx %arg5[%parallel_loop3A_317] : memref<800xf32, #tpu.memory_space<vmem>>[vector<16xi32>], vector<16xf32>,
        %parallel_loop3A_319 = arith.constant 0 : i32
        %parallel_loop3A_320 = arith.constant 8 : i32
        %parallel_loop3A_321 = arith.constant 0 : i32
        %parallel_loop3A_322 = arith.index_cast %parallel_loop3A_319 : i32 to index
        %parallel_loop3A_323 = arith.index_cast %parallel_loop3A_320 : i32 to index
        %parallel_loop3A_324 = arith.index_cast %parallel_loop3A_321 : i32 to index
        %parallel_loop3A_325 = arith.index_cast %parallel_loop3A_212 : i32 to index
        %parallel_loop3A_326 = tpu.vector_load %arg7[%parallel_loop3A_322, %parallel_loop3A_323, %parallel_loop3A_324, %parallel_loop3A_325] {strides = array<i32>} : memref<2x16x2x1024xf32, #tpu.memory_space<vmem>>, vector<16xf32>,
        tpu.vector_store %arg7[%parallel_loop3A_322, %parallel_loop3A_323, %parallel_loop3A_324, %parallel_loop3A_325], %parallel_loop3A_318 {strides = array<i32>} : memref<2x16x2x1024xf32, #tpu.memory_space<vmem>>, vector<16xf32>,
        %parallel_loop3A_327 = arith.constant 450 : i32
        %parallel_loop3A_328 = vector.broadcast %parallel_loop3A_327 : i32 to vector<16xi32>
        %parallel_loop3A_329 = arith.addi %parallel_loop3A_218, %parallel_loop3A_328 : vector<16xi32>
        %parallel_loop3A_330 = tpu.vector_load_idx %arg5[%parallel_loop3A_329] : memref<800xf32, #tpu.memory_space<vmem>>[vector<16xi32>], vector<16xf32>,
        %parallel_loop3A_331 = arith.constant 0 : i32
        %parallel_loop3A_332 = arith.constant 9 : i32
        %parallel_loop3A_333 = arith.constant 0 : i32
        %parallel_loop3A_334 = arith.index_cast %parallel_loop3A_331 : i32 to index
        %parallel_loop3A_335 = arith.index_cast %parallel_loop3A_332 : i32 to index
        %parallel_loop3A_336 = arith.index_cast %parallel_loop3A_333 : i32 to index
        %parallel_loop3A_337 = arith.index_cast %parallel_loop3A_212 : i32 to index
        %parallel_loop3A_338 = tpu.vector_load %arg7[%parallel_loop3A_334, %parallel_loop3A_335, %parallel_loop3A_336, %parallel_loop3A_337] {strides = array<i32>} : memref<2x16x2x1024xf32, #tpu.memory_space<vmem>>, vector<16xf32>,
        tpu.vector_store %arg7[%parallel_loop3A_334, %parallel_loop3A_335, %parallel_loop3A_336, %parallel_loop3A_337], %parallel_loop3A_330 {strides = array<i32>} : memref<2x16x2x1024xf32, #tpu.memory_space<vmem>>, vector<16xf32>,
        %parallel_loop3A_339 = arith.constant 500 : i32
        %parallel_loop3A_340 = vector.broadcast %parallel_loop3A_339 : i32 to vector<16xi32>
        %parallel_loop3A_341 = arith.addi %parallel_loop3A_218, %parallel_loop3A_340 : vector<16xi32>
        %parallel_loop3A_342 = tpu.vector_load_idx %arg5[%parallel_loop3A_341] : memref<800xf32, #tpu.memory_space<vmem>>[vector<16xi32>], vector<16xf32>,
        %parallel_loop3A_343 = arith.constant 0 : i32
        %parallel_loop3A_344 = arith.constant 10 : i32
        %parallel_loop3A_345 = arith.constant 0 : i32
        %parallel_loop3A_346 = arith.index_cast %parallel_loop3A_343 : i32 to index
        %parallel_loop3A_347 = arith.index_cast %parallel_loop3A_344 : i32 to index
        %parallel_loop3A_348 = arith.index_cast %parallel_loop3A_345 : i32 to index
        %parallel_loop3A_349 = arith.index_cast %parallel_loop3A_212 : i32 to index
        %parallel_loop3A_350 = tpu.vector_load %arg7[%parallel_loop3A_346, %parallel_loop3A_347, %parallel_loop3A_348, %parallel_loop3A_349] {strides = array<i32>} : memref<2x16x2x1024xf32, #tpu.memory_space<vmem>>, vector<16xf32>,
        tpu.vector_store %arg7[%parallel_loop3A_346, %parallel_loop3A_347, %parallel_loop3A_348, %parallel_loop3A_349], %parallel_loop3A_342 {strides = array<i32>} : memref<2x16x2x1024xf32, #tpu.memory_space<vmem>>, vector<16xf32>,
        %parallel_loop3A_351 = arith.constant 550 : i32
        %parallel_loop3A_352 = vector.broadcast %parallel_loop3A_351 : i32 to vector<16xi32>
        %parallel_loop3A_353 = arith.addi %parallel_loop3A_218, %parallel_loop3A_352 : vector<16xi32>
        %parallel_loop3A_354 = tpu.vector_load_idx %arg5[%parallel_loop3A_353] : memref<800xf32, #tpu.memory_space<vmem>>[vector<16xi32>], vector<16xf32>,
        %parallel_loop3A_355 = arith.constant 0 : i32
        %parallel_loop3A_356 = arith.constant 11 : i32
        %parallel_loop3A_357 = arith.constant 0 : i32
        %parallel_loop3A_358 = arith.index_cast %parallel_loop3A_355 : i32 to index
        %parallel_loop3A_359 = arith.index_cast %parallel_loop3A_356 : i32 to index
        %parallel_loop3A_360 = arith.index_cast %parallel_loop3A_357 : i32 to index
        %parallel_loop3A_361 = arith.index_cast %parallel_loop3A_212 : i32 to index
        %parallel_loop3A_362 = tpu.vector_load %arg7[%parallel_loop3A_358, %parallel_loop3A_359, %parallel_loop3A_360, %parallel_loop3A_361] {strides = array<i32>} : memref<2x16x2x1024xf32, #tpu.memory_space<vmem>>, vector<16xf32>,
        tpu.vector_store %arg7[%parallel_loop3A_358, %parallel_loop3A_359, %parallel_loop3A_360, %parallel_loop3A_361], %parallel_loop3A_354 {strides = array<i32>} : memref<2x16x2x1024xf32, #tpu.memory_space<vmem>>, vector<16xf32>,
        %parallel_loop3A_363 = arith.constant 600 : i32
        %parallel_loop3A_364 = vector.broadcast %parallel_loop3A_363 : i32 to vector<16xi32>
        %parallel_loop3A_365 = arith.addi %parallel_loop3A_218, %parallel_loop3A_364 : vector<16xi32>
        %parallel_loop3A_366 = tpu.vector_load_idx %arg5[%parallel_loop3A_365] : memref<800xf32, #tpu.memory_space<vmem>>[vector<16xi32>], vector<16xf32>,
        %parallel_loop3A_367 = arith.constant 0 : i32
        %parallel_loop3A_368 = arith.constant 12 : i32
        %parallel_loop3A_369 = arith.constant 0 : i32
        %parallel_loop3A_370 = arith.index_cast %parallel_loop3A_367 : i32 to index
        %parallel_loop3A_371 = arith.index_cast %parallel_loop3A_368 : i32 to index
        %parallel_loop3A_372 = arith.index_cast %parallel_loop3A_369 : i32 to index
        %parallel_loop3A_373 = arith.index_cast %parallel_loop3A_212 : i32 to index
        %parallel_loop3A_374 = tpu.vector_load %arg7[%parallel_loop3A_370, %parallel_loop3A_371, %parallel_loop3A_372, %parallel_loop3A_373] {strides = array<i32>} : memref<2x16x2x1024xf32, #tpu.memory_space<vmem>>, vector<16xf32>,
        tpu.vector_store %arg7[%parallel_loop3A_370, %parallel_loop3A_371, %parallel_loop3A_372, %parallel_loop3A_373], %parallel_loop3A_366 {strides = array<i32>} : memref<2x16x2x1024xf32, #tpu.memory_space<vmem>>, vector<16xf32>,
        %parallel_loop3A_375 = arith.constant 650 : i32
        %parallel_loop3A_376 = vector.broadcast %parallel_loop3A_375 : i32 to vector<16xi32>
        %parallel_loop3A_377 = arith.addi %parallel_loop3A_218, %parallel_loop3A_376 : vector<16xi32>
        %parallel_loop3A_378 = tpu.vector_load_idx %arg5[%parallel_loop3A_377] : memref<800xf32, #tpu.memory_space<vmem>>[vector<16xi32>], vector<16xf32>,
        %parallel_loop3A_379 = arith.constant 0 : i32
        %parallel_loop3A_380 = arith.constant 13 : i32
        %parallel_loop3A_381 = arith.constant 0 : i32
        %parallel_loop3A_382 = arith.index_cast %parallel_loop3A_379 : i32 to index
        %parallel_loop3A_383 = arith.index_cast %parallel_loop3A_380 : i32 to index
        %parallel_loop3A_384 = arith.index_cast %parallel_loop3A_381 : i32 to index
        %parallel_loop3A_385 = arith.index_cast %parallel_loop3A_212 : i32 to index
        %parallel_loop3A_386 = tpu.vector_load %arg7[%parallel_loop3A_382, %parallel_loop3A_383, %parallel_loop3A_384, %parallel_loop3A_385] {strides = array<i32>} : memref<2x16x2x1024xf32, #tpu.memory_space<vmem>>, vector<16xf32>,
        tpu.vector_store %arg7[%parallel_loop3A_382, %parallel_loop3A_383, %parallel_loop3A_384, %parallel_loop3A_385], %parallel_loop3A_378 {strides = array<i32>} : memref<2x16x2x1024xf32, #tpu.memory_space<vmem>>, vector<16xf32>,
        %parallel_loop3A_387 = arith.constant 700 : i32
        %parallel_loop3A_388 = vector.broadcast %parallel_loop3A_387 : i32 to vector<16xi32>
        %parallel_loop3A_389 = arith.addi %parallel_loop3A_218, %parallel_loop3A_388 : vector<16xi32>
        %parallel_loop3A_390 = tpu.vector_load_idx %arg5[%parallel_loop3A_389] : memref<800xf32, #tpu.memory_space<vmem>>[vector<16xi32>], vector<16xf32>,
        %parallel_loop3A_391 = arith.constant 0 : i32
        %parallel_loop3A_392 = arith.constant 14 : i32
        %parallel_loop3A_393 = arith.constant 0 : i32
        %parallel_loop3A_394 = arith.index_cast %parallel_loop3A_391 : i32 to index
        %parallel_loop3A_395 = arith.index_cast %parallel_loop3A_392 : i32 to index
        %parallel_loop3A_396 = arith.index_cast %parallel_loop3A_393 : i32 to index
        %parallel_loop3A_397 = arith.index_cast %parallel_loop3A_212 : i32 to index
        %parallel_loop3A_398 = tpu.vector_load %arg7[%parallel_loop3A_394, %parallel_loop3A_395, %parallel_loop3A_396, %parallel_loop3A_397] {strides = array<i32>} : memref<2x16x2x1024xf32, #tpu.memory_space<vmem>>, vector<16xf32>,
        tpu.vector_store %arg7[%parallel_loop3A_394, %parallel_loop3A_395, %parallel_loop3A_396, %parallel_loop3A_397], %parallel_loop3A_390 {strides = array<i32>} : memref<2x16x2x1024xf32, #tpu.memory_space<vmem>>, vector<16xf32>,
        %parallel_loop3A_399 = arith.constant 750 : i32
        %parallel_loop3A_400 = vector.broadcast %parallel_loop3A_399 : i32 to vector<16xi32>
        %parallel_loop3A_401 = arith.addi %parallel_loop3A_218, %parallel_loop3A_400 : vector<16xi32>
        %parallel_loop3A_402 = tpu.vector_load_idx %arg5[%parallel_loop3A_401] : memref<800xf32, #tpu.memory_space<vmem>>[vector<16xi32>], vector<16xf32>,
        %parallel_loop3A_403 = arith.constant 0 : i32
        %parallel_loop3A_404 = arith.constant 15 : i32
        %parallel_loop3A_405 = arith.constant 0 : i32
        %parallel_loop3A_406 = arith.index_cast %parallel_loop3A_403 : i32 to index
        %parallel_loop3A_407 = arith.index_cast %parallel_loop3A_404 : i32 to index
        %parallel_loop3A_408 = arith.index_cast %parallel_loop3A_405 : i32 to index
        %parallel_loop3A_409 = arith.index_cast %parallel_loop3A_212 : i32 to index
        %parallel_loop3A_410 = tpu.vector_load %arg7[%parallel_loop3A_406, %parallel_loop3A_407, %parallel_loop3A_408, %parallel_loop3A_409] {strides = array<i32>} : memref<2x16x2x1024xf32, #tpu.memory_space<vmem>>, vector<16xf32>,
        tpu.vector_store %arg7[%parallel_loop3A_406, %parallel_loop3A_407, %parallel_loop3A_408, %parallel_loop3A_409], %parallel_loop3A_402 {strides = array<i32>} : memref<2x16x2x1024xf32, #tpu.memory_space<vmem>>, vector<16xf32>,
      } {sc.loop_unroll_factor = 4 : i64, sc.parallel_access}
      %parallel_loop3A_114 = arith.constant 0 : i32
      %parallel_loop3A_115 = arith.constant 64 : i32
      %parallel_loop3A_116 = arith.constant 1 : i32
      scf.for %parallel_loop3A_210 = %parallel_loop3A_114 to %parallel_loop3A_115 step %parallel_loop3A_116  : i32 {
        %parallel_loop3A_211 = arith.constant 16 : i32
        %parallel_loop3A_212 = arith.muli %parallel_loop3A_210, %parallel_loop3A_211 : i32
        %parallel_loop3A_213 = arith.constant 0 : i32
        %parallel_loop3A_214 = arith.constant 1 : i32
        %parallel_loop3A_215 = arith.index_cast %parallel_loop3A_213 : i32 to index
        %parallel_loop3A_216 = arith.index_cast %parallel_loop3A_214 : i32 to index
        %parallel_loop3A_217 = arith.index_cast %parallel_loop3A_212 : i32 to index
        %parallel_loop3A_218 = tpu.vector_load %arg6[%parallel_loop3A_215, %parallel_loop3A_216, %parallel_loop3A_217] {strides = array<i32>} : memref<2x2x1024xi32, #tpu.memory_space<vmem>>, vector<16xi32>,
        %parallel_loop3A_219 = arith.constant 0 : i32
        %parallel_loop3A_220 = vector.broadcast %parallel_loop3A_219 : i32 to vector<16xi32>
        %parallel_loop3A_221 = arith.addi %parallel_loop3A_218, %parallel_loop3A_220 : vector<16xi32>
        %parallel_loop3A_222 = tpu.vector_load_idx %arg5[%parallel_loop3A_221] : memref<800xf32, #tpu.memory_space<vmem>>[vector<16xi32>], vector<16xf32>,
        %parallel_loop3A_223 = arith.constant 0 : i32
        %parallel_loop3A_224 = arith.constant 0 : i32
        %parallel_loop3A_225 = arith.constant 1 : i32
        %parallel_loop3A_226 = arith.index_cast %parallel_loop3A_223 : i32 to index
        %parallel_loop3A_227 = arith.index_cast %parallel_loop3A_224 : i32 to index
        %parallel_loop3A_228 = arith.index_cast %parallel_loop3A_225 : i32 to index
        %parallel_loop3A_229 = arith.index_cast %parallel_loop3A_212 : i32 to index
        %parallel_loop3A_230 = tpu.vector_load %arg7[%parallel_loop3A_226, %parallel_loop3A_227, %parallel_loop3A_228, %parallel_loop3A_229] {strides = array<i32>} : memref<2x16x2x1024xf32, #tpu.memory_space<vmem>>, vector<16xf32>,
        tpu.vector_store %arg7[%parallel_loop3A_226, %parallel_loop3A_227, %parallel_loop3A_228, %parallel_loop3A_229], %parallel_loop3A_222 {strides = array<i32>} : memref<2x16x2x1024xf32, #tpu.memory_space<vmem>>, vector<16xf32>,
        %parallel_loop3A_231 = arith.constant 50 : i32
        %parallel_loop3A_232 = vector.broadcast %parallel_loop3A_231 : i32 to vector<16xi32>
        %parallel_loop3A_233 = arith.addi %parallel_loop3A_218, %parallel_loop3A_232 : vector<16xi32>
        %parallel_loop3A_234 = tpu.vector_load_idx %arg5[%parallel_loop3A_233] : memref<800xf32, #tpu.memory_space<vmem>>[vector<16xi32>], vector<16xf32>,
        %parallel_loop3A_235 = arith.constant 0 : i32
        %parallel_loop3A_236 = arith.constant 1 : i32
        %parallel_loop3A_237 = arith.constant 1 : i32
        %parallel_loop3A_238 = arith.index_cast %parallel_loop3A_235 : i32 to index
        %parallel_loop3A_239 = arith.index_cast %parallel_loop3A_236 : i32 to index
        %parallel_loop3A_240 = arith.index_cast %parallel_loop3A_237 : i32 to index
        %parallel_loop3A_241 = arith.index_cast %parallel_loop3A_212 : i32 to index
        %parallel_loop3A_242 = tpu.vector_load %arg7[%parallel_loop3A_238, %parallel_loop3A_239, %parallel_loop3A_240, %parallel_loop3A_241] {strides = array<i32>} : memref<2x16x2x1024xf32, #tpu.memory_space<vmem>>, vector<16xf32>,
        tpu.vector_store %arg7[%parallel_loop3A_238, %parallel_loop3A_239, %parallel_loop3A_240, %parallel_loop3A_241], %parallel_loop3A_234 {strides = array<i32>} : memref<2x16x2x1024xf32, #tpu.memory_space<vmem>>, vector<16xf32>,
        %parallel_loop3A_243 = arith.constant 100 : i32
        %parallel_loop3A_244 = vector.broadcast %parallel_loop3A_243 : i32 to vector<16xi32>
        %parallel_loop3A_245 = arith.addi %parallel_loop3A_218, %parallel_loop3A_244 : vector<16xi32>
        %parallel_loop3A_246 = tpu.vector_load_idx %arg5[%parallel_loop3A_245] : memref<800xf32, #tpu.memory_space<vmem>>[vector<16xi32>], vector<16xf32>,
        %parallel_loop3A_247 = arith.constant 0 : i32
        %parallel_loop3A_248 = arith.constant 2 : i32
        %parallel_loop3A_249 = arith.constant 1 : i32
        %parallel_loop3A_250 = arith.index_cast %parallel_loop3A_247 : i32 to index
        %parallel_loop3A_251 = arith.index_cast %parallel_loop3A_248 : i32 to index
        %parallel_loop3A_252 = arith.index_cast %parallel_loop3A_249 : i32 to index
        %parallel_loop3A_253 = arith.index_cast %parallel_loop3A_212 : i32 to index
        %parallel_loop3A_254 = tpu.vector_load %arg7[%parallel_loop3A_250, %parallel_loop3A_251, %parallel_loop3A_252, %parallel_loop3A_253] {strides = array<i32>} : memref<2x16x2x1024xf32, #tpu.memory_space<vmem>>, vector<16xf32>,
        tpu.vector_store %arg7[%parallel_loop3A_250, %parallel_loop3A_251, %parallel_loop3A_252, %parallel_loop3A_253], %parallel_loop3A_246 {strides = array<i32>} : memref<2x16x2x1024xf32, #tpu.memory_space<vmem>>, vector<16xf32>,
        %parallel_loop3A_255 = arith.constant 150 : i32
        %parallel_loop3A_256 = vector.broadcast %parallel_loop3A_255 : i32 to vector<16xi32>
        %parallel_loop3A_257 = arith.addi %parallel_loop3A_218, %parallel_loop3A_256 : vector<16xi32>
        %parallel_loop3A_258 = tpu.vector_load_idx %arg5[%parallel_loop3A_257] : memref<800xf32, #tpu.memory_space<vmem>>[vector<16xi32>], vector<16xf32>,
        %parallel_loop3A_259 = arith.constant 0 : i32
        %parallel_loop3A_260 = arith.constant 3 : i32
        %parallel_loop3A_261 = arith.constant 1 : i32
        %parallel_loop3A_262 = arith.index_cast %parallel_loop3A_259 : i32 to index
        %parallel_loop3A_263 = arith.index_cast %parallel_loop3A_260 : i32 to index
        %parallel_loop3A_264 = arith.index_cast %parallel_loop3A_261 : i32 to index
        %parallel_loop3A_265 = arith.index_cast %parallel_loop3A_212 : i32 to index
        %parallel_loop3A_266 = tpu.vector_load %arg7[%parallel_loop3A_262, %parallel_loop3A_263, %parallel_loop3A_264, %parallel_loop3A_265] {strides = array<i32>} : memref<2x16x2x1024xf32, #tpu.memory_space<vmem>>, vector<16xf32>,
        tpu.vector_store %arg7[%parallel_loop3A_262, %parallel_loop3A_263, %parallel_loop3A_264, %parallel_loop3A_265], %parallel_loop3A_258 {strides = array<i32>} : memref<2x16x2x1024xf32, #tpu.memory_space<vmem>>, vector<16xf32>,
        %parallel_loop3A_267 = arith.constant 200 : i32
        %parallel_loop3A_268 = vector.broadcast %parallel_loop3A_267 : i32 to vector<16xi32>
        %parallel_loop3A_269 = arith.addi %parallel_loop3A_218, %parallel_loop3A_268 : vector<16xi32>
        %parallel_loop3A_270 = tpu.vector_load_idx %arg5[%parallel_loop3A_269] : memref<800xf32, #tpu.memory_space<vmem>>[vector<16xi32>], vector<16xf32>,
        %parallel_loop3A_271 = arith.constant 0 : i32
        %parallel_loop3A_272 = arith.constant 4 : i32
        %parallel_loop3A_273 = arith.constant 1 : i32
        %parallel_loop3A_274 = arith.index_cast %parallel_loop3A_271 : i32 to index
        %parallel_loop3A_275 = arith.index_cast %parallel_loop3A_272 : i32 to index
        %parallel_loop3A_276 = arith.index_cast %parallel_loop3A_273 : i32 to index
        %parallel_loop3A_277 = arith.index_cast %parallel_loop3A_212 : i32 to index
        %parallel_loop3A_278 = tpu.vector_load %arg7[%parallel_loop3A_274, %parallel_loop3A_275, %parallel_loop3A_276, %parallel_loop3A_277] {strides = array<i32>} : memref<2x16x2x1024xf32, #tpu.memory_space<vmem>>, vector<16xf32>,
        tpu.vector_store %arg7[%parallel_loop3A_274, %parallel_loop3A_275, %parallel_loop3A_276, %parallel_loop3A_277], %parallel_loop3A_270 {strides = array<i32>} : memref<2x16x2x1024xf32, #tpu.memory_space<vmem>>, vector<16xf32>,
        %parallel_loop3A_279 = arith.constant 250 : i32
        %parallel_loop3A_280 = vector.broadcast %parallel_loop3A_279 : i32 to vector<16xi32>
        %parallel_loop3A_281 = arith.addi %parallel_loop3A_218, %parallel_loop3A_280 : vector<16xi32>
        %parallel_loop3A_282 = tpu.vector_load_idx %arg5[%parallel_loop3A_281] : memref<800xf32, #tpu.memory_space<vmem>>[vector<16xi32>], vector<16xf32>,
        %parallel_loop3A_283 = arith.constant 0 : i32
        %parallel_loop3A_284 = arith.constant 5 : i32
        %parallel_loop3A_285 = arith.constant 1 : i32
        %parallel_loop3A_286 = arith.index_cast %parallel_loop3A_283 : i32 to index
        %parallel_loop3A_287 = arith.index_cast %parallel_loop3A_284 : i32 to index
        %parallel_loop3A_288 = arith.index_cast %parallel_loop3A_285 : i32 to index
        %parallel_loop3A_289 = arith.index_cast %parallel_loop3A_212 : i32 to index
        %parallel_loop3A_290 = tpu.vector_load %arg7[%parallel_loop3A_286, %parallel_loop3A_287, %parallel_loop3A_288, %parallel_loop3A_289] {strides = array<i32>} : memref<2x16x2x1024xf32, #tpu.memory_space<vmem>>, vector<16xf32>,
        tpu.vector_store %arg7[%parallel_loop3A_286, %parallel_loop3A_287, %parallel_loop3A_288, %parallel_loop3A_289], %parallel_loop3A_282 {strides = array<i32>} : memref<2x16x2x1024xf32, #tpu.memory_space<vmem>>, vector<16xf32>,
        %parallel_loop3A_291 = arith.constant 300 : i32
        %parallel_loop3A_292 = vector.broadcast %parallel_loop3A_291 : i32 to vector<16xi32>
        %parallel_loop3A_293 = arith.addi %parallel_loop3A_218, %parallel_loop3A_292 : vector<16xi32>
        %parallel_loop3A_294 = tpu.vector_load_idx %arg5[%parallel_loop3A_293] : memref<800xf32, #tpu.memory_space<vmem>>[vector<16xi32>], vector<16xf32>,
        %parallel_loop3A_295 = arith.constant 0 : i32
        %parallel_loop3A_296 = arith.constant 6 : i32
        %parallel_loop3A_297 = arith.constant 1 : i32
        %parallel_loop3A_298 = arith.index_cast %parallel_loop3A_295 : i32 to index
        %parallel_loop3A_299 = arith.index_cast %parallel_loop3A_296 : i32 to index
        %parallel_loop3A_300 = arith.index_cast %parallel_loop3A_297 : i32 to index
        %parallel_loop3A_301 = arith.index_cast %parallel_loop3A_212 : i32 to index
        %parallel_loop3A_302 = tpu.vector_load %arg7[%parallel_loop3A_298, %parallel_loop3A_299, %parallel_loop3A_300, %parallel_loop3A_301] {strides = array<i32>} : memref<2x16x2x1024xf32, #tpu.memory_space<vmem>>, vector<16xf32>,
        tpu.vector_store %arg7[%parallel_loop3A_298, %parallel_loop3A_299, %parallel_loop3A_300, %parallel_loop3A_301], %parallel_loop3A_294 {strides = array<i32>} : memref<2x16x2x1024xf32, #tpu.memory_space<vmem>>, vector<16xf32>,
        %parallel_loop3A_303 = arith.constant 350 : i32
        %parallel_loop3A_304 = vector.broadcast %parallel_loop3A_303 : i32 to vector<16xi32>
        %parallel_loop3A_305 = arith.addi %parallel_loop3A_218, %parallel_loop3A_304 : vector<16xi32>
        %parallel_loop3A_306 = tpu.vector_load_idx %arg5[%parallel_loop3A_305] : memref<800xf32, #tpu.memory_space<vmem>>[vector<16xi32>], vector<16xf32>,
        %parallel_loop3A_307 = arith.constant 0 : i32
        %parallel_loop3A_308 = arith.constant 7 : i32
        %parallel_loop3A_309 = arith.constant 1 : i32
        %parallel_loop3A_310 = arith.index_cast %parallel_loop3A_307 : i32 to index
        %parallel_loop3A_311 = arith.index_cast %parallel_loop3A_308 : i32 to index
        %parallel_loop3A_312 = arith.index_cast %parallel_loop3A_309 : i32 to index
        %parallel_loop3A_313 = arith.index_cast %parallel_loop3A_212 : i32 to index
        %parallel_loop3A_314 = tpu.vector_load %arg7[%parallel_loop3A_310, %parallel_loop3A_311, %parallel_loop3A_312, %parallel_loop3A_313] {strides = array<i32>} : memref<2x16x2x1024xf32, #tpu.memory_space<vmem>>, vector<16xf32>,
        tpu.vector_store %arg7[%parallel_loop3A_310, %parallel_loop3A_311, %parallel_loop3A_312, %parallel_loop3A_313], %parallel_loop3A_306 {strides = array<i32>} : memref<2x16x2x1024xf32, #tpu.memory_space<vmem>>, vector<16xf32>,
        %parallel_loop3A_315 = arith.constant 400 : i32
        %parallel_loop3A_316 = vector.broadcast %parallel_loop3A_315 : i32 to vector<16xi32>
        %parallel_loop3A_317 = arith.addi %parallel_loop3A_218, %parallel_loop3A_316 : vector<16xi32>
        %parallel_loop3A_318 = tpu.vector_load_idx %arg5[%parallel_loop3A_317] : memref<800xf32, #tpu.memory_space<vmem>>[vector<16xi32>], vector<16xf32>,
        %parallel_loop3A_319 = arith.constant 0 : i32
        %parallel_loop3A_320 = arith.constant 8 : i32
        %parallel_loop3A_321 = arith.constant 1 : i32
        %parallel_loop3A_322 = arith.index_cast %parallel_loop3A_319 : i32 to index
        %parallel_loop3A_323 = arith.index_cast %parallel_loop3A_320 : i32 to index
        %parallel_loop3A_324 = arith.index_cast %parallel_loop3A_321 : i32 to index
        %parallel_loop3A_325 = arith.index_cast %parallel_loop3A_212 : i32 to index
        %parallel_loop3A_326 = tpu.vector_load %arg7[%parallel_loop3A_322, %parallel_loop3A_323, %parallel_loop3A_324, %parallel_loop3A_325] {strides = array<i32>} : memref<2x16x2x1024xf32, #tpu.memory_space<vmem>>, vector<16xf32>,
        tpu.vector_store %arg7[%parallel_loop3A_322, %parallel_loop3A_323, %parallel_loop3A_324, %parallel_loop3A_325], %parallel_loop3A_318 {strides = array<i32>} : memref<2x16x2x1024xf32, #tpu.memory_space<vmem>>, vector<16xf32>,
        %parallel_loop3A_327 = arith.constant 450 : i32
        %parallel_loop3A_328 = vector.broadcast %parallel_loop3A_327 : i32 to vector<16xi32>
        %parallel_loop3A_329 = arith.addi %parallel_loop3A_218, %parallel_loop3A_328 : vector<16xi32>
        %parallel_loop3A_330 = tpu.vector_load_idx %arg5[%parallel_loop3A_329] : memref<800xf32, #tpu.memory_space<vmem>>[vector<16xi32>], vector<16xf32>,
        %parallel_loop3A_331 = arith.constant 0 : i32
        %parallel_loop3A_332 = arith.constant 9 : i32
        %parallel_loop3A_333 = arith.constant 1 : i32
        %parallel_loop3A_334 = arith.index_cast %parallel_loop3A_331 : i32 to index
        %parallel_loop3A_335 = arith.index_cast %parallel_loop3A_332 : i32 to index
        %parallel_loop3A_336 = arith.index_cast %parallel_loop3A_333 : i32 to index
        %parallel_loop3A_337 = arith.index_cast %parallel_loop3A_212 : i32 to index
        %parallel_loop3A_338 = tpu.vector_load %arg7[%parallel_loop3A_334, %parallel_loop3A_335, %parallel_loop3A_336, %parallel_loop3A_337] {strides = array<i32>} : memref<2x16x2x1024xf32, #tpu.memory_space<vmem>>, vector<16xf32>,
        tpu.vector_store %arg7[%parallel_loop3A_334, %parallel_loop3A_335, %parallel_loop3A_336, %parallel_loop3A_337], %parallel_loop3A_330 {strides = array<i32>} : memref<2x16x2x1024xf32, #tpu.memory_space<vmem>>, vector<16xf32>,
        %parallel_loop3A_339 = arith.constant 500 : i32
        %parallel_loop3A_340 = vector.broadcast %parallel_loop3A_339 : i32 to vector<16xi32>
        %parallel_loop3A_341 = arith.addi %parallel_loop3A_218, %parallel_loop3A_340 : vector<16xi32>
        %parallel_loop3A_342 = tpu.vector_load_idx %arg5[%parallel_loop3A_341] : memref<800xf32, #tpu.memory_space<vmem>>[vector<16xi32>], vector<16xf32>,
        %parallel_loop3A_343 = arith.constant 0 : i32
        %parallel_loop3A_344 = arith.constant 10 : i32
        %parallel_loop3A_345 = arith.constant 1 : i32
        %parallel_loop3A_346 = arith.index_cast %parallel_loop3A_343 : i32 to index
        %parallel_loop3A_347 = arith.index_cast %parallel_loop3A_344 : i32 to index
        %parallel_loop3A_348 = arith.index_cast %parallel_loop3A_345 : i32 to index
        %parallel_loop3A_349 = arith.index_cast %parallel_loop3A_212 : i32 to index
        %parallel_loop3A_350 = tpu.vector_load %arg7[%parallel_loop3A_346, %parallel_loop3A_347, %parallel_loop3A_348, %parallel_loop3A_349] {strides = array<i32>} : memref<2x16x2x1024xf32, #tpu.memory_space<vmem>>, vector<16xf32>,
        tpu.vector_store %arg7[%parallel_loop3A_346, %parallel_loop3A_347, %parallel_loop3A_348, %parallel_loop3A_349], %parallel_loop3A_342 {strides = array<i32>} : memref<2x16x2x1024xf32, #tpu.memory_space<vmem>>, vector<16xf32>,
        %parallel_loop3A_351 = arith.constant 550 : i32
        %parallel_loop3A_352 = vector.broadcast %parallel_loop3A_351 : i32 to vector<16xi32>
        %parallel_loop3A_353 = arith.addi %parallel_loop3A_218, %parallel_loop3A_352 : vector<16xi32>
        %parallel_loop3A_354 = tpu.vector_load_idx %arg5[%parallel_loop3A_353] : memref<800xf32, #tpu.memory_space<vmem>>[vector<16xi32>], vector<16xf32>,
        %parallel_loop3A_355 = arith.constant 0 : i32
        %parallel_loop3A_356 = arith.constant 11 : i32
        %parallel_loop3A_357 = arith.constant 1 : i32
        %parallel_loop3A_358 = arith.index_cast %parallel_loop3A_355 : i32 to index
        %parallel_loop3A_359 = arith.index_cast %parallel_loop3A_356 : i32 to index
        %parallel_loop3A_360 = arith.index_cast %parallel_loop3A_357 : i32 to index
        %parallel_loop3A_361 = arith.index_cast %parallel_loop3A_212 : i32 to index
        %parallel_loop3A_362 = tpu.vector_load %arg7[%parallel_loop3A_358, %parallel_loop3A_359, %parallel_loop3A_360, %parallel_loop3A_361] {strides = array<i32>} : memref<2x16x2x1024xf32, #tpu.memory_space<vmem>>, vector<16xf32>,
        tpu.vector_store %arg7[%parallel_loop3A_358, %parallel_loop3A_359, %parallel_loop3A_360, %parallel_loop3A_361], %parallel_loop3A_354 {strides = array<i32>} : memref<2x16x2x1024xf32, #tpu.memory_space<vmem>>, vector<16xf32>,
        %parallel_loop3A_363 = arith.constant 600 : i32
        %parallel_loop3A_364 = vector.broadcast %parallel_loop3A_363 : i32 to vector<16xi32>
        %parallel_loop3A_365 = arith.addi %parallel_loop3A_218, %parallel_loop3A_364 : vector<16xi32>
        %parallel_loop3A_366 = tpu.vector_load_idx %arg5[%parallel_loop3A_365] : memref<800xf32, #tpu.memory_space<vmem>>[vector<16xi32>], vector<16xf32>,
        %parallel_loop3A_367 = arith.constant 0 : i32
        %parallel_loop3A_368 = arith.constant 12 : i32
        %parallel_loop3A_369 = arith.constant 1 : i32
        %parallel_loop3A_370 = arith.index_cast %parallel_loop3A_367 : i32 to index
        %parallel_loop3A_371 = arith.index_cast %parallel_loop3A_368 : i32 to index
        %parallel_loop3A_372 = arith.index_cast %parallel_loop3A_369 : i32 to index
        %parallel_loop3A_373 = arith.index_cast %parallel_loop3A_212 : i32 to index
        %parallel_loop3A_374 = tpu.vector_load %arg7[%parallel_loop3A_370, %parallel_loop3A_371, %parallel_loop3A_372, %parallel_loop3A_373] {strides = array<i32>} : memref<2x16x2x1024xf32, #tpu.memory_space<vmem>>, vector<16xf32>,
        tpu.vector_store %arg7[%parallel_loop3A_370, %parallel_loop3A_371, %parallel_loop3A_372, %parallel_loop3A_373], %parallel_loop3A_366 {strides = array<i32>} : memref<2x16x2x1024xf32, #tpu.memory_space<vmem>>, vector<16xf32>,
        %parallel_loop3A_375 = arith.constant 650 : i32
        %parallel_loop3A_376 = vector.broadcast %parallel_loop3A_375 : i32 to vector<16xi32>
        %parallel_loop3A_377 = arith.addi %parallel_loop3A_218, %parallel_loop3A_376 : vector<16xi32>
        %parallel_loop3A_378 = tpu.vector_load_idx %arg5[%parallel_loop3A_377] : memref<800xf32, #tpu.memory_space<vmem>>[vector<16xi32>], vector<16xf32>,
        %parallel_loop3A_379 = arith.constant 0 : i32
        %parallel_loop3A_380 = arith.constant 13 : i32
        %parallel_loop3A_381 = arith.constant 1 : i32
        %parallel_loop3A_382 = arith.index_cast %parallel_loop3A_379 : i32 to index
        %parallel_loop3A_383 = arith.index_cast %parallel_loop3A_380 : i32 to index
        %parallel_loop3A_384 = arith.index_cast %parallel_loop3A_381 : i32 to index
        %parallel_loop3A_385 = arith.index_cast %parallel_loop3A_212 : i32 to index
        %parallel_loop3A_386 = tpu.vector_load %arg7[%parallel_loop3A_382, %parallel_loop3A_383, %parallel_loop3A_384, %parallel_loop3A_385] {strides = array<i32>} : memref<2x16x2x1024xf32, #tpu.memory_space<vmem>>, vector<16xf32>,
        tpu.vector_store %arg7[%parallel_loop3A_382, %parallel_loop3A_383, %parallel_loop3A_384, %parallel_loop3A_385], %parallel_loop3A_378 {strides = array<i32>} : memref<2x16x2x1024xf32, #tpu.memory_space<vmem>>, vector<16xf32>,
        %parallel_loop3A_387 = arith.constant 700 : i32
        %parallel_loop3A_388 = vector.broadcast %parallel_loop3A_387 : i32 to vector<16xi32>
        %parallel_loop3A_389 = arith.addi %parallel_loop3A_218, %parallel_loop3A_388 : vector<16xi32>
        %parallel_loop3A_390 = tpu.vector_load_idx %arg5[%parallel_loop3A_389] : memref<800xf32, #tpu.memory_space<vmem>>[vector<16xi32>], vector<16xf32>,
        %parallel_loop3A_391 = arith.constant 0 : i32
        %parallel_loop3A_392 = arith.constant 14 : i32
        %parallel_loop3A_393 = arith.constant 1 : i32
        %parallel_loop3A_394 = arith.index_cast %parallel_loop3A_391 : i32 to index
        %parallel_loop3A_395 = arith.index_cast %parallel_loop3A_392 : i32 to index
        %parallel_loop3A_396 = arith.index_cast %parallel_loop3A_393 : i32 to index
        %parallel_loop3A_397 = arith.index_cast %parallel_loop3A_212 : i32 to index
        %parallel_loop3A_398 = tpu.vector_load %arg7[%parallel_loop3A_394, %parallel_loop3A_395, %parallel_loop3A_396, %parallel_loop3A_397] {strides = array<i32>} : memref<2x16x2x1024xf32, #tpu.memory_space<vmem>>, vector<16xf32>,
        tpu.vector_store %arg7[%parallel_loop3A_394, %parallel_loop3A_395, %parallel_loop3A_396, %parallel_loop3A_397], %parallel_loop3A_390 {strides = array<i32>} : memref<2x16x2x1024xf32, #tpu.memory_space<vmem>>, vector<16xf32>,
        %parallel_loop3A_399 = arith.constant 750 : i32
        %parallel_loop3A_400 = vector.broadcast %parallel_loop3A_399 : i32 to vector<16xi32>
        %parallel_loop3A_401 = arith.addi %parallel_loop3A_218, %parallel_loop3A_400 : vector<16xi32>
        %parallel_loop3A_402 = tpu.vector_load_idx %arg5[%parallel_loop3A_401] : memref<800xf32, #tpu.memory_space<vmem>>[vector<16xi32>], vector<16xf32>,
        %parallel_loop3A_403 = arith.constant 0 : i32
        %parallel_loop3A_404 = arith.constant 15 : i32
        %parallel_loop3A_405 = arith.constant 1 : i32
        %parallel_loop3A_406 = arith.index_cast %parallel_loop3A_403 : i32 to index
        %parallel_loop3A_407 = arith.index_cast %parallel_loop3A_404 : i32 to index
        %parallel_loop3A_408 = arith.index_cast %parallel_loop3A_405 : i32 to index
        %parallel_loop3A_409 = arith.index_cast %parallel_loop3A_212 : i32 to index
        %parallel_loop3A_410 = tpu.vector_load %arg7[%parallel_loop3A_406, %parallel_loop3A_407, %parallel_loop3A_408, %parallel_loop3A_409] {strides = array<i32>} : memref<2x16x2x1024xf32, #tpu.memory_space<vmem>>, vector<16xf32>,
        tpu.vector_store %arg7[%parallel_loop3A_406, %parallel_loop3A_407, %parallel_loop3A_408, %parallel_loop3A_409], %parallel_loop3A_402 {strides = array<i32>} : memref<2x16x2x1024xf32, #tpu.memory_space<vmem>>, vector<16xf32>,
      } {sc.loop_unroll_factor = 4 : i64, sc.parallel_access}
      %mul3A_117 = arith.constant 2 : i32
      %mul3A_118 = arith.muli %add3A_90, %mul3A_117 : i32
      %add3A_119 = arith.addi %mul3A_2, %mul3A_118 : i32
      %dma_start3A_120 = arith.constant 0 : i32
      %dma_start3A_121 = arith.constant 0 : i32
      %dma_start3A_122 = arith.constant 0 : i32
      %dma_start3A_123 = arith.constant 0 : i32
      %dma_start3A_124 = arith.constant 0 : i32
      %dma_start3A_125 = tpu.memref_slice %arg7[%dma_start3A_120, %dma_start3A_122, %dma_start3A_123, %dma_start3A_124] : memref<2x16x2x1024xf32, #tpu.memory_space<vmem>> -> memref<1x16x2x1024xf32, #tpu.memory_space<vmem>>
      %dma_start3A_126 = tpu.memref_squeeze %dma_start3A_125 : memref<1x16x2x1024xf32, #tpu.memory_space<vmem>> -> memref<16x2x1024xf32, #tpu.memory_space<vmem>>
      %dma_start3A_127 = arith.constant 0 : i32
      %dma_start3A_128 = arith.constant 0 : i32
      %dma_start3A_129 = tpu.memref_slice %arg4[%dma_start3A_127, %add3A_119, %dma_start3A_128] : memref<16x1024x1024xf32, #tpu.memory_space<hbm>> -> memref<16x2x1024xf32, #tpu.memory_space<hbm>>
      %dma_start3A_130 = tpu.memref_slice %arg9[%dma_start3A_121] : memref<2x!tpu.dma_semaphore, #tpu.memory_space<semaphore_mem>> -> memref<1x!tpu.dma_semaphore, #tpu.memory_space<semaphore_mem>>
      %dma_start3A_131 = tpu.memref_squeeze %dma_start3A_130 : memref<1x!tpu.dma_semaphore, #tpu.memory_space<semaphore_mem>> -> memref<!tpu.dma_semaphore, #tpu.memory_space<semaphore_mem>>
      %dma_start3A_132 = arith.constant 0 : i32
      %dma_start3A_133 = arith.constant 0 : i32
      %dma_start3A_134 = tpu.memref_slice %arg4[%dma_start3A_132, %add3A_119, %dma_start3A_133] : memref<16x1024x1024xf32, #tpu.memory_space<hbm>> -> memref<16x2x1024xf32, #tpu.memory_space<hbm>>
      %dma_start3A_135 = arith.constant 0 : i32
      %dma_start3A_136 = arith.constant 0 : i32
      %dma_start3A_137 = arith.constant 0 : i32
      %dma_start3A_138 = tpu.memref_slice %arg7[%dma_start3A_120, %dma_start3A_135, %dma_start3A_136, %dma_start3A_137] : memref<2x16x2x1024xf32, #tpu.memory_space<vmem>> -> memref<1x16x2x1024xf32, #tpu.memory_space<vmem>>
      %dma_start3A_139 = tpu.memref_squeeze %dma_start3A_138 : memref<1x16x2x1024xf32, #tpu.memory_space<vmem>> -> memref<16x2x1024xf32, #tpu.memory_space<vmem>>
      tpu.enqueue_dma source(%dma_start3A_139 : memref<16x2x1024xf32, #tpu.memory_space<vmem>>) target(%dma_start3A_134 : memref<16x2x1024xf32, #tpu.memory_space<hbm>>) target_semaphore(%dma_start3A_131 : memref<!tpu.dma_semaphore, #tpu.memory_space<semaphore_mem>>)
      %add3A_140 = arith.constant 2 : i32
      %add3A_141 = arith.addi %add3A_90, %add3A_140 : i32
      %lt3A = arith.constant 16 : i32
      %lt3A_142 = arith.cmpi slt, %add3A_141, %lt3A : i32
      %convert_element_type3A_143 = arith.extui %lt3A_142 : i1 to i32
      %cond3A_144 = arith.constant 0 : i32
      %cond3A_145 = arith.cmpi ne, %convert_element_type3A_143, %cond3A_144 : i32
      scf.if %cond3A_145 {
        %add3A_210 = arith.constant 2 : i32
        %add3A_211 = arith.addi %add3A_90, %add3A_210 : i32
        %mul3A_212 = arith.constant 2 : i32
        %mul3A_213 = arith.muli %add3A_211, %mul3A_212 : i32
        %add3A_214 = arith.addi %mul3A_2, %mul3A_213 : i32
        %dma_start3A_215 = arith.constant 0 : i32
        %dma_start3A_216 = arith.constant 0 : i32
        %dma_start3A_217 = arith.constant 0 : i32
        %dma_start3A_218 = arith.constant 0 : i32
        %dma_start3A_219 = tpu.memref_slice %arg6[%dma_start3A_215, %dma_start3A_217, %dma_start3A_218] : memref<2x2x1024xi32, #tpu.memory_space<vmem>> -> memref<1x2x1024xi32, #tpu.memory_space<vmem>>
        %dma_start3A_220 = tpu.memref_squeeze %dma_start3A_219 : memref<1x2x1024xi32, #tpu.memory_space<vmem>> -> memref<2x1024xi32, #tpu.memory_space<vmem>>
        %dma_start3A_221 = arith.constant 0 : i32
        %dma_start3A_222 = tpu.memref_slice %arg2[%add3A_214, %dma_start3A_221] : memref<1024x1024xi32, #tpu.memory_space<hbm>> -> memref<2x1024xi32, #tpu.memory_space<hbm>>
        %dma_start3A_223 = tpu.memref_slice %arg8[%dma_start3A_216] : memref<2x!tpu.dma_semaphore, #tpu.memory_space<semaphore_mem>> -> memref<1x!tpu.dma_semaphore, #tpu.memory_space<semaphore_mem>>
        %dma_start3A_224 = tpu.memref_squeeze %dma_start3A_223 : memref<1x!tpu.dma_semaphore, #tpu.memory_space<semaphore_mem>> -> memref<!tpu.dma_semaphore, #tpu.memory_space<semaphore_mem>>
        %dma_start3A_225 = arith.constant 0 : i32
        %dma_start3A_226 = arith.constant 0 : i32
        %dma_start3A_227 = tpu.memref_slice %arg6[%dma_start3A_215, %dma_start3A_225, %dma_start3A_226] : memref<2x2x1024xi32, #tpu.memory_space<vmem>> -> memref<1x2x1024xi32, #tpu.memory_space<vmem>>
        %dma_start3A_228 = tpu.memref_squeeze %dma_start3A_227 : memref<1x2x1024xi32, #tpu.memory_space<vmem>> -> memref<2x1024xi32, #tpu.memory_space<vmem>>
        %dma_start3A_229 = arith.constant 0 : i32
        %dma_start3A_230 = tpu.memref_slice %arg2[%add3A_214, %dma_start3A_229] : memref<1024x1024xi32, #tpu.memory_space<hbm>> -> memref<2x1024xi32, #tpu.memory_space<hbm>>
        tpu.enqueue_dma source(%dma_start3A_230 : memref<2x1024xi32, #tpu.memory_space<hbm>>) target(%dma_start3A_228 : memref<2x1024xi32, #tpu.memory_space<vmem>>) target_semaphore(%dma_start3A_224 : memref<!tpu.dma_semaphore, #tpu.memory_space<semaphore_mem>>)
      } else {
      }
      %mul3A_146 = arith.constant 2 : i32
      %mul3A_147 = arith.muli %scan3A_86, %mul3A_146 : i32
      %add3A_148 = arith.constant 1 : i32
      %add3A_149 = arith.addi %mul3A_147, %add3A_148 : i32
      %mul3A_150 = arith.constant 2 : i32
      %mul3A_151 = arith.muli %add3A_149, %mul3A_150 : i32
      %add3A_152 = arith.addi %mul3A_2, %mul3A_151 : i32
      %dma_wait3A_153 = arith.constant 1 : i32
      %dma_wait3A_154 = arith.constant 1 : i32
      %dma_wait3A_155 = arith.constant 0 : i32
      %dma_wait3A_156 = arith.constant 0 : i32
      %dma_wait3A_157 = tpu.memref_slice %arg6[%dma_wait3A_153, %dma_wait3A_155, %dma_wait3A_156] : memref<2x2x1024xi32, #tpu.memory_space<vmem>> -> memref<1x2x1024xi32, #tpu.memory_space<vmem>>
      %dma_wait3A_158 = tpu.memref_squeeze %dma_wait3A_157 : memref<1x2x1024xi32, #tpu.memory_space<vmem>> -> memref<2x1024xi32, #tpu.memory_space<vmem>>
      %dma_wait3A_159 = arith.constant 0 : i32
      %dma_wait3A_160 = tpu.memref_slice %arg2[%add3A_152, %dma_wait3A_159] : memref<1024x1024xi32, #tpu.memory_space<hbm>> -> memref<2x1024xi32, #tpu.memory_space<hbm>>
      %dma_wait3A_161 = tpu.memref_slice %arg8[%dma_wait3A_154] : memref<2x!tpu.dma_semaphore, #tpu.memory_space<semaphore_mem>> -> memref<1x!tpu.dma_semaphore, #tpu.memory_space<semaphore_mem>>
      %dma_wait3A_162 = tpu.memref_squeeze %dma_wait3A_161 : memref<1x!tpu.dma_semaphore, #tpu.memory_space<semaphore_mem>> -> memref<!tpu.dma_semaphore, #tpu.memory_space<semaphore_mem>>
      %dma_wait3A_163 = arith.constant 0 : i32
      %dma_wait3A_164 = arith.constant 0 : i32
      %dma_wait3A_165 = tpu.memref_slice %arg6[%dma_wait3A_153, %dma_wait3A_163, %dma_wait3A_164] : memref<2x2x1024xi32, #tpu.memory_space<vmem>> -> memref<1x2x1024xi32, #tpu.memory_space<vmem>>
      %dma_wait3A_166 = tpu.memref_squeeze %dma_wait3A_165 : memref<1x2x1024xi32, #tpu.memory_space<vmem>> -> memref<2x1024xi32, #tpu.memory_space<vmem>>
      %dma_wait3A_167 = arith.constant 0 : i32
      %dma_wait3A_168 = tpu.memref_slice %arg2[%add3A_152, %dma_wait3A_167] : memref<1024x1024xi32, #tpu.memory_space<hbm>> -> memref<2x1024xi32, #tpu.memory_space<hbm>>
      tpu.wait_dma2 semaphore(%dma_wait3A_162 : memref<!tpu.dma_semaphore, #tpu.memory_space<semaphore_mem>>) src(%dma_wait3A_168 : memref<2x1024xi32, #tpu.memory_space<hbm>>) dst(%dma_wait3A_166 : memref<2x1024xi32, #tpu.memory_space<vmem>>)
      %gt3A_169 = arith.constant 0 : i32
      %gt3A_170 = arith.cmpi sgt, %scan3A_86, %gt3A_169 : i32
      %convert_element_type3A_171 = arith.extui %gt3A_170 : i1 to i32
      %cond3A_172 = arith.constant 0 : i32
      %cond3A_173 = arith.cmpi ne, %convert_element_type3A_171, %cond3A_172 : i32
      scf.if %cond3A_173 {
        %mul3A_210 = arith.constant 2 : i32
        %mul3A_211 = arith.muli %add3A_149, %mul3A_210 : i32
        %add3A_212 = arith.addi %mul3A_2, %mul3A_211 : i32
        %dma_wait3A_213 = arith.constant 1 : i32
        %dma_wait3A_214 = arith.constant 1 : i32
        %dma_wait3A_215 = arith.constant 0 : i32
        %dma_wait3A_216 = arith.constant 0 : i32
        %dma_wait3A_217 = arith.constant 0 : i32
        %dma_wait3A_218 = tpu.memref_slice %arg7[%dma_wait3A_213, %dma_wait3A_215, %dma_wait3A_216, %dma_wait3A_217] : memref<2x16x2x1024xf32, #tpu.memory_space<vmem>> -> memref<1x16x2x1024xf32, #tpu.memory_space<vmem>>
        %dma_wait3A_219 = tpu.memref_squeeze %dma_wait3A_218 : memref<1x16x2x1024xf32, #tpu.memory_space<vmem>> -> memref<16x2x1024xf32, #tpu.memory_space<vmem>>
        %dma_wait3A_220 = arith.constant 0 : i32
        %dma_wait3A_221 = arith.constant 0 : i32
        %dma_wait3A_222 = tpu.memref_slice %arg4[%dma_wait3A_220, %add3A_212, %dma_wait3A_221] : memref<16x1024x1024xf32, #tpu.memory_space<hbm>> -> memref<16x2x1024xf32, #tpu.memory_space<hbm>>
        %dma_wait3A_223 = tpu.memref_slice %arg9[%dma_wait3A_214] : memref<2x!tpu.dma_semaphore, #tpu.memory_space<semaphore_mem>> -> memref<1x!tpu.dma_semaphore, #tpu.memory_space<semaphore_mem>>
        %dma_wait3A_224 = tpu.memref_squeeze %dma_wait3A_223 : memref<1x!tpu.dma_semaphore, #tpu.memory_space<semaphore_mem>> -> memref<!tpu.dma_semaphore, #tpu.memory_space<semaphore_mem>>
        %dma_wait3A_225 = arith.constant 0 : i32
        %dma_wait3A_226 = arith.constant 0 : i32
        %dma_wait3A_227 = tpu.memref_slice %arg4[%dma_wait3A_225, %add3A_212, %dma_wait3A_226] : memref<16x1024x1024xf32, #tpu.memory_space<hbm>> -> memref<16x2x1024xf32, #tpu.memory_space<hbm>>
        %dma_wait3A_228 = arith.constant 0 : i32
        %dma_wait3A_229 = arith.constant 0 : i32
        %dma_wait3A_230 = arith.constant 0 : i32
        %dma_wait3A_231 = tpu.memref_slice %arg7[%dma_wait3A_213, %dma_wait3A_228, %dma_wait3A_229, %dma_wait3A_230] : memref<2x16x2x1024xf32, #tpu.memory_space<vmem>> -> memref<1x16x2x1024xf32, #tpu.memory_space<vmem>>
        %dma_wait3A_232 = tpu.memref_squeeze %dma_wait3A_231 : memref<1x16x2x1024xf32, #tpu.memory_space<vmem>> -> memref<16x2x1024xf32, #tpu.memory_space<vmem>>
        tpu.wait_dma2 semaphore(%dma_wait3A_224 : memref<!tpu.dma_semaphore, #tpu.memory_space<semaphore_mem>>) src(%dma_wait3A_232 : memref<16x2x1024xf32, #tpu.memory_space<vmem>>) dst(%dma_wait3A_227 : memref<16x2x1024xf32, #tpu.memory_space<hbm>>)
      } else {
      }
      %parallel_loop3A_174 = arith.constant 0 : i32
      %parallel_loop3A_175 = arith.constant 64 : i32
      %parallel_loop3A_176 = arith.constant 1 : i32
      scf.for %parallel_loop3A_210 = %parallel_loop3A_174 to %parallel_loop3A_175 step %parallel_loop3A_176  : i32 {
        %parallel_loop3A_211 = arith.constant 16 : i32
        %parallel_loop3A_212 = arith.muli %parallel_loop3A_210, %parallel_loop3A_211 : i32
        %parallel_loop3A_213 = arith.constant 1 : i32
        %parallel_loop3A_214 = arith.constant 0 : i32
        %parallel_loop3A_215 = arith.index_cast %parallel_loop3A_213 : i32 to index
        %parallel_loop3A_216 = arith.index_cast %parallel_loop3A_214 : i32 to index
        %parallel_loop3A_217 = arith.index_cast %parallel_loop3A_212 : i32 to index
        %parallel_loop3A_218 = tpu.vector_load %arg6[%parallel_loop3A_215, %parallel_loop3A_216, %parallel_loop3A_217] {strides = array<i32>} : memref<2x2x1024xi32, #tpu.memory_space<vmem>>, vector<16xi32>,
        %parallel_loop3A_219 = arith.constant 0 : i32
        %parallel_loop3A_220 = vector.broadcast %parallel_loop3A_219 : i32 to vector<16xi32>
        %parallel_loop3A_221 = arith.addi %parallel_loop3A_218, %parallel_loop3A_220 : vector<16xi32>
        %parallel_loop3A_222 = tpu.vector_load_idx %arg5[%parallel_loop3A_221] : memref<800xf32, #tpu.memory_space<vmem>>[vector<16xi32>], vector<16xf32>,
        %parallel_loop3A_223 = arith.constant 1 : i32
        %parallel_loop3A_224 = arith.constant 0 : i32
        %parallel_loop3A_225 = arith.constant 0 : i32
        %parallel_loop3A_226 = arith.index_cast %parallel_loop3A_223 : i32 to index
        %parallel_loop3A_227 = arith.index_cast %parallel_loop3A_224 : i32 to index
        %parallel_loop3A_228 = arith.index_cast %parallel_loop3A_225 : i32 to index
        %parallel_loop3A_229 = arith.index_cast %parallel_loop3A_212 : i32 to index
        %parallel_loop3A_230 = tpu.vector_load %arg7[%parallel_loop3A_226, %parallel_loop3A_227, %parallel_loop3A_228, %parallel_loop3A_229] {strides = array<i32>} : memref<2x16x2x1024xf32, #tpu.memory_space<vmem>>, vector<16xf32>,
        tpu.vector_store %arg7[%parallel_loop3A_226, %parallel_loop3A_227, %parallel_loop3A_228, %parallel_loop3A_229], %parallel_loop3A_222 {strides = array<i32>} : memref<2x16x2x1024xf32, #tpu.memory_space<vmem>>, vector<16xf32>,
        %parallel_loop3A_231 = arith.constant 50 : i32
        %parallel_loop3A_232 = vector.broadcast %parallel_loop3A_231 : i32 to vector<16xi32>
        %parallel_loop3A_233 = arith.addi %parallel_loop3A_218, %parallel_loop3A_232 : vector<16xi32>
        %parallel_loop3A_234 = tpu.vector_load_idx %arg5[%parallel_loop3A_233] : memref<800xf32, #tpu.memory_space<vmem>>[vector<16xi32>], vector<16xf32>,
        %parallel_loop3A_235 = arith.constant 1 : i32
        %parallel_loop3A_236 = arith.constant 1 : i32
        %parallel_loop3A_237 = arith.constant 0 : i32
        %parallel_loop3A_238 = arith.index_cast %parallel_loop3A_235 : i32 to index
        %parallel_loop3A_239 = arith.index_cast %parallel_loop3A_236 : i32 to index
        %parallel_loop3A_240 = arith.index_cast %parallel_loop3A_237 : i32 to index
        %parallel_loop3A_241 = arith.index_cast %parallel_loop3A_212 : i32 to index
        %parallel_loop3A_242 = tpu.vector_load %arg7[%parallel_loop3A_238, %parallel_loop3A_239, %parallel_loop3A_240, %parallel_loop3A_241] {strides = array<i32>} : memref<2x16x2x1024xf32, #tpu.memory_space<vmem>>, vector<16xf32>,
        tpu.vector_store %arg7[%parallel_loop3A_238, %parallel_loop3A_239, %parallel_loop3A_240, %parallel_loop3A_241], %parallel_loop3A_234 {strides = array<i32>} : memref<2x16x2x1024xf32, #tpu.memory_space<vmem>>, vector<16xf32>,
        %parallel_loop3A_243 = arith.constant 100 : i32
        %parallel_loop3A_244 = vector.broadcast %parallel_loop3A_243 : i32 to vector<16xi32>
        %parallel_loop3A_245 = arith.addi %parallel_loop3A_218, %parallel_loop3A_244 : vector<16xi32>
        %parallel_loop3A_246 = tpu.vector_load_idx %arg5[%parallel_loop3A_245] : memref<800xf32, #tpu.memory_space<vmem>>[vector<16xi32>], vector<16xf32>,
        %parallel_loop3A_247 = arith.constant 1 : i32
        %parallel_loop3A_248 = arith.constant 2 : i32
        %parallel_loop3A_249 = arith.constant 0 : i32
        %parallel_loop3A_250 = arith.index_cast %parallel_loop3A_247 : i32 to index
        %parallel_loop3A_251 = arith.index_cast %parallel_loop3A_248 : i32 to index
        %parallel_loop3A_252 = arith.index_cast %parallel_loop3A_249 : i32 to index
        %parallel_loop3A_253 = arith.index_cast %parallel_loop3A_212 : i32 to index
        %parallel_loop3A_254 = tpu.vector_load %arg7[%parallel_loop3A_250, %parallel_loop3A_251, %parallel_loop3A_252, %parallel_loop3A_253] {strides = array<i32>} : memref<2x16x2x1024xf32, #tpu.memory_space<vmem>>, vector<16xf32>,
        tpu.vector_store %arg7[%parallel_loop3A_250, %parallel_loop3A_251, %parallel_loop3A_252, %parallel_loop3A_253], %parallel_loop3A_246 {strides = array<i32>} : memref<2x16x2x1024xf32, #tpu.memory_space<vmem>>, vector<16xf32>,
        %parallel_loop3A_255 = arith.constant 150 : i32
        %parallel_loop3A_256 = vector.broadcast %parallel_loop3A_255 : i32 to vector<16xi32>
        %parallel_loop3A_257 = arith.addi %parallel_loop3A_218, %parallel_loop3A_256 : vector<16xi32>
        %parallel_loop3A_258 = tpu.vector_load_idx %arg5[%parallel_loop3A_257] : memref<800xf32, #tpu.memory_space<vmem>>[vector<16xi32>], vector<16xf32>,
        %parallel_loop3A_259 = arith.constant 1 : i32
        %parallel_loop3A_260 = arith.constant 3 : i32
        %parallel_loop3A_261 = arith.constant 0 : i32
        %parallel_loop3A_262 = arith.index_cast %parallel_loop3A_259 : i32 to index
        %parallel_loop3A_263 = arith.index_cast %parallel_loop3A_260 : i32 to index
        %parallel_loop3A_264 = arith.index_cast %parallel_loop3A_261 : i32 to index
        %parallel_loop3A_265 = arith.index_cast %parallel_loop3A_212 : i32 to index
        %parallel_loop3A_266 = tpu.vector_load %arg7[%parallel_loop3A_262, %parallel_loop3A_263, %parallel_loop3A_264, %parallel_loop3A_265] {strides = array<i32>} : memref<2x16x2x1024xf32, #tpu.memory_space<vmem>>, vector<16xf32>,
        tpu.vector_store %arg7[%parallel_loop3A_262, %parallel_loop3A_263, %parallel_loop3A_264, %parallel_loop3A_265], %parallel_loop3A_258 {strides = array<i32>} : memref<2x16x2x1024xf32, #tpu.memory_space<vmem>>, vector<16xf32>,
        %parallel_loop3A_267 = arith.constant 200 : i32
        %parallel_loop3A_268 = vector.broadcast %parallel_loop3A_267 : i32 to vector<16xi32>
        %parallel_loop3A_269 = arith.addi %parallel_loop3A_218, %parallel_loop3A_268 : vector<16xi32>
        %parallel_loop3A_270 = tpu.vector_load_idx %arg5[%parallel_loop3A_269] : memref<800xf32, #tpu.memory_space<vmem>>[vector<16xi32>], vector<16xf32>,
        %parallel_loop3A_271 = arith.constant 1 : i32
        %parallel_loop3A_272 = arith.constant 4 : i32
        %parallel_loop3A_273 = arith.constant 0 : i32
        %parallel_loop3A_274 = arith.index_cast %parallel_loop3A_271 : i32 to index
        %parallel_loop3A_275 = arith.index_cast %parallel_loop3A_272 : i32 to index
        %parallel_loop3A_276 = arith.index_cast %parallel_loop3A_273 : i32 to index
        %parallel_loop3A_277 = arith.index_cast %parallel_loop3A_212 : i32 to index
        %parallel_loop3A_278 = tpu.vector_load %arg7[%parallel_loop3A_274, %parallel_loop3A_275, %parallel_loop3A_276, %parallel_loop3A_277] {strides = array<i32>} : memref<2x16x2x1024xf32, #tpu.memory_space<vmem>>, vector<16xf32>,
        tpu.vector_store %arg7[%parallel_loop3A_274, %parallel_loop3A_275, %parallel_loop3A_276, %parallel_loop3A_277], %parallel_loop3A_270 {strides = array<i32>} : memref<2x16x2x1024xf32, #tpu.memory_space<vmem>>, vector<16xf32>,
        %parallel_loop3A_279 = arith.constant 250 : i32
        %parallel_loop3A_280 = vector.broadcast %parallel_loop3A_279 : i32 to vector<16xi32>
        %parallel_loop3A_281 = arith.addi %parallel_loop3A_218, %parallel_loop3A_280 : vector<16xi32>
        %parallel_loop3A_282 = tpu.vector_load_idx %arg5[%parallel_loop3A_281] : memref<800xf32, #tpu.memory_space<vmem>>[vector<16xi32>], vector<16xf32>,
        %parallel_loop3A_283 = arith.constant 1 : i32
        %parallel_loop3A_284 = arith.constant 5 : i32
        %parallel_loop3A_285 = arith.constant 0 : i32
        %parallel_loop3A_286 = arith.index_cast %parallel_loop3A_283 : i32 to index
        %parallel_loop3A_287 = arith.index_cast %parallel_loop3A_284 : i32 to index
        %parallel_loop3A_288 = arith.index_cast %parallel_loop3A_285 : i32 to index
        %parallel_loop3A_289 = arith.index_cast %parallel_loop3A_212 : i32 to index
        %parallel_loop3A_290 = tpu.vector_load %arg7[%parallel_loop3A_286, %parallel_loop3A_287, %parallel_loop3A_288, %parallel_loop3A_289] {strides = array<i32>} : memref<2x16x2x1024xf32, #tpu.memory_space<vmem>>, vector<16xf32>,
        tpu.vector_store %arg7[%parallel_loop3A_286, %parallel_loop3A_287, %parallel_loop3A_288, %parallel_loop3A_289], %parallel_loop3A_282 {strides = array<i32>} : memref<2x16x2x1024xf32, #tpu.memory_space<vmem>>, vector<16xf32>,
        %parallel_loop3A_291 = arith.constant 300 : i32
        %parallel_loop3A_292 = vector.broadcast %parallel_loop3A_291 : i32 to vector<16xi32>
        %parallel_loop3A_293 = arith.addi %parallel_loop3A_218, %parallel_loop3A_292 : vector<16xi32>
        %parallel_loop3A_294 = tpu.vector_load_idx %arg5[%parallel_loop3A_293] : memref<800xf32, #tpu.memory_space<vmem>>[vector<16xi32>], vector<16xf32>,
        %parallel_loop3A_295 = arith.constant 1 : i32
        %parallel_loop3A_296 = arith.constant 6 : i32
        %parallel_loop3A_297 = arith.constant 0 : i32
        %parallel_loop3A_298 = arith.index_cast %parallel_loop3A_295 : i32 to index
        %parallel_loop3A_299 = arith.index_cast %parallel_loop3A_296 : i32 to index
        %parallel_loop3A_300 = arith.index_cast %parallel_loop3A_297 : i32 to index
        %parallel_loop3A_301 = arith.index_cast %parallel_loop3A_212 : i32 to index
        %parallel_loop3A_302 = tpu.vector_load %arg7[%parallel_loop3A_298, %parallel_loop3A_299, %parallel_loop3A_300, %parallel_loop3A_301] {strides = array<i32>} : memref<2x16x2x1024xf32, #tpu.memory_space<vmem>>, vector<16xf32>,
        tpu.vector_store %arg7[%parallel_loop3A_298, %parallel_loop3A_299, %parallel_loop3A_300, %parallel_loop3A_301], %parallel_loop3A_294 {strides = array<i32>} : memref<2x16x2x1024xf32, #tpu.memory_space<vmem>>, vector<16xf32>,
        %parallel_loop3A_303 = arith.constant 350 : i32
        %parallel_loop3A_304 = vector.broadcast %parallel_loop3A_303 : i32 to vector<16xi32>
        %parallel_loop3A_305 = arith.addi %parallel_loop3A_218, %parallel_loop3A_304 : vector<16xi32>
        %parallel_loop3A_306 = tpu.vector_load_idx %arg5[%parallel_loop3A_305] : memref<800xf32, #tpu.memory_space<vmem>>[vector<16xi32>], vector<16xf32>,
        %parallel_loop3A_307 = arith.constant 1 : i32
        %parallel_loop3A_308 = arith.constant 7 : i32
        %parallel_loop3A_309 = arith.constant 0 : i32
        %parallel_loop3A_310 = arith.index_cast %parallel_loop3A_307 : i32 to index
        %parallel_loop3A_311 = arith.index_cast %parallel_loop3A_308 : i32 to index
        %parallel_loop3A_312 = arith.index_cast %parallel_loop3A_309 : i32 to index
        %parallel_loop3A_313 = arith.index_cast %parallel_loop3A_212 : i32 to index
        %parallel_loop3A_314 = tpu.vector_load %arg7[%parallel_loop3A_310, %parallel_loop3A_311, %parallel_loop3A_312, %parallel_loop3A_313] {strides = array<i32>} : memref<2x16x2x1024xf32, #tpu.memory_space<vmem>>, vector<16xf32>,
        tpu.vector_store %arg7[%parallel_loop3A_310, %parallel_loop3A_311, %parallel_loop3A_312, %parallel_loop3A_313], %parallel_loop3A_306 {strides = array<i32>} : memref<2x16x2x1024xf32, #tpu.memory_space<vmem>>, vector<16xf32>,
        %parallel_loop3A_315 = arith.constant 400 : i32
        %parallel_loop3A_316 = vector.broadcast %parallel_loop3A_315 : i32 to vector<16xi32>
        %parallel_loop3A_317 = arith.addi %parallel_loop3A_218, %parallel_loop3A_316 : vector<16xi32>
        %parallel_loop3A_318 = tpu.vector_load_idx %arg5[%parallel_loop3A_317] : memref<800xf32, #tpu.memory_space<vmem>>[vector<16xi32>], vector<16xf32>,
        %parallel_loop3A_319 = arith.constant 1 : i32
        %parallel_loop3A_320 = arith.constant 8 : i32
        %parallel_loop3A_321 = arith.constant 0 : i32
        %parallel_loop3A_322 = arith.index_cast %parallel_loop3A_319 : i32 to index
        %parallel_loop3A_323 = arith.index_cast %parallel_loop3A_320 : i32 to index
        %parallel_loop3A_324 = arith.index_cast %parallel_loop3A_321 : i32 to index
        %parallel_loop3A_325 = arith.index_cast %parallel_loop3A_212 : i32 to index
        %parallel_loop3A_326 = tpu.vector_load %arg7[%parallel_loop3A_322, %parallel_loop3A_323, %parallel_loop3A_324, %parallel_loop3A_325] {strides = array<i32>} : memref<2x16x2x1024xf32, #tpu.memory_space<vmem>>, vector<16xf32>,
        tpu.vector_store %arg7[%parallel_loop3A_322, %parallel_loop3A_323, %parallel_loop3A_324, %parallel_loop3A_325], %parallel_loop3A_318 {strides = array<i32>} : memref<2x16x2x1024xf32, #tpu.memory_space<vmem>>, vector<16xf32>,
        %parallel_loop3A_327 = arith.constant 450 : i32
        %parallel_loop3A_328 = vector.broadcast %parallel_loop3A_327 : i32 to vector<16xi32>
        %parallel_loop3A_329 = arith.addi %parallel_loop3A_218, %parallel_loop3A_328 : vector<16xi32>
        %parallel_loop3A_330 = tpu.vector_load_idx %arg5[%parallel_loop3A_329] : memref<800xf32, #tpu.memory_space<vmem>>[vector<16xi32>], vector<16xf32>,
        %parallel_loop3A_331 = arith.constant 1 : i32
        %parallel_loop3A_332 = arith.constant 9 : i32
        %parallel_loop3A_333 = arith.constant 0 : i32
        %parallel_loop3A_334 = arith.index_cast %parallel_loop3A_331 : i32 to index
        %parallel_loop3A_335 = arith.index_cast %parallel_loop3A_332 : i32 to index
        %parallel_loop3A_336 = arith.index_cast %parallel_loop3A_333 : i32 to index
        %parallel_loop3A_337 = arith.index_cast %parallel_loop3A_212 : i32 to index
        %parallel_loop3A_338 = tpu.vector_load %arg7[%parallel_loop3A_334, %parallel_loop3A_335, %parallel_loop3A_336, %parallel_loop3A_337] {strides = array<i32>} : memref<2x16x2x1024xf32, #tpu.memory_space<vmem>>, vector<16xf32>,
        tpu.vector_store %arg7[%parallel_loop3A_334, %parallel_loop3A_335, %parallel_loop3A_336, %parallel_loop3A_337], %parallel_loop3A_330 {strides = array<i32>} : memref<2x16x2x1024xf32, #tpu.memory_space<vmem>>, vector<16xf32>,
        %parallel_loop3A_339 = arith.constant 500 : i32
        %parallel_loop3A_340 = vector.broadcast %parallel_loop3A_339 : i32 to vector<16xi32>
        %parallel_loop3A_341 = arith.addi %parallel_loop3A_218, %parallel_loop3A_340 : vector<16xi32>
        %parallel_loop3A_342 = tpu.vector_load_idx %arg5[%parallel_loop3A_341] : memref<800xf32, #tpu.memory_space<vmem>>[vector<16xi32>], vector<16xf32>,
        %parallel_loop3A_343 = arith.constant 1 : i32
        %parallel_loop3A_344 = arith.constant 10 : i32
        %parallel_loop3A_345 = arith.constant 0 : i32
        %parallel_loop3A_346 = arith.index_cast %parallel_loop3A_343 : i32 to index
        %parallel_loop3A_347 = arith.index_cast %parallel_loop3A_344 : i32 to index
        %parallel_loop3A_348 = arith.index_cast %parallel_loop3A_345 : i32 to index
        %parallel_loop3A_349 = arith.index_cast %parallel_loop3A_212 : i32 to index
        %parallel_loop3A_350 = tpu.vector_load %arg7[%parallel_loop3A_346, %parallel_loop3A_347, %parallel_loop3A_348, %parallel_loop3A_349] {strides = array<i32>} : memref<2x16x2x1024xf32, #tpu.memory_space<vmem>>, vector<16xf32>,
        tpu.vector_store %arg7[%parallel_loop3A_346, %parallel_loop3A_347, %parallel_loop3A_348, %parallel_loop3A_349], %parallel_loop3A_342 {strides = array<i32>} : memref<2x16x2x1024xf32, #tpu.memory_space<vmem>>, vector<16xf32>,
        %parallel_loop3A_351 = arith.constant 550 : i32
        %parallel_loop3A_352 = vector.broadcast %parallel_loop3A_351 : i32 to vector<16xi32>
        %parallel_loop3A_353 = arith.addi %parallel_loop3A_218, %parallel_loop3A_352 : vector<16xi32>
        %parallel_loop3A_354 = tpu.vector_load_idx %arg5[%parallel_loop3A_353] : memref<800xf32, #tpu.memory_space<vmem>>[vector<16xi32>], vector<16xf32>,
        %parallel_loop3A_355 = arith.constant 1 : i32
        %parallel_loop3A_356 = arith.constant 11 : i32
        %parallel_loop3A_357 = arith.constant 0 : i32
        %parallel_loop3A_358 = arith.index_cast %parallel_loop3A_355 : i32 to index
        %parallel_loop3A_359 = arith.index_cast %parallel_loop3A_356 : i32 to index
        %parallel_loop3A_360 = arith.index_cast %parallel_loop3A_357 : i32 to index
        %parallel_loop3A_361 = arith.index_cast %parallel_loop3A_212 : i32 to index
        %parallel_loop3A_362 = tpu.vector_load %arg7[%parallel_loop3A_358, %parallel_loop3A_359, %parallel_loop3A_360, %parallel_loop3A_361] {strides = array<i32>} : memref<2x16x2x1024xf32, #tpu.memory_space<vmem>>, vector<16xf32>,
        tpu.vector_store %arg7[%parallel_loop3A_358, %parallel_loop3A_359, %parallel_loop3A_360, %parallel_loop3A_361], %parallel_loop3A_354 {strides = array<i32>} : memref<2x16x2x1024xf32, #tpu.memory_space<vmem>>, vector<16xf32>,
        %parallel_loop3A_363 = arith.constant 600 : i32
        %parallel_loop3A_364 = vector.broadcast %parallel_loop3A_363 : i32 to vector<16xi32>
        %parallel_loop3A_365 = arith.addi %parallel_loop3A_218, %parallel_loop3A_364 : vector<16xi32>
        %parallel_loop3A_366 = tpu.vector_load_idx %arg5[%parallel_loop3A_365] : memref<800xf32, #tpu.memory_space<vmem>>[vector<16xi32>], vector<16xf32>,
        %parallel_loop3A_367 = arith.constant 1 : i32
        %parallel_loop3A_368 = arith.constant 12 : i32
        %parallel_loop3A_369 = arith.constant 0 : i32
        %parallel_loop3A_370 = arith.index_cast %parallel_loop3A_367 : i32 to index
        %parallel_loop3A_371 = arith.index_cast %parallel_loop3A_368 : i32 to index
        %parallel_loop3A_372 = arith.index_cast %parallel_loop3A_369 : i32 to index
        %parallel_loop3A_373 = arith.index_cast %parallel_loop3A_212 : i32 to index
        %parallel_loop3A_374 = tpu.vector_load %arg7[%parallel_loop3A_370, %parallel_loop3A_371, %parallel_loop3A_372, %parallel_loop3A_373] {strides = array<i32>} : memref<2x16x2x1024xf32, #tpu.memory_space<vmem>>, vector<16xf32>,
        tpu.vector_store %arg7[%parallel_loop3A_370, %parallel_loop3A_371, %parallel_loop3A_372, %parallel_loop3A_373], %parallel_loop3A_366 {strides = array<i32>} : memref<2x16x2x1024xf32, #tpu.memory_space<vmem>>, vector<16xf32>,
        %parallel_loop3A_375 = arith.constant 650 : i32
        %parallel_loop3A_376 = vector.broadcast %parallel_loop3A_375 : i32 to vector<16xi32>
        %parallel_loop3A_377 = arith.addi %parallel_loop3A_218, %parallel_loop3A_376 : vector<16xi32>
        %parallel_loop3A_378 = tpu.vector_load_idx %arg5[%parallel_loop3A_377] : memref<800xf32, #tpu.memory_space<vmem>>[vector<16xi32>], vector<16xf32>,
        %parallel_loop3A_379 = arith.constant 1 : i32
        %parallel_loop3A_380 = arith.constant 13 : i32
        %parallel_loop3A_381 = arith.constant 0 : i32
        %parallel_loop3A_382 = arith.index_cast %parallel_loop3A_379 : i32 to index
        %parallel_loop3A_383 = arith.index_cast %parallel_loop3A_380 : i32 to index
        %parallel_loop3A_384 = arith.index_cast %parallel_loop3A_381 : i32 to index
        %parallel_loop3A_385 = arith.index_cast %parallel_loop3A_212 : i32 to index
        %parallel_loop3A_386 = tpu.vector_load %arg7[%parallel_loop3A_382, %parallel_loop3A_383, %parallel_loop3A_384, %parallel_loop3A_385] {strides = array<i32>} : memref<2x16x2x1024xf32, #tpu.memory_space<vmem>>, vector<16xf32>,
        tpu.vector_store %arg7[%parallel_loop3A_382, %parallel_loop3A_383, %parallel_loop3A_384, %parallel_loop3A_385], %parallel_loop3A_378 {strides = array<i32>} : memref<2x16x2x1024xf32, #tpu.memory_space<vmem>>, vector<16xf32>,
        %parallel_loop3A_387 = arith.constant 700 : i32
        %parallel_loop3A_388 = vector.broadcast %parallel_loop3A_387 : i32 to vector<16xi32>
        %parallel_loop3A_389 = arith.addi %parallel_loop3A_218, %parallel_loop3A_388 : vector<16xi32>
        %parallel_loop3A_390 = tpu.vector_load_idx %arg5[%parallel_loop3A_389] : memref<800xf32, #tpu.memory_space<vmem>>[vector<16xi32>], vector<16xf32>,
        %parallel_loop3A_391 = arith.constant 1 : i32
        %parallel_loop3A_392 = arith.constant 14 : i32
        %parallel_loop3A_393 = arith.constant 0 : i32
        %parallel_loop3A_394 = arith.index_cast %parallel_loop3A_391 : i32 to index
        %parallel_loop3A_395 = arith.index_cast %parallel_loop3A_392 : i32 to index
        %parallel_loop3A_396 = arith.index_cast %parallel_loop3A_393 : i32 to index
        %parallel_loop3A_397 = arith.index_cast %parallel_loop3A_212 : i32 to index
        %parallel_loop3A_398 = tpu.vector_load %arg7[%parallel_loop3A_394, %parallel_loop3A_395, %parallel_loop3A_396, %parallel_loop3A_397] {strides = array<i32>} : memref<2x16x2x1024xf32, #tpu.memory_space<vmem>>, vector<16xf32>,
        tpu.vector_store %arg7[%parallel_loop3A_394, %parallel_loop3A_395, %parallel_loop3A_396, %parallel_loop3A_397], %parallel_loop3A_390 {strides = array<i32>} : memref<2x16x2x1024xf32, #tpu.memory_space<vmem>>, vector<16xf32>,
        %parallel_loop3A_399 = arith.constant 750 : i32
        %parallel_loop3A_400 = vector.broadcast %parallel_loop3A_399 : i32 to vector<16xi32>
        %parallel_loop3A_401 = arith.addi %parallel_loop3A_218, %parallel_loop3A_400 : vector<16xi32>
        %parallel_loop3A_402 = tpu.vector_load_idx %arg5[%parallel_loop3A_401] : memref<800xf32, #tpu.memory_space<vmem>>[vector<16xi32>], vector<16xf32>,
        %parallel_loop3A_403 = arith.constant 1 : i32
        %parallel_loop3A_404 = arith.constant 15 : i32
        %parallel_loop3A_405 = arith.constant 0 : i32
        %parallel_loop3A_406 = arith.index_cast %parallel_loop3A_403 : i32 to index
        %parallel_loop3A_407 = arith.index_cast %parallel_loop3A_404 : i32 to index
        %parallel_loop3A_408 = arith.index_cast %parallel_loop3A_405 : i32 to index
        %parallel_loop3A_409 = arith.index_cast %parallel_loop3A_212 : i32 to index
        %parallel_loop3A_410 = tpu.vector_load %arg7[%parallel_loop3A_406, %parallel_loop3A_407, %parallel_loop3A_408, %parallel_loop3A_409] {strides = array<i32>} : memref<2x16x2x1024xf32, #tpu.memory_space<vmem>>, vector<16xf32>,
        tpu.vector_store %arg7[%parallel_loop3A_406, %parallel_loop3A_407, %parallel_loop3A_408, %parallel_loop3A_409], %parallel_loop3A_402 {strides = array<i32>} : memref<2x16x2x1024xf32, #tpu.memory_space<vmem>>, vector<16xf32>,
      } {sc.loop_unroll_factor = 4 : i64, sc.parallel_access}
      %parallel_loop3A_177 = arith.constant 0 : i32
      %parallel_loop3A_178 = arith.constant 64 : i32
      %parallel_loop3A_179 = arith.constant 1 : i32
      scf.for %parallel_loop3A_210 = %parallel_loop3A_177 to %parallel_loop3A_178 step %parallel_loop3A_179  : i32 {
        %parallel_loop3A_211 = arith.constant 16 : i32
        %parallel_loop3A_212 = arith.muli %parallel_loop3A_210, %parallel_loop3A_211 : i32
        %parallel_loop3A_213 = arith.constant 1 : i32
        %parallel_loop3A_214 = arith.constant 1 : i32
        %parallel_loop3A_215 = arith.index_cast %parallel_loop3A_213 : i32 to index
        %parallel_loop3A_216 = arith.index_cast %parallel_loop3A_214 : i32 to index
        %parallel_loop3A_217 = arith.index_cast %parallel_loop3A_212 : i32 to index
        %parallel_loop3A_218 = tpu.vector_load %arg6[%parallel_loop3A_215, %parallel_loop3A_216, %parallel_loop3A_217] {strides = array<i32>} : memref<2x2x1024xi32, #tpu.memory_space<vmem>>, vector<16xi32>,
        %parallel_loop3A_219 = arith.constant 0 : i32
        %parallel_loop3A_220 = vector.broadcast %parallel_loop3A_219 : i32 to vector<16xi32>
        %parallel_loop3A_221 = arith.addi %parallel_loop3A_218, %parallel_loop3A_220 : vector<16xi32>
        %parallel_loop3A_222 = tpu.vector_load_idx %arg5[%parallel_loop3A_221] : memref<800xf32, #tpu.memory_space<vmem>>[vector<16xi32>], vector<16xf32>,
        %parallel_loop3A_223 = arith.constant 1 : i32
        %parallel_loop3A_224 = arith.constant 0 : i32
        %parallel_loop3A_225 = arith.constant 1 : i32
        %parallel_loop3A_226 = arith.index_cast %parallel_loop3A_223 : i32 to index
        %parallel_loop3A_227 = arith.index_cast %parallel_loop3A_224 : i32 to index
        %parallel_loop3A_228 = arith.index_cast %parallel_loop3A_225 : i32 to index
        %parallel_loop3A_229 = arith.index_cast %parallel_loop3A_212 : i32 to index
        %parallel_loop3A_230 = tpu.vector_load %arg7[%parallel_loop3A_226, %parallel_loop3A_227, %parallel_loop3A_228, %parallel_loop3A_229] {strides = array<i32>} : memref<2x16x2x1024xf32, #tpu.memory_space<vmem>>, vector<16xf32>,
        tpu.vector_store %arg7[%parallel_loop3A_226, %parallel_loop3A_227, %parallel_loop3A_228, %parallel_loop3A_229], %parallel_loop3A_222 {strides = array<i32>} : memref<2x16x2x1024xf32, #tpu.memory_space<vmem>>, vector<16xf32>,
        %parallel_loop3A_231 = arith.constant 50 : i32
        %parallel_loop3A_232 = vector.broadcast %parallel_loop3A_231 : i32 to vector<16xi32>
        %parallel_loop3A_233 = arith.addi %parallel_loop3A_218, %parallel_loop3A_232 : vector<16xi32>
        %parallel_loop3A_234 = tpu.vector_load_idx %arg5[%parallel_loop3A_233] : memref<800xf32, #tpu.memory_space<vmem>>[vector<16xi32>], vector<16xf32>,
        %parallel_loop3A_235 = arith.constant 1 : i32
        %parallel_loop3A_236 = arith.constant 1 : i32
        %parallel_loop3A_237 = arith.constant 1 : i32
        %parallel_loop3A_238 = arith.index_cast %parallel_loop3A_235 : i32 to index
        %parallel_loop3A_239 = arith.index_cast %parallel_loop3A_236 : i32 to index
        %parallel_loop3A_240 = arith.index_cast %parallel_loop3A_237 : i32 to index
        %parallel_loop3A_241 = arith.index_cast %parallel_loop3A_212 : i32 to index
        %parallel_loop3A_242 = tpu.vector_load %arg7[%parallel_loop3A_238, %parallel_loop3A_239, %parallel_loop3A_240, %parallel_loop3A_241] {strides = array<i32>} : memref<2x16x2x1024xf32, #tpu.memory_space<vmem>>, vector<16xf32>,
        tpu.vector_store %arg7[%parallel_loop3A_238, %parallel_loop3A_239, %parallel_loop3A_240, %parallel_loop3A_241], %parallel_loop3A_234 {strides = array<i32>} : memref<2x16x2x1024xf32, #tpu.memory_space<vmem>>, vector<16xf32>,
        %parallel_loop3A_243 = arith.constant 100 : i32
        %parallel_loop3A_244 = vector.broadcast %parallel_loop3A_243 : i32 to vector<16xi32>
        %parallel_loop3A_245 = arith.addi %parallel_loop3A_218, %parallel_loop3A_244 : vector<16xi32>
        %parallel_loop3A_246 = tpu.vector_load_idx %arg5[%parallel_loop3A_245] : memref<800xf32, #tpu.memory_space<vmem>>[vector<16xi32>], vector<16xf32>,
        %parallel_loop3A_247 = arith.constant 1 : i32
        %parallel_loop3A_248 = arith.constant 2 : i32
        %parallel_loop3A_249 = arith.constant 1 : i32
        %parallel_loop3A_250 = arith.index_cast %parallel_loop3A_247 : i32 to index
        %parallel_loop3A_251 = arith.index_cast %parallel_loop3A_248 : i32 to index
        %parallel_loop3A_252 = arith.index_cast %parallel_loop3A_249 : i32 to index
        %parallel_loop3A_253 = arith.index_cast %parallel_loop3A_212 : i32 to index
        %parallel_loop3A_254 = tpu.vector_load %arg7[%parallel_loop3A_250, %parallel_loop3A_251, %parallel_loop3A_252, %parallel_loop3A_253] {strides = array<i32>} : memref<2x16x2x1024xf32, #tpu.memory_space<vmem>>, vector<16xf32>,
        tpu.vector_store %arg7[%parallel_loop3A_250, %parallel_loop3A_251, %parallel_loop3A_252, %parallel_loop3A_253], %parallel_loop3A_246 {strides = array<i32>} : memref<2x16x2x1024xf32, #tpu.memory_space<vmem>>, vector<16xf32>,
        %parallel_loop3A_255 = arith.constant 150 : i32
        %parallel_loop3A_256 = vector.broadcast %parallel_loop3A_255 : i32 to vector<16xi32>
        %parallel_loop3A_257 = arith.addi %parallel_loop3A_218, %parallel_loop3A_256 : vector<16xi32>
        %parallel_loop3A_258 = tpu.vector_load_idx %arg5[%parallel_loop3A_257] : memref<800xf32, #tpu.memory_space<vmem>>[vector<16xi32>], vector<16xf32>,
        %parallel_loop3A_259 = arith.constant 1 : i32
        %parallel_loop3A_260 = arith.constant 3 : i32
        %parallel_loop3A_261 = arith.constant 1 : i32
        %parallel_loop3A_262 = arith.index_cast %parallel_loop3A_259 : i32 to index
        %parallel_loop3A_263 = arith.index_cast %parallel_loop3A_260 : i32 to index
        %parallel_loop3A_264 = arith.index_cast %parallel_loop3A_261 : i32 to index
        %parallel_loop3A_265 = arith.index_cast %parallel_loop3A_212 : i32 to index
        %parallel_loop3A_266 = tpu.vector_load %arg7[%parallel_loop3A_262, %parallel_loop3A_263, %parallel_loop3A_264, %parallel_loop3A_265] {strides = array<i32>} : memref<2x16x2x1024xf32, #tpu.memory_space<vmem>>, vector<16xf32>,
        tpu.vector_store %arg7[%parallel_loop3A_262, %parallel_loop3A_263, %parallel_loop3A_264, %parallel_loop3A_265], %parallel_loop3A_258 {strides = array<i32>} : memref<2x16x2x1024xf32, #tpu.memory_space<vmem>>, vector<16xf32>,
        %parallel_loop3A_267 = arith.constant 200 : i32
        %parallel_loop3A_268 = vector.broadcast %parallel_loop3A_267 : i32 to vector<16xi32>
        %parallel_loop3A_269 = arith.addi %parallel_loop3A_218, %parallel_loop3A_268 : vector<16xi32>
        %parallel_loop3A_270 = tpu.vector_load_idx %arg5[%parallel_loop3A_269] : memref<800xf32, #tpu.memory_space<vmem>>[vector<16xi32>], vector<16xf32>,
        %parallel_loop3A_271 = arith.constant 1 : i32
        %parallel_loop3A_272 = arith.constant 4 : i32
        %parallel_loop3A_273 = arith.constant 1 : i32
        %parallel_loop3A_274 = arith.index_cast %parallel_loop3A_271 : i32 to index
        %parallel_loop3A_275 = arith.index_cast %parallel_loop3A_272 : i32 to index
        %parallel_loop3A_276 = arith.index_cast %parallel_loop3A_273 : i32 to index
        %parallel_loop3A_277 = arith.index_cast %parallel_loop3A_212 : i32 to index
        %parallel_loop3A_278 = tpu.vector_load %arg7[%parallel_loop3A_274, %parallel_loop3A_275, %parallel_loop3A_276, %parallel_loop3A_277] {strides = array<i32>} : memref<2x16x2x1024xf32, #tpu.memory_space<vmem>>, vector<16xf32>,
        tpu.vector_store %arg7[%parallel_loop3A_274, %parallel_loop3A_275, %parallel_loop3A_276, %parallel_loop3A_277], %parallel_loop3A_270 {strides = array<i32>} : memref<2x16x2x1024xf32, #tpu.memory_space<vmem>>, vector<16xf32>,
        %parallel_loop3A_279 = arith.constant 250 : i32
        %parallel_loop3A_280 = vector.broadcast %parallel_loop3A_279 : i32 to vector<16xi32>
        %parallel_loop3A_281 = arith.addi %parallel_loop3A_218, %parallel_loop3A_280 : vector<16xi32>
        %parallel_loop3A_282 = tpu.vector_load_idx %arg5[%parallel_loop3A_281] : memref<800xf32, #tpu.memory_space<vmem>>[vector<16xi32>], vector<16xf32>,
        %parallel_loop3A_283 = arith.constant 1 : i32
        %parallel_loop3A_284 = arith.constant 5 : i32
        %parallel_loop3A_285 = arith.constant 1 : i32
        %parallel_loop3A_286 = arith.index_cast %parallel_loop3A_283 : i32 to index
        %parallel_loop3A_287 = arith.index_cast %parallel_loop3A_284 : i32 to index
        %parallel_loop3A_288 = arith.index_cast %parallel_loop3A_285 : i32 to index
        %parallel_loop3A_289 = arith.index_cast %parallel_loop3A_212 : i32 to index
        %parallel_loop3A_290 = tpu.vector_load %arg7[%parallel_loop3A_286, %parallel_loop3A_287, %parallel_loop3A_288, %parallel_loop3A_289] {strides = array<i32>} : memref<2x16x2x1024xf32, #tpu.memory_space<vmem>>, vector<16xf32>,
        tpu.vector_store %arg7[%parallel_loop3A_286, %parallel_loop3A_287, %parallel_loop3A_288, %parallel_loop3A_289], %parallel_loop3A_282 {strides = array<i32>} : memref<2x16x2x1024xf32, #tpu.memory_space<vmem>>, vector<16xf32>,
        %parallel_loop3A_291 = arith.constant 300 : i32
        %parallel_loop3A_292 = vector.broadcast %parallel_loop3A_291 : i32 to vector<16xi32>
        %parallel_loop3A_293 = arith.addi %parallel_loop3A_218, %parallel_loop3A_292 : vector<16xi32>
        %parallel_loop3A_294 = tpu.vector_load_idx %arg5[%parallel_loop3A_293] : memref<800xf32, #tpu.memory_space<vmem>>[vector<16xi32>], vector<16xf32>,
        %parallel_loop3A_295 = arith.constant 1 : i32
        %parallel_loop3A_296 = arith.constant 6 : i32
        %parallel_loop3A_297 = arith.constant 1 : i32
        %parallel_loop3A_298 = arith.index_cast %parallel_loop3A_295 : i32 to index
        %parallel_loop3A_299 = arith.index_cast %parallel_loop3A_296 : i32 to index
        %parallel_loop3A_300 = arith.index_cast %parallel_loop3A_297 : i32 to index
        %parallel_loop3A_301 = arith.index_cast %parallel_loop3A_212 : i32 to index
        %parallel_loop3A_302 = tpu.vector_load %arg7[%parallel_loop3A_298, %parallel_loop3A_299, %parallel_loop3A_300, %parallel_loop3A_301] {strides = array<i32>} : memref<2x16x2x1024xf32, #tpu.memory_space<vmem>>, vector<16xf32>,
        tpu.vector_store %arg7[%parallel_loop3A_298, %parallel_loop3A_299, %parallel_loop3A_300, %parallel_loop3A_301], %parallel_loop3A_294 {strides = array<i32>} : memref<2x16x2x1024xf32, #tpu.memory_space<vmem>>, vector<16xf32>,
        %parallel_loop3A_303 = arith.constant 350 : i32
        %parallel_loop3A_304 = vector.broadcast %parallel_loop3A_303 : i32 to vector<16xi32>
        %parallel_loop3A_305 = arith.addi %parallel_loop3A_218, %parallel_loop3A_304 : vector<16xi32>
        %parallel_loop3A_306 = tpu.vector_load_idx %arg5[%parallel_loop3A_305] : memref<800xf32, #tpu.memory_space<vmem>>[vector<16xi32>], vector<16xf32>,
        %parallel_loop3A_307 = arith.constant 1 : i32
        %parallel_loop3A_308 = arith.constant 7 : i32
        %parallel_loop3A_309 = arith.constant 1 : i32
        %parallel_loop3A_310 = arith.index_cast %parallel_loop3A_307 : i32 to index
        %parallel_loop3A_311 = arith.index_cast %parallel_loop3A_308 : i32 to index
        %parallel_loop3A_312 = arith.index_cast %parallel_loop3A_309 : i32 to index
        %parallel_loop3A_313 = arith.index_cast %parallel_loop3A_212 : i32 to index
        %parallel_loop3A_314 = tpu.vector_load %arg7[%parallel_loop3A_310, %parallel_loop3A_311, %parallel_loop3A_312, %parallel_loop3A_313] {strides = array<i32>} : memref<2x16x2x1024xf32, #tpu.memory_space<vmem>>, vector<16xf32>,
        tpu.vector_store %arg7[%parallel_loop3A_310, %parallel_loop3A_311, %parallel_loop3A_312, %parallel_loop3A_313], %parallel_loop3A_306 {strides = array<i32>} : memref<2x16x2x1024xf32, #tpu.memory_space<vmem>>, vector<16xf32>,
        %parallel_loop3A_315 = arith.constant 400 : i32
        %parallel_loop3A_316 = vector.broadcast %parallel_loop3A_315 : i32 to vector<16xi32>
        %parallel_loop3A_317 = arith.addi %parallel_loop3A_218, %parallel_loop3A_316 : vector<16xi32>
        %parallel_loop3A_318 = tpu.vector_load_idx %arg5[%parallel_loop3A_317] : memref<800xf32, #tpu.memory_space<vmem>>[vector<16xi32>], vector<16xf32>,
        %parallel_loop3A_319 = arith.constant 1 : i32
        %parallel_loop3A_320 = arith.constant 8 : i32
        %parallel_loop3A_321 = arith.constant 1 : i32
        %parallel_loop3A_322 = arith.index_cast %parallel_loop3A_319 : i32 to index
        %parallel_loop3A_323 = arith.index_cast %parallel_loop3A_320 : i32 to index
        %parallel_loop3A_324 = arith.index_cast %parallel_loop3A_321 : i32 to index
        %parallel_loop3A_325 = arith.index_cast %parallel_loop3A_212 : i32 to index
        %parallel_loop3A_326 = tpu.vector_load %arg7[%parallel_loop3A_322, %parallel_loop3A_323, %parallel_loop3A_324, %parallel_loop3A_325] {strides = array<i32>} : memref<2x16x2x1024xf32, #tpu.memory_space<vmem>>, vector<16xf32>,
        tpu.vector_store %arg7[%parallel_loop3A_322, %parallel_loop3A_323, %parallel_loop3A_324, %parallel_loop3A_325], %parallel_loop3A_318 {strides = array<i32>} : memref<2x16x2x1024xf32, #tpu.memory_space<vmem>>, vector<16xf32>,
        %parallel_loop3A_327 = arith.constant 450 : i32
        %parallel_loop3A_328 = vector.broadcast %parallel_loop3A_327 : i32 to vector<16xi32>
        %parallel_loop3A_329 = arith.addi %parallel_loop3A_218, %parallel_loop3A_328 : vector<16xi32>
        %parallel_loop3A_330 = tpu.vector_load_idx %arg5[%parallel_loop3A_329] : memref<800xf32, #tpu.memory_space<vmem>>[vector<16xi32>], vector<16xf32>,
        %parallel_loop3A_331 = arith.constant 1 : i32
        %parallel_loop3A_332 = arith.constant 9 : i32
        %parallel_loop3A_333 = arith.constant 1 : i32
        %parallel_loop3A_334 = arith.index_cast %parallel_loop3A_331 : i32 to index
        %parallel_loop3A_335 = arith.index_cast %parallel_loop3A_332 : i32 to index
        %parallel_loop3A_336 = arith.index_cast %parallel_loop3A_333 : i32 to index
        %parallel_loop3A_337 = arith.index_cast %parallel_loop3A_212 : i32 to index
        %parallel_loop3A_338 = tpu.vector_load %arg7[%parallel_loop3A_334, %parallel_loop3A_335, %parallel_loop3A_336, %parallel_loop3A_337] {strides = array<i32>} : memref<2x16x2x1024xf32, #tpu.memory_space<vmem>>, vector<16xf32>,
        tpu.vector_store %arg7[%parallel_loop3A_334, %parallel_loop3A_335, %parallel_loop3A_336, %parallel_loop3A_337], %parallel_loop3A_330 {strides = array<i32>} : memref<2x16x2x1024xf32, #tpu.memory_space<vmem>>, vector<16xf32>,
        %parallel_loop3A_339 = arith.constant 500 : i32
        %parallel_loop3A_340 = vector.broadcast %parallel_loop3A_339 : i32 to vector<16xi32>
        %parallel_loop3A_341 = arith.addi %parallel_loop3A_218, %parallel_loop3A_340 : vector<16xi32>
        %parallel_loop3A_342 = tpu.vector_load_idx %arg5[%parallel_loop3A_341] : memref<800xf32, #tpu.memory_space<vmem>>[vector<16xi32>], vector<16xf32>,
        %parallel_loop3A_343 = arith.constant 1 : i32
        %parallel_loop3A_344 = arith.constant 10 : i32
        %parallel_loop3A_345 = arith.constant 1 : i32
        %parallel_loop3A_346 = arith.index_cast %parallel_loop3A_343 : i32 to index
        %parallel_loop3A_347 = arith.index_cast %parallel_loop3A_344 : i32 to index
        %parallel_loop3A_348 = arith.index_cast %parallel_loop3A_345 : i32 to index
        %parallel_loop3A_349 = arith.index_cast %parallel_loop3A_212 : i32 to index
        %parallel_loop3A_350 = tpu.vector_load %arg7[%parallel_loop3A_346, %parallel_loop3A_347, %parallel_loop3A_348, %parallel_loop3A_349] {strides = array<i32>} : memref<2x16x2x1024xf32, #tpu.memory_space<vmem>>, vector<16xf32>,
        tpu.vector_store %arg7[%parallel_loop3A_346, %parallel_loop3A_347, %parallel_loop3A_348, %parallel_loop3A_349], %parallel_loop3A_342 {strides = array<i32>} : memref<2x16x2x1024xf32, #tpu.memory_space<vmem>>, vector<16xf32>,
        %parallel_loop3A_351 = arith.constant 550 : i32
        %parallel_loop3A_352 = vector.broadcast %parallel_loop3A_351 : i32 to vector<16xi32>
        %parallel_loop3A_353 = arith.addi %parallel_loop3A_218, %parallel_loop3A_352 : vector<16xi32>
        %parallel_loop3A_354 = tpu.vector_load_idx %arg5[%parallel_loop3A_353] : memref<800xf32, #tpu.memory_space<vmem>>[vector<16xi32>], vector<16xf32>,
        %parallel_loop3A_355 = arith.constant 1 : i32
        %parallel_loop3A_356 = arith.constant 11 : i32
        %parallel_loop3A_357 = arith.constant 1 : i32
        %parallel_loop3A_358 = arith.index_cast %parallel_loop3A_355 : i32 to index
        %parallel_loop3A_359 = arith.index_cast %parallel_loop3A_356 : i32 to index
        %parallel_loop3A_360 = arith.index_cast %parallel_loop3A_357 : i32 to index
        %parallel_loop3A_361 = arith.index_cast %parallel_loop3A_212 : i32 to index
        %parallel_loop3A_362 = tpu.vector_load %arg7[%parallel_loop3A_358, %parallel_loop3A_359, %parallel_loop3A_360, %parallel_loop3A_361] {strides = array<i32>} : memref<2x16x2x1024xf32, #tpu.memory_space<vmem>>, vector<16xf32>,
        tpu.vector_store %arg7[%parallel_loop3A_358, %parallel_loop3A_359, %parallel_loop3A_360, %parallel_loop3A_361], %parallel_loop3A_354 {strides = array<i32>} : memref<2x16x2x1024xf32, #tpu.memory_space<vmem>>, vector<16xf32>,
        %parallel_loop3A_363 = arith.constant 600 : i32
        %parallel_loop3A_364 = vector.broadcast %parallel_loop3A_363 : i32 to vector<16xi32>
        %parallel_loop3A_365 = arith.addi %parallel_loop3A_218, %parallel_loop3A_364 : vector<16xi32>
        %parallel_loop3A_366 = tpu.vector_load_idx %arg5[%parallel_loop3A_365] : memref<800xf32, #tpu.memory_space<vmem>>[vector<16xi32>], vector<16xf32>,
        %parallel_loop3A_367 = arith.constant 1 : i32
        %parallel_loop3A_368 = arith.constant 12 : i32
        %parallel_loop3A_369 = arith.constant 1 : i32
        %parallel_loop3A_370 = arith.index_cast %parallel_loop3A_367 : i32 to index
        %parallel_loop3A_371 = arith.index_cast %parallel_loop3A_368 : i32 to index
        %parallel_loop3A_372 = arith.index_cast %parallel_loop3A_369 : i32 to index
        %parallel_loop3A_373 = arith.index_cast %parallel_loop3A_212 : i32 to index
        %parallel_loop3A_374 = tpu.vector_load %arg7[%parallel_loop3A_370, %parallel_loop3A_371, %parallel_loop3A_372, %parallel_loop3A_373] {strides = array<i32>} : memref<2x16x2x1024xf32, #tpu.memory_space<vmem>>, vector<16xf32>,
        tpu.vector_store %arg7[%parallel_loop3A_370, %parallel_loop3A_371, %parallel_loop3A_372, %parallel_loop3A_373], %parallel_loop3A_366 {strides = array<i32>} : memref<2x16x2x1024xf32, #tpu.memory_space<vmem>>, vector<16xf32>,
        %parallel_loop3A_375 = arith.constant 650 : i32
        %parallel_loop3A_376 = vector.broadcast %parallel_loop3A_375 : i32 to vector<16xi32>
        %parallel_loop3A_377 = arith.addi %parallel_loop3A_218, %parallel_loop3A_376 : vector<16xi32>
        %parallel_loop3A_378 = tpu.vector_load_idx %arg5[%parallel_loop3A_377] : memref<800xf32, #tpu.memory_space<vmem>>[vector<16xi32>], vector<16xf32>,
        %parallel_loop3A_379 = arith.constant 1 : i32
        %parallel_loop3A_380 = arith.constant 13 : i32
        %parallel_loop3A_381 = arith.constant 1 : i32
        %parallel_loop3A_382 = arith.index_cast %parallel_loop3A_379 : i32 to index
        %parallel_loop3A_383 = arith.index_cast %parallel_loop3A_380 : i32 to index
        %parallel_loop3A_384 = arith.index_cast %parallel_loop3A_381 : i32 to index
        %parallel_loop3A_385 = arith.index_cast %parallel_loop3A_212 : i32 to index
        %parallel_loop3A_386 = tpu.vector_load %arg7[%parallel_loop3A_382, %parallel_loop3A_383, %parallel_loop3A_384, %parallel_loop3A_385] {strides = array<i32>} : memref<2x16x2x1024xf32, #tpu.memory_space<vmem>>, vector<16xf32>,
        tpu.vector_store %arg7[%parallel_loop3A_382, %parallel_loop3A_383, %parallel_loop3A_384, %parallel_loop3A_385], %parallel_loop3A_378 {strides = array<i32>} : memref<2x16x2x1024xf32, #tpu.memory_space<vmem>>, vector<16xf32>,
        %parallel_loop3A_387 = arith.constant 700 : i32
        %parallel_loop3A_388 = vector.broadcast %parallel_loop3A_387 : i32 to vector<16xi32>
        %parallel_loop3A_389 = arith.addi %parallel_loop3A_218, %parallel_loop3A_388 : vector<16xi32>
        %parallel_loop3A_390 = tpu.vector_load_idx %arg5[%parallel_loop3A_389] : memref<800xf32, #tpu.memory_space<vmem>>[vector<16xi32>], vector<16xf32>,
        %parallel_loop3A_391 = arith.constant 1 : i32
        %parallel_loop3A_392 = arith.constant 14 : i32
        %parallel_loop3A_393 = arith.constant 1 : i32
        %parallel_loop3A_394 = arith.index_cast %parallel_loop3A_391 : i32 to index
        %parallel_loop3A_395 = arith.index_cast %parallel_loop3A_392 : i32 to index
        %parallel_loop3A_396 = arith.index_cast %parallel_loop3A_393 : i32 to index
        %parallel_loop3A_397 = arith.index_cast %parallel_loop3A_212 : i32 to index
        %parallel_loop3A_398 = tpu.vector_load %arg7[%parallel_loop3A_394, %parallel_loop3A_395, %parallel_loop3A_396, %parallel_loop3A_397] {strides = array<i32>} : memref<2x16x2x1024xf32, #tpu.memory_space<vmem>>, vector<16xf32>,
        tpu.vector_store %arg7[%parallel_loop3A_394, %parallel_loop3A_395, %parallel_loop3A_396, %parallel_loop3A_397], %parallel_loop3A_390 {strides = array<i32>} : memref<2x16x2x1024xf32, #tpu.memory_space<vmem>>, vector<16xf32>,
        %parallel_loop3A_399 = arith.constant 750 : i32
        %parallel_loop3A_400 = vector.broadcast %parallel_loop3A_399 : i32 to vector<16xi32>
        %parallel_loop3A_401 = arith.addi %parallel_loop3A_218, %parallel_loop3A_400 : vector<16xi32>
        %parallel_loop3A_402 = tpu.vector_load_idx %arg5[%parallel_loop3A_401] : memref<800xf32, #tpu.memory_space<vmem>>[vector<16xi32>], vector<16xf32>,
        %parallel_loop3A_403 = arith.constant 1 : i32
        %parallel_loop3A_404 = arith.constant 15 : i32
        %parallel_loop3A_405 = arith.constant 1 : i32
        %parallel_loop3A_406 = arith.index_cast %parallel_loop3A_403 : i32 to index
        %parallel_loop3A_407 = arith.index_cast %parallel_loop3A_404 : i32 to index
        %parallel_loop3A_408 = arith.index_cast %parallel_loop3A_405 : i32 to index
        %parallel_loop3A_409 = arith.index_cast %parallel_loop3A_212 : i32 to index
        %parallel_loop3A_410 = tpu.vector_load %arg7[%parallel_loop3A_406, %parallel_loop3A_407, %parallel_loop3A_408, %parallel_loop3A_409] {strides = array<i32>} : memref<2x16x2x1024xf32, #tpu.memory_space<vmem>>, vector<16xf32>,
        tpu.vector_store %arg7[%parallel_loop3A_406, %parallel_loop3A_407, %parallel_loop3A_408, %parallel_loop3A_409], %parallel_loop3A_402 {strides = array<i32>} : memref<2x16x2x1024xf32, #tpu.memory_space<vmem>>, vector<16xf32>,
      } {sc.loop_unroll_factor = 4 : i64, sc.parallel_access}
      %mul3A_180 = arith.constant 2 : i32
      %mul3A_181 = arith.muli %add3A_149, %mul3A_180 : i32
      %add3A_182 = arith.addi %mul3A_2, %mul3A_181 : i32
      %dma_start3A_183 = arith.constant 1 : i32
      %dma_start3A_184 = arith.constant 1 : i32
      %dma_start3A_185 = arith.constant 0 : i32
      %dma_start3A_186 = arith.constant 0 : i32
      %dma_start3A_187 = arith.constant 0 : i32
      %dma_start3A_188 = tpu.memref_slice %arg7[%dma_start3A_183, %dma_start3A_185, %dma_start3A_186, %dma_start3A_187] : memref<2x16x2x1024xf32, #tpu.memory_space<vmem>> -> memref<1x16x2x1024xf32, #tpu.memory_space<vmem>>
      %dma_start3A_189 = tpu.memref_squeeze %dma_start3A_188 : memref<1x16x2x1024xf32, #tpu.memory_space<vmem>> -> memref<16x2x1024xf32, #tpu.memory_space<vmem>>
      %dma_start3A_190 = arith.constant 0 : i32
      %dma_start3A_191 = arith.constant 0 : i32
      %dma_start3A_192 = tpu.memref_slice %arg4[%dma_start3A_190, %add3A_182, %dma_start3A_191] : memref<16x1024x1024xf32, #tpu.memory_space<hbm>> -> memref<16x2x1024xf32, #tpu.memory_space<hbm>>
      %dma_start3A_193 = tpu.memref_slice %arg9[%dma_start3A_184] : memref<2x!tpu.dma_semaphore, #tpu.memory_space<semaphore_mem>> -> memref<1x!tpu.dma_semaphore, #tpu.memory_space<semaphore_mem>>
      %dma_start3A_194 = tpu.memref_squeeze %dma_start3A_193 : memref<1x!tpu.dma_semaphore, #tpu.memory_space<semaphore_mem>> -> memref<!tpu.dma_semaphore, #tpu.memory_space<semaphore_mem>>
      %dma_start3A_195 = arith.constant 0 : i32
      %dma_start3A_196 = arith.constant 0 : i32
      %dma_start3A_197 = tpu.memref_slice %arg4[%dma_start3A_195, %add3A_182, %dma_start3A_196] : memref<16x1024x1024xf32, #tpu.memory_space<hbm>> -> memref<16x2x1024xf32, #tpu.memory_space<hbm>>
      %dma_start3A_198 = arith.constant 0 : i32
      %dma_start3A_199 = arith.constant 0 : i32
      %dma_start3A_200 = arith.constant 0 : i32
      %dma_start3A_201 = tpu.memref_slice %arg7[%dma_start3A_183, %dma_start3A_198, %dma_start3A_199, %dma_start3A_200] : memref<2x16x2x1024xf32, #tpu.memory_space<vmem>> -> memref<1x16x2x1024xf32, #tpu.memory_space<vmem>>
      %dma_start3A_202 = tpu.memref_squeeze %dma_start3A_201 : memref<1x16x2x1024xf32, #tpu.memory_space<vmem>> -> memref<16x2x1024xf32, #tpu.memory_space<vmem>>
      tpu.enqueue_dma source(%dma_start3A_202 : memref<16x2x1024xf32, #tpu.memory_space<vmem>>) target(%dma_start3A_197 : memref<16x2x1024xf32, #tpu.memory_space<hbm>>) target_semaphore(%dma_start3A_194 : memref<!tpu.dma_semaphore, #tpu.memory_space<semaphore_mem>>)
      %add3A_203 = arith.constant 2 : i32
      %add3A_204 = arith.addi %add3A_149, %add3A_203 : i32
      %lt3A_205 = arith.constant 16 : i32
      %lt3A_206 = arith.cmpi slt, %add3A_204, %lt3A_205 : i32
      %convert_element_type3A_207 = arith.extui %lt3A_206 : i1 to i32
      %cond3A_208 = arith.constant 0 : i32
      %cond3A_209 = arith.cmpi ne, %convert_element_type3A_207, %cond3A_208 : i32
      scf.if %cond3A_209 {
        %add3A_210 = arith.constant 2 : i32
        %add3A_211 = arith.addi %add3A_149, %add3A_210 : i32
        %mul3A_212 = arith.constant 2 : i32
        %mul3A_213 = arith.muli %add3A_211, %mul3A_212 : i32
        %add3A_214 = arith.addi %mul3A_2, %mul3A_213 : i32
        %dma_start3A_215 = arith.constant 1 : i32
        %dma_start3A_216 = arith.constant 1 : i32
        %dma_start3A_217 = arith.constant 0 : i32
        %dma_start3A_218 = arith.constant 0 : i32
        %dma_start3A_219 = tpu.memref_slice %arg6[%dma_start3A_215, %dma_start3A_217, %dma_start3A_218] : memref<2x2x1024xi32, #tpu.memory_space<vmem>> -> memref<1x2x1024xi32, #tpu.memory_space<vmem>>
        %dma_start3A_220 = tpu.memref_squeeze %dma_start3A_219 : memref<1x2x1024xi32, #tpu.memory_space<vmem>> -> memref<2x1024xi32, #tpu.memory_space<vmem>>
        %dma_start3A_221 = arith.constant 0 : i32
        %dma_start3A_222 = tpu.memref_slice %arg2[%add3A_214, %dma_start3A_221] : memref<1024x1024xi32, #tpu.memory_space<hbm>> -> memref<2x1024xi32, #tpu.memory_space<hbm>>
        %dma_start3A_223 = tpu.memref_slice %arg8[%dma_start3A_216] : memref<2x!tpu.dma_semaphore, #tpu.memory_space<semaphore_mem>> -> memref<1x!tpu.dma_semaphore, #tpu.memory_space<semaphore_mem>>
        %dma_start3A_224 = tpu.memref_squeeze %dma_start3A_223 : memref<1x!tpu.dma_semaphore, #tpu.memory_space<semaphore_mem>> -> memref<!tpu.dma_semaphore, #tpu.memory_space<semaphore_mem>>
        %dma_start3A_225 = arith.constant 0 : i32
        %dma_start3A_226 = arith.constant 0 : i32
        %dma_start3A_227 = tpu.memref_slice %arg6[%dma_start3A_215, %dma_start3A_225, %dma_start3A_226] : memref<2x2x1024xi32, #tpu.memory_space<vmem>> -> memref<1x2x1024xi32, #tpu.memory_space<vmem>>
        %dma_start3A_228 = tpu.memref_squeeze %dma_start3A_227 : memref<1x2x1024xi32, #tpu.memory_space<vmem>> -> memref<2x1024xi32, #tpu.memory_space<vmem>>
        %dma_start3A_229 = arith.constant 0 : i32
        %dma_start3A_230 = tpu.memref_slice %arg2[%add3A_214, %dma_start3A_229] : memref<1024x1024xi32, #tpu.memory_space<hbm>> -> memref<2x1024xi32, #tpu.memory_space<hbm>>
        tpu.enqueue_dma source(%dma_start3A_230 : memref<2x1024xi32, #tpu.memory_space<hbm>>) target(%dma_start3A_228 : memref<2x1024xi32, #tpu.memory_space<vmem>>) target_semaphore(%dma_start3A_224 : memref<!tpu.dma_semaphore, #tpu.memory_space<semaphore_mem>>)
      } else {
      }
    }
    %scan3A_42 = arith.constant 8 : i32
    %add3A_43 = arith.constant 28 : i32
    %add3A_44 = arith.addi %mul3A_2, %add3A_43 : i32
    %dma_wait3A = arith.constant 0 : i32
    %dma_wait3A_45 = arith.constant 0 : i32
    %dma_wait3A_46 = arith.constant 0 : i32
    %dma_wait3A_47 = arith.constant 0 : i32
    %dma_wait3A_48 = arith.constant 0 : i32
    %dma_wait3A_49 = tpu.memref_slice %arg7[%dma_wait3A, %dma_wait3A_46, %dma_wait3A_47, %dma_wait3A_48] : memref<2x16x2x1024xf32, #tpu.memory_space<vmem>> -> memref<1x16x2x1024xf32, #tpu.memory_space<vmem>>
    %dma_wait3A_50 = tpu.memref_squeeze %dma_wait3A_49 : memref<1x16x2x1024xf32, #tpu.memory_space<vmem>> -> memref<16x2x1024xf32, #tpu.memory_space<vmem>>
    %dma_wait3A_51 = arith.constant 0 : i32
    %dma_wait3A_52 = arith.constant 0 : i32
    %dma_wait3A_53 = tpu.memref_slice %arg4[%dma_wait3A_51, %add3A_44, %dma_wait3A_52] : memref<16x1024x1024xf32, #tpu.memory_space<hbm>> -> memref<16x2x1024xf32, #tpu.memory_space<hbm>>
    %dma_wait3A_54 = tpu.memref_slice %arg9[%dma_wait3A_45] : memref<2x!tpu.dma_semaphore, #tpu.memory_space<semaphore_mem>> -> memref<1x!tpu.dma_semaphore, #tpu.memory_space<semaphore_mem>>
    %dma_wait3A_55 = tpu.memref_squeeze %dma_wait3A_54 : memref<1x!tpu.dma_semaphore, #tpu.memory_space<semaphore_mem>> -> memref<!tpu.dma_semaphore, #tpu.memory_space<semaphore_mem>>
    %dma_wait3A_56 = arith.constant 0 : i32
    %dma_wait3A_57 = arith.constant 0 : i32
    %dma_wait3A_58 = tpu.memref_slice %arg4[%dma_wait3A_56, %add3A_44, %dma_wait3A_57] : memref<16x1024x1024xf32, #tpu.memory_space<hbm>> -> memref<16x2x1024xf32, #tpu.memory_space<hbm>>
    %dma_wait3A_59 = arith.constant 0 : i32
    %dma_wait3A_60 = arith.constant 0 : i32
    %dma_wait3A_61 = arith.constant 0 : i32
    %dma_wait3A_62 = tpu.memref_slice %arg7[%dma_wait3A, %dma_wait3A_59, %dma_wait3A_60, %dma_wait3A_61] : memref<2x16x2x1024xf32, #tpu.memory_space<vmem>> -> memref<1x16x2x1024xf32, #tpu.memory_space<vmem>>
    %dma_wait3A_63 = tpu.memref_squeeze %dma_wait3A_62 : memref<1x16x2x1024xf32, #tpu.memory_space<vmem>> -> memref<16x2x1024xf32, #tpu.memory_space<vmem>>
    tpu.wait_dma2 semaphore(%dma_wait3A_55 : memref<!tpu.dma_semaphore, #tpu.memory_space<semaphore_mem>>) src(%dma_wait3A_63 : memref<16x2x1024xf32, #tpu.memory_space<vmem>>) dst(%dma_wait3A_58 : memref<16x2x1024xf32, #tpu.memory_space<hbm>>)
    %add3A_64 = arith.constant 30 : i32
    %add3A_65 = arith.addi %mul3A_2, %add3A_64 : i32
    %dma_wait3A_66 = arith.constant 1 : i32
    %dma_wait3A_67 = arith.constant 1 : i32
    %dma_wait3A_68 = arith.constant 0 : i32
    %dma_wait3A_69 = arith.constant 0 : i32
    %dma_wait3A_70 = arith.constant 0 : i32
    %dma_wait3A_71 = tpu.memref_slice %arg7[%dma_wait3A_66, %dma_wait3A_68, %dma_wait3A_69, %dma_wait3A_70] : memref<2x16x2x1024xf32, #tpu.memory_space<vmem>> -> memref<1x16x2x1024xf32, #tpu.memory_space<vmem>>
    %dma_wait3A_72 = tpu.memref_squeeze %dma_wait3A_71 : memref<1x16x2x1024xf32, #tpu.memory_space<vmem>> -> memref<16x2x1024xf32, #tpu.memory_space<vmem>>
    %dma_wait3A_73 = arith.constant 0 : i32
    %dma_wait3A_74 = arith.constant 0 : i32
    %dma_wait3A_75 = tpu.memref_slice %arg4[%dma_wait3A_73, %add3A_65, %dma_wait3A_74] : memref<16x1024x1024xf32, #tpu.memory_space<hbm>> -> memref<16x2x1024xf32, #tpu.memory_space<hbm>>
    %dma_wait3A_76 = tpu.memref_slice %arg9[%dma_wait3A_67] : memref<2x!tpu.dma_semaphore, #tpu.memory_space<semaphore_mem>> -> memref<1x!tpu.dma_semaphore, #tpu.memory_space<semaphore_mem>>
    %dma_wait3A_77 = tpu.memref_squeeze %dma_wait3A_76 : memref<1x!tpu.dma_semaphore, #tpu.memory_space<semaphore_mem>> -> memref<!tpu.dma_semaphore, #tpu.memory_space<semaphore_mem>>
    %dma_wait3A_78 = arith.constant 0 : i32
    %dma_wait3A_79 = arith.constant 0 : i32
    %dma_wait3A_80 = tpu.memref_slice %arg4[%dma_wait3A_78, %add3A_65, %dma_wait3A_79] : memref<16x1024x1024xf32, #tpu.memory_space<hbm>> -> memref<16x2x1024xf32, #tpu.memory_space<hbm>>
    %dma_wait3A_81 = arith.constant 0 : i32
    %dma_wait3A_82 = arith.constant 0 : i32
    %dma_wait3A_83 = arith.constant 0 : i32
    %dma_wait3A_84 = tpu.memref_slice %arg7[%dma_wait3A_66, %dma_wait3A_81, %dma_wait3A_82, %dma_wait3A_83] : memref<2x16x2x1024xf32, #tpu.memory_space<vmem>> -> memref<1x16x2x1024xf32, #tpu.memory_space<vmem>>
    %dma_wait3A_85 = tpu.memref_squeeze %dma_wait3A_84 : memref<1x16x2x1024xf32, #tpu.memory_space<vmem>> -> memref<16x2x1024xf32, #tpu.memory_space<vmem>>
    tpu.wait_dma2 semaphore(%dma_wait3A_77 : memref<!tpu.dma_semaphore, #tpu.memory_space<semaphore_mem>>) src(%dma_wait3A_85 : memref<16x2x1024xf32, #tpu.memory_space<vmem>>) dst(%dma_wait3A_80 : memref<16x2x1024xf32, #tpu.memory_space<hbm>>)
    return
  }
}

#map = affine_map<(d0, d1) -> (0, 0)>
module attributes {stable_mosaic.version = 14 : i64} {
  func.func @_build_adj(%arg0: i32, %arg1: i32, %arg2: memref<2x16384xi32, #tpu.memory_space<hbm>>, %arg3: memref<1024x1024xf32, #tpu.memory_space<hbm>>, %arg4: memref<2x16384xi32, #tpu.memory_space<vmem>>, %arg5: memref<32x1024xf32, #tpu.memory_space<vmem>>) attributes {dimension_semantics = [#tpu.dimension_semantics<core_parallel>, #tpu.dimension_semantics<subcore_parallel>], iteration_bounds = array<i64: 2, 16>, scalar_prefetch = 0 : i64, scratch_operands = 2 : i64, tpu.core_type = #tpu.core_type<sc_vector_subcore>, window_params = [{transform_indices = #map}, {transform_indices = #map}]} {
    %mul3A = arith.constant 2 : i32
    %mul3A_0 = arith.muli %arg1, %mul3A : i32
    %add3A = arith.addi %mul3A_0, %arg0 : i32
    %mul3A_1 = arith.constant 32 : i32
    %mul3A_2 = arith.muli %add3A, %mul3A_1 : i32
    "tpu.region"() ({
      %run_scoped3A = tpu.sem_alloc : memref<!tpu.dma_semaphore, #tpu.memory_space<semaphore_mem>>
      tpu.enqueue_dma source(%arg2 : memref<2x16384xi32, #tpu.memory_space<hbm>>) target(%arg4 : memref<2x16384xi32, #tpu.memory_space<vmem>>) target_semaphore(%run_scoped3A : memref<!tpu.dma_semaphore, #tpu.memory_space<semaphore_mem>>)
      tpu.wait_dma2 semaphore(%run_scoped3A : memref<!tpu.dma_semaphore, #tpu.memory_space<semaphore_mem>>) src(%arg2 : memref<2x16384xi32, #tpu.memory_space<hbm>>) dst(%arg4 : memref<2x16384xi32, #tpu.memory_space<vmem>>)
      tpu.yield
    }) : () -> ()
    %parallel_loop3A = arith.constant 0 : i32
    %parallel_loop3A_3 = arith.constant 2048 : i32
    %parallel_loop3A_4 = arith.constant 1 : i32
    scf.for %parallel_loop3A_9 = %parallel_loop3A to %parallel_loop3A_3 step %parallel_loop3A_4  : i32 {
      %parallel_loop3A_10 = arith.constant 6 : i32
      %parallel_loop3A_11 = arith.shrui %parallel_loop3A_9, %parallel_loop3A_10 : i32
      %parallel_loop3A_12 = arith.constant 63 : i32
      %parallel_loop3A_13 = arith.andi %parallel_loop3A_9, %parallel_loop3A_12 : i32
      %parallel_loop3A_14 = arith.constant 4 : i32
      %parallel_loop3A_15 = arith.shli %parallel_loop3A_13, %parallel_loop3A_14 : i32
      %parallel_loop3A_16 = arith.constant 0.000000e+00 : f32
      %parallel_loop3A_17 = vector.broadcast %parallel_loop3A_16 : f32 to vector<16xf32>
      %parallel_loop3A_18 = arith.index_cast %parallel_loop3A_11 : i32 to index
      %parallel_loop3A_19 = arith.index_cast %parallel_loop3A_15 : i32 to index
      %parallel_loop3A_20 = tpu.vector_load %arg5[%parallel_loop3A_18, %parallel_loop3A_19] {strides = array<i32>} : memref<32x1024xf32, #tpu.memory_space<vmem>>, vector<16xf32>,
      tpu.vector_store %arg5[%parallel_loop3A_18, %parallel_loop3A_19], %parallel_loop3A_17 {strides = array<i32>} : memref<32x1024xf32, #tpu.memory_space<vmem>>, vector<16xf32>,
    } {sc.loop_unroll_factor = 4 : i64, sc.parallel_access}
    %broadcast_in_dim3A = arith.constant 1.000000e+00 : f32
    %broadcast_in_dim3A_5 = vector.broadcast %broadcast_in_dim3A : f32 to vector<16xf32>
    %parallel_loop3A_6 = arith.constant 0 : i32
    %parallel_loop3A_7 = arith.constant 1024 : i32
    %parallel_loop3A_8 = arith.constant 1 : i32
    scf.for %parallel_loop3A_9 = %parallel_loop3A_6 to %parallel_loop3A_7 step %parallel_loop3A_8  : i32 {
      %parallel_loop3A_10 = arith.constant 16 : i32
      %parallel_loop3A_11 = arith.muli %parallel_loop3A_9, %parallel_loop3A_10 : i32
      %parallel_loop3A_12 = arith.constant 0 : i32
      %parallel_loop3A_13 = arith.index_cast %parallel_loop3A_12 : i32 to index
      %parallel_loop3A_14 = arith.index_cast %parallel_loop3A_11 : i32 to index
      %parallel_loop3A_15 = tpu.vector_load %arg4[%parallel_loop3A_13, %parallel_loop3A_14] {strides = array<i32>} : memref<2x16384xi32, #tpu.memory_space<vmem>>, vector<16xi32>,
      %parallel_loop3A_16 = arith.constant 16 : i32
      %parallel_loop3A_17 = arith.muli %parallel_loop3A_9, %parallel_loop3A_16 : i32
      %parallel_loop3A_18 = arith.constant 1 : i32
      %parallel_loop3A_19 = arith.index_cast %parallel_loop3A_18 : i32 to index
      %parallel_loop3A_20 = arith.index_cast %parallel_loop3A_17 : i32 to index
      %parallel_loop3A_21 = tpu.vector_load %arg4[%parallel_loop3A_19, %parallel_loop3A_20] {strides = array<i32>} : memref<2x16384xi32, #tpu.memory_space<vmem>>, vector<16xi32>,
      %parallel_loop3A_22 = vector.broadcast %mul3A_2 : i32 to vector<16xi32>
      %parallel_loop3A_23 = arith.cmpi sge, %parallel_loop3A_15, %parallel_loop3A_22 : vector<16xi32>
      %parallel_loop3A_24 = arith.constant 32 : i32
      %parallel_loop3A_25 = arith.addi %mul3A_2, %parallel_loop3A_24 : i32
      %parallel_loop3A_26 = vector.broadcast %parallel_loop3A_25 : i32 to vector<16xi32>
      %parallel_loop3A_27 = arith.cmpi slt, %parallel_loop3A_15, %parallel_loop3A_26 : vector<16xi32>
      %parallel_loop3A_28 = arith.andi %parallel_loop3A_23, %parallel_loop3A_27 : vector<16xi1>
      %parallel_loop3A_29 = vector.broadcast %mul3A_2 : i32 to vector<16xi32>
      %parallel_loop3A_30 = arith.subi %parallel_loop3A_15, %parallel_loop3A_29 : vector<16xi32>
      %parallel_loop3A_31 = arith.constant 0 : i32
      %parallel_loop3A_32 = vector.broadcast %parallel_loop3A_31 : i32 to vector<16xi32>
      %parallel_loop3A_33 = arith.select %parallel_loop3A_28, %parallel_loop3A_30, %parallel_loop3A_32 : vector<16xi1>, vector<16xi32>
      tpu.vector_store_idx %arg5[%parallel_loop3A_33, %parallel_loop3A_21], %broadcast_in_dim3A_5 masked %parallel_loop3A_28 : memref<32x1024xf32, #tpu.memory_space<vmem>>[vector<16xi32>, vector<16xi32>], vector<16xf32>, vector<16xi1>
    } {sc.loop_unroll_factor = 4 : i64, sc.parallel_access}
    "tpu.region"() ({
      %run_scoped3A = tpu.sem_alloc : memref<!tpu.dma_semaphore, #tpu.memory_space<semaphore_mem>>
      %dma_start3A = arith.constant 0 : i32
      %dma_start3A_9 = tpu.memref_slice %arg3[%mul3A_2, %dma_start3A] : memref<1024x1024xf32, #tpu.memory_space<hbm>> -> memref<32x1024xf32, #tpu.memory_space<hbm>>
      %dma_start3A_10 = arith.constant 0 : i32
      %dma_start3A_11 = tpu.memref_slice %arg3[%mul3A_2, %dma_start3A_10] : memref<1024x1024xf32, #tpu.memory_space<hbm>> -> memref<32x1024xf32, #tpu.memory_space<hbm>>
      tpu.enqueue_dma source(%arg5 : memref<32x1024xf32, #tpu.memory_space<vmem>>) target(%dma_start3A_11 : memref<32x1024xf32, #tpu.memory_space<hbm>>) target_semaphore(%run_scoped3A : memref<!tpu.dma_semaphore, #tpu.memory_space<semaphore_mem>>)
      %dma_wait3A = arith.constant 0 : i32
      %dma_wait3A_12 = tpu.memref_slice %arg3[%mul3A_2, %dma_wait3A] : memref<1024x1024xf32, #tpu.memory_space<hbm>> -> memref<32x1024xf32, #tpu.memory_space<hbm>>
      %dma_wait3A_13 = arith.constant 0 : i32
      %dma_wait3A_14 = tpu.memref_slice %arg3[%mul3A_2, %dma_wait3A_13] : memref<1024x1024xf32, #tpu.memory_space<hbm>> -> memref<32x1024xf32, #tpu.memory_space<hbm>>
      tpu.wait_dma2 semaphore(%run_scoped3A : memref<!tpu.dma_semaphore, #tpu.memory_space<semaphore_mem>>) src(%arg5 : memref<32x1024xf32, #tpu.memory_space<vmem>>) dst(%dma_wait3A_14 : memref<32x1024xf32, #tpu.memory_space<hbm>>)
      tpu.yield
    }) : () -> ()
    return
  }
}

module attributes {stable_mosaic.version = 14 : i64} {
  func.func @_bfs_body(%arg0: memref<1024x1024xf32, #tpu.memory_space<vmem>>, %arg1: memref<1024x1024xi32, #tpu.memory_space<vmem>>, %arg2: memref<1024x1024xi8, #tpu.memory_space<vmem>>, %arg3: memref<1024x1024xi8, #tpu.memory_space<vmem>>, %arg4: memref<1xi32, #tpu.memory_space<smem>>) attributes {dimension_semantics = [], scalar_prefetch = 0 : i64, scratch_operands = 3 : i64, tpu.core_type = #tpu.core_type<tc>} {
    %get3A = arith.constant 0 : index
    %get3A_0 = arith.constant 0 : index
    %get3A_1 = vector.load %arg0[%get3A, %get3A_0] : memref<1024x1024xf32, #tpu.memory_space<vmem>>, vector<1024x1024xf32>
    %convert_element_type3A = arith.fptosi %get3A_1 : vector<1024x1024xf32> to vector<1024x1024xi8>
    %swap3A = arith.constant 0 : index
    %swap3A_2 = arith.constant 0 : index
    %swap3A_3 = vector.load %arg2[%swap3A, %swap3A_2] : memref<1024x1024xi8, #tpu.memory_space<vmem>>, vector<1024x1024xi8>
    tpu.vector_store %arg2[%swap3A, %swap3A_2], %convert_element_type3A {strides = array<i32>} : memref<1024x1024xi8, #tpu.memory_space<vmem>>, vector<1024x1024xi8>,
    %iota3A = tpu.iota {dimensions = array<i32: 0>} : vector<1024x1024xi32>
    %iota3A_4 = tpu.iota {dimensions = array<i32: 1>} : vector<1024x1024xi32>
    %eq3A = arith.cmpi eq, %iota3A, %iota3A_4 : vector<1024x1024xi32>
    %jit3A = arith.constant 1 : i32
    %jit3A_5 = arith.constant 0 : i32
    %broadcast_in_dim3A = vector.broadcast %jit3A : i32 to vector<1024x1024xi32>
    %broadcast_in_dim3A_6 = vector.broadcast %jit3A_5 : i32 to vector<1024x1024xi32>
    %select_n3A = arith.select %eq3A, %broadcast_in_dim3A, %broadcast_in_dim3A_6 : vector<1024x1024xi1>, vector<1024x1024xi32>
    %convert_element_type3A_7 = arith.trunci %select_n3A : vector<1024x1024xi32> to vector<1024x1024xi8>
    %swap3A_8 = arith.constant 0 : index
    %swap3A_9 = arith.constant 0 : index
    %swap3A_10 = vector.load %arg3[%swap3A_8, %swap3A_9] : memref<1024x1024xi8, #tpu.memory_space<vmem>>, vector<1024x1024xi8>
    tpu.vector_store %arg3[%swap3A_8, %swap3A_9], %convert_element_type3A_7 {strides = array<i32>} : memref<1024x1024xi8, #tpu.memory_space<vmem>>, vector<1024x1024xi8>,
    %broadcast_in_dim3A_11 = arith.constant 0 : i32
    %broadcast_in_dim3A_12 = vector.broadcast %broadcast_in_dim3A_11 : i32 to vector<1024x1024xi32>
    %swap3A_13 = arith.constant 0 : index
    %swap3A_14 = arith.constant 0 : index
    %swap3A_15 = vector.load %arg1[%swap3A_13, %swap3A_14] : memref<1024x1024xi32, #tpu.memory_space<vmem>>, vector<1024x1024xi32>
    tpu.vector_store %arg1[%swap3A_13, %swap3A_14], %broadcast_in_dim3A_12 {strides = array<i32>} : memref<1024x1024xi32, #tpu.memory_space<vmem>>, vector<1024x1024xi32>,
    %scan3A = arith.constant false
    %scan3A_16 = arith.constant 0 : i32
    %scan3A_17 = arith.constant 49 : i32
    %scan3A_18 = arith.addi %scan3A_16, %scan3A_17 : i32
    %scan3A_19 = arith.constant 1 : i32
    %scan3A_20 = scf.for %scan3A_22 = %scan3A_16 to %scan3A_18 step %scan3A_19 iter_args(%scan3A_23 = %scan3A) -> (i1)  : i32 {
      %not3A = arith.constant true
      %not3A_24 = arith.xori %scan3A_23, %not3A : i1
      %convert_element_type3A_25 = arith.extui %not3A_24 : i1 to i32
      %cond3A = arith.constant 0 : i32
      %cond3A_26 = arith.cmpi ne, %convert_element_type3A_25, %cond3A : i32
      scf.if %cond3A_26 {
        %get3A_31 = arith.constant 0 : index
        %get3A_32 = arith.constant 0 : index
        %get3A_33 = vector.load %arg3[%get3A_31, %get3A_32] : memref<1024x1024xi8, #tpu.memory_space<vmem>>, vector<1024x1024xi8>
        %get3A_34 = arith.constant 0 : index
        %get3A_35 = arith.constant 0 : index
        %get3A_36 = vector.load %arg2[%get3A_34, %get3A_35] : memref<1024x1024xi8, #tpu.memory_space<vmem>>, vector<1024x1024xi8>
        %dot_general3A = arith.constant dense<0> : vector<1024x1024xi32>
        %dot_general3A_37 = tpu.matmul %get3A_33, %get3A_36, %dot_general3A {dimension_numbers = #tpu.dot_dimension_numbers<[1], [0], [0], [1], [0, 0, 1, 1], [], []>, transpose_lhs_hint = false} : vector<1024x1024xi8>, vector<1024x1024xi8>, vector<1024x1024xi32> -> vector<1024x1024xi32>
        %gt3A = arith.constant 0 : i32
        %gt3A_38 = vector.broadcast %gt3A : i32 to vector<1024x1024xi32>
        %gt3A_39 = arith.cmpi sgt, %dot_general3A_37, %gt3A_38 : vector<1024x1024xi32>
        %get3A_40 = arith.constant 0 : index
        %get3A_41 = arith.constant 0 : index
        %get3A_42 = vector.load %arg1[%get3A_40, %get3A_41] : memref<1024x1024xi32, #tpu.memory_space<vmem>>, vector<1024x1024xi32>
        %eq3A_43 = arith.constant 0 : i32
        %eq3A_44 = vector.broadcast %eq3A_43 : i32 to vector<1024x1024xi32>
        %eq3A_45 = arith.cmpi eq, %get3A_42, %eq3A_44 : vector<1024x1024xi32>
        %and3A = arith.andi %gt3A_39, %eq3A_45 : vector<1024x1024xi1>
        %not3A_46 = arith.constant dense<true> : vector<1024x1024xi1>
        %not3A_47 = arith.xori %eq3A, %not3A_46 : vector<1024x1024xi1>
        %and3A_48 = arith.andi %and3A, %not3A_47 : vector<1024x1024xi1>
        %add3A = arith.constant 1 : i32
        %add3A_49 = arith.addi %scan3A_22, %add3A : i32
        %get3A_50 = arith.constant 0 : index
        %get3A_51 = arith.constant 0 : index
        %get3A_52 = vector.load %arg1[%get3A_50, %get3A_51] : memref<1024x1024xi32, #tpu.memory_space<vmem>>, vector<1024x1024xi32>
        %broadcast_in_dim3A_53 = vector.broadcast %add3A_49 : i32 to vector<1024x1024xi32>
        %select_n3A_54 = arith.select %and3A_48, %broadcast_in_dim3A_53, %get3A_52 : vector<1024x1024xi1>, vector<1024x1024xi32>
        %swap3A_55 = arith.constant 0 : index
        %swap3A_56 = arith.constant 0 : index
        %swap3A_57 = vector.load %arg1[%swap3A_55, %swap3A_56] : memref<1024x1024xi32, #tpu.memory_space<vmem>>, vector<1024x1024xi32>
        tpu.vector_store %arg1[%swap3A_55, %swap3A_56], %select_n3A_54 {strides = array<i32>} : memref<1024x1024xi32, #tpu.memory_space<vmem>>, vector<1024x1024xi32>,
        %convert_element_type3A_58 = arith.extui %and3A_48 : vector<1024x1024xi1> to vector<1024x1024xi8>
        %swap3A_59 = arith.constant 0 : index
        %swap3A_60 = arith.constant 0 : index
        %swap3A_61 = vector.load %arg3[%swap3A_59, %swap3A_60] : memref<1024x1024xi8, #tpu.memory_space<vmem>>, vector<1024x1024xi8>
        tpu.vector_store %arg3[%swap3A_59, %swap3A_60], %convert_element_type3A_58 {strides = array<i32>} : memref<1024x1024xi8, #tpu.memory_space<vmem>>, vector<1024x1024xi8>,
        %convert_element_type3A_62 = arith.extui %and3A_48 : vector<1024x1024xi1> to vector<1024x1024xi32>
        %reduce_sum3A = vector.shape_cast %convert_element_type3A_62 : vector<1024x1024xi32> to vector<1x1024x1024xi32>
        %reduce_sum3A_63 = arith.constant dense<0> : vector<1xi32>
        %reduce_sum3A_64 = vector.multi_reduction <add>, %reduce_sum3A, %reduce_sum3A_63 [1, 2] : vector<1x1024x1024xi32> to vector<1xi32>
        %reduce_sum3A_65 = vector.shape_cast %reduce_sum3A_64 : vector<1xi32> to vector<1x1x1xi32>
        %reduce_sum3A_66 = vector.extract %reduce_sum3A_65[0, 0, 0] : i32 from vector<1x1x1xi32>
        %swap3A_67 = arith.constant 0 : index
        %swap3A_68 = memref.load %arg4[%swap3A_67] : memref<1xi32, #tpu.memory_space<smem>>
        memref.store %reduce_sum3A_66, %arg4[%swap3A_67] : memref<1xi32, #tpu.memory_space<smem>>
      } else {
      }
      %get3A_27 = arith.constant 0 : index
      %get3A_28 = memref.load %arg4[%get3A_27] : memref<1xi32, #tpu.memory_space<smem>>
      %eq3A_29 = arith.constant 0 : i32
      %eq3A_30 = arith.cmpi eq, %get3A_28, %eq3A_29 : i32
      %or3A = arith.ori %scan3A_23, %eq3A_30 : i1
      scf.yield %or3A : i1
    }
    %scan3A_21 = arith.constant 49 : i32
    return
  }
}

</mosaic_0001>

<sc_bundles>
// kernel: kernel.5.cloned.1.call-start
scs
__scs_entry_jumppad:
0x0: {  	(pc) =	sbr.rel $0x88, $3  }
0x1: {  	(tag) =	ssettag $0x0;
	lr =	simm.s32 $0x1  }
0x2: {  	[smem:$0x3F9F] =	sst lr;
	_ =	strace $0xD0000000  }
0x3: {  	_ = 	snop  }
0x4: {  	_ = 	snop  }
0x5: {  	_ = 	snop  }
0x6: {  	_ = 	snop  }
0x7: {  	_ = 	snop  }
__scs_overlays_trampoline_lowered:
0x8: {  	[smem:$0x3FAE] =	sst s0  }
0x9: {  	[smem:$0x3FAF] =	sst s1  }
0xa: {  	[smem:$0x3FB0] =	sst s2  }
0xb: {  	[smem:$0x3FB1] =	sst s3  }
0xc: {  	[smem:$0x3FB2] =	sst s4  }
0xd: {  	[smem:$0x3FB3] =	sst s5  }
0xe: {  	[smem:$0x3FB4] =	sst s6  }
0xf: {  	[smem:$0x3FB5] =	sst s7  }
0x10: {  	[smem:$0x3FB6] =	sst s8  }
0x11: {  	[smem:$0x3FB7] =	sst s9;
	s0 =	simm.s32 @!p0 $0x0  }
0x12: {  	s1 =	sld [smem:$0x3F9D];
	s0 =	simm.s32 @p0 $0x1  }
0x13: {  	[smem:$0x3FB8] =	sst s0;
	s0 =	simm.s32 @!p1 $0x0  }
0x14: {  	s2 =	sld [smem:$0x3F9C];
	s0 =	simm.s32 @p1 $0x1  }
0x15: {  	[smem:$0x3FB9] =	sst s0;
	s0 =	simm.s32 @!p2 $0x0  }
0x16: {  	s3 =	sld [smem:$0x3FDB];
	s0 =	simm.s32 @p2 $0x1  }
0x17: {  	s4 =	simm.s32 $0x1BF5;
	[smem:$0x3FBB] =	sst s0  }
0x18: {  	s0 =	sld [smem:$0x3F9E];
	_ =	swait.ge [sflag:s4], $0x0  }
0x19: {  	s7 =	sld [smem:$0x3F9F]  }
0x1a: {  	s8 =	sadd.s32 $0xFFFFE003, lr  }
0x1b: {  	s9 =	sadd.s32 $0xFFFFFEF7, lr;
	s5 =	simm.s32 $0xFFFFFFFF;
	p2 =	slt.u32 s8, $0xFFFFF086  }
0x1c: {  	p1 =	slt.u32 s9, $0xF7A;
	s5 =	simm.s32 @!p2 $0x0  }
0x1d: {  	s5 =	simm.s32 @p1 $0x1;
	p0 =	seq.s32 s7, s2  }
0x1e: {  	s7 =	smul.u32 @!p0 $0xF7A, s2;
	p2 =	seq.s32 @!p0 s5, $0x0  }
0x1f: {  	s9 =	smul.u32 $0xF7A, s1;
	s8 =	simm.s32 @!p0 $0x1BF5;
	p2 =	por !p2, p0  }
0x20: {  	[sflag:s8] =	ssyncset.s32 @!p0 $0xFFFFF086;
	s6 =	sadd.s32 @!p0 s3, s7;
	s7 =	simm.s32 @!p0 $0x108  }
0x21: {  	s3 =	sadd.s32 s3, s9;
	s6 =	sadd.s32 @!p0 $0x88, s6;
	s7 =	simm.s32 @p2 $0x1082  }
0x22: {  	[simem:s7], [sflag:s8] =	dma.local @!p0 [hbm:s6], $0xF7A  }
0x23: {  	s9 =	sor.u32 $0xD0000000, s2;
	s6 =	simm.s32 $0x108;
	_ =	swait.ge @!p0 [sflag:s8], $0x0  }
0x24: {  	s3 =	sadd.s32 $0x88, s3;
	s6 =	simm.s32 @!p1 $0x1082;
	[sflag:s4] =	ssyncset.s32 $0xFFFFF086  }
0x25: {  	[simem:s6], [sflag:s4] =	dma.local [hbm:s3], $0xF7A  }
0x26: {  	[smem:$0x3F9F] =	sst s1;
	(tag) =	ssettag s2;
	_ =	strace s9  }
0x27: {  	s1 =	sld [smem:$0x3FAF]  }
0x28: {  	s2 =	sld [smem:$0x3FB0]  }
0x29: {  	s4 =	sld [smem:$0x3FB2]  }
0x2a: {  	p0 =	seq.s32 s5, $0x0;
	s5 =	sld [smem:$0x3FB3]  }
0x2b: {  	s6 =	sld [smem:$0x3FB4]  }
0x2c: {  	s7 =	sld [smem:$0x3FB5]  }
0x2d: {  	s3 =	simm.s32 $0x108;
	s8 =	sld [smem:$0x3FB6]  }
0x2e: {  	s3 =	simm.s32 @!p0 $0x1082;
	s9 =	sld [smem:$0x3FB7]  }
0x2f: {  	lr =	sadd.s32 s0, s3;
	s0 =	sld [smem:$0x3FAE]  }
0x30: {  	s3 =	sld [smem:$0x3FB1]  }
0x31: {  	[smem:$0x3FBA] =	sst s10  }
0x32: {  	s10 =	sld [smem:$0x3FB8];
	_ =	sdelay $0x3  }
0x33: {  	p0 =	seq.s32 s10, $0x1;
	s10 =	sld [smem:$0x3FBA];
	_ =	sdelay $0x3  }
0x34: {  	[smem:$0x3FBA] =	sst s10  }
0x35: {  	s10 =	sld [smem:$0x3FB9];
	_ =	sdelay $0x3  }
0x36: {  	p1 =	seq.s32 s10, $0x1;
	s10 =	sld [smem:$0x3FBA];
	_ =	sdelay $0x3  }
0x37: {  	[smem:$0x3FBA] =	sst s10  }
0x38: {  	s10 =	sld [smem:$0x3FBB]  }
0x39: {  	_ = 	snop;
	(pc) =	sbr.ind lr, $3  }
0x3a: {  	_ = 	snop  }
0x3b: {  	_ = 	snop  }
0x3c: {  	p2 =	seq.s32 s10, $0x1;
	s10 =	sld [smem:$0x3FBA]  }
0x3d: {  	_ =	shalt  }
0x3e: {  	_ =	shalt  }
0x3f: {  	_ =	shalt  }
0x40: {  	_ =	shalt  }
0x41: {  	_ =	shalt  }
0x42: {  	_ =	shalt  }
0x43: {  	_ =	shalt  }
0x44: {  	_ =	shalt  }
0x45: {  	_ =	shalt  }
0x46: {  	_ =	shalt  }
0x47: {  	_ =	shalt  }
0x48: {  	_ =	shalt  }
0x49: {  	_ =	shalt  }
0x4a: {  	_ =	shalt  }
0x4b: {  	_ =	shalt  }
0x4c: {  	_ =	shalt  }
0x4d: {  	_ =	shalt  }
0x4e: {  	_ =	shalt  }
0x4f: {  	_ =	shalt  }
0x50: {  	_ =	shalt  }
0x51: {  	_ =	shalt  }
0x52: {  	_ =	shalt  }
0x53: {  	_ =	shalt  }
0x54: {  	_ =	shalt  }
0x55: {  	_ =	shalt  }
0x56: {  	_ =	shalt  }
0x57: {  	_ =	shalt  }
0x58: {  	_ =	shalt  }
0x59: {  	_ =	shalt  }
0x5a: {  	_ =	shalt  }
0x5b: {  	_ =	shalt  }
0x5c: {  	_ =	shalt  }
0x5d: {  	_ =	shalt  }
0x5e: {  	_ =	shalt  }
0x5f: {  	_ =	shalt  }
0x60: {  	_ =	shalt  }
0x61: {  	_ =	shalt  }
0x62: {  	_ =	shalt  }
0x63: {  	_ =	shalt  }
0x64: {  	_ =	shalt  }
0x65: {  	_ =	shalt  }
0x66: {  	_ =	shalt  }
0x67: {  	_ =	shalt  }
0x68: {  	_ =	shalt  }
0x69: {  	_ =	shalt  }
0x6a: {  	_ =	shalt  }
0x6b: {  	_ =	shalt  }
0x6c: {  	_ =	shalt  }
0x6d: {  	_ =	shalt  }
0x6e: {  	_ =	shalt  }
0x6f: {  	_ =	shalt  }
0x70: {  	_ =	shalt  }
0x71: {  	_ =	shalt  }
0x72: {  	_ =	shalt  }
0x73: {  	_ =	shalt  }
0x74: {  	_ =	shalt  }
0x75: {  	_ =	shalt  }
0x76: {  	_ =	shalt  }
0x77: {  	_ =	shalt  }
0x78: {  	_ =	shalt  }
0x79: {  	_ =	shalt  }
0x7a: {  	_ =	shalt  }
0x7b: {  	_ =	shalt  }
0x7c: {  	_ =	shalt  }
0x7d: {  	_ =	shalt  }
0x7e: {  	_ =	shalt  }
0x7f: {  	_ =	shalt  }
0x80: {  	_ =	shalt  }
0x81: {  	_ =	shalt  }
0x82: {  	_ =	shalt  }
0x83: {  	_ =	shalt  }
0x84: {  	_ =	shalt  }
0x85: {  	_ =	shalt  }
0x86: {  	_ =	shalt  }
0x87: {  	_ =	shalt  }
.Lfunc_end0:
.L_simem_size_0:
called_computation_lowered:
.L_overlay_start_0:
0x88: {  	s2 =	sld [smem:$0x3FD9]  }
0x89: {  	s3 =	sld [smem:$0x3FFE];
	_ =	sdelay $0x1  }
0x8a: {  	s1 =	srdreg.scid  }
0x8b: {  	s0 =	sand.u32 $0x1, s1  }
0x8c: {  	s18 =	sshll.u32 s0, $0xA;
	s2 =	sadd.s32 s3, s2  }
0x8d: {  	s2 =	sadd.s32 s2, s18  }
0x8e: {  	[smem:$0x3FC6] =	sst s2  }
0x8f: {  	_ = 	snop  }
0x90: {  	s2 =	sld [smem:$0x3FC9]  }
0x91: {  	s19 =	sld [smem:$0x3FD0];
	(tm) =	ssettm $0x1  }
0x92: {  	s4 =	sld [smem:$0x3FFB];
	_ =	sdelay $0x3  }
0x93: {  	_ =	strace s4  }
0x94: {  	s4 =	sld [smem:$0x3FFC];
	_ =	sdelay $0x3  }
0x95: {  	_ =	strace s4  }
0x96: {  	s4 =	sld [smem:$0x3FFD];
	_ =	sdelay $0x3  }
0x97: {  	_ =	strace s4  }
0x98: {  	_ =	strace $0x8FFFFFFF  }
0x99: {  	s20 =	sld [smem:$0x3FDB];
	_ =	sdelay $0x1  }
0x9a: {  	s5 =	simm.s32 $_scs_section_size  }
0x9b: {  	s6 =	simm.s32 $_size__tile_overlayer_lowered;
	s7 =	simm.s32 $_tile_overlayer_lowered  }
0x9c: {  	s23 =	simm.s32 $0x1BFF;
	s22 =	sshll.u32 s7, $0x1;
	s4 =	sadd.s32 s5, s20  }
0x9d: {  	s8 =	simm.s32 $0x0;
	s21 =	sshll.u32 s6, $0x1;
	s6 =	sadd.s32 s22, s4  }
0x9e: {  	[timem:s8], [sflag:s23] =	dma.local [hbm:s6], s21  }
0x9f: {  	_ =	swait.ge [sflag:s23], s21  }
0xa0: {  	s5 =	ssub.s32 $0x0, s21;
	[sflag:s23] =	ssyncset.done $0x0  }
0xa1: {  	[sflag:s23] =	ssyncadd.s32 s5;
	_ =	sdelay $0x1  }
0xa2: {  	s24 =	simm.s32 $0x1B8B  }
0xa3: {  	_ =	swait.ge [sflag:s24], $0x1  }
0xa4: {  	[sflag:s24] =	ssyncset.done $0x0  }
0xa5: {  	s25 =	simm.s32 $0x1B8E;
	[sflag:s24] =	ssyncadd.s32 $0xFFFFFFFF  }
0xa6: {  	s26 =	simm.s32 $execute0_lowered;
	[smem:$0x3FD2] =	sst s25  }
0xa7: {  	s5 =	sshll.u32 s26, $0x1;
	_ =	strace $0x80000046;
	[dreg:$0x1] =	wrdreg $0xFFFFFFFF  }
0xa8: {  	s28 =	simm.s32 $_size_execute0_lowered;
	s4 =	sadd.s32 s4, s5;
	[dreg:$0x0] =	wrdreg $0x0  }
0xa9: {  	s5 =	sshll.u32 s28, $0x1;
	[dreg:$0x2] =	wrdreg s4  }
0xaa: {  	[dreg:$0x3] =	wrdreg s5  }
0xab: {  	[dreg:$0x4] =	wrdreg $0xC0  }
0xac: {  	_ =	task [dreg:s8], $0x5FFFF  }
0xad: {  	[dreg:$0x1] =	wrdreg $0xFFFFFFFF  }
0xae: {  	[dreg:$0x0] =	wrdreg $0x60  }
0xaf: {  	[dreg:$0x2] =	wrdreg s2  }
0xb0: {  	[dreg:$0x3] =	wrdreg s19  }
0xb1: {  	[dreg:$0x4] =	wrdreg $0x9  }
0xb2: {  	_ =	task.clear_ibuf [dreg:s8], $0x5FFFF;
	_ =	strace $0x90000046  }
0xb3: {  	s29 =	simm.s32 $0x9;
	_ =	strace $0x80000048  }
0xb4: {  	_ =	swait.ge [sflag:s29], $0x1  }
0xb5: {  	[sflag:s29] =	ssyncadd.s32 $0xFFFFFFFF  }
0xb6: {  	_ =	strace $0x90000048  }
0xb7: {  	_ =	sfence  }
0xb8: {  	s30 =	sld [smem:$0x0];
	_ =	sdelay $0x2  }
0xb9: {  	s31 =	sshll.u32 s1, $0xD;
	s1 =	sshrl.u32 s1, $0x2  }
0xba: {  	s3 =	sand.u32 $0x4000, s31;
	s1 =	sadd.s32 s1, s30  }
0xbb: {  	s0 =	sor.u32 s3, s0;
	s1 =	sshll.u32 s1, $0x11  }
0xbc: {  	s0 =	sor.u32 s1, s0  }
0xbd: {  	s0 =	sadd.s32 $0x8F2B, s0  }
0xbe: {  	[sflag:s0] =	ssyncadd.remote.s32 $0x1  }
0xbf: {  	_ =	sfence.sel $0xFFFF  }
0xc0: {  	[dreg:$0x0] =	wrdreg $0xFFFFFFFF;
	(pc) =	sbr.abs _section_cstart, $3  }
0xc1: {  	[dreg:$0x1] =	wrdreg $0xFFFFFFFF  }
0xc2: {  	_ =	task.clear_ibuf [dreg:s8], $0x2FFFF;
	_ =	strace $0x9FFFFFFF  }
0xc3: {  	(tm) =	ssettm $0x7FFFFFFF  }
tec
execute0_lowered:
.L_overlay_start_1:
0x0: {  	(tag) =	ssettag $0x1  }
0x1: {  	s1 =	rddreg [dreg:$0x0]  }
0x2: {  	s4 =	rddreg [dreg:$0x1]  }
0x3: {  	s0 =	rddreg [dreg:$0x2];
	s5 =	srdreg.scid  }
0x4: {  	s3 =	simm.s32 $0x0;
	s2 =	stileid.u32;
	s5 =	sand.u32 $0x1, s5  }
0x5: {  	s7 =	sshll.u32 s2, $0x6;
	s6 =	ssub.s32 $0x2, s5;
	s5 =	sshll.u32 s5, $0x5  }
0x6: {  	[smem:$0x7FF] =	sst s3;
	s8 =	sshrl.u32 s6, $0x1;
	s5 =	sor.u32 s5, s7  }
0x7: {  	_ =	strace $0x80000047;
	s6 =	ssub.s32 s6, s8;
	s7 =	sshll.u32 s5, $0x7  }
0x8: {  	v2 =	vimm.f32 $0.0e+00;
	s31 =	sadd.s32 $0x20, s5;
	s8 =	simm.s32 $0x0;
	s4 =	sadd.s32 s4, s7  }
0x9: {  	v3 =	vimm.f32 $1.000000000e+00;
	v0 =	vmov s5;
	s5 =	smax.u32 s6, $0x1;
	v1 =	vmov s31;
	s6 =	simm.s32 $0x1;
	s7 =	simm.s32 $0x8000  }
.LBB2_1:
0xa: {  	[tilespmem:s3], [sflag:$0x1] =	stream.linear.gather [hbm4b:s1+s3], $0x8000, $0x38;
	[tilespmem:$0x10000] =	vst v63  }
0xb: {  	s9 =	sand.u32 $0x6000, s3;
	s10 =	sand.u32 $0x1C00, s3;
	s11 =	sand.u32 $0x380, s3  }
0xc: {  	s31 =	sand.u32 $0x40, s3;
	s12 =	simm.s32 $0x40;
	p0 =	por $0x0, $0x0  }
0xd: {  	s13 =	simm.s32 $0x0;
	_ =	swait.ge [sflag:s6], $0x8000;
	s9 =	sor.u32 s10, s9  }
0xe: {  	s14 =	simm.s32 $0x0;
	[sflag:s6] =	ssyncset.done $0x0;
	s9 =	sor.u32 s11, s9  }
0xf: {  	s11 =	simm.s32 $0x0;
	[sflag:s6] =	ssyncadd.s32 $0xFFFF8000;
	s10 =	sor.u32 s31, s9  }
.LBB2_2:
0x10: {  	s11 =	sadd.s32 $0x4, s11  }
0x11: {  	[tilespmem:s10+$0x8030] =	vst v2;
	s13 =	sadd.s32 $0x8, s13;
	s14 =	sadd.s32 $0x200, s14;
	p1 =	slt.u32 s11, $0x7FC  }
.Ltmp0:
0x12: {  	[tilespmem:s10+$0x8020] =	vst v2;
	(pc) =	sbr.rel @p1 .LBB2_2-.Ltmp0, $4  }
0x13: {  	s9 =	sand.u32 $0x6000, s12;
	s15 =	sand.u32 $0x1C00, s14;
	[tilespmem:s10+$0x8000] =	vst v2  }
0x14: {  	s16 =	sand.u32 $0x380, s13;
	s9 =	sor.u32 s15, s9;
	[tilespmem:s10+$0x8010] =	vst v2  }
0x15: {  	s10 =	sand.u32 $0x40, s12;
	s15 =	sor.u32 s16, s9;
	s9 =	simm.s32 $0x0  }
0x16: {  	s12 =	sadd.s32 $0x40, s12;
	s10 =	sor.u32 s10, s15  }
0x17: {  	[tilespmem:s10+$0x8030] =	vst v2  }
0x18: {  	[tilespmem:s10+$0x8020] =	vst v2  }
0x19: {  	[tilespmem:s10+$0x8000] =	vst v2;
	s12 =	sand.u32 $0x40, s9;
	s13 =	sand.u32 $0x7F00, s9  }
0x1a: {  	s11 =	simm.s32 $0x1;
	[tilespmem:s10+$0x8010] =	vst v2;
	s26 =	sor.u32 s12, s13  }
0x1b: {  	s11 =	simm.s32 @!p0 $0x0;
	v4 =	vld [tilespmem:s26+$0x30]  }
0x1c: {  	s25 =	sshll.u32 s11, $0x6;
	v6 =	vld [tilespmem:s26+$0x0]  }
0x1d: {  	v8 =	vld [tilespmem:s26+$0x10];
	s10 =	sadd.s32 $0x0, s25  }
0x1e: {  	v10 =	vld [tilespmem:s26+$0x20];
	s28 =	sadd.s32 $0x30, s10  }
0x1f: {  	s12 =	sor.u32 $0x80, s28  }
0x20: {  	v7 =	vld [tilespmem:s12+$0x0]  }
0x21: {  	vm0 =	vge.s32 v4, v0  }
0x22: {  	vm1 =	vlt.s32 v4, v1;
	vm2 =	vge.s32 v6, v0;
	v4 =	vsub.s32 v4, v0  }
0x23: {  	vm4 =	vlt.s32 v8, v1;
	vm5 =	vge.s32 v10, v0;
	vm3 =	vmand vm0, vm1  }
0x24: {  	vm6 =	vlt.s32 v10, v1;
	vm0 =	vlt.s32 v6, v1;
	v4 =	vnsel vm3, $0x0, v4  }
0x25: {  	vm1 =	vge.s32 v8, v0;
	v5 =	vshll.u32 v4, $0xA;
	v9 =	vshll.u32 v7, $0x3  }
0x26: {  	s29 =	sadd.s32 $0x10, s10;
	v11 =	vshll.u32 v4, $0x7;
	v5 =	vand.u32 $0xFFFFE000, v5;
	v9 =	vand.u32 $0xFFFFFC00, v9  }
0x27: {  	s30 =	sadd.s32 $0x20, s10;
	s11 =	sor.u32 $0x80, s29;
	v6 =	vsub.s32 v6, v0;
	v11 =	vand.u32 $0x380, v11;
	v9 =	vadd.s32 v9, v5  }
0x28: {  	s12 =	sor.u32 $0x80, s30;
	vm0 =	vmand vm2, vm0;
	v4 =	vld [tilespmem:s11+$0x0];
	v7 =	vand.u32 $0x7F, v7;
	v9 =	vor.u32 v11, v9  }
0x29: {  	vm2 =	vmand vm1, vm4;
	vm1 =	vmand vm5, vm6;
	v5 =	vld [tilespmem:s12+$0x0];
	v7 =	vor.u32 v7, v9  }
0x2a: {  	s31 =	sor.u32 $0x80, s10;
	v9 =	vsub.s32 v8, v0;
	v8 =	vnsel vm0, $0x0, v6;
	v6 =	vsub.s32 v10, v0  }
0x2b: {  	v10 =	vnsel vm1, $0x0, v6;
	v6 =	vld [tilespmem:s31+$0x0];
	_ =	sdelay $0x1  }
0x2c: {  	v11 =	vshll.u32 v4, $0x3;
	v9 =	vnsel vm2, $0x0, v9;
	v15 =	vshll.u32 v8, $0xA  }
0x2d: {  	p0 =	por !p0, !p0;
	s10 =	simm.s32 $0x0;
	s11 =	simm.s32 $0x0;
	v14 =	vshll.u32 v9, $0xA;
	v12 =	vshll.u32 v10, $0xA;
	v13 =	vshll.u32 v5, $0x3  }
.LBB2_4:
0x2e: {  	s12 =	simm.s32 $0x1  }
0x2f: {  	v15 =	vand.u32 $0xFFFFE000, v15;
	v16 =	vshll.u32 v6, $0x3;
	v14 =	vand.u32 $0xFFFFE000, v14;
	[tilespmem:v7+s7+$0x0] =	vst.idx.msk vm3, v3;
	s9 =	sadd.s32 $0x80, s9;
	s11 =	sadd.s32 $0x40, s11;
	s12 =	simm.s32 @!p0 $0x0  }
0x30: {  	s10 =	sadd.s32 $0x4, s10;
	v7 =	vand.u32 $0xFFFFFC00, v11;
	v11 =	vand.u32 $0xFFFFE000, v12;
	v12 =	vand.u32 $0xFFFFFC00, v13;
	s13 =	sand.u32 $0x40, s11;
	s14 =	sand.u32 $0x7F00, s9  }
0x31: {  	v8 =	vshll.u32 v8, $0x7;
	v9 =	vshll.u32 v9, $0x7;
	p1 =	slt.u32 s10, $0x3FC;
	v13 =	vand.u32 $0xFFFFFC00, v16;
	s12 =	sshll.u32 s12, $0x6;
	s13 =	sor.u32 s13, s14  }
0x32: {  	v10 =	vshll.u32 v10, $0x7;
	v7 =	vadd.s32 v7, v14;
	v13 =	vadd.s32 v13, v15;
	s12 =	sadd.s32 s12, s9;
	v16 =	vld [tilespmem:s13+$0x30]  }
0x33: {  	v8 =	vand.u32 $0x380, v8;
	v9 =	vand.u32 $0x380, v9;
	v11 =	vadd.s32 v12, v11;
	s14 =	sadd.s32 $0x10, s12;
	s15 =	sadd.s32 $0x20, s12;
	s16 =	sadd.s32 $0x30, s12;
	v14 =	vld [tilespmem:s13+$0x0]  }
0x34: {  	v7 =	vor.u32 v9, v7;
	v9 =	vand.u32 $0x380, v10;
	v8 =	vor.u32 v8, v13;
	s14 =	sor.u32 $0x80, s14;
	s15 =	sor.u32 $0x80, s15;
	s16 =	sor.u32 $0x80, s16;
	v12 =	vld [tilespmem:s13+$0x10]  }
0x35: {  	v4 =	vand.u32 $0x7F, v4;
	v5 =	vand.u32 $0x7F, v5;
	v9 =	vor.u32 v9, v11;
	s12 =	sor.u32 $0x80, s12;
	v10 =	vld [tilespmem:s16+$0x0]  }
0x36: {  	v6 =	vand.u32 $0x7F, v6;
	v7 =	vor.u32 v4, v7;
	v9 =	vor.u32 v5, v9;
	v11 =	vld [tilespmem:s13+$0x20]  }
0x37: {  	v8 =	vor.u32 v6, v8;
	v4 =	vld [tilespmem:s14+$0x0];
	vm3 =	vge.s32 v16, v0;
	vm4 =	vlt.s32 v16, v1  }
0x38: {  	v13 =	vsub.s32 v16, v0;
	vm5 =	vge.s32 v14, v0;
	v5 =	vld [tilespmem:s15+$0x0];
	vm3 =	vmand vm3, vm4  }
0x39: {  	vm4 =	vlt.s32 v14, v1;
	v6 =	vld [tilespmem:s12+$0x0];
	vm6 =	vge.s32 v12, v0;
	v13 =	vnsel vm3, $0x0, v13  }
0x3a: {  	vm7 =	vlt.s32 v12, v1;
	v15 =	vshll.u32 v13, $0xA;
	v16 =	vshll.u32 v10, $0x3  }
0x3b: {  	v13 =	vshll.u32 v13, $0x7;
	v15 =	vand.u32 $0xFFFFE000, v15;
	v16 =	vand.u32 $0xFFFFFC00, v16;
	[tilespmem:v7+s7+$0x0] =	vst.idx.msk vm2, v3  }
0x3c: {  	vm8 =	vge.s32 v11, v0;
	v13 =	vand.u32 $0x380, v13;
	v7 =	vadd.s32 v16, v15;
	[tilespmem:v8+s7+$0x0] =	vst.idx.msk vm0, v3  }
0x3d: {  	vm9 =	vlt.s32 v11, v1;
	v8 =	vand.u32 $0x7F, v10;
	v7 =	vor.u32 v13, v7;
	[tilespmem:v9+s7+$0x0] =	vst.idx.msk vm1, v3  }
.Ltmp1:
0x3e: {  	vm2 =	vmand vm6, vm7;
	vm0 =	vmand vm5, vm4;
	v7 =	vor.u32 v8, v7;
	(pc) =	sbr.rel @p1 .LBB2_4-.Ltmp1, $4  }
0x3f: {  	v9 =	vsub.s32 v12, v0;
	vm1 =	vmand vm8, vm9;
	v8 =	vsub.s32 v14, v0  }
0x40: {  	v10 =	vsub.s32 v11, v0;
	v9 =	vnsel vm2, $0x0, v9;
	v8 =	vnsel vm0, $0x0, v8  }
0x41: {  	v10 =	vnsel vm1, $0x0, v10;
	v14 =	vshll.u32 v9, $0xA;
	v15 =	vshll.u32 v8, $0xA  }
0x42: {  	p0 =	por !p0, !p0;
	v11 =	vshll.u32 v4, $0x3;
	v13 =	vshll.u32 v5, $0x3;
	v12 =	vshll.u32 v10, $0xA  }
0x43: {  	v15 =	vand.u32 $0xFFFFE000, v15;
	v16 =	vshll.u32 v6, $0x3;
	v14 =	vand.u32 $0xFFFFE000, v14  }
0x44: {  	v11 =	vand.u32 $0xFFFFFC00, v11;
	v12 =	vand.u32 $0xFFFFE000, v12;
	v13 =	vand.u32 $0xFFFFFC00, v13  }
0x45: {  	v8 =	vshll.u32 v8, $0x7;
	v9 =	vshll.u32 v9, $0x7;
	v10 =	vshll.u32 v10, $0x7  }
0x46: {  	v4 =	vand.u32 $0x7F, v4;
	v5 =	vand.u32 $0x7F, v5;
	v16 =	vand.u32 $0xFFFFFC00, v16  }
0x47: {  	v11 =	vadd.s32 v11, v14;
	v8 =	vand.u32 $0x380, v8;
	v9 =	vand.u32 $0x380, v9  }
0x48: {  	v12 =	vadd.s32 v13, v12;
	v10 =	vand.u32 $0x380, v10;
	v9 =	vor.u32 v9, v11  }
0x49: {  	v15 =	vadd.s32 v16, v15;
	v63 =	vor.u32 v10, v12;
	v4 =	vor.u32 v4, v9  }
0x4a: {  	v62 =	vand.u32 $0x7F, v6;
	v8 =	vor.u32 v8, v15;
	v5 =	vor.u32 v5, v63  }
0x4b: {  	v6 =	vor.u32 v62, v8;
	_ =	sdelay $0x1  }
0x4c: {  	[tilespmem:v7+s7+$0x0] =	vst.idx.msk vm3, v3  }
0x4d: {  	s8 =	sadd.s32 $0x1, s8;
	[tilespmem:v4+s7+$0x0] =	vst.idx.msk vm2, v3  }
0x4e: {  	p0 =	sne.s32 s8, s5;
	[tilespmem:v5+s7+$0x0] =	vst.idx.msk vm1, v3  }
.Ltmp2:
0x4f: {  	[tilespmem:v6+s7+$0x0] =	vst.idx.msk vm0, v3;
	(pc) =	sbr.rel @p0 .LBB2_1-.Ltmp2, $4  }
0x50: {  	[hbm4b:s4+s3] =	stream.linear.scatter [tilespmem:s7], [sflag:$0x1], $0x8000, $0x38;
	[tilespmem:$0x10000] =	vst v63  }
0x51: {  	_ =	swait.ge [sflag:s6], $0x8000  }
0x52: {  	[sflag:s6] =	ssyncset.done $0x0  }
0x53: {  	[sflag:s6] =	ssyncadd.s32 $0xFFFF8000  }
0x54: {  	_ =	sfence.sel $0x180000  }
0x55: {  	[bflag:$0x0] =	sbarrier.arrive $0xFFFF  }
0x56: {  	p0 =	sne.s32 s2, $0x0;
	_ =	strace $0x90000047  }
0x57: {  	s0 =	sadd.s32 @!p0 $0x100000, s0;
	[bflag:$0x2] =	sbarrier.arrive $0xFFFF  }
0x58: {  	[sflag:s0] =	ssyncadd.tile.s32 @!p0 $0x1;
	_ =	shalt  }
.Lfunc_end2:
_tile_overlayer_lowered:
.L_overlay_start_2:
0x59: {  	(tag) =	ssettag $0x2  }
0x5a: {  	s0 =	rddreg [dreg:$0x0];
	s2 =	stileid.u32  }
0x5b: {  	s1 =	rddreg [dreg:$0x1];
	p0 =	sne.s32 s2, $0x0  }
0x5c: {  	s3 =	rddreg [dreg:$0x2];
	[bflag:$0x3] =	sbarrier.arrive $0xFFFF;
	s2 =	simm.s32 @!p0 $0x1C01  }
0x5d: {  	[timem:s3], [sflag:s2] =	dma.local @!p0 [hbm:s0], s1  }
0x5e: {  	s0 =	simm.s32 @!p0 $0x1  }
0x5f: {  	_ =	swait.ge @!p0 [sflag:s0], s1  }
0x60: {  	s1 =	ssub.s32 @!p0 $0x0, s1;
	[sflag:s0] =	ssyncset.done @!p0 $0x0  }
0x61: {  	[sflag:s0] =	ssyncadd.s32 @!p0 s1  }
0x62: {  	[bflag:$0x3] =	sbarrier.arrive $0xFFFF  }
0x63: {  	_ =	shalt  }

// kernel: kernel.8.cloned.1.call-start
scs
__scs_entry_jumppad:
0x0: {  	(pc) =	sbr.rel $0x88, $3  }
0x1: {  	(tag) =	ssettag $0x0;
	lr =	simm.s32 $0x1  }
0x2: {  	[smem:$0x3F9F] =	sst lr;
	_ =	strace $0xD0000000  }
0x3: {  	_ = 	snop  }
0x4: {  	_ = 	snop  }
0x5: {  	_ = 	snop  }
0x6: {  	_ = 	snop  }
0x7: {  	_ = 	snop  }
__scs_overlays_trampoline_lowered:
0x8: {  	[smem:$0x3FAE] =	sst s0  }
0x9: {  	[smem:$0x3FAF] =	sst s1  }
0xa: {  	[smem:$0x3FB0] =	sst s2  }
0xb: {  	[smem:$0x3FB1] =	sst s3  }
0xc: {  	[smem:$0x3FB2] =	sst s4  }
0xd: {  	[smem:$0x3FB3] =	sst s5  }
0xe: {  	[smem:$0x3FB4] =	sst s6  }
0xf: {  	[smem:$0x3FB5] =	sst s7  }
0x10: {  	[smem:$0x3FB6] =	sst s8  }
0x11: {  	[smem:$0x3FB7] =	sst s9;
	s0 =	simm.s32 @!p0 $0x0  }
0x12: {  	s1 =	sld [smem:$0x3F9D];
	s0 =	simm.s32 @p0 $0x1  }
0x13: {  	[smem:$0x3FB8] =	sst s0;
	s0 =	simm.s32 @!p1 $0x0  }
0x14: {  	s2 =	sld [smem:$0x3F9C];
	s0 =	simm.s32 @p1 $0x1  }
0x15: {  	[smem:$0x3FB9] =	sst s0;
	s0 =	simm.s32 @!p2 $0x0  }
0x16: {  	s3 =	sld [smem:$0x3FDB];
	s0 =	simm.s32 @p2 $0x1  }
0x17: {  	s4 =	simm.s32 $0x1BF5;
	[smem:$0x3FBB] =	sst s0  }
0x18: {  	s0 =	sld [smem:$0x3F9E];
	_ =	swait.ge [sflag:s4], $0x0  }
0x19: {  	s7 =	sld [smem:$0x3F9F]  }
0x1a: {  	s8 =	sadd.s32 $0xFFFFE003, lr  }
0x1b: {  	s9 =	sadd.s32 $0xFFFFFEF7, lr;
	s5 =	simm.s32 $0xFFFFFFFF;
	p2 =	slt.u32 s8, $0xFFFFF086  }
0x1c: {  	p1 =	slt.u32 s9, $0xF7A;
	s5 =	simm.s32 @!p2 $0x0  }
0x1d: {  	s5 =	simm.s32 @p1 $0x1;
	p0 =	seq.s32 s7, s2  }
0x1e: {  	s7 =	smul.u32 @!p0 $0xF7A, s2;
	p2 =	seq.s32 @!p0 s5, $0x0  }
0x1f: {  	s9 =	smul.u32 $0xF7A, s1;
	s8 =	simm.s32 @!p0 $0x1BF5;
	p2 =	por !p2, p0  }
0x20: {  	[sflag:s8] =	ssyncset.s32 @!p0 $0xFFFFF086;
	s6 =	sadd.s32 @!p0 s3, s7;
	s7 =	simm.s32 @!p0 $0x108  }
0x21: {  	s3 =	sadd.s32 s3, s9;
	s6 =	sadd.s32 @!p0 $0x88, s6;
	s7 =	simm.s32 @p2 $0x1082  }
0x22: {  	[simem:s7], [sflag:s8] =	dma.local @!p0 [hbm:s6], $0xF7A  }
0x23: {  	s9 =	sor.u32 $0xD0000000, s2;
	s6 =	simm.s32 $0x108;
	_ =	swait.ge @!p0 [sflag:s8], $0x0  }
0x24: {  	s3 =	sadd.s32 $0x88, s3;
	s6 =	simm.s32 @!p1 $0x1082;
	[sflag:s4] =	ssyncset.s32 $0xFFFFF086  }
0x25: {  	[simem:s6], [sflag:s4] =	dma.local [hbm:s3], $0xF7A  }
0x26: {  	[smem:$0x3F9F] =	sst s1;
	(tag) =	ssettag s2;
	_ =	strace s9  }
0x27: {  	s1 =	sld [smem:$0x3FAF]  }
0x28: {  	s2 =	sld [smem:$0x3FB0]  }
0x29: {  	s4 =	sld [smem:$0x3FB2]  }
0x2a: {  	p0 =	seq.s32 s5, $0x0;
	s5 =	sld [smem:$0x3FB3]  }
0x2b: {  	s6 =	sld [smem:$0x3FB4]  }
0x2c: {  	s7 =	sld [smem:$0x3FB5]  }
0x2d: {  	s3 =	simm.s32 $0x108;
	s8 =	sld [smem:$0x3FB6]  }
0x2e: {  	s3 =	simm.s32 @!p0 $0x1082;
	s9 =	sld [smem:$0x3FB7]  }
0x2f: {  	lr =	sadd.s32 s0, s3;
	s0 =	sld [smem:$0x3FAE]  }
0x30: {  	s3 =	sld [smem:$0x3FB1]  }
0x31: {  	[smem:$0x3FBA] =	sst s10  }
0x32: {  	s10 =	sld [smem:$0x3FB8];
	_ =	sdelay $0x3  }
0x33: {  	p0 =	seq.s32 s10, $0x1;
	s10 =	sld [smem:$0x3FBA];
	_ =	sdelay $0x3  }
0x34: {  	[smem:$0x3FBA] =	sst s10  }
0x35: {  	s10 =	sld [smem:$0x3FB9];
	_ =	sdelay $0x3  }
0x36: {  	p1 =	seq.s32 s10, $0x1;
	s10 =	sld [smem:$0x3FBA];
	_ =	sdelay $0x3  }
0x37: {  	[smem:$0x3FBA] =	sst s10  }
0x38: {  	s10 =	sld [smem:$0x3FBB]  }
0x39: {  	_ = 	snop;
	(pc) =	sbr.ind lr, $3  }
0x3a: {  	_ = 	snop  }
0x3b: {  	_ = 	snop  }
0x3c: {  	p2 =	seq.s32 s10, $0x1;
	s10 =	sld [smem:$0x3FBA]  }
0x3d: {  	_ =	shalt  }
0x3e: {  	_ =	shalt  }
0x3f: {  	_ =	shalt  }
0x40: {  	_ =	shalt  }
0x41: {  	_ =	shalt  }
0x42: {  	_ =	shalt  }
0x43: {  	_ =	shalt  }
0x44: {  	_ =	shalt  }
0x45: {  	_ =	shalt  }
0x46: {  	_ =	shalt  }
0x47: {  	_ =	shalt  }
0x48: {  	_ =	shalt  }
0x49: {  	_ =	shalt  }
0x4a: {  	_ =	shalt  }
0x4b: {  	_ =	shalt  }
0x4c: {  	_ =	shalt  }
0x4d: {  	_ =	shalt  }
0x4e: {  	_ =	shalt  }
0x4f: {  	_ =	shalt  }
0x50: {  	_ =	shalt  }
0x51: {  	_ =	shalt  }
0x52: {  	_ =	shalt  }
0x53: {  	_ =	shalt  }
0x54: {  	_ =	shalt  }
0x55: {  	_ =	shalt  }
0x56: {  	_ =	shalt  }
0x57: {  	_ =	shalt  }
0x58: {  	_ =	shalt  }
0x59: {  	_ =	shalt  }
0x5a: {  	_ =	shalt  }
0x5b: {  	_ =	shalt  }
0x5c: {  	_ =	shalt  }
0x5d: {  	_ =	shalt  }
0x5e: {  	_ =	shalt  }
0x5f: {  	_ =	shalt  }
0x60: {  	_ =	shalt  }
0x61: {  	_ =	shalt  }
0x62: {  	_ =	shalt  }
0x63: {  	_ =	shalt  }
0x64: {  	_ =	shalt  }
0x65: {  	_ =	shalt  }
0x66: {  	_ =	shalt  }
0x67: {  	_ =	shalt  }
0x68: {  	_ =	shalt  }
0x69: {  	_ =	shalt  }
0x6a: {  	_ =	shalt  }
0x6b: {  	_ =	shalt  }
0x6c: {  	_ =	shalt  }
0x6d: {  	_ =	shalt  }
0x6e: {  	_ =	shalt  }
0x6f: {  	_ =	shalt  }
0x70: {  	_ =	shalt  }
0x71: {  	_ =	shalt  }
0x72: {  	_ =	shalt  }
0x73: {  	_ =	shalt  }
0x74: {  	_ =	shalt  }
0x75: {  	_ =	shalt  }
0x76: {  	_ =	shalt  }
0x77: {  	_ =	shalt  }
0x78: {  	_ =	shalt  }
0x79: {  	_ =	shalt  }
0x7a: {  	_ =	shalt  }
0x7b: {  	_ =	shalt  }
0x7c: {  	_ =	shalt  }
0x7d: {  	_ =	shalt  }
0x7e: {  	_ =	shalt  }
0x7f: {  	_ =	shalt  }
0x80: {  	_ =	shalt  }
0x81: {  	_ =	shalt  }
0x82: {  	_ =	shalt  }
0x83: {  	_ =	shalt  }
0x84: {  	_ =	shalt  }
0x85: {  	_ =	shalt  }
0x86: {  	_ =	shalt  }
0x87: {  	_ =	shalt  }
.Lfunc_end0:
.L_simem_size_0:
called_computation.1_lowered:
.L_overlay_start_0:
0x88: {  	s2 =	sld [smem:$0x3FD9]  }
0x89: {  	s3 =	sld [smem:$0x3FFE];
	_ =	sdelay $0x1  }
0x8a: {  	s1 =	srdreg.scid  }
0x8b: {  	s0 =	sand.u32 $0x1, s1  }
0x8c: {  	s17 =	sshll.u32 s0, $0xA;
	s2 =	sadd.s32 s3, s2  }
0x8d: {  	s2 =	sadd.s32 s2, s17  }
0x8e: {  	[smem:$0x3FC6] =	sst s2  }
0x8f: {  	_ = 	snop  }
0x90: {  	s2 =	sld [smem:$0x3FD0];
	(tm) =	ssettm $0x1  }
0x91: {  	s18 =	sld [smem:$0x3FFB];
	_ =	sdelay $0x3  }
0x92: {  	_ =	strace s18  }
0x93: {  	s3 =	sld [smem:$0x3FFC];
	_ =	sdelay $0x3  }
0x94: {  	_ =	strace s3  }
0x95: {  	s3 =	sld [smem:$0x3FFD];
	_ =	sdelay $0x3  }
0x96: {  	_ =	strace s3  }
0x97: {  	_ =	strace $0x8FFFFFFF  }
0x98: {  	s19 =	sld [smem:$0x3FDB];
	_ =	sdelay $0x1  }
0x99: {  	s4 =	simm.s32 $_scs_section_size  }
0x9a: {  	s5 =	simm.s32 $_size__tile_overlayer_lowered;
	s6 =	simm.s32 $_tile_overlayer_lowered  }
0x9b: {  	s22 =	simm.s32 $0x1BFF;
	s21 =	sshll.u32 s6, $0x1;
	s3 =	sadd.s32 s4, s19  }
0x9c: {  	s7 =	simm.s32 $0x0;
	s20 =	sshll.u32 s5, $0x1;
	s5 =	sadd.s32 s21, s3  }
0x9d: {  	[timem:s7], [sflag:s22] =	dma.local [hbm:s5], s20  }
0x9e: {  	_ =	swait.ge [sflag:s22], s20  }
0x9f: {  	s4 =	ssub.s32 $0x0, s20;
	[sflag:s22] =	ssyncset.done $0x0  }
0xa0: {  	[sflag:s22] =	ssyncadd.s32 s4;
	_ =	sdelay $0x1  }
0xa1: {  	s23 =	simm.s32 $0x1B8B  }
0xa2: {  	_ =	swait.ge [sflag:s23], $0x1  }
0xa3: {  	[sflag:s23] =	ssyncset.done $0x0  }
0xa4: {  	s25 =	simm.s32 $0x1B8E;
	s24 =	sld [smem:$0x3FFE];
	[sflag:s23] =	ssyncadd.s32 $0xFFFFFFFF  }
0xa5: {  	s26 =	simm.s32 $execute0_lowered;
	[smem:$0x3FD2] =	sst s25  }
0xa6: {  	s5 =	sshll.u32 s26, $0x1;
	_ =	strace $0x80000049;
	[dreg:$0x1] =	wrdreg $0xFFFFFFFF  }
0xa7: {  	s28 =	simm.s32 $_size_execute0_lowered;
	s3 =	sadd.s32 s3, s5;
	[dreg:$0x0] =	wrdreg $0x0  }
0xa8: {  	s5 =	sshll.u32 s28, $0x1;
	[dreg:$0x2] =	wrdreg s3  }
0xa9: {  	[dreg:$0x3] =	wrdreg s5  }
0xaa: {  	[dreg:$0x4] =	wrdreg $0xC0  }
0xab: {  	_ =	task [dreg:s7], $0x5FFFF  }
0xac: {  	[dreg:$0x1] =	wrdreg $0xFFFFFFFF  }
0xad: {  	[dreg:$0x0] =	wrdreg $0x60  }
0xae: {  	[dreg:$0x2] =	wrdreg s24  }
0xaf: {  	[dreg:$0x3] =	wrdreg s2  }
0xb0: {  	[dreg:$0x4] =	wrdreg $0x9  }
0xb1: {  	_ =	task.clear_ibuf [dreg:s7], $0x5FFFF;
	_ =	strace $0x90000049  }
0xb2: {  	s29 =	simm.s32 $0x9;
	_ =	strace $0x8000004B  }
0xb3: {  	_ =	swait.ge [sflag:s29], $0x1  }
0xb4: {  	[sflag:s29] =	ssyncadd.s32 $0xFFFFFFFF  }
0xb5: {  	_ =	strace $0x9000004B  }
0xb6: {  	_ =	sfence  }
0xb7: {  	s30 =	sld [smem:$0x0];
	_ =	sdelay $0x2  }
0xb8: {  	s31 =	sshll.u32 s1, $0xD;
	s1 =	sshrl.u32 s1, $0x2  }
0xb9: {  	s3 =	sand.u32 $0x4000, s31;
	s1 =	sadd.s32 s1, s30  }
0xba: {  	s0 =	sor.u32 s3, s0;
	s1 =	sshll.u32 s1, $0x11  }
0xbb: {  	s0 =	sor.u32 s1, s0  }
0xbc: {  	s0 =	sadd.s32 $0x8F2B, s0  }
0xbd: {  	[sflag:s0] =	ssyncadd.remote.s32 $0x1  }
0xbe: {  	_ =	sfence.sel $0xFFFF  }
0xbf: {  	[dreg:$0x0] =	wrdreg $0xFFFFFFFF;
	(pc) =	sbr.abs _section_cstart, $3  }
0xc0: {  	[dreg:$0x1] =	wrdreg $0xFFFFFFFF  }
0xc1: {  	_ =	task.clear_ibuf [dreg:s7], $0x2FFFF;
	_ =	strace $0x9FFFFFFF  }
0xc2: {  	(tm) =	ssettm $0x7FFFFFFF  }
0xc3: {  	_ =	shalt  }
tec
execute0_lowered:
.L_overlay_start_1:
0x0: {  	(tag) =	ssettag $0x1  }
0x1: {  	s0 =	rddreg [dreg:$0x0]  }
0x2: {  	s3 =	simm.s32 $0x0;
	s1 =	srdreg.scid;
	s4 =	stileid.u32  }
0x3: {  	[smem:$0x7FF] =	sst s3;
	s1 =	sand.u32 $0x1, s1;
	s4 =	sshll.u32 s4, $0xD  }
0x4: {  	s6 =	sadd.s32 $0x1000, s0;
	s0 =	sadd.s32 $0xE00, s0;
	s2 =	ssub.s32 $0x2, s1  }
0x5: {  	s1 =	sshll.u32 s1, $0xC;
	_ =	strace $0x8000004A;
	[dreg:$0x3] =	wrdreg s6  }
.Ltmp0:
0x6: {  	[dreg:$0x6] =	wrdreg s0;
	s7 =	sor.u32 s1, s4;
	(pc) =	sbr.rel .LBB2_1-.Ltmp0, $4  }
0x7: {  	s5 =	sshrl.u32 s2, $0x1;
	s29 =	sadd.s32 s6, s7;
	[dreg:$0x4] =	wrdreg s7  }
0x8: {  	s28 =	ssub.s32 s2, s5;
	[dreg:$0x5] =	wrdreg s29;
	s30 =	sadd.s32 $0x20, s29  }
0x9: {  	s4 =	simm.s32 $0x100;
	s31 =	smax.u32 s28, $0x1;
	[dreg:$0x7] =	wrdreg s30  }
0xa: {  	s5 =	simm.s32 $0x400;
	s2 =	simm.s32 $0x0;
	[dreg:$0x8] =	wrdreg s31  }
.LBB2_12:
0xb: {  	s0 =	simm.s32 $0x3  }
0xc: {  	_ =	swait.ge [sflag:s0], $0x8000  }
0xd: {  	[sflag:s0] =	ssyncset.done $0x0  }
0xe: {  	s1 =	simm.s32 $0x4;
	[sflag:s0] =	ssyncadd.s32 $0xFFFF8000  }
0xf: {  	_ =	swait.ge [sflag:s1], $0x8000  }
0x10: {  	s2 =	rddreg [dreg:$0x9]  }
0x11: {  	s31 =	rddreg [dreg:$0x8];
	s2 =	sadd.s32 $0x1, s2  }
0x12: {  	p0 =	sne.s32 s2, s31  }
.Ltmp1:
0x13: {  	_ = 	snop;
	(pc) =	sbr.rel @!p0 .LBB2_13-.Ltmp1, $3  }
0x14: {  	_ =	sdelay $0x1  }
0x15: {  	[sflag:s1] =	ssyncset.done $0x0  }
0x16: {  	s7 =	rddreg [dreg:$0x4];
	[sflag:s1] =	ssyncadd.s32 $0xFFFF8000  }
.LBB2_1:
0x17: {  	[dreg:$0x9] =	wrdreg s2  }
0x18: {  	s0 =	rddreg [dreg:$0x6];
	s28 =	simm.s32 $0x5  }
0x19: {  	[tilespmem:s3], [sflag:$0x5] =	stream.linear.gather [hbm4b:s0+s3], $0x380, $0x38;
	[tilespmem:$0x11380] =	vst v63  }
0x1a: {  	_ =	swait.ge [sflag:s28], $0x380  }
0x1b: {  	[sflag:s28] =	ssyncset.done $0x0  }
0x1c: {  	s1 =	simm.s32 $0x380;
	s29 =	rddreg [dreg:$0x5];
	[sflag:s28] =	ssyncadd.s32 $0xFFFFFC80  }
0x1d: {  	[tilespmem:s1], [sflag:$0x1] =	stream.strided.gather [hbm4b:s29+s4], $0x800, s5, s4, $0x38;
	[tilespmem:$0x11380] =	vst v63  }
0x1e: {  	s31 =	simm.s32 $0xB80;
	s9 =	simm.s32 $0x0;
	s30 =	rddreg [dreg:$0x7]  }
0x1f: {  	[tilespmem:s31], [sflag:$0x2] =	stream.strided.gather [hbm4b:s30+s4], $0x800, s5, s4, $0x38;
	[tilespmem:$0x11380] =	vst v63  }
.LBB2_2:
0x20: {  	s0 =	simm.s32 $0x1  }
0x21: {  	_ =	swait.ge [sflag:s0], $0x800  }
0x22: {  	p0 =	seq.s32 s9, $0x0;
	[sflag:s0] =	ssyncset.done $0x0  }
0x23: {  	s16 =	simm.s32 $0x0;
	[sflag:s0] =	ssyncadd.s32 $0xFFFFF800;
	s0 =	simm.s32 @!p0 $0x3  }
0x24: {  	s12 =	sand.u32 $0x40, s16;
	_ =	swait.ge @!p0 [sflag:s0], $0x8000  }
0x25: {  	s15 =	sand.u32 $0x700, s16;
	s14 =	sor.u32 $0x30, s12;
	[sflag:s0] =	ssyncset.done @!p0 $0x0  }
0x26: {  	s10 =	sor.u32 $0x10, s12;
	s21 =	sor.u32 s15, s14;
	[sflag:s0] =	ssyncadd.s32 @!p0 $0xFFFF8000  }
0x27: {  	s11 =	sor.u32 $0x20, s12;
	s1 =	sor.u32 s15, s10;
	v4 =	vld [tilespmem:s21+$0x380]  }
0x28: {  	s2 =	sor.u32 s15, s11;
	v2 =	vld [tilespmem:s1+$0x380]  }
0x29: {  	v3 =	vld [tilespmem:s2+$0x380];
	_ =	sdelay $0x1  }
0x2a: {  	s4 =	sor.u32 s12, s15  }
0x2b: {  	v1 =	vld [tilespmem:s4+$0x380];
	_ =	sdelay $0x2  }
0x2c: {  	v0 =	vld.idx.msk [tilespmem:v4+s16+$0x0], $0xffff  }
0x2d: {  	v6 =	vadd.s32 $0x32, v4;
	v5 =	vld.idx.msk [tilespmem:v2+s16+$0x0], $0xffff  }
0x2e: {  	v7 =	vadd.s32 $0x32, v2;
	v8 =	vld.idx.msk [tilespmem:v3+s16+$0x0], $0xffff  }
0x2f: {  	v9 =	vadd.s32 $0x32, v3;
	_ =	sdelay $0x1  }
0x30: {  	v10 =	vld.idx.msk [tilespmem:v1+s16+$0x0], $0xffff;
	[tilespmem:s21+$0x1380] =	vst v0  }
0x31: {  	v0 =	vadd.s32 $0x32, v1;
	[tilespmem:s1+$0x1380] =	vst v5;
	v5 =	vld.idx.msk [tilespmem:v6+s16+$0x0], $0xffff  }
0x32: {  	[tilespmem:s2+$0x1380] =	vst v8;
	v6 =	vld.idx.msk [tilespmem:v7+s16+$0x0], $0xffff;
	v7 =	vadd.s32 $0x64, v4  }
0x33: {  	v8 =	vadd.s32 $0x64, v2;
	v9 =	vld.idx.msk [tilespmem:v9+s16+$0x0], $0xffff  }
0x34: {  	s22 =	sadd.s32 $0x1B80, s15;
	v11 =	vadd.s32 $0x64, v3  }
0x35: {  	s23 =	sor.u32 s14, s22;
	[tilespmem:s4+$0x1380] =	vst v10  }
0x36: {  	s24 =	sor.u32 s10, s22;
	v0 =	vld.idx.msk [tilespmem:v0+s16+$0x0], $0xffff;
	[tilespmem:s23+$0x0] =	vst v5  }
0x37: {  	s25 =	sor.u32 s11, s22;
	v5 =	vadd.s32 $0x64, v1;
	[tilespmem:s24+$0x0] =	vst v6;
	v6 =	vld.idx.msk [tilespmem:v7+s16+$0x0], $0xffff  }
0x38: {  	[tilespmem:s25+$0x0] =	vst v9;
	v7 =	vld.idx.msk [tilespmem:v8+s16+$0x0], $0xffff;
	v8 =	vadd.s32 $0x96, v4  }
0x39: {  	v9 =	vadd.s32 $0x96, v2;
	v10 =	vld.idx.msk [tilespmem:v11+s16+$0x0], $0xffff  }
0x3a: {  	s26 =	sadd.s32 $0x2380, s15;
	s0 =	sor.u32 s12, s22;
	v11 =	vadd.s32 $0x96, v3  }
0x3b: {  	s4 =	sor.u32 s14, s26;
	[tilespmem:s0+$0x0] =	vst v0  }
0x3c: {  	s5 =	sor.u32 s10, s26;
	v0 =	vld.idx.msk [tilespmem:v5+s16+$0x0], $0xffff;
	[tilespmem:s4+$0x0] =	vst v6  }
0x3d: {  	s6 =	sor.u32 s11, s26;
	v5 =	vadd.s32 $0x96, v1;
	[tilespmem:s5+$0x0] =	vst v7;
	v6 =	vld.idx.msk [tilespmem:v8+s16+$0x0], $0xffff  }
0x3e: {  	[tilespmem:s6+$0x0] =	vst v10;
	v7 =	vld.idx.msk [tilespmem:v9+s16+$0x0], $0xffff;
	v8 =	vadd.s32 $0xC8, v4  }
0x3f: {  	v9 =	vadd.s32 $0xC8, v2;
	v10 =	vld.idx.msk [tilespmem:v11+s16+$0x0], $0xffff  }
0x40: {  	s13 =	sadd.s32 $0x2B80, s15;
	s8 =	sor.u32 s12, s26;
	v11 =	vadd.s32 $0xC8, v3  }
0x41: {  	s17 =	sor.u32 s14, s13;
	[tilespmem:s8+$0x0] =	vst v0  }
0x42: {  	s18 =	sor.u32 s10, s13;
	v0 =	vld.idx.msk [tilespmem:v5+s16+$0x0], $0xffff;
	[tilespmem:s17+$0x0] =	vst v6  }
0x43: {  	s19 =	sor.u32 s11, s13;
	v5 =	vadd.s32 $0xC8, v1;
	[tilespmem:s18+$0x0] =	vst v7;
	v6 =	vld.idx.msk [tilespmem:v8+s16+$0x0], $0xffff  }
0x44: {  	[tilespmem:s19+$0x0] =	vst v10;
	v7 =	vld.idx.msk [tilespmem:v9+s16+$0x0], $0xffff;
	v8 =	vadd.s32 $0xFA, v4  }
0x45: {  	v9 =	vadd.s32 $0xFA, v2;
	v10 =	vld.idx.msk [tilespmem:v11+s16+$0x0], $0xffff  }
0x46: {  	s20 =	sor.u32 s12, s13;
	s21 =	sadd.s32 $0x3380, s15;
	v11 =	vadd.s32 $0xFA, v3  }
0x47: {  	s22 =	sor.u32 s14, s21;
	[tilespmem:s20+$0x0] =	vst v0  }
0x48: {  	s23 =	sor.u32 s10, s21;
	v0 =	vld.idx.msk [tilespmem:v5+s16+$0x0], $0xffff;
	[tilespmem:s22+$0x0] =	vst v6  }
0x49: {  	s24 =	sor.u32 s11, s21;
	v5 =	vadd.s32 $0xFA, v1;
	[tilespmem:s23+$0x0] =	vst v7;
	v6 =	vld.idx.msk [tilespmem:v8+s16+$0x0], $0xffff  }
0x4a: {  	[tilespmem:s24+$0x0] =	vst v10;
	v7 =	vld.idx.msk [tilespmem:v9+s16+$0x0], $0xffff;
	v8 =	vadd.s32 $0x12C, v4  }
0x4b: {  	v9 =	vadd.s32 $0x12C, v2;
	v10 =	vld.idx.msk [tilespmem:v11+s16+$0x0], $0xffff  }
0x4c: {  	s26 =	sadd.s32 $0x3B80, s15;
	s25 =	sor.u32 s12, s21;
	v11 =	vadd.s32 $0x12C, v3  }
0x4d: {  	s4 =	sor.u32 s14, s26;
	[tilespmem:s25+$0x0] =	vst v0  }
0x4e: {  	s5 =	sor.u32 s10, s26;
	v0 =	vld.idx.msk [tilespmem:v5+s16+$0x0], $0xffff;
	[tilespmem:s4+$0x0] =	vst v6  }
0x4f: {  	s6 =	sor.u32 s11, s26;
	v5 =	vadd.s32 $0x12C, v1;
	[tilespmem:s5+$0x0] =	vst v7;
	v6 =	vld.idx.msk [tilespmem:v8+s16+$0x0], $0xffff  }
0x50: {  	[tilespmem:s6+$0x0] =	vst v10;
	v7 =	vld.idx.msk [tilespmem:v9+s16+$0x0], $0xffff;
	v8 =	vadd.s32 $0x15E, v4  }
0x51: {  	v9 =	vadd.s32 $0x15E, v2;
	v10 =	vld.idx.msk [tilespmem:v11+s16+$0x0], $0xffff  }
0x52: {  	s13 =	sadd.s32 $0x4380, s15;
	s8 =	sor.u32 s12, s26;
	v11 =	vadd.s32 $0x15E, v3  }
0x53: {  	s17 =	sor.u32 s14, s13;
	[tilespmem:s8+$0x0] =	vst v0  }
0x54: {  	s18 =	sor.u32 s10, s13;
	v0 =	vld.idx.msk [tilespmem:v5+s16+$0x0], $0xffff;
	[tilespmem:s17+$0x0] =	vst v6  }
0x55: {  	s19 =	sor.u32 s11, s13;
	s24 =	simm.s32 $0x40;
	[tilespmem:s18+$0x0] =	vst v7;
	v6 =	vld.idx.msk [tilespmem:v8+s16+$0x0], $0xffff  }
0x56: {  	v5 =	vadd.s32 $0x15E, v1;
	[tilespmem:s19+$0x0] =	vst v10;
	s19 =	sand.u32 $0x40, s24;
	s18 =	simm.s32 $0x80;
	v7 =	vld.idx.msk [tilespmem:v9+s16+$0x0], $0xffff  }
0x57: {  	s20 =	sor.u32 s12, s13;
	v8 =	vadd.s32 $0x190, v4;
	v10 =	vld.idx.msk [tilespmem:v11+s16+$0x0], $0xffff;
	s17 =	sand.u32 $0x700, s18;
	s13 =	sor.u32 $0x20, s19  }
0x58: {  	s21 =	sadd.s32 $0x4B80, s15;
	v9 =	vadd.s32 $0x190, v2;
	s31 =	sor.u32 $0x30, s19;
	s5 =	sor.u32 s17, s13  }
0x59: {  	s22 =	sor.u32 s14, s21;
	v11 =	vadd.s32 $0x190, v3;
	s0 =	sor.u32 s17, s31;
	v26 =	vld [tilespmem:s5+$0x380];
	[tilespmem:s20+$0x0] =	vst v0  }
0x5a: {  	s23 =	sor.u32 s10, s21;
	v0 =	vld [tilespmem:s0+$0x380];
	[tilespmem:s22+$0x0] =	vst v6  }
0x5b: {  	s25 =	sor.u32 s11, s21;
	v5 =	vld.idx.msk [tilespmem:v5+s16+$0x0], $0xffff;
	[tilespmem:s23+$0x0] =	vst v7  }
0x5c: {  	[tilespmem:s25+$0x0] =	vst v10;
	v10 =	vadd.s32 $0x190, v1;
	v6 =	vld.idx.msk [tilespmem:v8+s16+$0x0], $0xffff  }
0x5d: {  	v7 =	vld.idx.msk [tilespmem:v9+s16+$0x0], $0xffff  }
0x5e: {  	s20 =	sor.u32 s19, s17;
	s22 =	sor.u32 $0x10, s19;
	v8 =	vadd.s32 $0x1C2, v4;
	v9 =	vld.idx.msk [tilespmem:v11+s16+$0x0], $0xffff  }
0x5f: {  	v12 =	vadd.s32 $0x1C2, v3;
	s1 =	sor.u32 s12, s21;
	v27 =	vld [tilespmem:s20+$0x380];
	s2 =	sor.u32 s17, s22  }
0x60: {  	s26 =	sadd.s32 $0x5380, s15;
	v11 =	vadd.s32 $0x1C2, v2;
	v25 =	vld [tilespmem:s2+$0x380];
	[tilespmem:s1+$0x0] =	vst v5  }
0x61: {  	s6 =	sor.u32 s14, s26;
	v5 =	vld.idx.msk [tilespmem:v10+s16+$0x0], $0xffff  }
0x62: {  	s8 =	sor.u32 s11, s26;
	v15 =	vld.idx.msk [tilespmem:v26+s16+$0x0], $0xffff;
	[tilespmem:s6+$0x0] =	vst v6  }
0x63: {  	s21 =	sor.u32 s10, s26;
	[tilespmem:s8+$0x0] =	vst v9;
	v6 =	vld.idx.msk [tilespmem:v8+s16+$0x0], $0xffff  }
0x64: {  	v10 =	vadd.s32 $0x1C2, v1;
	[tilespmem:s21+$0x0] =	vst v7;
	v9 =	vld.idx.msk [tilespmem:v12+s16+$0x0], $0xffff  }
0x65: {  	s4 =	sor.u32 s12, s26;
	v7 =	vadd.s32 $0x1F4, v4;
	v8 =	vld.idx.msk [tilespmem:v11+s16+$0x0], $0xffff  }
0x66: {  	s23 =	sadd.s32 $0x5B80, s15;
	v11 =	vld.idx.msk [tilespmem:v0+s16+$0x0], $0xffff;
	v12 =	vadd.s32 $0x1F4, v2;
	[tilespmem:s4+$0x0] =	vst v5  }
0x67: {  	s24 =	sor.u32 s14, s23;
	v16 =	vadd.s32 $0x32, v26;
	v5 =	vld.idx.msk [tilespmem:v27+s16+$0x0], $0xffff;
	[tilespmem:s5+$0x1380] =	vst v15  }
0x68: {  	s26 =	sor.u32 s11, s23;
	v13 =	vld.idx.msk [tilespmem:v25+s16+$0x0], $0xffff;
	[tilespmem:s24+$0x0] =	vst v6;
	v6 =	vadd.s32 $0x32, v0  }
0x69: {  	s25 =	sor.u32 s10, s23;
	v10 =	vld.idx.msk [tilespmem:v10+s16+$0x0], $0xffff;
	[tilespmem:s26+$0x0] =	vst v9;
	v9 =	vadd.s32 $0x32, v27  }
0x6a: {  	v14 =	vadd.s32 $0x32, v25;
	[tilespmem:s25+$0x0] =	vst v8;
	v7 =	vld.idx.msk [tilespmem:v7+s16+$0x0], $0xffff  }
0x6b: {  	[tilespmem:s0+$0x1380] =	vst v11;
	v11 =	vld.idx.msk [tilespmem:v12+s16+$0x0], $0xffff;
	v12 =	vadd.s32 $0x1F4, v3  }
0x6c: {  	v8 =	vadd.s32 $0x226, v4;
	[tilespmem:s20+$0x1380] =	vst v5;
	v5 =	vld.idx.msk [tilespmem:v16+s16+$0x0], $0xffff  }
0x6d: {  	s4 =	sadd.s32 $0x6380, s15;
	s5 =	sor.u32 s12, s23;
	[tilespmem:s2+$0x1380] =	vst v13;
	v13 =	vadd.s32 $0x1F4, v1;
	v6 =	vld.idx.msk [tilespmem:v6+s16+$0x0], $0xffff  }
0x6e: {  	s2 =	sor.u32 s14, s4;
	v16 =	vadd.s32 $0x64, v26;
	[tilespmem:s5+$0x0] =	vst v10;
	v9 =	vld.idx.msk [tilespmem:v9+s16+$0x0], $0xffff  }
0x6f: {  	s8 =	sadd.s32 $0x1B80, s17;
	s6 =	sor.u32 s10, s4;
	v14 =	vld.idx.msk [tilespmem:v14+s16+$0x0], $0xffff;
	[tilespmem:s2+$0x0] =	vst v7;
	v7 =	vadd.s32 $0x64, v0  }
0x70: {  	s24 =	sor.u32 s13, s8;
	[tilespmem:s6+$0x0] =	vst v11;
	v11 =	vld.idx.msk [tilespmem:v12+s16+$0x0], $0xffff;
	v12 =	vadd.s32 $0x64, v27  }
0x71: {  	v15 =	vadd.s32 $0x64, v25;
	s20 =	sor.u32 s31, s8;
	v8 =	vld.idx.msk [tilespmem:v8+s16+$0x0], $0xffff;
	[tilespmem:s24+$0x0] =	vst v5  }
0x72: {  	s25 =	sor.u32 s19, s8;
	v10 =	vadd.s32 $0x258, v4;
	[tilespmem:s20+$0x0] =	vst v6;
	v6 =	vld.idx.msk [tilespmem:v13+s16+$0x0], $0xffff  }
0x73: {  	s21 =	sor.u32 s22, s8;
	v13 =	vadd.s32 $0x226, v2;
	[tilespmem:s25+$0x0] =	vst v9;
	v9 =	vld.idx.msk [tilespmem:v16+s16+$0x0], $0xffff  }
0x74: {  	s0 =	sadd.s32 $0x6B80, s15;
	s26 =	sor.u32 s11, s4;
	[tilespmem:s21+$0x0] =	vst v14;
	v14 =	vadd.s32 $0x226, v3;
	v7 =	vld.idx.msk [tilespmem:v7+s16+$0x0], $0xffff  }
0x75: {  	s23 =	sor.u32 s14, s0;
	v16 =	vadd.s32 $0x96, v26;
	v12 =	vld.idx.msk [tilespmem:v12+s16+$0x0], $0xffff;
	[tilespmem:s26+$0x0] =	vst v11  }
0x76: {  	s4 =	sor.u32 s12, s4;
	s5 =	sadd.s32 $0x2380, s17;
	v5 =	vadd.s32 $0x96, v0;
	v15 =	vld.idx.msk [tilespmem:v15+s16+$0x0], $0xffff;
	[tilespmem:s23+$0x0] =	vst v8  }
0x77: {  	s21 =	sor.u32 s13, s5;
	v8 =	vld.idx.msk [tilespmem:v10+s16+$0x0], $0xffff;
	v10 =	vadd.s32 $0x96, v25;
	[tilespmem:s4+$0x0] =	vst v6  }
0x78: {  	s6 =	sor.u32 s31, s5;
	v11 =	vadd.s32 $0x28A, v4;
	v6 =	vld.idx.msk [tilespmem:v13+s16+$0x0], $0xffff;
	[tilespmem:s21+$0x0] =	vst v9  }
0x79: {  	s23 =	sor.u32 s19, s5;
	v13 =	vadd.s32 $0x96, v27;
	[tilespmem:s6+$0x0] =	vst v7;
	v7 =	vld.idx.msk [tilespmem:v14+s16+$0x0], $0xffff  }
0x7a: {  	s8 =	sor.u32 s22, s5;
	s2 =	sadd.s32 $0x7380, s15;
	v14 =	vadd.s32 $0x226, v1;
	[tilespmem:s23+$0x0] =	vst v12;
	v12 =	vld.idx.msk [tilespmem:v16+s16+$0x0], $0xffff  }
0x7b: {  	s20 =	sor.u32 s14, s2;
	[tilespmem:s8+$0x0] =	vst v15;
	v15 =	vadd.s32 $0x258, v2;
	v5 =	vld.idx.msk [tilespmem:v5+s16+$0x0], $0xffff  }
0x7c: {  	s24 =	sor.u32 s10, s0;
	v10 =	vld.idx.msk [tilespmem:v10+s16+$0x0], $0xffff;
	[tilespmem:s20+$0x0] =	vst v8;
	v8 =	vadd.s32 $0xC8, v0  }
0x7d: {  	s25 =	sor.u32 s11, s0;
	s26 =	sadd.s32 $0x2B80, s17;
	v9 =	vld.idx.msk [tilespmem:v11+s16+$0x0], $0xffff;
	v11 =	vadd.s32 $0xC8, v25;
	[tilespmem:s24+$0x0] =	vst v6  }
0x7e: {  	s21 =	sor.u32 s13, s26;
	v13 =	vld.idx.msk [tilespmem:v13+s16+$0x0], $0xffff;
	v6 =	vadd.s32 $0x2BC, v4;
	[tilespmem:s25+$0x0] =	vst v7  }
0x7f: {  	v16 =	vadd.s32 $0xC8, v26;
	s6 =	sor.u32 s31, s26;
	v14 =	vld.idx.msk [tilespmem:v14+s16+$0x0], $0xffff;
	[tilespmem:s21+$0x0] =	vst v12  }
0x80: {  	s1 =	sadd.s32 $0x7B80, s15;
	s8 =	sor.u32 s22, s26;
	v7 =	vadd.s32 $0xC8, v27;
	[tilespmem:s6+$0x0] =	vst v5;
	v5 =	vld.idx.msk [tilespmem:v15+s16+$0x0], $0xffff  }
0x81: {  	s20 =	sor.u32 s14, s1;
	v15 =	vadd.s32 $0x258, v3;
	[tilespmem:s8+$0x0] =	vst v10;
	v8 =	vld.idx.msk [tilespmem:v8+s16+$0x0], $0xffff  }
0x82: {  	s23 =	sor.u32 s19, s26;
	v10 =	vadd.s32 $0x258, v1;
	v11 =	vld.idx.msk [tilespmem:v11+s16+$0x0], $0xffff;
	[tilespmem:s20+$0x0] =	vst v9  }
0x83: {  	s0 =	sor.u32 s12, s0;
	v9 =	vadd.s32 $0xFA, v0;
	v6 =	vld.idx.msk [tilespmem:v6+s16+$0x0], $0xffff;
	[tilespmem:s23+$0x0] =	vst v13  }
0x84: {  	s24 =	sor.u32 s10, s2;
	s25 =	sadd.s32 $0x3380, s17;
	v13 =	vld.idx.msk [tilespmem:v16+s16+$0x0], $0xffff;
	[tilespmem:s0+$0x0] =	vst v14  }
0x85: {  	v12 =	vadd.s32 $0xFA, v25;
	s26 =	sor.u32 s31, s25;
	v7 =	vld.idx.msk [tilespmem:v7+s16+$0x0], $0xffff;
	[tilespmem:s24+$0x0] =	vst v5  }
0x86: {  	v4 =	vadd.s32 $0x2EE, v4;
	s6 =	sor.u32 s22, s25;
	s0 =	sadd.s32 $0x8380, s15;
	v5 =	vld.idx.msk [tilespmem:v15+s16+$0x0], $0xffff;
	[tilespmem:s26+$0x0] =	vst v8  }
0x87: {  	v14 =	vadd.s32 $0xFA, v26;
	s8 =	sor.u32 s14, s0;
	v8 =	vld.idx.msk [tilespmem:v10+s16+$0x0], $0xffff;
	[tilespmem:s6+$0x0] =	vst v11  }
0x88: {  	s20 =	sor.u32 s13, s25;
	v15 =	vadd.s32 $0xFA, v27;
	v9 =	vld.idx.msk [tilespmem:v9+s16+$0x0], $0xffff;
	[tilespmem:s8+$0x0] =	vst v6  }
0x89: {  	s21 =	sor.u32 s19, s25;
	v10 =	vadd.s32 $0x28A, v2;
	[tilespmem:s20+$0x0] =	vst v13  }
0x8a: {  	s23 =	sor.u32 s11, s2;
	v11 =	vadd.s32 $0x28A, v3;
	v12 =	vld.idx.msk [tilespmem:v12+s16+$0x0], $0xffff;
	[tilespmem:s21+$0x0] =	vst v7  }
0x8b: {  	s2 =	sor.u32 s12, s2;
	s24 =	sadd.s32 $0x3B80, s17;
	v6 =	vadd.s32 $0x12C, v0;
	v4 =	vld.idx.msk [tilespmem:v4+s16+$0x0], $0xffff;
	[tilespmem:s23+$0x0] =	vst v5  }
0x8c: {  	s25 =	sor.u32 s31, s24;
	v7 =	vld.idx.msk [tilespmem:v14+s16+$0x0], $0xffff;
	[tilespmem:s2+$0x0] =	vst v8  }
0x8d: {  	v13 =	vadd.s32 $0x12C, v25;
	v15 =	vld.idx.msk [tilespmem:v15+s16+$0x0], $0xffff;
	[tilespmem:s25+$0x0] =	vst v9  }
0x8e: {  	s26 =	sor.u32 s22, s24;
	v14 =	vadd.s32 $0x28A, v1;
	v8 =	vld.idx.msk [tilespmem:v10+s16+$0x0], $0xffff;
	[dreg:$0x19] =	wrdreg s15  }
0x8f: {  	v5 =	vadd.s32 $0x12C, v26;
	s2 =	sadd.s32 $0x8B80, s15;
	v9 =	vld.idx.msk [tilespmem:v11+s16+$0x0], $0xffff;
	[tilespmem:s26+$0x0] =	vst v12  }
0x90: {  	v10 =	vadd.s32 $0x12C, v27;
	s6 =	sor.u32 s14, s2;
	v6 =	vld.idx.msk [tilespmem:v6+s16+$0x0], $0xffff;
	[dreg:$0x18] =	wrdreg s14  }
0x91: {  	s8 =	sor.u32 s13, s24;
	v11 =	vadd.s32 $0x2BC, v2;
	[tilespmem:s6+$0x0] =	vst v4  }
0x92: {  	s4 =	sor.u32 s19, s24;
	v12 =	vadd.s32 $0x2BC, v3;
	v13 =	vld.idx.msk [tilespmem:v13+s16+$0x0], $0xffff;
	[tilespmem:s8+$0x0] =	vst v7  }
0x93: {  	s14 =	sor.u32 s10, s1;
	v4 =	vadd.s32 $0x15E, v0;
	v7 =	vld.idx.msk [tilespmem:v14+s16+$0x0], $0xffff;
	[tilespmem:s4+$0x0] =	vst v15  }
0x94: {  	s20 =	sadd.s32 $0x4380, s17;
	s15 =	sor.u32 s11, s1;
	[tilespmem:s14+$0x0] =	vst v8;
	v5 =	vld.idx.msk [tilespmem:v5+s16+$0x0], $0xffff  }
0x95: {  	s21 =	sor.u32 s31, s20;
	v14 =	vadd.s32 $0x15E, v25;
	v10 =	vld.idx.msk [tilespmem:v10+s16+$0x0], $0xffff;
	[tilespmem:s15+$0x0] =	vst v9  }
0x96: {  	s23 =	sor.u32 s22, s20;
	v29 =	vld.idx.msk [tilespmem:v11+s16+$0x0], $0xffff;
	[tilespmem:s21+$0x0] =	vst v6  }
0x97: {  	s24 =	sshll.u32 s9, $0x1;
	v15 =	vadd.s32 $0x2BC, v1;
	v6 =	vld.idx.msk [tilespmem:v12+s16+$0x0], $0xffff;
	[tilespmem:s23+$0x0] =	vst v13  }
0x98: {  	s1 =	sor.u32 s12, s1;
	v4 =	vld.idx.msk [tilespmem:v4+s16+$0x0], $0xffff;
	[dreg:$0xb] =	wrdreg s24  }
0x99: {  	s25 =	sshll.u32 s9, $0x9;
	[tilespmem:s1+$0x0] =	vst v7  }
0x9a: {  	s26 =	sor.u32 s13, s20;
	v8 =	vadd.s32 $0x15E, v26;
	s4 =	sand.u32 $0xC00, s25;
	v33 =	vld.idx.msk [tilespmem:v14+s16+$0x0], $0xffff;
	[dreg:$0xa] =	wrdreg s9  }
0x9b: {  	s8 =	sshll.u32 s9, $0x6;
	v9 =	vadd.s32 $0x15E, v27;
	s1 =	sor.u32 s7, s4;
	[tilespmem:s26+$0x0] =	vst v5  }
0x9c: {  	s9 =	sand.u32 $0x40, s8;
	v28 =	vld.idx.msk [tilespmem:v15+s16+$0x0], $0xffff;
	[dreg:$0xc] =	wrdreg s1  }
0x9d: {  	v35 =	vadd.s32 $0x2EE, v1;
	s6 =	sor.u32 s19, s20;
	[dreg:$0xd] =	wrdreg s9  }
0x9e: {  	v23 =	vadd.s32 $0x190, v26;
	v21 =	vadd.s32 $0x1C2, v26;
	v2 =	vadd.s32 $0x2EE, v2;
	s14 =	sor.u32 s10, s0;
	[tilespmem:s6+$0x0] =	vst v10  }
0x9f: {  	v18 =	vadd.s32 $0x1F4, v26;
	v40 =	vadd.s32 $0x2BC, v26;
	v36 =	vadd.s32 $0x2EE, v26;
	v32 =	vld.idx.msk [tilespmem:v8+s16+$0x0], $0xffff;
	[tilespmem:s14+$0x0] =	vst v29  }
0xa0: {  	v34 =	vadd.s32 $0x190, v0;
	v22 =	vadd.s32 $0x190, v27;
	v3 =	vadd.s32 $0x2EE, v3;
	s20 =	sadd.s32 $0x4B80, s17;
	s15 =	sor.u32 s11, s0;
	v31 =	vld.idx.msk [tilespmem:v9+s16+$0x0], $0xffff;
	[dreg:$0x15] =	wrdreg s12  }
0xa1: {  	v19 =	vadd.s32 $0x1C2, v27;
	v17 =	vadd.s32 $0x1F4, v27;
	v39 =	vadd.s32 $0x2BC, v27;
	s21 =	sor.u32 s31, s20;
	[tilespmem:s15+$0x0] =	vst v6  }
0xa2: {  	s30 =	smov.u32 s19;
	v24 =	vadd.s32 $0x190, v25;
	v20 =	vadd.s32 $0x1C2, v25;
	v37 =	vadd.s32 $0x2EE, v25;
	s28 =	sor.u32 s12, s0;
	s29 =	sor.u32 s11, s2;
	[tilespmem:s21+$0x0] =	vst v4  }
0xa3: {  	v16 =	vadd.s32 $0x1F4, v25;
	s25 =	sor.u32 s10, s2;
	v11 =	vadd.s32 $0x226, v25;
	s0 =	smov.u32 s22;
	v12 =	vadd.s32 $0x258, v26;
	v30 =	vld.idx.msk [tilespmem:v2+s16+$0x0], $0xffff;
	[dreg:$0x13] =	wrdreg s10  }
0xa4: {  	s23 =	simm.s32 $0x4;
	v13 =	vadd.s32 $0x258, v25;
	s24 =	sor.u32 s22, s20;
	v14 =	vadd.s32 $0x226, v27;
	v7 =	vadd.s32 $0x28A, v27;
	[dreg:$0x14] =	wrdreg s11  }
0xa5: {  	v15 =	vadd.s32 $0x226, v26;
	s26 =	sor.u32 s12, s2;
	s2 =	sor.u32 s13, s20;
	v10 =	vadd.s32 $0x258, v27;
	v8 =	vadd.s32 $0x28A, v26;
	s6 =	sor.u32 s19, s20;
	v29 =	vld.idx.msk [tilespmem:v3+s16+$0x0], $0xffff  }
0xa6: {  	s20 =	smov.u32 s13;
	v9 =	vadd.s32 $0x28A, v25;
	v6 =	vadd.s32 $0x2BC, v25;
	v25 =	vadd.s32 $0x2EE, v27;
	s21 =	smov.u32 s31;
	[tilespmem:s24+$0x0] =	vst v33;
	v26 =	vld.idx.msk [tilespmem:v34+s16+$0x0], $0xffff;
	s24 =	simm.s32 $0x80  }
.LBB2_3:
0xa7: {  	_ =	sdelay $0x1  }
0xa8: {  	s1 =	sand.u32 $0x40, s24;
	v24 =	vld.idx.msk [tilespmem:v24+s16+$0x0], $0xffff;
	s18 =	sadd.s32 $0x80, s18;
	[tilespmem:s28+$0x0] =	vst v28  }
0xa9: {  	v27 =	vadd.s32 $0x1C2, v0;
	s5 =	sand.u32 $0x700, s18;
	s15 =	sor.u32 $0x30, s1;
	[tilespmem:s2+$0x0] =	vst v32;
	v28 =	vld.idx.msk [tilespmem:v35+s16+$0x0], $0xffff  }
0xaa: {  	[tilespmem:s25+$0x0] =	vst v30;
	s8 =	sor.u32 s5, s15;
	s2 =	sor.u32 $0x10, s1;
	v23 =	vld.idx.msk [tilespmem:v23+s16+$0x0], $0xffff  }
0xab: {  	s10 =	sadd.s32 $0x5380, s17;
	s4 =	sor.u32 $0x20, s1;
	[tilespmem:s6+$0x0] =	vst v31;
	s6 =	sor.u32 s5, s2;
	v31 =	vld [tilespmem:s8+$0x380]  }
0xac: {  	v1 =	vmov v25;
	s7 =	sor.u32 s21, s10;
	s28 =	sor.u32 s5, s4;
	[tilespmem:s29+$0x0] =	vst v29;
	v25 =	vld [tilespmem:s6+$0x380]  }
0xad: {  	s29 =	sor.u32 s0, s10;
	[tilespmem:s7+$0x0] =	vst v26;
	v33 =	vld [tilespmem:s28+$0x380]  }
0xae: {  	s11 =	sor.u32 s1, s5;
	[tilespmem:s29+$0x0] =	vst v24;
	v24 =	vld.idx.msk [tilespmem:v27+s16+$0x0], $0xffff  }
0xaf: {  	[tilespmem:$0x1FFB0] =	vst v40;
	v51 =	vld [tilespmem:s11+$0x380]  }
0xb0: {  	s12 =	sor.u32 s30, s10;
	s10 =	sor.u32 s20, s10;
	v20 =	vld.idx.msk [tilespmem:v20+s16+$0x0], $0xffff;
	[tilespmem:s26+$0x0] =	vst v28  }
0xb1: {  	[tilespmem:s10+$0x0] =	vst v23;
	v23 =	vadd.s32 $0x1F4, v0;
	v22 =	vld.idx.msk [tilespmem:v22+s16+$0x0], $0xffff  }
0xb2: {  	[tilespmem:$0x1FFD0] =	vst v37;
	v21 =	vld.idx.msk [tilespmem:v21+s16+$0x0], $0xffff  }
0xb3: {  	[tilespmem:$0x1FFF0] =	vst v36;
	s9 =	sadd.s32 $0x5B80, s17;
	v63 =	vld.idx.msk [tilespmem:v31+s16+$0x0], $0xffff  }
0xb4: {  	[tilespmem:$0x1FFE0] =	vst v1;
	s29 =	sor.u32 s21, s9;
	v43 =	vld.idx.msk [tilespmem:v25+s16+$0x0], $0xffff  }
0xb5: {  	s14 =	sor.u32 s0, s9;
	v45 =	vadd.s32 $0x32, v31;
	[tilespmem:s29+$0x0] =	vst v24;
	v50 =	vld.idx.msk [tilespmem:v33+s16+$0x0], $0xffff  }
0xb6: {  	v35 =	vadd.s32 $0x32, v25;
	[tilespmem:s14+$0x0] =	vst v20;
	v46 =	vld.idx.msk [tilespmem:v23+s16+$0x0], $0xffff  }
0xb7: {  	v56 =	vadd.s32 $0x226, v0;
	s25 =	sor.u32 s20, s9;
	v38 =	vadd.s32 $0x32, v33;
	v58 =	vld.idx.msk [tilespmem:v16+s16+$0x0], $0xffff;
	[tilespmem:s12+$0x0] =	vst v22  }
0xb8: {  	v2 =	vadd.s32 $0x64, v31;
	v52 =	vadd.s32 $0x64, v25;
	v48 =	vadd.s32 $0x96, v25;
	[tilespmem:s25+$0x0] =	vst v21;
	v55 =	vld.idx.msk [tilespmem:v51+s16+$0x0], $0xffff  }
0xb9: {  	v53 =	vadd.s32 $0x64, v33;
	v42 =	vadd.s32 $0xC8, v25;
	v34 =	vadd.s32 $0xFA, v25;
	v57 =	vld.idx.msk [tilespmem:v19+s16+$0x0], $0xffff;
	[tilespmem:s8+$0x1380] =	vst v63  }
0xba: {  	s7 =	sadd.s32 $0x6380, s17;
	v40 =	vadd.s32 $0x32, v51;
	v54 =	vadd.s32 $0x64, v51;
	v49 =	vadd.s32 $0x96, v51;
	[tilespmem:s6+$0x1380] =	vst v43;
	v59 =	vld.idx.msk [tilespmem:v45+s16+$0x0], $0xffff  }
0xbb: {  	v44 =	vadd.s32 $0xC8, v51;
	v37 =	vadd.s32 $0xFA, v51;
	v32 =	vadd.s32 $0x12C, v25;
	s14 =	sor.u32 s21, s7;
	[tilespmem:s28+$0x1380] =	vst v50;
	v61 =	vld.idx.msk [tilespmem:v35+s16+$0x0], $0xffff  }
0xbc: {  	s10 =	sor.u32 s30, s9;
	s9 =	sor.u32 s0, s7;
	v30 =	vadd.s32 $0x12C, v51;
	v28 =	vadd.s32 $0x15E, v25;
	v26 =	vadd.s32 $0x15E, v51;
	[tilespmem:s14+$0x0] =	vst v46;
	v3 =	vld.idx.msk [tilespmem:v38+s16+$0x0], $0xffff  }
0xbd: {  	v60 =	vadd.s32 $0x1F4, v51;
	v62 =	vadd.s32 $0x226, v25;
	v24 =	vadd.s32 $0x190, v25;
	[tilespmem:s9+$0x0] =	vst v58;
	v58 =	vld.idx.msk [tilespmem:v18+s16+$0x0], $0xffff  }
0xbe: {  	v20 =	vadd.s32 $0x1C2, v25;
	v16 =	vadd.s32 $0x1F4, v25;
	v22 =	vadd.s32 $0x190, v51;
	s25 =	sadd.s32 $0x1B80, s5;
	v56 =	vld.idx.msk [tilespmem:v56+s16+$0x0], $0xffff;
	[tilespmem:s11+$0x1380] =	vst v55  }
0xbf: {  	s26 =	sor.u32 s20, s7;
	v19 =	vadd.s32 $0x1C2, v51;
	v63 =	vadd.s32 $0x226, v51;
	s6 =	sor.u32 s30, s7;
	s7 =	sor.u32 s15, s25;
	v5 =	vld.idx.msk [tilespmem:v40+s16+$0x0], $0xffff;
	[tilespmem:s10+$0x0] =	vst v57;
	v57 =	vadd.s32 $0x258, v0  }
0xc0: {  	v50 =	vadd.s32 $0x258, v51;
	v43 =	vadd.s32 $0x28A, v51;
	v35 =	vadd.s32 $0x1F4, v33;
	s11 =	sor.u32 s2, s25;
	[tilespmem:s7+$0x0] =	vst v59;
	v59 =	vld.idx.msk [tilespmem:v17+s16+$0x0], $0xffff  }
0xc1: {  	v46 =	vadd.s32 $0x28A, v25;
	v38 =	vadd.s32 $0x2BC, v51;
	s9 =	sor.u32 s4, s25;
	s14 =	sadd.s32 $0x6B80, s17;
	v18 =	vmovc v35;
	v35 =	vadd.s32 $0x2EE, v25;
	[tilespmem:s11+$0x0] =	vst v61;
	v2 =	vld.idx.msk [tilespmem:v2+s16+$0x0], $0xffff  }
0xc2: {  	s28 =	sor.u32 s21, s14;
	v55 =	vadd.s32 $0x258, v25;
	v40 =	vadd.s32 $0x2BC, v25;
	v25 =	vadd.s32 $0x2EE, v51;
	[tilespmem:s9+$0x0] =	vst v3;
	v51 =	vld.idx.msk [tilespmem:v52+s16+$0x0], $0xffff  }
0xc3: {  	s10 =	sor.u32 s1, s25;
	v3 =	vadd.s32 $0x96, v31;
	[tilespmem:s28+$0x0] =	vst v56;
	v61 =	vld.idx.msk [tilespmem:v11+s16+$0x0], $0xffff  }
0xc4: {  	v52 =	vld.idx.msk [tilespmem:v57+s16+$0x0], $0xffff;
	[tilespmem:s10+$0x0] =	vst v5  }
0xc5: {  	s7 =	sadd.s32 $0x2380, s5;
	v5 =	vld.idx.msk [tilespmem:v53+s16+$0x0], $0xffff;
	[tilespmem:s26+$0x0] =	vst v58  }
0xc6: {  	s8 =	sor.u32 s30, s14;
	v17 =	vmov v60;
	v60 =	vadd.s32 $0x28A, v0;
	s9 =	sor.u32 s15, s7;
	v53 =	vld.idx.msk [tilespmem:v54+s16+$0x0], $0xffff;
	[tilespmem:s6+$0x0] =	vst v59  }
0xc7: {  	v47 =	vadd.s32 $0x96, v33;
	v1 =	vadd.s32 $0x226, v33;
	s29 =	sor.u32 s20, s14;
	s11 =	sor.u32 s0, s14;
	s25 =	sor.u32 s2, s7;
	[tilespmem:s9+$0x0] =	vst v2;
	v2 =	vld.idx.msk [tilespmem:v15+s16+$0x0], $0xffff  }
0xc8: {  	s12 =	sor.u32 s1, s7;
	s14 =	sor.u32 s4, s7;
	s7 =	sadd.s32 $0x7380, s17;
	v15 =	vmov v1;
	[tilespmem:s25+$0x0] =	vst v51;
	v1 =	vld.idx.msk [tilespmem:v3+s16+$0x0], $0xffff  }
0xc9: {  	s9 =	sor.u32 s21, s7;
	v3 =	vld.idx.msk [tilespmem:v48+s16+$0x0], $0xffff;
	[tilespmem:s11+$0x0] =	vst v61  }
0xca: {  	[tilespmem:s9+$0x0] =	vst v52  }
0xcb: {  	[tilespmem:s14+$0x0] =	vst v5;
	v5 =	vadd.s32 $0xC8, v31;
	v57 =	vld.idx.msk [tilespmem:v60+s16+$0x0], $0xffff  }
0xcc: {  	s28 =	sor.u32 s0, s7;
	s26 =	sor.u32 s20, s7;
	s14 =	sadd.s32 $0x2B80, s5;
	[tilespmem:s12+$0x0] =	vst v53;
	v47 =	vld.idx.msk [tilespmem:v47+s16+$0x0], $0xffff  }
0xcd: {  	v41 =	vadd.s32 $0xC8, v33;
	s25 =	sor.u32 s30, s7;
	s9 =	sor.u32 s1, s14;
	s12 =	sor.u32 s15, s14;
	v49 =	vld.idx.msk [tilespmem:v49+s16+$0x0], $0xffff;
	[tilespmem:s29+$0x0] =	vst v2  }
0xce: {  	s7 =	sor.u32 s2, s14;
	v59 =	vld.idx.msk [tilespmem:v14+s16+$0x0], $0xffff;
	s29 =	sor.u32 s4, s14;
	s14 =	sadd.s32 $0x7B80, s17;
	[tilespmem:s12+$0x0] =	vst v1  }
0xcf: {  	v58 =	vadd.s32 $0x2BC, v0;
	v1 =	vld.idx.msk [tilespmem:v13+s16+$0x0], $0xffff;
	[tilespmem:s7+$0x0] =	vst v3;
	s7 =	sor.u32 s21, s14  }
0xd0: {  	v2 =	vld.idx.msk [tilespmem:v5+s16+$0x0], $0xffff;
	[tilespmem:s7+$0x0] =	vst v57  }
0xd1: {  	v3 =	vld.idx.msk [tilespmem:v42+s16+$0x0], $0xffff;
	[tilespmem:s29+$0x0] =	vst v47  }
0xd2: {  	[tilespmem:s9+$0x0] =	vst v49;
	v41 =	vld.idx.msk [tilespmem:v41+s16+$0x0], $0xffff  }
0xd3: {  	s10 =	sadd.s32 $0x3380, s5;
	s11 =	sor.u32 s30, s14;
	v5 =	vadd.s32 $0xFA, v31;
	v44 =	vld.idx.msk [tilespmem:v44+s16+$0x0], $0xffff;
	[tilespmem:s8+$0x0] =	vst v59  }
0xd4: {  	v36 =	vadd.s32 $0xFA, v33;
	s6 =	sor.u32 s0, s14;
	s12 =	sor.u32 s20, s14;
	s14 =	sor.u32 s15, s10;
	v60 =	vld.idx.msk [tilespmem:v58+s16+$0x0], $0xffff;
	[tilespmem:s28+$0x0] =	vst v1  }
0xd5: {  	s7 =	sor.u32 s2, s10;
	v1 =	vld.idx.msk [tilespmem:v12+s16+$0x0], $0xffff;
	[tilespmem:s14+$0x0] =	vst v2  }
0xd6: {  	v4 =	vadd.s32 $0x258, v33;
	v61 =	vadd.s32 $0x2EE, v0;
	v2 =	vld.idx.msk [tilespmem:v10+s16+$0x0], $0xffff;
	[tilespmem:s7+$0x0] =	vst v3  }
0xd7: {  	s9 =	sor.u32 s4, s10;
	v12 =	vmov v4;
	s14 =	sadd.s32 $0x8380, s17;
	v4 =	vld.idx.msk [tilespmem:v34+s16+$0x0], $0xffff  }
0xd8: {  	v3 =	vld.idx.msk [tilespmem:v5+s16+$0x0], $0xffff;
	s7 =	sor.u32 s21, s14;
	[tilespmem:s9+$0x0] =	vst v41  }
0xd9: {  	v11 =	vmov v62;
	v0 =	vmov v31;
	[tilespmem:s7+$0x0] =	vst v60;
	v62 =	vld.idx.msk [tilespmem:v36+s16+$0x0], $0xffff  }
0xda: {  	s29 =	sor.u32 s1, s10;
	s28 =	sor.u32 s30, s14;
	v5 =	vadd.s32 $0x12C, v0;
	s7 =	sadd.s32 $0x3B80, s5;
	[tilespmem:s26+$0x0] =	vst v1;
	v1 =	vld.idx.msk [tilespmem:v9+s16+$0x0], $0xffff  }
0xdb: {  	s10 =	sor.u32 s0, s14;
	s8 =	sor.u32 s20, s14;
	v31 =	vld.idx.msk [tilespmem:v61+s16+$0x0], $0xffff;
	[tilespmem:s29+$0x0] =	vst v44;
	s14 =	sor.u32 s2, s7  }
0xdc: {  	v14 =	vmov v63;
	v63 =	vld.idx.msk [tilespmem:v37+s16+$0x0], $0xffff;
	[tilespmem:s14+$0x0] =	vst v4  }
0xdd: {  	s26 =	sor.u32 s15, s7;
	[tilespmem:s25+$0x0] =	vst v2;
	v4 =	vld.idx.msk [tilespmem:v32+s16+$0x0], $0xffff  }
0xde: {  	s9 =	sor.u32 s1, s7;
	s29 =	sadd.s32 $0x8B80, s17;
	[tilespmem:s26+$0x0] =	vst v3  }
0xdf: {  	s7 =	sor.u32 s4, s7;
	s17 =	smov.u32 s5;
	s21 =	sor.u32 s21, s29;
	v3 =	vld.idx.msk [tilespmem:v5+s16+$0x0], $0xffff;
	[tilespmem:s6+$0x0] =	vst v1  }
0xe0: {  	s5 =	sadd.s32 $0x4380, s17;
	s25 =	sor.u32 s0, s29;
	s0 =	smov.u32 s2;
	[tilespmem:s21+$0x0] =	vst v31;
	v1 =	vld.idx.msk [tilespmem:v6+s16+$0x0], $0xffff  }
0xe1: {  	v29 =	vadd.s32 $0x12C, v33;
	v2 =	vld.idx.msk [tilespmem:v8+s16+$0x0], $0xffff;
	[tilespmem:s7+$0x0] =	vst v62;
	s7 =	sor.u32 s0, s5  }
0xe2: {  	v31 =	vld.idx.msk [tilespmem:v7+s16+$0x0], $0xffff;
	[tilespmem:s7+$0x0] =	vst v4  }
0xe3: {  	[tilespmem:$0x1FFC0] =	vst v39;
	v4 =	vld.idx.msk [tilespmem:v28+s16+$0x0], $0xffff  }
0xe4: {  	v28 =	vld [tilespmem:$0x1FFC0]  }
0xe5: {  	[tilespmem:s10+$0x0] =	vst v1;
	v1 =	vld [tilespmem:$0x1FFD0]  }
0xe6: {  	[tilespmem:s9+$0x0] =	vst v63;
	v29 =	vld.idx.msk [tilespmem:v29+s16+$0x0], $0xffff  }
0xe7: {  	v30 =	vld.idx.msk [tilespmem:v30+s16+$0x0], $0xffff  }
0xe8: {  	[tilespmem:s12+$0x0] =	vst v2;
	v2 =	vld [tilespmem:$0x1FFB0];
	_ =	sdelay $0x1  }
0xe9: {  	v5 =	vadd.s32 $0x15E, v0  }
0xea: {  	s26 =	sor.u32 s30, s29;
	s30 =	smov.u32 s1;
	[tilespmem:s11+$0x0] =	vst v31  }
0xeb: {  	s21 =	smov.u32 s15;
	s6 =	sor.u32 s30, s5;
	v28 =	vld.idx.msk [tilespmem:v28+s16+$0x0], $0xffff  }
0xec: {  	s9 =	sor.u32 s21, s5;
	[tilespmem:s6+$0x0] =	vst v30;
	v30 =	vld.idx.msk [tilespmem:v1+s16+$0x0], $0xffff  }
0xed: {  	v27 =	vadd.s32 $0x15E, v33;
	[tilespmem:s9+$0x0] =	vst v3;
	v1 =	vld [tilespmem:$0x1FFF0]  }
0xee: {  	v3 =	vld.idx.msk [tilespmem:v5+s16+$0x0], $0xffff  }
0xef: {  	s23 =	sadd.s32 $0x4, s23;
	s29 =	sor.u32 s20, s29;
	s20 =	smov.u32 s4;
	v5 =	vadd.s32 $0x190, v0;
	v2 =	vld.idx.msk [tilespmem:v2+s16+$0x0], $0xffff  }
0xf0: {  	p1 =	slt.u32 s23, $0x3C;
	s1 =	sor.u32 s20, s5  }
.Ltmp2:
0xf1: {  	v37 =	vmov v35;
	v35 =	vld [tilespmem:$0x1FFE0];
	s12 =	sadd.s32 $0x4B80, s17;
	[tilespmem:s1+$0x0] =	vst v29;
	(pc) =	sbr.rel @p1 .LBB2_3-.Ltmp2, $4  }
0xf2: {  	v39 =	vadd.s32 $0x2BC, v33;
	v23 =	vadd.s32 $0x190, v33;
	s15 =	sor.u32 s21, s12;
	v32 =	vld.idx.msk [tilespmem:v27+s16+$0x0], $0xffff  }
0xf3: {  	v21 =	vadd.s32 $0x1C2, v33;
	v45 =	vadd.s32 $0x28A, v33;
	v33 =	vadd.s32 $0x2EE, v33;
	[tilespmem:s15+$0x0] =	vst v3;
	v31 =	vld.idx.msk [tilespmem:v26+s16+$0x0], $0xffff  }
0xf4: {  	v13 =	vmovc v55;
	v10 =	vmov v50;
	v9 =	vmov v46;
	v36 =	vmov v33;
	s14 =	sor.u32 s0, s12;
	v26 =	vld.idx.msk [tilespmem:v5+s16+$0x0], $0xffff;
	[tilespmem:s8+$0x0] =	vst v2  }
0xf5: {  	s24 =	sadd.s32 $0x40, s24;
	v8 =	vmovc v45;
	v7 =	vmovc v43;
	v6 =	vmov v40;
	v40 =	vmov v39;
	v39 =	vmov v38;
	s2 =	sor.u32 s20, s12;
	s6 =	sor.u32 s30, s12;
	[tilespmem:s14+$0x0] =	vst v4;
	v29 =	vld.idx.msk [tilespmem:v1+s16+$0x0], $0xffff  }
0xf6: {  	_ =	sdelay $0x3  }
0xf7: {  	v1 =	vld.idx.msk [tilespmem:v24+s16+$0x0], $0xffff;
	v2 =	vadd.s32 $0x1C2, v0;
	[tilespmem:s2+$0x0] =	vst v32  }
0xf8: {  	[tilespmem:s6+$0x0] =	vst v31;
	v3 =	vld.idx.msk [tilespmem:v23+s16+$0x0], $0xffff  }
0xf9: {  	s1 =	sadd.s32 $0x5380, s17;
	v4 =	vld.idx.msk [tilespmem:v22+s16+$0x0], $0xffff  }
0xfa: {  	s9 =	sor.u32 s21, s1  }
0xfb: {  	s4 =	sor.u32 s0, s1;
	[tilespmem:s9+$0x0] =	vst v26  }
0xfc: {  	s10 =	sor.u32 s20, s1;
	[tilespmem:s4+$0x0] =	vst v1;
	v1 =	vld.idx.msk [tilespmem:v2+s16+$0x0], $0xffff  }
0xfd: {  	s1 =	sor.u32 s30, s1;
	v2 =	vadd.s32 $0x1F4, v0;
	[tilespmem:s10+$0x0] =	vst v3;
	v3 =	vld.idx.msk [tilespmem:v20+s16+$0x0], $0xffff  }
0xfe: {  	v5 =	vld.idx.msk [tilespmem:v21+s16+$0x0], $0xffff;
	[tilespmem:s1+$0x0] =	vst v4  }
0xff: {  	s11 =	sadd.s32 $0x5B80, s17;
	v4 =	vld.idx.msk [tilespmem:v19+s16+$0x0], $0xffff  }
0x100: {  	s12 =	sor.u32 s21, s11  }
0x101: {  	s14 =	sor.u32 s0, s11;
	[tilespmem:s12+$0x0] =	vst v1  }
0x102: {  	s15 =	sor.u32 s20, s11;
	v1 =	vld.idx.msk [tilespmem:v2+s16+$0x0], $0xffff;
	[tilespmem:s14+$0x0] =	vst v3  }
0x103: {  	s1 =	sor.u32 s30, s11;
	v2 =	vadd.s32 $0x226, v0;
	[tilespmem:s15+$0x0] =	vst v5;
	v3 =	vld.idx.msk [tilespmem:v16+s16+$0x0], $0xffff  }
0x104: {  	[tilespmem:s1+$0x0] =	vst v4;
	v4 =	vld.idx.msk [tilespmem:v18+s16+$0x0], $0xffff  }
0x105: {  	s18 =	sadd.s32 $0x6380, s17;
	v5 =	vld.idx.msk [tilespmem:v17+s16+$0x0], $0xffff  }
0x106: {  	s23 =	sor.u32 s21, s18  }
0x107: {  	s24 =	sor.u32 s0, s18;
	[tilespmem:s23+$0x0] =	vst v1  }
0x108: {  	s5 =	sor.u32 s20, s18;
	v1 =	vld.idx.msk [tilespmem:v2+s16+$0x0], $0xffff;
	[tilespmem:s24+$0x0] =	vst v3  }
0x109: {  	s1 =	sor.u32 s30, s18;
	v2 =	vadd.s32 $0x258, v0;
	[tilespmem:s5+$0x0] =	vst v4;
	v3 =	vld.idx.msk [tilespmem:v11+s16+$0x0], $0xffff  }
0x10a: {  	[tilespmem:s1+$0x0] =	vst v5;
	v4 =	vld.idx.msk [tilespmem:v15+s16+$0x0], $0xffff  }
0x10b: {  	s6 =	sadd.s32 $0x6B80, s17;
	v5 =	vld.idx.msk [tilespmem:v14+s16+$0x0], $0xffff  }
0x10c: {  	s7 =	sor.u32 s21, s6  }
0x10d: {  	s8 =	sor.u32 s0, s6;
	[tilespmem:s7+$0x0] =	vst v1  }
0x10e: {  	s9 =	sor.u32 s20, s6;
	v1 =	vld.idx.msk [tilespmem:v2+s16+$0x0], $0xffff;
	[tilespmem:s8+$0x0] =	vst v3  }
0x10f: {  	s1 =	sor.u32 s30, s6;
	v2 =	vadd.s32 $0x28A, v0;
	[tilespmem:s9+$0x0] =	vst v4;
	v3 =	vld.idx.msk [tilespmem:v13+s16+$0x0], $0xffff  }
0x110: {  	[tilespmem:s1+$0x0] =	vst v5;
	v4 =	vld.idx.msk [tilespmem:v12+s16+$0x0], $0xffff  }
0x111: {  	s10 =	sadd.s32 $0x7380, s17;
	v5 =	vld.idx.msk [tilespmem:v10+s16+$0x0], $0xffff  }
0x112: {  	s11 =	sor.u32 s21, s10  }
0x113: {  	s12 =	sor.u32 s0, s10;
	[tilespmem:s11+$0x0] =	vst v1  }
0x114: {  	s14 =	sor.u32 s20, s10;
	v1 =	vld.idx.msk [tilespmem:v2+s16+$0x0], $0xffff;
	[tilespmem:s12+$0x0] =	vst v3  }
0x115: {  	s1 =	sor.u32 s30, s10;
	v2 =	vadd.s32 $0x2BC, v0;
	[tilespmem:s14+$0x0] =	vst v4;
	v3 =	vld.idx.msk [tilespmem:v9+s16+$0x0], $0xffff  }
0x116: {  	[tilespmem:s1+$0x0] =	vst v5;
	v4 =	vld.idx.msk [tilespmem:v8+s16+$0x0], $0xffff  }
0x117: {  	s15 =	sadd.s32 $0x7B80, s17;
	v5 =	vld.idx.msk [tilespmem:v7+s16+$0x0], $0xffff  }
0x118: {  	s18 =	sor.u32 s21, s15  }
0x119: {  	s23 =	sor.u32 s0, s15;
	[tilespmem:s18+$0x0] =	vst v1  }
0x11a: {  	s24 =	sor.u32 s20, s15;
	v1 =	vld.idx.msk [tilespmem:v2+s16+$0x0], $0xffff;
	[tilespmem:s23+$0x0] =	vst v3  }
0x11b: {  	v0 =	vadd.s32 $0x2EE, v0;
	s1 =	sor.u32 s30, s15;
	v2 =	vld.idx.msk [tilespmem:v6+s16+$0x0], $0xffff;
	[tilespmem:s24+$0x0] =	vst v4  }
0x11c: {  	v3 =	vld.idx.msk [tilespmem:v40+s16+$0x0], $0xffff;
	[tilespmem:s1+$0x0] =	vst v5  }
0x11d: {  	[tilespmem:s28+$0x0] =	vst v28;
	s28 =	sadd.s32 $0x8380, s17;
	v4 =	vld.idx.msk [tilespmem:v39+s16+$0x0], $0xffff  }
0x11e: {  	[tilespmem:s25+$0x0] =	vst v30;
	s4 =	sor.u32 s21, s28  }
0x11f: {  	s5 =	sor.u32 s0, s28;
	v5 =	vld.idx.msk [tilespmem:v35+s16+$0x0], $0xffff;
	[tilespmem:s4+$0x0] =	vst v1  }
0x120: {  	s6 =	sor.u32 s20, s28;
	v0 =	vld.idx.msk [tilespmem:v0+s16+$0x0], $0xffff;
	[tilespmem:s5+$0x0] =	vst v2  }
0x121: {  	s1 =	sor.u32 s30, s28;
	v1 =	vld.idx.msk [tilespmem:v37+s16+$0x0], $0xffff;
	[tilespmem:s6+$0x0] =	vst v3  }
0x122: {  	v2 =	vld.idx.msk [tilespmem:v36+s16+$0x0], $0xffff;
	[tilespmem:s1+$0x0] =	vst v4  }
0x123: {  	p1 =	por $0x0, $0x0;
	s2 =	simm.s32 $0x1;
	[tilespmem:s29+$0x0] =	vst v29;
	s7 =	sadd.s32 $0x8B80, s17;
	v3 =	vld.idx.msk [tilespmem:v25+s16+$0x0], $0xffff  }
0x124: {  	s2 =	simm.s32 @!p1 $0x0;
	s8 =	sor.u32 s21, s7;
	[tilespmem:s26+$0x0] =	vst v5  }
0x125: {  	s2 =	sshll.u32 s2, $0x6;
	s9 =	sor.u32 s0, s7;
	[tilespmem:s8+$0x0] =	vst v0  }
0x126: {  	s10 =	sor.u32 s20, s7;
	s11 =	sadd.s32 $0x0, s2;
	[tilespmem:s9+$0x0] =	vst v1  }
0x127: {  	s2 =	sadd.s32 $0x30, s11;
	s1 =	sor.u32 s30, s7;
	[tilespmem:s10+$0x0] =	vst v2  }
0x128: {  	s12 =	sadd.s32 $0x10, s11;
	s2 =	sor.u32 $0x80, s2;
	[tilespmem:s1+$0x0] =	vst v3  }
0x129: {  	s14 =	sadd.s32 $0x20, s11;
	s1 =	sor.u32 $0x80, s12;
	v4 =	vld [tilespmem:s2+$0x380]  }
0x12a: {  	s4 =	sor.u32 $0x80, s14;
	v2 =	vld [tilespmem:s1+$0x380]  }
0x12b: {  	s0 =	sor.u32 $0x80, s11;
	v1 =	vld [tilespmem:s4+$0x380]  }
0x12c: {  	v3 =	vld [tilespmem:s0+$0x380];
	_ =	sdelay $0x4  }
0x12d: {  	v0 =	vld.idx.msk [tilespmem:v4+s3+$0x0], $0xffff  }
0x12e: {  	v6 =	vadd.s32 $0x32, v4;
	v5 =	vld.idx.msk [tilespmem:v2+s3+$0x0], $0xffff  }
0x12f: {  	v8 =	vld.idx.msk [tilespmem:v1+s3+$0x0], $0xffff  }
0x130: {  	v7 =	vadd.s32 $0x32, v2;
	v10 =	vld.idx.msk [tilespmem:v3+s3+$0x0], $0xffff  }
0x131: {  	v9 =	vadd.s32 $0x32, v1  }
0x132: {  	[tilespmem:s2+$0x1380] =	vst v0  }
0x133: {  	[tilespmem:s1+$0x1380] =	vst v5;
	v5 =	vld.idx.msk [tilespmem:v6+s3+$0x0], $0xffff  }
0x134: {  	v0 =	vadd.s32 $0x32, v3;
	[tilespmem:s4+$0x1380] =	vst v8  }
0x135: {  	v6 =	vld.idx.msk [tilespmem:v7+s3+$0x0], $0xffff;
	v7 =	vadd.s32 $0x64, v4;
	s12 =	rddreg [dreg:$0x19];
	[tilespmem:s0+$0x1380] =	vst v10  }
0x136: {  	v8 =	vadd.s32 $0x64, v2;
	v9 =	vld.idx.msk [tilespmem:v9+s3+$0x0], $0xffff;
	s15 =	sadd.s32 $0x1C00, s12;
	s11 =	rddreg [dreg:$0x18]  }
0x137: {  	s16 =	sor.u32 s11, s15  }
0x138: {  	s8 =	rddreg [dreg:$0x13];
	[tilespmem:s16+$0x0] =	vst v5  }
0x139: {  	v11 =	vadd.s32 $0x64, v1;
	s17 =	sor.u32 s8, s15;
	v0 =	vld.idx.msk [tilespmem:v0+s3+$0x0], $0xffff;
	s9 =	rddreg [dreg:$0x14]  }
0x13a: {  	v5 =	vadd.s32 $0x64, v3;
	[tilespmem:s17+$0x0] =	vst v6;
	v6 =	vld.idx.msk [tilespmem:v7+s3+$0x0], $0xffff;
	s18 =	sor.u32 s9, s15  }
0x13b: {  	v7 =	vld.idx.msk [tilespmem:v8+s3+$0x0], $0xffff;
	v8 =	vadd.s32 $0x96, v4;
	[tilespmem:s18+$0x0] =	vst v9  }
0x13c: {  	s10 =	rddreg [dreg:$0x15]  }
0x13d: {  	s21 =	sadd.s32 $0x2400, s12;
	v9 =	vadd.s32 $0x96, v2;
	s20 =	sor.u32 s10, s15  }
0x13e: {  	s23 =	sor.u32 s11, s21;
	v10 =	vld.idx.msk [tilespmem:v11+s3+$0x0], $0xffff;
	[tilespmem:s20+$0x0] =	vst v0  }
0x13f: {  	v11 =	vadd.s32 $0x96, v1;
	[tilespmem:s23+$0x0] =	vst v6;
	v0 =	vld.idx.msk [tilespmem:v5+s3+$0x0], $0xffff  }
0x140: {  	s24 =	sor.u32 s8, s21;
	v5 =	vadd.s32 $0x96, v3;
	v6 =	vld.idx.msk [tilespmem:v8+s3+$0x0], $0xffff  }
0x141: {  	[tilespmem:s24+$0x0] =	vst v7;
	v8 =	vadd.s32 $0xC8, v4  }
0x142: {  	s25 =	sor.u32 s9, s21;
	v7 =	vld.idx.msk [tilespmem:v9+s3+$0x0], $0xffff  }
0x143: {  	s28 =	sadd.s32 $0x2C00, s12;
	s26 =	sor.u32 s10, s21;
	v9 =	vadd.s32 $0xC8, v2;
	[tilespmem:s25+$0x0] =	vst v10  }
0x144: {  	s29 =	sor.u32 s11, s28;
	v10 =	vld.idx.msk [tilespmem:v11+s3+$0x0], $0xffff;
	[tilespmem:s26+$0x0] =	vst v0  }
0x145: {  	v11 =	vadd.s32 $0xC8, v1;
	[tilespmem:s29+$0x0] =	vst v6;
	v0 =	vld.idx.msk [tilespmem:v5+s3+$0x0], $0xffff  }
0x146: {  	s30 =	sor.u32 s8, s28;
	v5 =	vadd.s32 $0xC8, v3;
	v6 =	vld.idx.msk [tilespmem:v8+s3+$0x0], $0xffff  }
0x147: {  	[tilespmem:s30+$0x0] =	vst v7;
	v8 =	vadd.s32 $0xFA, v4  }
0x148: {  	s4 =	sor.u32 s9, s28;
	v7 =	vld.idx.msk [tilespmem:v9+s3+$0x0], $0xffff  }
0x149: {  	s6 =	sadd.s32 $0x3400, s12;
	s5 =	sor.u32 s10, s28;
	v9 =	vadd.s32 $0xFA, v2;
	[tilespmem:s4+$0x0] =	vst v10  }
0x14a: {  	s7 =	sor.u32 s11, s6;
	v10 =	vld.idx.msk [tilespmem:v11+s3+$0x0], $0xffff;
	[tilespmem:s5+$0x0] =	vst v0  }
0x14b: {  	v11 =	vadd.s32 $0xFA, v1;
	[tilespmem:s7+$0x0] =	vst v6;
	v0 =	vld.idx.msk [tilespmem:v5+s3+$0x0], $0xffff  }
0x14c: {  	s14 =	sor.u32 s8, s6;
	v5 =	vadd.s32 $0xFA, v3;
	v6 =	vld.idx.msk [tilespmem:v8+s3+$0x0], $0xffff  }
0x14d: {  	[tilespmem:s14+$0x0] =	vst v7;
	v8 =	vadd.s32 $0x12C, v4  }
0x14e: {  	s15 =	sor.u32 s9, s6;
	v7 =	vld.idx.msk [tilespmem:v9+s3+$0x0], $0xffff  }
0x14f: {  	s17 =	sadd.s32 $0x3C00, s12;
	s16 =	sor.u32 s10, s6;
	v9 =	vadd.s32 $0x12C, v2;
	[tilespmem:s15+$0x0] =	vst v10  }
0x150: {  	s18 =	sor.u32 s11, s17;
	v10 =	vld.idx.msk [tilespmem:v11+s3+$0x0], $0xffff;
	[tilespmem:s16+$0x0] =	vst v0  }
0x151: {  	v11 =	vadd.s32 $0x12C, v1;
	[tilespmem:s18+$0x0] =	vst v6;
	v0 =	vld.idx.msk [tilespmem:v5+s3+$0x0], $0xffff  }
0x152: {  	s20 =	sor.u32 s8, s17;
	v5 =	vadd.s32 $0x12C, v3;
	v6 =	vld.idx.msk [tilespmem:v8+s3+$0x0], $0xffff  }
0x153: {  	[tilespmem:s20+$0x0] =	vst v7;
	v8 =	vadd.s32 $0x15E, v4  }
0x154: {  	p1 =	por !p1, !p1;
	s21 =	sor.u32 s9, s17;
	v7 =	vld.idx.msk [tilespmem:v9+s3+$0x0], $0xffff  }
0x155: {  	s2 =	simm.s32 $0x1;
	s23 =	sor.u32 s10, s17;
	s24 =	sadd.s32 $0x4400, s12;
	v9 =	vadd.s32 $0x15E, v2;
	[tilespmem:s21+$0x0] =	vst v10  }
0x156: {  	s2 =	simm.s32 @!p1 $0x0;
	s25 =	sor.u32 s11, s24;
	v10 =	vld.idx.msk [tilespmem:v11+s3+$0x0], $0xffff;
	[tilespmem:s23+$0x0] =	vst v0  }
0x157: {  	s6 =	sshll.u32 s2, $0x6;
	v11 =	vadd.s32 $0x15E, v1;
	[tilespmem:s25+$0x0] =	vst v6;
	v0 =	vld.idx.msk [tilespmem:v5+s3+$0x0], $0xffff  }
0x158: {  	s0 =	sadd.s32 $0x80, s6;
	s26 =	sor.u32 s8, s24;
	v5 =	vadd.s32 $0x15E, v3;
	v6 =	vld.idx.msk [tilespmem:v8+s3+$0x0], $0xffff  }
0x159: {  	s15 =	sadd.s32 $0x10, s0;
	[tilespmem:s26+$0x0] =	vst v7;
	v8 =	vadd.s32 $0x190, v4  }
0x15a: {  	s28 =	sor.u32 s9, s24;
	s2 =	sor.u32 $0x80, s15;
	v7 =	vld.idx.msk [tilespmem:v9+s3+$0x0], $0xffff  }
0x15b: {  	s29 =	sor.u32 s10, s24;
	s30 =	sadd.s32 $0x4C00, s12;
	v26 =	vld [tilespmem:s2+$0x380];
	v9 =	vadd.s32 $0x190, v2;
	[tilespmem:s28+$0x0] =	vst v10  }
0x15c: {  	s4 =	sor.u32 s11, s30;
	v10 =	vld.idx.msk [tilespmem:v11+s3+$0x0], $0xffff;
	[tilespmem:s29+$0x0] =	vst v0  }
0x15d: {  	s14 =	sadd.s32 $0x30, s0;
	v11 =	vadd.s32 $0x190, v1;
	[tilespmem:s4+$0x0] =	vst v6;
	v5 =	vld.idx.msk [tilespmem:v5+s3+$0x0], $0xffff  }
0x15e: {  	s5 =	sor.u32 s8, s30;
	s4 =	sor.u32 $0x80, s14;
	v6 =	vld.idx.msk [tilespmem:v8+s3+$0x0], $0xffff  }
0x15f: {  	[tilespmem:s5+$0x0] =	vst v7;
	s5 =	sadd.s32 $0x20, s0;
	v0 =	vld [tilespmem:s4+$0x380]  }
0x160: {  	s7 =	sor.u32 s9, s30;
	v8 =	vadd.s32 $0x1C2, v4;
	v7 =	vld.idx.msk [tilespmem:v9+s3+$0x0], $0xffff;
	s5 =	sor.u32 $0x80, s5  }
0x161: {  	[tilespmem:s7+$0x0] =	vst v10;
	v10 =	vadd.s32 $0x190, v3;
	v25 =	vld [tilespmem:s5+$0x380]  }
0x162: {  	s16 =	sadd.s32 $0x5400, s12;
	v9 =	vld.idx.msk [tilespmem:v11+s3+$0x0], $0xffff;
	v11 =	vadd.s32 $0x1C2, v2  }
0x163: {  	v13 =	vld.idx.msk [tilespmem:v26+s3+$0x0], $0xffff;
	s0 =	sor.u32 $0x80, s0;
	s7 =	sor.u32 s11, s16  }
0x164: {  	v12 =	vadd.s32 $0x1C2, v1;
	s1 =	sor.u32 s10, s30;
	v27 =	vld [tilespmem:s0+$0x380];
	[tilespmem:s7+$0x0] =	vst v6  }
0x165: {  	s17 =	sor.u32 s8, s16;
	[tilespmem:s1+$0x0] =	vst v5;
	v6 =	vld.idx.msk [tilespmem:v8+s3+$0x0], $0xffff  }
0x166: {  	[tilespmem:s17+$0x0] =	vst v7;
	v7 =	vadd.s32 $0x1F4, v4;
	v5 =	vld.idx.msk [tilespmem:v10+s3+$0x0], $0xffff  }
0x167: {  	s18 =	sor.u32 s9, s16;
	v8 =	vld.idx.msk [tilespmem:v11+s3+$0x0], $0xffff  }
0x168: {  	s20 =	sadd.s32 $0x5C00, s12;
	v14 =	vadd.s32 $0x32, v26;
	[tilespmem:s18+$0x0] =	vst v9;
	v11 =	vld.idx.msk [tilespmem:v0+s3+$0x0], $0xffff  }
0x169: {  	s21 =	sor.u32 s11, s20;
	[tilespmem:s2+$0x1380] =	vst v13;
	v10 =	vadd.s32 $0x1C2, v3;
	v9 =	vld.idx.msk [tilespmem:v12+s3+$0x0], $0xffff  }
0x16a: {  	s6 =	sor.u32 s10, s16;
	v12 =	vadd.s32 $0x1F4, v2;
	v15 =	vld.idx.msk [tilespmem:v25+s3+$0x0], $0xffff;
	[tilespmem:s21+$0x0] =	vst v6  }
0x16b: {  	s23 =	sor.u32 s8, s20;
	v6 =	vadd.s32 $0x32, v0;
	v7 =	vld.idx.msk [tilespmem:v7+s3+$0x0], $0xffff;
	[tilespmem:s6+$0x0] =	vst v5  }
0x16c: {  	v16 =	vadd.s32 $0x32, v25;
	v5 =	vld.idx.msk [tilespmem:v27+s3+$0x0], $0xffff;
	[tilespmem:s23+$0x0] =	vst v8  }
0x16d: {  	s24 =	sor.u32 s9, s20;
	v14 =	vld.idx.msk [tilespmem:v14+s3+$0x0], $0xffff;
	v8 =	vadd.s32 $0x226, v4;
	[tilespmem:s4+$0x1380] =	vst v11  }
0x16e: {  	s25 =	sadd.s32 $0x6400, s12;
	s17 =	simm.s32 $0x80;
	v10 =	vld.idx.msk [tilespmem:v10+s3+$0x0], $0xffff;
	[tilespmem:s24+$0x0] =	vst v9;
	v9 =	vadd.s32 $0x32, v27  }
0x16f: {  	s26 =	sor.u32 s11, s25;
	s16 =	sand.u32 $0x700, s17;
	v11 =	vld.idx.msk [tilespmem:v12+s3+$0x0], $0xffff;
	v12 =	vadd.s32 $0x1F4, v1;
	[tilespmem:s5+$0x1380] =	vst v15  }
0x170: {  	s29 =	sadd.s32 $0x1C00, s16;
	v15 =	vadd.s32 $0x64, v26;
	v6 =	vld.idx.msk [tilespmem:v6+s3+$0x0], $0xffff;
	[tilespmem:s26+$0x0] =	vst v7  }
0x171: {  	v13 =	vadd.s32 $0x1F4, v3;
	s5 =	sor.u32 s22, s29;
	[tilespmem:s0+$0x1380] =	vst v5;
	v5 =	vld.idx.msk [tilespmem:v16+s3+$0x0], $0xffff  }
0x172: {  	s1 =	sor.u32 s10, s20;
	[tilespmem:s5+$0x0] =	vst v14;
	v7 =	vadd.s32 $0x64, v0;
	v8 =	vld.idx.msk [tilespmem:v8+s3+$0x0], $0xffff  }
0x173: {  	s28 =	sor.u32 s8, s25;
	[tilespmem:s1+$0x0] =	vst v10;
	v10 =	vadd.s32 $0x258, v4;
	v9 =	vld.idx.msk [tilespmem:v9+s3+$0x0], $0xffff  }
0x174: {  	v16 =	vadd.s32 $0x64, v25;
	[tilespmem:s28+$0x0] =	vst v11;
	v11 =	vld.idx.msk [tilespmem:v12+s3+$0x0], $0xffff  }
0x175: {  	s30 =	sor.u32 s31, s29;
	s1 =	sadd.s32 $0x6C00, s12;
	v12 =	vadd.s32 $0x64, v27;
	v15 =	vld.idx.msk [tilespmem:v15+s3+$0x0], $0xffff  }
0x176: {  	s6 =	sor.u32 s11, s1;
	[tilespmem:s30+$0x0] =	vst v6;
	v6 =	vld.idx.msk [tilespmem:v13+s3+$0x0], $0xffff;
	v13 =	vadd.s32 $0x226, v2  }
0x177: {  	s7 =	sor.u32 s13, s29;
	v14 =	vadd.s32 $0x226, v1;
	v7 =	vld.idx.msk [tilespmem:v7+s3+$0x0], $0xffff;
	[tilespmem:s6+$0x0] =	vst v8  }
0x178: {  	s14 =	sor.u32 s19, s29;
	[tilespmem:s7+$0x0] =	vst v5;
	v5 =	vadd.s32 $0x96, v0;
	v8 =	vld.idx.msk [tilespmem:v10+s3+$0x0], $0xffff  }
0x179: {  	s15 =	sor.u32 s9, s25;
	v10 =	vadd.s32 $0x96, v26;
	[tilespmem:s14+$0x0] =	vst v9;
	v9 =	vld.idx.msk [tilespmem:v16+s3+$0x0], $0xffff  }
0x17a: {  	s18 =	sor.u32 s10, s25;
	s20 =	sadd.s32 $0x2400, s16;
	[tilespmem:s15+$0x0] =	vst v11;
	v11 =	vadd.s32 $0x28A, v4;
	v12 =	vld.idx.msk [tilespmem:v12+s3+$0x0], $0xffff  }
0x17b: {  	s21 =	sor.u32 s31, s20;
	v16 =	vadd.s32 $0x96, v25;
	[tilespmem:s18+$0x0] =	vst v6;
	v6 =	vld.idx.msk [tilespmem:v13+s3+$0x0], $0xffff  }
0x17c: {  	s2 =	sadd.s32 $0x7400, s12;
	s23 =	sor.u32 s22, s20;
	v13 =	vadd.s32 $0x96, v27;
	[tilespmem:s21+$0x0] =	vst v7;
	v7 =	vld.idx.msk [tilespmem:v14+s3+$0x0], $0xffff  }
0x17d: {  	s24 =	sor.u32 s11, s2;
	[tilespmem:s23+$0x0] =	vst v15;
	v14 =	vadd.s32 $0x226, v3;
	v5 =	vld.idx.msk [tilespmem:v5+s3+$0x0], $0xffff  }
0x17e: {  	s25 =	sor.u32 s13, s20;
	v15 =	vadd.s32 $0x258, v2;
	v10 =	vld.idx.msk [tilespmem:v10+s3+$0x0], $0xffff;
	[tilespmem:s24+$0x0] =	vst v8  }
0x17f: {  	s26 =	sor.u32 s19, s20;
	[tilespmem:s25+$0x0] =	vst v9;
	v8 =	vadd.s32 $0xC8, v0;
	v9 =	vld.idx.msk [tilespmem:v11+s3+$0x0], $0xffff  }
0x180: {  	s28 =	sor.u32 s8, s1;
	v11 =	vadd.s32 $0xC8, v26;
	[tilespmem:s26+$0x0] =	vst v12;
	v12 =	vld.idx.msk [tilespmem:v16+s3+$0x0], $0xffff  }
0x181: {  	s29 =	sor.u32 s9, s1;
	s30 =	sadd.s32 $0x2C00, s16;
	v13 =	vld.idx.msk [tilespmem:v13+s3+$0x0], $0xffff;
	[tilespmem:s28+$0x0] =	vst v6;
	v6 =	vadd.s32 $0x2BC, v4  }
0x182: {  	s6 =	sor.u32 s31, s30;
	v16 =	vadd.s32 $0xC8, v25;
	v14 =	vld.idx.msk [tilespmem:v14+s3+$0x0], $0xffff;
	[tilespmem:s29+$0x0] =	vst v7  }
0x183: {  	s0 =	sadd.s32 $0x7C00, s12;
	s7 =	sor.u32 s22, s30;
	v7 =	vadd.s32 $0xC8, v27;
	[tilespmem:s6+$0x0] =	vst v5;
	v5 =	vld.idx.msk [tilespmem:v15+s3+$0x0], $0xffff  }
0x184: {  	s14 =	sor.u32 s11, s0;
	v15 =	vadd.s32 $0x258, v1;
	[tilespmem:s7+$0x0] =	vst v10;
	v8 =	vld.idx.msk [tilespmem:v8+s3+$0x0], $0xffff  }
0x185: {  	s15 =	sor.u32 s13, s30;
	v10 =	vadd.s32 $0x258, v3;
	v11 =	vld.idx.msk [tilespmem:v11+s3+$0x0], $0xffff;
	[tilespmem:s14+$0x0] =	vst v9  }
0x186: {  	s18 =	sor.u32 s19, s30;
	[tilespmem:s15+$0x0] =	vst v12;
	v9 =	vadd.s32 $0xFA, v0;
	v6 =	vld.idx.msk [tilespmem:v6+s3+$0x0], $0xffff  }
0x187: {  	s1 =	sor.u32 s10, s1;
	v12 =	vadd.s32 $0xFA, v26;
	[tilespmem:s18+$0x0] =	vst v13;
	v13 =	vld.idx.msk [tilespmem:v16+s3+$0x0], $0xffff  }
0x188: {  	s20 =	sor.u32 s8, s2;
	s21 =	sadd.s32 $0x3400, s16;
	v4 =	vadd.s32 $0x2EE, v4;
	v7 =	vld.idx.msk [tilespmem:v7+s3+$0x0], $0xffff;
	[tilespmem:s1+$0x0] =	vst v14  }
0x189: {  	s23 =	sor.u32 s31, s21;
	v14 =	vadd.s32 $0xFA, v25;
	[tilespmem:s20+$0x0] =	vst v5;
	v5 =	vld.idx.msk [tilespmem:v15+s3+$0x0], $0xffff  }
0x18a: {  	s24 =	sor.u32 s22, s21;
	s1 =	sadd.s32 $0x8400, s12;
	v15 =	vadd.s32 $0xFA, v27;
	[tilespmem:s23+$0x0] =	vst v8;
	v8 =	vld.idx.msk [tilespmem:v10+s3+$0x0], $0xffff  }
0x18b: {  	s25 =	sor.u32 s11, s1;
	v10 =	vadd.s32 $0x28A, v2;
	[tilespmem:s24+$0x0] =	vst v11;
	v9 =	vld.idx.msk [tilespmem:v9+s3+$0x0], $0xffff  }
0x18c: {  	s26 =	sor.u32 s13, s21;
	v11 =	vadd.s32 $0x28A, v1;
	v12 =	vld.idx.msk [tilespmem:v12+s3+$0x0], $0xffff;
	[tilespmem:s25+$0x0] =	vst v6  }
0x18d: {  	s28 =	sor.u32 s19, s21;
	[tilespmem:s26+$0x0] =	vst v13;
	v6 =	vadd.s32 $0x12C, v0;
	v4 =	vld.idx.msk [tilespmem:v4+s3+$0x0], $0xffff  }
0x18e: {  	s29 =	sor.u32 s9, s2;
	v13 =	vadd.s32 $0x12C, v26;
	[tilespmem:s28+$0x0] =	vst v7;
	v7 =	vld.idx.msk [tilespmem:v14+s3+$0x0], $0xffff  }
0x18f: {  	s30 =	sadd.s32 $0x3C00, s16;
	s2 =	sor.u32 s10, s2;
	v14 =	vadd.s32 $0x28A, v3;
	v15 =	vld.idx.msk [tilespmem:v15+s3+$0x0], $0xffff;
	[tilespmem:s29+$0x0] =	vst v5  }
0x190: {  	s5 =	sor.u32 s31, s30;
	v5 =	vadd.s32 $0x12C, v25;
	[tilespmem:s2+$0x0] =	vst v8;
	v8 =	vld.idx.msk [tilespmem:v10+s3+$0x0], $0xffff  }
0x191: {  	s7 =	sor.u32 s22, s30;
	s14 =	sadd.s32 $0x8C00, s12;
	v10 =	vadd.s32 $0x12C, v27;
	[tilespmem:s5+$0x0] =	vst v9;
	v9 =	vld.idx.msk [tilespmem:v11+s3+$0x0], $0xffff  }
0x192: {  	s15 =	sor.u32 s11, s14;
	v11 =	vadd.s32 $0x2BC, v2;
	[tilespmem:s7+$0x0] =	vst v12;
	v6 =	vld.idx.msk [tilespmem:v6+s3+$0x0], $0xffff  }
0x193: {  	s18 =	sor.u32 s13, s30;
	v12 =	vadd.s32 $0x2BC, v1;
	v28 =	vld.idx.msk [tilespmem:v13+s3+$0x0], $0xffff;
	[tilespmem:s15+$0x0] =	vst v4  }
0x194: {  	v34 =	vadd.s32 $0x2EE, v2;
	v39 =	vadd.s32 $0x2EE, v1;
	s20 =	sor.u32 s19, s30;
	[tilespmem:s18+$0x0] =	vst v7;
	v7 =	vadd.s32 $0x15E, v0;
	v29 =	vld.idx.msk [tilespmem:v14+s3+$0x0], $0xffff  }
0x195: {  	v38 =	vadd.s32 $0x2EE, v3;
	s21 =	sor.u32 s8, s0;
	v4 =	vadd.s32 $0x2BC, v3;
	v3 =	vadd.s32 $0x15E, v26;
	[tilespmem:s20+$0x0] =	vst v15;
	v5 =	vld.idx.msk [tilespmem:v5+s3+$0x0], $0xffff  }
0x196: {  	v24 =	vadd.s32 $0x190, v26;
	v20 =	vadd.s32 $0x1C2, v26;
	v17 =	vadd.s32 $0x1F4, v26;
	s23 =	sor.u32 s9, s0;
	s24 =	sadd.s32 $0x4400, s16;
	v61 =	vld.idx.msk [tilespmem:v10+s3+$0x0], $0xffff;
	[tilespmem:s21+$0x0] =	vst v8  }
0x197: {  	v42 =	vadd.s32 $0x28A, v26;
	v41 =	vadd.s32 $0x2BC, v26;
	v60 =	vadd.s32 $0x15E, v25;
	s25 =	sor.u32 s31, s24;
	v62 =	vld.idx.msk [tilespmem:v11+s3+$0x0], $0xffff;
	[tilespmem:s23+$0x0] =	vst v9  }
0x198: {  	v33 =	vadd.s32 $0x15E, v27;
	v22 =	vadd.s32 $0x190, v27;
	v19 =	vadd.s32 $0x1C2, v27;
	s26 =	sor.u32 s22, s24;
	[tilespmem:s25+$0x0] =	vst v6;
	v63 =	vld.idx.msk [tilespmem:v12+s3+$0x0], $0xffff  }
0x199: {  	v23 =	vadd.s32 $0x190, v25;
	v21 =	vadd.s32 $0x1C2, v25;
	v18 =	vadd.s32 $0x1F4, v25;
	s0 =	sor.u32 s10, s0;
	[tilespmem:s26+$0x0] =	vst v28;
	v31 =	vld.idx.msk [tilespmem:v7+s3+$0x0], $0xffff  }
0x19a: {  	p1 =	por !p1, !p1;
	v40 =	vadd.s32 $0x2BC, v25;
	v16 =	vadd.s32 $0x1F4, v27;
	s28 =	sor.u32 s13, s24;
	v13 =	vadd.s32 $0x226, v26;
	[tilespmem:s0+$0x0] =	vst v29;
	v30 =	vld.idx.msk [tilespmem:v3+s3+$0x0], $0xffff  }
0x19b: {  	s4 =	sor.u32 s9, s14;
	s30 =	sor.u32 s9, s1;
	s6 =	sor.u32 s19, s24;
	v14 =	vadd.s32 $0x226, v27;
	v15 =	vadd.s32 $0x226, v25;
	v10 =	vadd.s32 $0x258, v27;
	[tilespmem:s28+$0x0] =	vst v5;
	v29 =	vld.idx.msk [tilespmem:v4+s3+$0x0], $0xffff  }
0x19c: {  	s29 =	sor.u32 s8, s1;
	s2 =	sor.u32 s10, s1;
	s1 =	sor.u32 s10, s14;
	v8 =	vadd.s32 $0x28A, v27;
	v11 =	vadd.s32 $0x258, v25;
	v9 =	vadd.s32 $0x28A, v25;
	[tilespmem:s6+$0x0] =	vst v61;
	v32 =	vld.idx.msk [tilespmem:v60+s3+$0x0], $0xffff  }
0x19d: {  	s5 =	sor.u32 s8, s14;
	s23 =	simm.s32 $0x40;
	v12 =	vadd.s32 $0x258, v26;
	v6 =	vadd.s32 $0x2BC, v27;
	v7 =	vadd.s32 $0x2EE, v26;
	s6 =	sadd.s32 $0x4C00, s16;
	[tilespmem:s29+$0x0] =	vst v62;
	v28 =	vld.idx.msk [tilespmem:v33+s3+$0x0], $0xffff  }
0x19e: {  	s0 =	simm.s32 $0x4;
	v26 =	vadd.s32 $0x2EE, v25;
	v25 =	vadd.s32 $0x2EE, v27;
	v33 =	vadd.s32 $0x190, v0;
	s10 =	sor.u32 s19, s6;
	s8 =	sor.u32 s31, s6;
	[tilespmem:s30+$0x0] =	vst v63;
	v27 =	vld.idx.msk [tilespmem:v34+s3+$0x0], $0xffff  }
.LBB2_5:
0x19f: {  	s9 =	sor.u32 s22, s6  }
0x1a0: {  	s7 =	simm.s32 $0x1;
	[tilespmem:s9+$0x0] =	vst v30  }
0x1a1: {  	s7 =	simm.s32 @!p1 $0x0;
	v24 =	vld.idx.msk [tilespmem:v24+s3+$0x0], $0xffff;
	[tilespmem:s2+$0x0] =	vst v29  }
0x1a2: {  	s17 =	sadd.s32 $0x80, s17;
	s7 =	sshll.u32 s7, $0x6;
	[tilespmem:s8+$0x0] =	vst v31;
	v31 =	vld.idx.msk [tilespmem:v39+s3+$0x0], $0xffff  }
0x1a3: {  	[tilespmem:$0x1FF50] =	vst v41;
	s20 =	sor.u32 s13, s6;
	s7 =	sadd.s32 s7, s17;
	v30 =	vld.idx.msk [tilespmem:v38+s3+$0x0], $0xffff  }
0x1a4: {  	v1 =	vmov v26;
	s11 =	sadd.s32 $0x30, s7;
	[tilespmem:s20+$0x0] =	vst v32;
	v26 =	vld.idx.msk [tilespmem:v33+s3+$0x0], $0xffff  }
0x1a5: {  	[tilespmem:$0x1FF70] =	vst v1;
	s21 =	sadd.s32 $0x10, s7;
	s26 =	sor.u32 $0x80, s11;
	v23 =	vld.idx.msk [tilespmem:v23+s3+$0x0], $0xffff  }
0x1a6: {  	s28 =	sadd.s32 $0x5400, s16;
	[tilespmem:s5+$0x0] =	vst v27;
	s25 =	sor.u32 $0x80, s21;
	v33 =	vld [tilespmem:s26+$0x380]  }
0x1a7: {  	s30 =	sor.u32 s22, s28;
	v29 =	vadd.s32 $0x1C2, v0;
	v1 =	vmov v25;
	[tilespmem:s10+$0x0] =	vst v28;
	s2 =	sor.u32 $0x80, s7;
	v25 =	vld [tilespmem:s25+$0x380]  }
0x1a8: {  	s24 =	sadd.s32 $0x20, s7;
	v53 =	vld [tilespmem:s2+$0x380];
	[tilespmem:s30+$0x0] =	vst v24  }
0x1a9: {  	s6 =	sor.u32 $0x80, s24;
	v20 =	vld.idx.msk [tilespmem:v20+s3+$0x0], $0xffff;
	[tilespmem:s4+$0x0] =	vst v31  }
0x1aa: {  	s12 =	sor.u32 s31, s28;
	[tilespmem:s1+$0x0] =	vst v30;
	v52 =	vld [tilespmem:s6+$0x380]  }
0x1ab: {  	s14 =	sor.u32 s13, s28;
	[tilespmem:s12+$0x0] =	vst v26;
	v22 =	vld.idx.msk [tilespmem:v22+s3+$0x0], $0xffff  }
0x1ac: {  	[tilespmem:s14+$0x0] =	vst v23;
	v24 =	vld.idx.msk [tilespmem:v29+s3+$0x0], $0xffff  }
0x1ad: {  	[tilespmem:$0x1FFA0] =	vst v7;
	s15 =	sadd.s32 $0x5C00, s16;
	v23 =	vadd.s32 $0x1F4, v0;
	v21 =	vld.idx.msk [tilespmem:v21+s3+$0x0], $0xffff  }
0x1ae: {  	[tilespmem:$0x1FF80] =	vst v1;
	s20 =	sor.u32 s22, s15;
	v62 =	vld.idx.msk [tilespmem:v33+s3+$0x0], $0xffff  }
0x1af: {  	s29 =	sor.u32 s19, s28;
	v63 =	vld.idx.msk [tilespmem:v25+s3+$0x0], $0xffff;
	[tilespmem:s20+$0x0] =	vst v20  }
0x1b0: {  	s21 =	sor.u32 s31, s15;
	v44 =	vadd.s32 $0x32, v33;
	[tilespmem:s29+$0x0] =	vst v22;
	v38 =	vld.idx.msk [tilespmem:v17+s3+$0x0], $0xffff  }
0x1b1: {  	v1 =	vadd.s32 $0x15E, v53;
	v26 =	vadd.s32 $0x32, v25;
	[tilespmem:s21+$0x0] =	vst v24;
	v50 =	vld.idx.msk [tilespmem:v53+s3+$0x0], $0xffff  }
0x1b2: {  	s1 =	sor.u32 s13, s15;
	v39 =	vadd.s32 $0x32, v53;
	[tilespmem:$0x1FF90] =	vst v1;
	v45 =	vld.idx.msk [tilespmem:v23+s3+$0x0], $0xffff  }
0x1b3: {  	v51 =	vadd.s32 $0x226, v0;
	v47 =	vld.idx.msk [tilespmem:v52+s3+$0x0], $0xffff;
	[tilespmem:s1+$0x0] =	vst v21  }
0x1b4: {  	v35 =	vadd.s32 $0x32, v52;
	v57 =	vld.idx.msk [tilespmem:v19+s3+$0x0], $0xffff;
	[tilespmem:s26+$0x1380] =	vst v62  }
0x1b5: {  	s24 =	sadd.s32 $0x6400, s16;
	[tilespmem:s25+$0x1380] =	vst v63;
	v58 =	vld.idx.msk [tilespmem:v44+s3+$0x0], $0xffff  }
0x1b6: {  	v54 =	vadd.s32 $0x64, v25;
	v1 =	vadd.s32 $0x64, v33;
	s26 =	sor.u32 s31, s24;
	v60 =	vld.idx.msk [tilespmem:v26+s3+$0x0], $0xffff;
	[tilespmem:s2+$0x1380] =	vst v50  }
0x1b7: {  	s23 =	sadd.s32 $0x40, s23;
	v55 =	vadd.s32 $0x64, v52;
	v46 =	vadd.s32 $0x96, v52;
	v41 =	vadd.s32 $0xC8, v52;
	[tilespmem:s26+$0x0] =	vst v45;
	v5 =	vld.idx.msk [tilespmem:v39+s3+$0x0], $0xffff  }
0x1b8: {  	v36 =	vadd.s32 $0xFA, v52;
	v30 =	vadd.s32 $0x12C, v52;
	v28 =	vadd.s32 $0x15E, v52;
	s1 =	sand.u32 $0x700, s17;
	s25 =	sor.u32 s22, s24;
	[tilespmem:s6+$0x1380] =	vst v47;
	v2 =	vld.idx.msk [tilespmem:v51+s3+$0x0], $0xffff;
	s6 =	sand.u32 $0x40, s23  }
0x1b9: {  	s18 =	sor.u32 s19, s15;
	v23 =	vadd.s32 $0x190, v52;
	v21 =	vadd.s32 $0x1C2, v52;
	v63 =	vadd.s32 $0x226, v52;
	s29 =	sadd.s32 $0x1C00, s1;
	[tilespmem:s25+$0x0] =	vst v38;
	v4 =	vld.idx.msk [tilespmem:v35+s3+$0x0], $0xffff;
	s8 =	sor.u32 $0x30, s6  }
0x1ba: {  	v7 =	vmovc v6;
	v26 =	vadd.s32 $0x1F4, v52;
	v45 =	vadd.s32 $0x28A, v52;
	[tilespmem:s18+$0x0] =	vst v57;
	v57 =	vadd.s32 $0x258, v0;
	s9 =	sor.u32 $0x10, s6;
	v6 =	vld.idx.msk [tilespmem:v18+s3+$0x0], $0xffff;
	s12 =	sor.u32 s8, s29  }
0x1bb: {  	v39 =	vadd.s32 $0x2BC, v52;
	v51 =	vadd.s32 $0x258, v52;
	v18 =	vmovc v26;
	v26 =	vadd.s32 $0x2EE, v52;
	v52 =	vld.idx.msk [tilespmem:v16+s3+$0x0], $0xffff;
	s18 =	sor.u32 s9, s29;
	[tilespmem:s12+$0x0] =	vst v58  }
0x1bc: {  	v56 =	vadd.s32 $0x64, v53;
	s20 =	sadd.s32 $0x6C00, s16;
	s30 =	sor.u32 s6, s29;
	[tilespmem:s18+$0x0] =	vst v60;
	v1 =	vld.idx.msk [tilespmem:v1+s3+$0x0], $0xffff  }
0x1bd: {  	s15 =	sor.u32 s31, s20;
	s10 =	sor.u32 $0x20, s6;
	v58 =	vld.idx.msk [tilespmem:v54+s3+$0x0], $0xffff;
	[tilespmem:s30+$0x0] =	vst v5  }
0x1be: {  	s14 =	sor.u32 s10, s29;
	v60 =	vld.idx.msk [tilespmem:v13+s3+$0x0], $0xffff;
	[tilespmem:s15+$0x0] =	vst v2;
	v2 =	vadd.s32 $0x96, v33  }
0x1bf: {  	s28 =	sor.u32 s13, s24;
	v48 =	vadd.s32 $0x96, v25;
	[tilespmem:s14+$0x0] =	vst v4;
	v4 =	vld.idx.msk [tilespmem:v57+s3+$0x0], $0xffff  }
0x1c0: {  	s4 =	sor.u32 s19, s24;
	v59 =	vadd.s32 $0x1F4, v53;
	s24 =	sadd.s32 $0x2400, s1;
	v5 =	vld.idx.msk [tilespmem:v55+s3+$0x0], $0xffff;
	[tilespmem:s28+$0x0] =	vst v6;
	v6 =	vadd.s32 $0x28A, v0  }
0x1c1: {  	v16 =	vmov v59;
	v59 =	vld.idx.msk [tilespmem:v56+s3+$0x0], $0xffff;
	[tilespmem:s4+$0x0] =	vst v52;
	s28 =	sor.u32 s8, s24  }
0x1c2: {  	v49 =	vadd.s32 $0x96, v53;
	s26 =	sor.u32 s9, s24;
	s29 =	sadd.s32 $0x7400, s16;
	[tilespmem:s28+$0x0] =	vst v1;
	v1 =	vld.idx.msk [tilespmem:v15+s3+$0x0], $0xffff  }
0x1c3: {  	s30 =	sor.u32 s31, s29;
	[tilespmem:s26+$0x0] =	vst v58;
	v2 =	vld.idx.msk [tilespmem:v2+s3+$0x0], $0xffff  }
0x1c4: {  	s18 =	sor.u32 s10, s24;
	v48 =	vld.idx.msk [tilespmem:v48+s3+$0x0], $0xffff;
	[tilespmem:s30+$0x0] =	vst v4  }
0x1c5: {  	s25 =	sor.u32 s6, s24;
	v4 =	vadd.s32 $0xC8, v33;
	[tilespmem:s18+$0x0] =	vst v5;
	v5 =	vld.idx.msk [tilespmem:v6+s3+$0x0], $0xffff  }
0x1c6: {  	v27 =	vmov v42;
	v42 =	vadd.s32 $0xC8, v25;
	s21 =	sor.u32 s22, s20;
	[tilespmem:s25+$0x0] =	vst v59;
	v6 =	vld.idx.msk [tilespmem:v46+s3+$0x0], $0xffff  }
0x1c7: {  	s2 =	sor.u32 s19, s20;
	s12 =	sor.u32 s13, s20;
	s20 =	sadd.s32 $0x2C00, s1;
	[tilespmem:s21+$0x0] =	vst v60;
	v56 =	vld.idx.msk [tilespmem:v49+s3+$0x0], $0xffff  }
0x1c8: {  	v43 =	vadd.s32 $0xC8, v53;
	s25 =	sor.u32 s8, s20;
	v58 =	vld.idx.msk [tilespmem:v14+s3+$0x0], $0xffff;
	[tilespmem:s12+$0x0] =	vst v1  }
0x1c9: {  	s24 =	sor.u32 s9, s20;
	v1 =	vld.idx.msk [tilespmem:v12+s3+$0x0], $0xffff;
	[tilespmem:s25+$0x0] =	vst v2  }
0x1ca: {  	v3 =	vadd.s32 $0x258, v25;
	v57 =	vadd.s32 $0x2BC, v0;
	s21 =	sor.u32 s6, s20;
	s20 =	sor.u32 s10, s20;
	[tilespmem:s24+$0x0] =	vst v48;
	v2 =	vld.idx.msk [tilespmem:v4+s3+$0x0], $0xffff  }
0x1cb: {  	s26 =	sadd.s32 $0x7C00, s16;
	v12 =	vmov v3;
	v3 =	vld.idx.msk [tilespmem:v42+s3+$0x0], $0xffff;
	v4 =	vadd.s32 $0xFA, v33;
	[tilespmem:s20+$0x0] =	vst v6  }
0x1cc: {  	v34 =	vadd.s32 $0xFA, v25;
	s5 =	sor.u32 s13, s29;
	s28 =	sor.u32 s31, s26;
	[tilespmem:s21+$0x0] =	vst v56;
	v6 =	vld.idx.msk [tilespmem:v41+s3+$0x0], $0xffff  }
0x1cd: {  	s15 =	sor.u32 s22, s29;
	s4 =	sor.u32 s19, s29;
	s29 =	sadd.s32 $0x3400, s1;
	[tilespmem:s28+$0x0] =	vst v5;
	v59 =	vld.idx.msk [tilespmem:v43+s3+$0x0], $0xffff  }
0x1ce: {  	s24 =	sor.u32 s8, s29;
	[tilespmem:s15+$0x0] =	vst v1;
	v1 =	vld.idx.msk [tilespmem:v11+s3+$0x0], $0xffff  }
0x1cf: {  	s21 =	sor.u32 s9, s29;
	v5 =	vld.idx.msk [tilespmem:v57+s3+$0x0], $0xffff;
	[tilespmem:s24+$0x0] =	vst v2  }
0x1d0: {  	s7 =	sor.u32 s10, s29;
	[tilespmem:s21+$0x0] =	vst v3;
	v3 =	vld.idx.msk [tilespmem:v4+s3+$0x0], $0xffff  }
0x1d1: {  	v61 =	vadd.s32 $0x226, v25;
	v4 =	vld.idx.msk [tilespmem:v34+s3+$0x0], $0xffff;
	[tilespmem:s7+$0x0] =	vst v6  }
0x1d2: {  	v32 =	vadd.s32 $0x12C, v25;
	v13 =	vmov v61;
	v61 =	vld.idx.msk [tilespmem:v36+s3+$0x0], $0xffff  }
0x1d3: {  	s11 =	sor.u32 s19, s26;
	s14 =	sor.u32 s22, s26;
	[tilespmem:s5+$0x0] =	vst v1;
	v1 =	vld.idx.msk [tilespmem:v27+s3+$0x0], $0xffff  }
0x1d4: {  	v37 =	vadd.s32 $0xFA, v53;
	s30 =	sor.u32 s6, s29;
	s12 =	sor.u32 s13, s26;
	s26 =	sadd.s32 $0x3C00, s1;
	[tilespmem:s2+$0x0] =	vst v58  }
0x1d5: {  	s25 =	sadd.s32 $0x8400, s16;
	s29 =	sor.u32 s9, s26;
	v2 =	vld.idx.msk [tilespmem:v10+s3+$0x0], $0xffff;
	[tilespmem:s30+$0x0] =	vst v59  }
0x1d6: {  	s21 =	sor.u32 s31, s25;
	[tilespmem:s29+$0x0] =	vst v4  }
0x1d7: {  	v60 =	vadd.s32 $0x2EE, v0;
	v0 =	vmov v33;
	[tilespmem:s21+$0x0] =	vst v5;
	v4 =	vld.idx.msk [tilespmem:v32+s3+$0x0], $0xffff  }
0x1d8: {  	v62 =	vadd.s32 $0x226, v53;
	v5 =	vadd.s32 $0x12C, v0;
	[tilespmem:s14+$0x0] =	vst v1;
	v1 =	vld [tilespmem:$0x1FF50]  }
0x1d9: {  	v14 =	vmov v62;
	v62 =	vld.idx.msk [tilespmem:v37+s3+$0x0], $0xffff  }
0x1da: {  	[tilespmem:s4+$0x0] =	vst v2;
	v2 =	vld.idx.msk [tilespmem:v9+s3+$0x0], $0xffff  }
0x1db: {  	s30 =	sor.u32 s8, s26  }
0x1dc: {  	v6 =	vld.idx.msk [tilespmem:v60+s3+$0x0], $0xffff;
	s7 =	sor.u32 s10, s26;
	[tilespmem:s30+$0x0] =	vst v3  }
0x1dd: {  	v3 =	vld.idx.msk [tilespmem:v5+s3+$0x0], $0xffff;
	[tilespmem:s7+$0x0] =	vst v61  }
0x1de: {  	[tilespmem:$0x1FF60] =	vst v40;
	v40 =	vadd.s32 $0x2BC, v25;
	v15 =	vmov v63;
	s18 =	sor.u32 s22, s25;
	s2 =	sor.u32 s19, s25;
	s28 =	sor.u32 s6, s26;
	v63 =	vld.idx.msk [tilespmem:v30+s3+$0x0], $0xffff  }
0x1df: {  	v29 =	vadd.s32 $0x15E, v25;
	s15 =	sor.u32 s13, s25;
	s24 =	sadd.s32 $0x8C00, s16;
	s16 =	smov.u32 s1;
	[tilespmem:s12+$0x0] =	vst v2;
	v2 =	vld [tilespmem:$0x1FF60]  }
0x1e0: {  	s25 =	sor.u32 s31, s24;
	s31 =	smov.u32 s8;
	s26 =	sadd.s32 $0x4400, s16;
	v1 =	vld.idx.msk [tilespmem:v1+s3+$0x0], $0xffff  }
0x1e1: {  	v31 =	vadd.s32 $0x12C, v53;
	v41 =	vmov v40;
	v40 =	vmov v39;
	v39 =	vld [tilespmem:$0x1FF70];
	s5 =	sor.u32 s22, s24;
	s22 =	smov.u32 s9;
	s30 =	sor.u32 s31, s26;
	[tilespmem:s25+$0x0] =	vst v6  }
0x1e2: {  	s29 =	sor.u32 s22, s26;
	v5 =	vadd.s32 $0x15E, v0;
	v6 =	vld.idx.msk [tilespmem:v8+s3+$0x0], $0xffff;
	[tilespmem:s30+$0x0] =	vst v3  }
0x1e3: {  	v3 =	vld [tilespmem:$0x1FF90];
	[tilespmem:s29+$0x0] =	vst v4  }
0x1e4: {  	[tilespmem:s28+$0x0] =	vst v62;
	v30 =	vld.idx.msk [tilespmem:v29+s3+$0x0], $0xffff  }
0x1e5: {  	[tilespmem:s18+$0x0] =	vst v1;
	v1 =	vld [tilespmem:$0x1FFA0]  }
0x1e6: {  	s0 =	sadd.s32 $0x4, s0;
	v34 =	vld.idx.msk [tilespmem:v31+s3+$0x0], $0xffff  }
0x1e7: {  	p2 =	slt.u32 s0, $0x3C;
	v31 =	vld.idx.msk [tilespmem:v5+s3+$0x0], $0xffff  }
0x1e8: {  	v38 =	vadd.s32 $0x2BC, v53;
	s1 =	sor.u32 s19, s24;
	s4 =	sor.u32 s13, s24;
	s13 =	smov.u32 s10;
	v2 =	vld.idx.msk [tilespmem:v2+s3+$0x0], $0xffff  }
.Ltmp3:
0x1e9: {  	v20 =	vadd.s32 $0x1C2, v25;
	v22 =	vadd.s32 $0x190, v53;
	s19 =	smov.u32 s6;
	s6 =	sor.u32 s13, s26;
	[tilespmem:s11+$0x0] =	vst v6;
	v6 =	vmov v38;
	v38 =	vld [tilespmem:$0x1FF80];
	(pc) =	sbr.rel @p2 .LBB2_5-.Ltmp3, $4  }
0x1ea: {  	v17 =	vadd.s32 $0x1F4, v25;
	v24 =	vadd.s32 $0x190, v25;
	v19 =	vadd.s32 $0x1C2, v53;
	s28 =	sor.u32 s19, s26;
	[tilespmem:s6+$0x0] =	vst v63;
	v29 =	vld.idx.msk [tilespmem:v7+s3+$0x0], $0xffff  }
0x1eb: {  	v44 =	vadd.s32 $0x28A, v53;
	v50 =	vadd.s32 $0x258, v53;
	v47 =	vadd.s32 $0x28A, v25;
	[tilespmem:s28+$0x0] =	vst v34;
	v32 =	vld.idx.msk [tilespmem:v28+s3+$0x0], $0xffff  }
0x1ec: {  	v35 =	vadd.s32 $0x2EE, v25;
	v25 =	vadd.s32 $0x2EE, v53;
	v42 =	vmovc v47;
	v33 =	vadd.s32 $0x190, v0;
	s6 =	sadd.s32 $0x4C00, s16;
	v28 =	vld.idx.msk [tilespmem:v3+s3+$0x0], $0xffff  }
0x1ed: {  	p1 =	por !p1, !p1;
	v11 =	vmovc v51;
	v10 =	vmovc v50;
	v9 =	vmov v45;
	v8 =	vmov v44;
	v7 =	vmov v35;
	s10 =	sor.u32 s19, s6;
	s8 =	sor.u32 s31, s6;
	[tilespmem:s15+$0x0] =	vst v2;
	v27 =	vld.idx.msk [tilespmem:v1+s3+$0x0], $0xffff  }
0x1ee: {  	_ =	sdelay $0x2  }
0x1ef: {  	[tilespmem:s8+$0x0] =	vst v31;
	s0 =	sor.u32 s22, s6  }
0x1f0: {  	s25 =	sor.u32 s13, s6;
	[tilespmem:s0+$0x0] =	vst v30;
	v1 =	vld.idx.msk [tilespmem:v33+s3+$0x0], $0xffff  }
0x1f1: {  	v3 =	vadd.s32 $0x1C2, v0;
	v2 =	vld.idx.msk [tilespmem:v24+s3+$0x0], $0xffff;
	[tilespmem:s25+$0x0] =	vst v32  }
0x1f2: {  	[tilespmem:s10+$0x0] =	vst v28;
	v4 =	vld.idx.msk [tilespmem:v23+s3+$0x0], $0xffff  }
0x1f3: {  	s26 =	sadd.s32 $0x5400, s16;
	v5 =	vld.idx.msk [tilespmem:v22+s3+$0x0], $0xffff  }
0x1f4: {  	s30 =	sor.u32 s31, s26  }
0x1f5: {  	s7 =	sor.u32 s22, s26;
	[tilespmem:s30+$0x0] =	vst v1  }
0x1f6: {  	s8 =	sor.u32 s13, s26;
	[tilespmem:s7+$0x0] =	vst v2;
	v1 =	vld.idx.msk [tilespmem:v3+s3+$0x0], $0xffff  }
0x1f7: {  	s0 =	sor.u32 s19, s26;
	v2 =	vadd.s32 $0x1F4, v0;
	[tilespmem:s8+$0x0] =	vst v4;
	v3 =	vld.idx.msk [tilespmem:v20+s3+$0x0], $0xffff  }
0x1f8: {  	v4 =	vld.idx.msk [tilespmem:v21+s3+$0x0], $0xffff;
	[tilespmem:s0+$0x0] =	vst v5  }
0x1f9: {  	s9 =	sadd.s32 $0x5C00, s16;
	v5 =	vld.idx.msk [tilespmem:v19+s3+$0x0], $0xffff  }
0x1fa: {  	s10 =	sor.u32 s31, s9  }
0x1fb: {  	s11 =	sor.u32 s22, s9;
	[tilespmem:s10+$0x0] =	vst v1  }
0x1fc: {  	s12 =	sor.u32 s13, s9;
	v1 =	vld.idx.msk [tilespmem:v2+s3+$0x0], $0xffff;
	[tilespmem:s11+$0x0] =	vst v3  }
0x1fd: {  	s0 =	sor.u32 s19, s9;
	v2 =	vadd.s32 $0x226, v0;
	[tilespmem:s12+$0x0] =	vst v4;
	v3 =	vld.idx.msk [tilespmem:v17+s3+$0x0], $0xffff  }
0x1fe: {  	[tilespmem:s0+$0x0] =	vst v5;
	v4 =	vld.idx.msk [tilespmem:v18+s3+$0x0], $0xffff  }
0x1ff: {  	s14 =	sadd.s32 $0x6400, s16;
	v5 =	vld.idx.msk [tilespmem:v16+s3+$0x0], $0xffff  }
0x200: {  	s15 =	sor.u32 s31, s14  }
0x201: {  	s17 =	sor.u32 s22, s14;
	[tilespmem:s15+$0x0] =	vst v1  }
0x202: {  	s18 =	sor.u32 s13, s14;
	v1 =	vld.idx.msk [tilespmem:v2+s3+$0x0], $0xffff;
	[tilespmem:s17+$0x0] =	vst v3  }
0x203: {  	s0 =	sor.u32 s19, s14;
	v2 =	vadd.s32 $0x258, v0;
	[tilespmem:s18+$0x0] =	vst v4;
	v3 =	vld.idx.msk [tilespmem:v13+s3+$0x0], $0xffff  }
0x204: {  	[tilespmem:s0+$0x0] =	vst v5;
	v4 =	vld.idx.msk [tilespmem:v15+s3+$0x0], $0xffff  }
0x205: {  	s20 =	sadd.s32 $0x6C00, s16;
	v5 =	vld.idx.msk [tilespmem:v14+s3+$0x0], $0xffff  }
0x206: {  	s21 =	sor.u32 s31, s20  }
0x207: {  	s23 =	sor.u32 s22, s20;
	[tilespmem:s21+$0x0] =	vst v1  }
0x208: {  	s24 =	sor.u32 s13, s20;
	v1 =	vld.idx.msk [tilespmem:v2+s3+$0x0], $0xffff;
	[tilespmem:s23+$0x0] =	vst v3  }
0x209: {  	s0 =	sor.u32 s19, s20;
	v2 =	vadd.s32 $0x28A, v0;
	[tilespmem:s24+$0x0] =	vst v4;
	v3 =	vld.idx.msk [tilespmem:v12+s3+$0x0], $0xffff  }
0x20a: {  	[tilespmem:s0+$0x0] =	vst v5;
	v4 =	vld.idx.msk [tilespmem:v11+s3+$0x0], $0xffff  }
0x20b: {  	s25 =	sadd.s32 $0x7400, s16;
	v5 =	vld.idx.msk [tilespmem:v10+s3+$0x0], $0xffff  }
0x20c: {  	s26 =	sor.u32 s31, s25  }
0x20d: {  	s30 =	sor.u32 s22, s25;
	[tilespmem:s26+$0x0] =	vst v1  }
0x20e: {  	s8 =	sor.u32 s13, s25;
	v1 =	vld.idx.msk [tilespmem:v2+s3+$0x0], $0xffff;
	[tilespmem:s30+$0x0] =	vst v3  }
0x20f: {  	s0 =	sor.u32 s19, s25;
	v2 =	vadd.s32 $0x2BC, v0;
	[tilespmem:s8+$0x0] =	vst v4;
	v3 =	vld.idx.msk [tilespmem:v42+s3+$0x0], $0xffff  }
0x210: {  	[tilespmem:s0+$0x0] =	vst v5;
	v4 =	vld.idx.msk [tilespmem:v9+s3+$0x0], $0xffff  }
0x211: {  	s9 =	sadd.s32 $0x7C00, s16;
	v5 =	vld.idx.msk [tilespmem:v8+s3+$0x0], $0xffff  }
0x212: {  	s10 =	sor.u32 s31, s9  }
0x213: {  	s11 =	sor.u32 s22, s9;
	[tilespmem:s10+$0x0] =	vst v1  }
0x214: {  	s12 =	sor.u32 s13, s9;
	v1 =	vld.idx.msk [tilespmem:v2+s3+$0x0], $0xffff;
	[tilespmem:s11+$0x0] =	vst v3  }
0x215: {  	v0 =	vadd.s32 $0x2EE, v0;
	s0 =	sor.u32 s19, s9;
	v2 =	vld.idx.msk [tilespmem:v41+s3+$0x0], $0xffff;
	[tilespmem:s12+$0x0] =	vst v4  }
0x216: {  	v3 =	vld.idx.msk [tilespmem:v40+s3+$0x0], $0xffff;
	[tilespmem:s0+$0x0] =	vst v5  }
0x217: {  	[tilespmem:s2+$0x0] =	vst v29;
	s14 =	sadd.s32 $0x8400, s16;
	v4 =	vld.idx.msk [tilespmem:v6+s3+$0x0], $0xffff  }
0x218: {  	[tilespmem:s5+$0x0] =	vst v27;
	s15 =	sor.u32 s31, s14;
	v5 =	vld.idx.msk [tilespmem:v39+s3+$0x0], $0xffff  }
0x219: {  	s17 =	sor.u32 s22, s14;
	v6 =	vld.idx.msk [tilespmem:v38+s3+$0x0], $0xffff;
	[tilespmem:s15+$0x0] =	vst v1  }
0x21a: {  	s18 =	sor.u32 s13, s14;
	v0 =	vld.idx.msk [tilespmem:v0+s3+$0x0], $0xffff;
	[tilespmem:s17+$0x0] =	vst v2  }
0x21b: {  	s0 =	sor.u32 s19, s14;
	v1 =	vld.idx.msk [tilespmem:v7+s3+$0x0], $0xffff;
	[tilespmem:s18+$0x0] =	vst v3  }
0x21c: {  	v2 =	vld.idx.msk [tilespmem:v26+s3+$0x0], $0xffff;
	[tilespmem:s0+$0x0] =	vst v4  }
0x21d: {  	s20 =	sadd.s32 $0x8C00, s16;
	[tilespmem:s4+$0x0] =	vst v5;
	v3 =	vld.idx.msk [tilespmem:v25+s3+$0x0], $0xffff  }
0x21e: {  	s21 =	sor.u32 s31, s20;
	[tilespmem:s1+$0x0] =	vst v6  }
0x21f: {  	s22 =	sor.u32 s22, s20;
	[tilespmem:s21+$0x0] =	vst v0  }
0x220: {  	s23 =	sor.u32 s13, s20;
	[tilespmem:s22+$0x0] =	vst v1  }
0x221: {  	s24 =	rddreg [dreg:$0x1];
	s0 =	sor.u32 s19, s20;
	[tilespmem:s23+$0x0] =	vst v2  }
0x222: {  	s8 =	rddreg [dreg:$0xd];
	[tilespmem:s0+$0x0] =	vst v3  }
0x223: {  	s2 =	simm.s32 $0x100;
	s1 =	sadd.s32 s24, s8;
	s0 =	rddreg [dreg:$0xc]  }
0x224: {  	s25 =	simm.s32 $0x1380;
	s4 =	simm.s32 $0x400;
	s0 =	sadd.s32 s0, s1  }
0x225: {  	[hbm4b:s0+s2] =	stream.strided.scatter [tilespmem:s25], [sflag:$0x3], $0x800, s4, s2, $0x38;
	[tilespmem:$0x11380] =	vst v63  }
0x226: {  	s30 =	simm.s32 $0x1B80;
	s26 =	sadd.s32 $0x20000, s0  }
0x227: {  	[hbm4b:s26+s2] =	stream.strided.scatter [tilespmem:s30], [sflag:$0x3], $0x800, s4, s2, $0x38;
	[tilespmem:$0x11380] =	vst v63  }
0x228: {  	s6 =	simm.s32 $0x2380;
	s5 =	sadd.s32 $0x40000, s0  }
0x229: {  	[hbm4b:s5+s2] =	stream.strided.scatter [tilespmem:s6], [sflag:$0x3], $0x800, s4, s2, $0x38;
	[tilespmem:$0x11380] =	vst v63  }
0x22a: {  	s9 =	simm.s32 $0x2B80;
	s7 =	sadd.s32 $0x60000, s0  }
0x22b: {  	[hbm4b:s7+s2] =	stream.strided.scatter [tilespmem:s9], [sflag:$0x3], $0x800, s4, s2, $0x38;
	[tilespmem:$0x11380] =	vst v63  }
0x22c: {  	s11 =	simm.s32 $0x3380;
	s10 =	sadd.s32 $0x80000, s0  }
0x22d: {  	[hbm4b:s10+s2] =	stream.strided.scatter [tilespmem:s11], [sflag:$0x3], $0x800, s4, s2, $0x38;
	[tilespmem:$0x11380] =	vst v63  }
0x22e: {  	s13 =	simm.s32 $0x3B80;
	s12 =	sadd.s32 $0xA0000, s0  }
0x22f: {  	[hbm4b:s12+s2] =	stream.strided.scatter [tilespmem:s13], [sflag:$0x3], $0x800, s4, s2, $0x38;
	[tilespmem:$0x11380] =	vst v63  }
0x230: {  	s15 =	simm.s32 $0x4380;
	s14 =	sadd.s32 $0xC0000, s0  }
0x231: {  	[hbm4b:s14+s2] =	stream.strided.scatter [tilespmem:s15], [sflag:$0x3], $0x800, s4, s2, $0x38;
	[tilespmem:$0x11380] =	vst v63  }
0x232: {  	s17 =	simm.s32 $0x4B80;
	s16 =	sadd.s32 $0xE0000, s0  }
0x233: {  	[hbm4b:s16+s2] =	stream.strided.scatter [tilespmem:s17], [sflag:$0x3], $0x800, s4, s2, $0x38;
	[tilespmem:$0x11380] =	vst v63  }
0x234: {  	s19 =	simm.s32 $0x5380;
	s18 =	sadd.s32 $0x100000, s0  }
0x235: {  	[hbm4b:s18+s2] =	stream.strided.scatter [tilespmem:s19], [sflag:$0x3], $0x800, s4, s2, $0x38;
	[tilespmem:$0x11380] =	vst v63  }
0x236: {  	s21 =	simm.s32 $0x5B80;
	s20 =	sadd.s32 $0x120000, s0  }
0x237: {  	[hbm4b:s20+s2] =	stream.strided.scatter [tilespmem:s21], [sflag:$0x3], $0x800, s4, s2, $0x38;
	[tilespmem:$0x11380] =	vst v63  }
0x238: {  	s23 =	simm.s32 $0x6380;
	s22 =	sadd.s32 $0x140000, s0  }
0x239: {  	[hbm4b:s22+s2] =	stream.strided.scatter [tilespmem:s23], [sflag:$0x3], $0x800, s4, s2, $0x38;
	[tilespmem:$0x11380] =	vst v63  }
0x23a: {  	s24 =	sadd.s32 $0x160000, s0;
	s25 =	simm.s32 $0x6B80  }
0x23b: {  	[hbm4b:s24+s2] =	stream.strided.scatter [tilespmem:s25], [sflag:$0x3], $0x800, s4, s2, $0x38;
	[tilespmem:$0x11380] =	vst v63  }
0x23c: {  	s26 =	sadd.s32 $0x180000, s0;
	s30 =	simm.s32 $0x7380  }
0x23d: {  	[hbm4b:s26+s2] =	stream.strided.scatter [tilespmem:s30], [sflag:$0x3], $0x800, s4, s2, $0x38;
	[tilespmem:$0x11380] =	vst v63  }
0x23e: {  	s6 =	sadd.s32 $0x1A0000, s0;
	s7 =	simm.s32 $0x7B80  }
0x23f: {  	[hbm4b:s6+s2] =	stream.strided.scatter [tilespmem:s7], [sflag:$0x3], $0x800, s4, s2, $0x38;
	[tilespmem:$0x11380] =	vst v63  }
0x240: {  	s9 =	sadd.s32 $0x1C0000, s0;
	s10 =	simm.s32 $0x8380  }
0x241: {  	[hbm4b:s9+s2] =	stream.strided.scatter [tilespmem:s10], [sflag:$0x3], $0x800, s4, s2, $0x38;
	[tilespmem:$0x11380] =	vst v63  }
0x242: {  	s0 =	sadd.s32 $0x1E0000, s0;
	s11 =	simm.s32 $0x8B80;
	s12 =	rddreg [dreg:$0xa]  }
0x243: {  	[hbm4b:s0+s2] =	stream.strided.scatter [tilespmem:s11], [sflag:$0x3], $0x800, s4, s2, $0x38;
	[tilespmem:$0x11380] =	vst v63  }
0x244: {  	p1 =	seq.s32 s12, $0x7;
	s0 =	rddreg [dreg:$0xb]  }
0x245: {  	s13 =	simm.s32 $0x2;
	s0 =	sadd.s32 @!p1 $0x2, s0  }
0x246: {  	s2 =	rddreg [dreg:$0x4];
	s1 =	sshll.u32 @!p1 s0, $0x8;
	s0 =	sshll.u32 @!p1 s0, $0x5  }
0x247: {  	s1 =	sadd.s32 @!p1 s2, s1;
	s0 =	sand.u32 @!p1 $0x40, s0;
	s2 =	rddreg [dreg:$0x3]  }
0x248: {  	s4 =	simm.s32 @!p1 $0x380;
	s1 =	sand.u32 @!p1 $0x3FC00, s1;
	s0 =	sadd.s32 @!p1 s2, s0  }
0x249: {  	s2 =	simm.s32 @!p1 $0x400;
	s0 =	sadd.s32 @!p1 s1, s0;
	s1 =	simm.s32 @!p1 $0x100  }
0x24a: {  	[tilespmem:s4], [sflag:$0x1] =	stream.strided.gather @!p1 [hbm4b:s0+s1], $0x800, s2, s1, $0x38;
	[tilespmem:$0x11380] =	vst v63  }
0x24b: {  	_ =	swait.ge [sflag:s13], $0x800  }
0x24c: {  	[sflag:s13] =	ssyncset.done $0x0  }
0x24d: {  	s16 =	simm.s32 $0x0;
	s0 =	simm.s32 @!p0 $0x4;
	[sflag:s13] =	ssyncadd.s32 $0xFFFFF800  }
0x24e: {  	s9 =	sand.u32 $0x40, s16;
	s13 =	sand.u32 $0x700, s16;
	_ =	swait.ge @!p0 [sflag:s0], $0x8000  }
0x24f: {  	s12 =	sor.u32 $0x30, s9;
	s14 =	sadd.s32 $0xB80, s13;
	[sflag:s0] =	ssyncset.done @!p0 $0x0  }
0x250: {  	s15 =	sor.u32 s12, s14;
	[sflag:s0] =	ssyncadd.s32 @!p0 $0xFFFF8000  }
0x251: {  	s11 =	sor.u32 $0x10, s9;
	s17 =	sor.u32 s9, s14;
	v4 =	vld [tilespmem:s15+$0x0]  }
0x252: {  	s18 =	sor.u32 s11, s14;
	v2 =	vld [tilespmem:s17+$0x0]  }
0x253: {  	v3 =	vld [tilespmem:s18+$0x0]  }
0x254: {  	s10 =	sor.u32 $0x20, s9  }
0x255: {  	s19 =	sor.u32 s10, s14  }
0x256: {  	v1 =	vld [tilespmem:s19+$0x0];
	_ =	sdelay $0x2  }
0x257: {  	v0 =	vld.idx.msk [tilespmem:v4+s16+$0x0], $0xffff  }
0x258: {  	v6 =	vadd.s32 $0x32, v4;
	v5 =	vld.idx.msk [tilespmem:v2+s16+$0x0], $0xffff  }
0x259: {  	v7 =	vadd.s32 $0x32, v2;
	v8 =	vld.idx.msk [tilespmem:v3+s16+$0x0], $0xffff  }
0x25a: {  	s20 =	sadd.s32 $0x9380, s13;
	v9 =	vadd.s32 $0x32, v3  }
0x25b: {  	s21 =	sor.u32 s12, s20  }
0x25c: {  	s22 =	sor.u32 s9, s20;
	v10 =	vld.idx.msk [tilespmem:v1+s16+$0x0], $0xffff;
	[tilespmem:s21+$0x0] =	vst v0  }
0x25d: {  	s23 =	sor.u32 s11, s20;
	v0 =	vadd.s32 $0x32, v1;
	[tilespmem:s22+$0x0] =	vst v5;
	v5 =	vld.idx.msk [tilespmem:v6+s16+$0x0], $0xffff  }
0x25e: {  	[tilespmem:s23+$0x0] =	vst v8;
	v6 =	vld.idx.msk [tilespmem:v7+s16+$0x0], $0xffff;
	v7 =	vadd.s32 $0x64, v4  }
0x25f: {  	v8 =	vadd.s32 $0x64, v2;
	v9 =	vld.idx.msk [tilespmem:v9+s16+$0x0], $0xffff  }
0x260: {  	s24 =	sadd.s32 $0x9B80, s13;
	s0 =	sor.u32 s10, s20;
	v11 =	vadd.s32 $0x64, v3  }
0x261: {  	s25 =	sor.u32 s12, s24;
	[tilespmem:s0+$0x0] =	vst v10  }
0x262: {  	s26 =	sor.u32 s9, s24;
	v0 =	vld.idx.msk [tilespmem:v0+s16+$0x0], $0xffff;
	[tilespmem:s25+$0x0] =	vst v5  }
0x263: {  	s30 =	sor.u32 s11, s24;
	v5 =	vadd.s32 $0x64, v1;
	[tilespmem:s26+$0x0] =	vst v6;
	v6 =	vld.idx.msk [tilespmem:v7+s16+$0x0], $0xffff  }
0x264: {  	[tilespmem:s30+$0x0] =	vst v9;
	v7 =	vld.idx.msk [tilespmem:v8+s16+$0x0], $0xffff  }
0x265: {  	v8 =	vadd.s32 $0x96, v4;
	v10 =	vld.idx.msk [tilespmem:v11+s16+$0x0], $0xffff  }
0x266: {  	s4 =	sor.u32 s10, s24;
	v11 =	vadd.s32 $0x96, v3  }
0x267: {  	s5 =	sadd.s32 $0xA380, s13;
	v9 =	vadd.s32 $0x96, v2;
	[tilespmem:s4+$0x0] =	vst v0  }
0x268: {  	s6 =	sor.u32 s12, s5;
	v0 =	vld.idx.msk [tilespmem:v5+s16+$0x0], $0xffff  }
0x269: {  	s14 =	sor.u32 s11, s5;
	v5 =	vadd.s32 $0x96, v1;
	[tilespmem:s6+$0x0] =	vst v6  }
0x26a: {  	s7 =	sor.u32 s9, s5;
	[tilespmem:s14+$0x0] =	vst v10;
	v6 =	vld.idx.msk [tilespmem:v8+s16+$0x0], $0xffff  }
0x26b: {  	[tilespmem:s7+$0x0] =	vst v7;
	v8 =	vadd.s32 $0xC8, v4;
	v10 =	vld.idx.msk [tilespmem:v11+s16+$0x0], $0xffff  }
0x26c: {  	s15 =	sor.u32 s10, s5;
	v7 =	vld.idx.msk [tilespmem:v9+s16+$0x0], $0xffff;
	v11 =	vadd.s32 $0xC8, v3  }
0x26d: {  	s17 =	sadd.s32 $0xAB80, s13;
	v9 =	vadd.s32 $0xC8, v2;
	[tilespmem:s15+$0x0] =	vst v0  }
0x26e: {  	s18 =	sor.u32 s12, s17;
	v0 =	vld.idx.msk [tilespmem:v5+s16+$0x0], $0xffff  }
0x26f: {  	s20 =	sor.u32 s11, s17;
	v5 =	vadd.s32 $0xC8, v1;
	[tilespmem:s18+$0x0] =	vst v6  }
0x270: {  	s19 =	sor.u32 s9, s17;
	[tilespmem:s20+$0x0] =	vst v10;
	v6 =	vld.idx.msk [tilespmem:v8+s16+$0x0], $0xffff  }
0x271: {  	[tilespmem:s19+$0x0] =	vst v7;
	v8 =	vadd.s32 $0xFA, v4;
	v10 =	vld.idx.msk [tilespmem:v11+s16+$0x0], $0xffff  }
0x272: {  	s21 =	sor.u32 s10, s17;
	v7 =	vld.idx.msk [tilespmem:v9+s16+$0x0], $0xffff;
	v11 =	vadd.s32 $0xFA, v3  }
0x273: {  	s22 =	sadd.s32 $0xB380, s13;
	v9 =	vadd.s32 $0xFA, v2;
	[tilespmem:s21+$0x0] =	vst v0  }
0x274: {  	s23 =	sor.u32 s12, s22;
	v0 =	vld.idx.msk [tilespmem:v5+s16+$0x0], $0xffff  }
0x275: {  	s25 =	sor.u32 s11, s22;
	v5 =	vadd.s32 $0xFA, v1;
	[tilespmem:s23+$0x0] =	vst v6  }
0x276: {  	s24 =	sor.u32 s9, s22;
	[tilespmem:s25+$0x0] =	vst v10;
	v6 =	vld.idx.msk [tilespmem:v8+s16+$0x0], $0xffff  }
0x277: {  	[tilespmem:s24+$0x0] =	vst v7;
	v8 =	vadd.s32 $0x12C, v4;
	v10 =	vld.idx.msk [tilespmem:v11+s16+$0x0], $0xffff  }
0x278: {  	s26 =	sor.u32 s10, s22;
	v7 =	vld.idx.msk [tilespmem:v9+s16+$0x0], $0xffff;
	v11 =	vadd.s32 $0x12C, v3  }
0x279: {  	s30 =	sadd.s32 $0xBB80, s13;
	v9 =	vadd.s32 $0x12C, v2;
	[tilespmem:s26+$0x0] =	vst v0  }
0x27a: {  	s2 =	sor.u32 s12, s30;
	v0 =	vld.idx.msk [tilespmem:v5+s16+$0x0], $0xffff  }
0x27b: {  	s5 =	sor.u32 s11, s30;
	v5 =	vadd.s32 $0x12C, v1;
	[tilespmem:s2+$0x0] =	vst v6  }
0x27c: {  	s4 =	sor.u32 s9, s30;
	[tilespmem:s5+$0x0] =	vst v10;
	v6 =	vld.idx.msk [tilespmem:v8+s16+$0x0], $0xffff  }
0x27d: {  	[tilespmem:s4+$0x0] =	vst v7;
	v8 =	vadd.s32 $0x15E, v4;
	v10 =	vld.idx.msk [tilespmem:v11+s16+$0x0], $0xffff  }
0x27e: {  	s6 =	sor.u32 s10, s30;
	v7 =	vld.idx.msk [tilespmem:v9+s16+$0x0], $0xffff;
	v11 =	vadd.s32 $0x15E, v3  }
0x27f: {  	s7 =	sadd.s32 $0xC380, s13;
	v9 =	vadd.s32 $0x15E, v2;
	[tilespmem:s6+$0x0] =	vst v0  }
0x280: {  	s14 =	sor.u32 s12, s7;
	v0 =	vld.idx.msk [tilespmem:v5+s16+$0x0], $0xffff  }
0x281: {  	s17 =	sor.u32 s11, s7;
	v5 =	vadd.s32 $0x15E, v1;
	[tilespmem:s14+$0x0] =	vst v6  }
0x282: {  	s15 =	sor.u32 s9, s7;
	[tilespmem:s17+$0x0] =	vst v10;
	v6 =	vld.idx.msk [tilespmem:v8+s16+$0x0], $0xffff  }
0x283: {  	s24 =	simm.s32 $0x80;
	[tilespmem:s15+$0x0] =	vst v7;
	v8 =	vadd.s32 $0x190, v4;
	v10 =	vld.idx.msk [tilespmem:v11+s16+$0x0], $0xffff  }
0x284: {  	s18 =	sor.u32 s10, s7;
	s25 =	simm.s32 $0x40;
	s31 =	sand.u32 $0x700, s24;
	v7 =	vld.idx.msk [tilespmem:v9+s16+$0x0], $0xffff;
	v11 =	vadd.s32 $0x190, v3  }
0x285: {  	s19 =	sadd.s32 $0xCB80, s13;
	s30 =	sadd.s32 $0xB80, s31;
	v9 =	vadd.s32 $0x190, v2;
	[tilespmem:s18+$0x0] =	vst v0;
	s18 =	sand.u32 $0x40, s25  }
0x286: {  	s22 =	sor.u32 s12, s19;
	v5 =	vld.idx.msk [tilespmem:v5+s16+$0x0], $0xffff;
	s6 =	sor.u32 s18, s30  }
0x287: {  	s26 =	sor.u32 s11, s19;
	[tilespmem:s22+$0x0] =	vst v6;
	v25 =	vld [tilespmem:s6+$0x0]  }
0x288: {  	s23 =	sor.u32 s9, s19;
	[tilespmem:s26+$0x0] =	vst v10;
	v6 =	vld.idx.msk [tilespmem:v8+s16+$0x0], $0xffff  }
0x289: {  	s0 =	sor.u32 $0x30, s18;
	[tilespmem:s23+$0x0] =	vst v7;
	v10 =	vld.idx.msk [tilespmem:v11+s16+$0x0], $0xffff;
	v11 =	vadd.s32 $0x190, v1  }
0x28a: {  	s21 =	sor.u32 $0x10, s18;
	s5 =	sor.u32 s0, s30;
	v8 =	vld.idx.msk [tilespmem:v9+s16+$0x0], $0xffff;
	v9 =	vadd.s32 $0x1C2, v4  }
0x28b: {  	v12 =	vadd.s32 $0x1C2, v2;
	s20 =	sor.u32 $0x20, s18;
	s14 =	sor.u32 s21, s30;
	v0 =	vld [tilespmem:s5+$0x0]  }
0x28c: {  	v13 =	vadd.s32 $0x1C2, v3;
	s7 =	sadd.s32 $0xD380, s13;
	s1 =	sor.u32 s10, s19;
	s2 =	sor.u32 s20, s30;
	v7 =	vld [tilespmem:s14+$0x0]  }
0x28d: {  	s15 =	sor.u32 s12, s7;
	v26 =	vld [tilespmem:s2+$0x0];
	[tilespmem:s1+$0x0] =	vst v5  }
0x28e: {  	s17 =	sor.u32 s9, s7;
	[tilespmem:s15+$0x0] =	vst v6;
	v5 =	vld.idx.msk [tilespmem:v11+s16+$0x0], $0xffff  }
0x28f: {  	s19 =	sor.u32 s11, s7;
	[tilespmem:s17+$0x0] =	vst v8;
	v6 =	vld.idx.msk [tilespmem:v9+s16+$0x0], $0xffff  }
0x290: {  	[tilespmem:s19+$0x0] =	vst v10;
	v9 =	vld.idx.msk [tilespmem:v12+s16+$0x0], $0xffff  }
0x291: {  	v11 =	vadd.s32 $0x1C2, v1;
	v10 =	vld.idx.msk [tilespmem:v13+s16+$0x0], $0xffff  }
0x292: {  	s24 =	sor.u32 s10, s7;
	s22 =	sadd.s32 $0xDB80, s13;
	v8 =	vadd.s32 $0x1F4, v4;
	v14 =	vld.idx.msk [tilespmem:v25+s16+$0x0], $0xffff  }
0x293: {  	s23 =	sor.u32 s12, s22;
	v13 =	vadd.s32 $0x1F4, v2;
	v12 =	vld.idx.msk [tilespmem:v0+s16+$0x0], $0xffff;
	[tilespmem:s24+$0x0] =	vst v5  }
0x294: {  	s25 =	sor.u32 s9, s22;
	v15 =	vadd.s32 $0x32, v25;
	v16 =	vld.idx.msk [tilespmem:v7+s16+$0x0], $0xffff;
	[tilespmem:s23+$0x0] =	vst v6  }
0x295: {  	s30 =	sadd.s32 $0x9380, s31;
	s26 =	sor.u32 s11, s22;
	v17 =	vadd.s32 $0x32, v7;
	v5 =	vld.idx.msk [tilespmem:v26+s16+$0x0], $0xffff;
	[tilespmem:s25+$0x0] =	vst v9  }
0x296: {  	s7 =	sor.u32 s18, s30;
	v6 =	vadd.s32 $0x32, v0;
	[tilespmem:s26+$0x0] =	vst v10;
	v10 =	vld.idx.msk [tilespmem:v11+s16+$0x0], $0xffff  }
0x297: {  	s6 =	sor.u32 s0, s30;
	v11 =	vadd.s32 $0x32, v26;
	v8 =	vld.idx.msk [tilespmem:v8+s16+$0x0], $0xffff;
	[tilespmem:s7+$0x0] =	vst v14  }
0x298: {  	s17 =	sor.u32 s21, s30;
	v9 =	vadd.s32 $0x226, v4;
	[tilespmem:s6+$0x0] =	vst v12;
	v12 =	vld.idx.msk [tilespmem:v13+s16+$0x0], $0xffff  }
0x299: {  	s19 =	sor.u32 s20, s30;
	v13 =	vadd.s32 $0x1F4, v3;
	v15 =	vld.idx.msk [tilespmem:v15+s16+$0x0], $0xffff;
	[tilespmem:s17+$0x0] =	vst v16  }
0x29a: {  	s14 =	sadd.s32 $0xE380, s13;
	s1 =	sor.u32 s10, s22;
	v16 =	vadd.s32 $0x64, v25;
	v17 =	vld.idx.msk [tilespmem:v17+s16+$0x0], $0xffff;
	[tilespmem:s19+$0x0] =	vst v5  }
0x29b: {  	s15 =	sor.u32 s12, s14;
	v14 =	vadd.s32 $0x1F4, v1;
	v6 =	vld.idx.msk [tilespmem:v6+s16+$0x0], $0xffff;
	[tilespmem:s1+$0x0] =	vst v10  }
0x29c: {  	s22 =	sor.u32 s9, s14;
	s23 =	sadd.s32 $0x9B80, s31;
	v5 =	vld.idx.msk [tilespmem:v11+s16+$0x0], $0xffff;
	v11 =	vadd.s32 $0x64, v7;
	[tilespmem:s15+$0x0] =	vst v8  }
0x29d: {  	s25 =	sor.u32 s18, s23;
	v8 =	vadd.s32 $0x64, v0;
	v9 =	vld.idx.msk [tilespmem:v9+s16+$0x0], $0xffff;
	[tilespmem:s22+$0x0] =	vst v12  }
0x29e: {  	s30 =	sor.u32 s21, s23;
	v12 =	vld.idx.msk [tilespmem:v13+s16+$0x0], $0xffff;
	v13 =	vadd.s32 $0x64, v26;
	[tilespmem:s25+$0x0] =	vst v15  }
0x29f: {  	s24 =	sor.u32 s0, s23;
	v10 =	vadd.s32 $0x258, v4;
	v16 =	vld.idx.msk [tilespmem:v16+s16+$0x0], $0xffff;
	[tilespmem:s30+$0x0] =	vst v17  }
0x2a0: {  	s2 =	sadd.s32 $0xEB80, s13;
	s5 =	sor.u32 s20, s23;
	v17 =	vadd.s32 $0x96, v25;
	[tilespmem:s24+$0x0] =	vst v6;
	v6 =	vld.idx.msk [tilespmem:v14+s16+$0x0], $0xffff  }
0x2a1: {  	s26 =	sor.u32 s12, s2;
	v14 =	vadd.s32 $0x226, v2;
	v11 =	vld.idx.msk [tilespmem:v11+s16+$0x0], $0xffff;
	[tilespmem:s5+$0x0] =	vst v5  }
0x2a2: {  	s7 =	sor.u32 s11, s14;
	s15 =	sadd.s32 $0xA380, s31;
	v15 =	vadd.s32 $0x226, v3;
	v8 =	vld.idx.msk [tilespmem:v8+s16+$0x0], $0xffff;
	[tilespmem:s26+$0x0] =	vst v9  }
0x2a3: {  	s19 =	sor.u32 s18, s15;
	v9 =	vadd.s32 $0x96, v0;
	v5 =	vld.idx.msk [tilespmem:v13+s16+$0x0], $0xffff;
	[tilespmem:s7+$0x0] =	vst v12  }
0x2a4: {  	s14 =	sor.u32 s10, s14;
	v13 =	vadd.s32 $0x96, v7;
	v10 =	vld.idx.msk [tilespmem:v10+s16+$0x0], $0xffff;
	[tilespmem:s19+$0x0] =	vst v16  }
0x2a5: {  	s23 =	sor.u32 s21, s15;
	v12 =	vadd.s32 $0x28A, v4;
	v17 =	vld.idx.msk [tilespmem:v17+s16+$0x0], $0xffff;
	[tilespmem:s14+$0x0] =	vst v6  }
0x2a6: {  	s17 =	sor.u32 s0, s15;
	v14 =	vld.idx.msk [tilespmem:v14+s16+$0x0], $0xffff;
	v6 =	vadd.s32 $0x96, v26;
	[tilespmem:s23+$0x0] =	vst v11  }
0x2a7: {  	s4 =	sadd.s32 $0xF380, s13;
	s24 =	sor.u32 s20, s15;
	[tilespmem:s17+$0x0] =	vst v8;
	v8 =	vld.idx.msk [tilespmem:v15+s16+$0x0], $0xffff;
	v15 =	vadd.s32 $0x226, v1  }
0x2a8: {  	s22 =	sor.u32 s12, s4;
	s30 =	sadd.s32 $0xAB80, s31;
	v16 =	vadd.s32 $0x258, v2;
	v9 =	vld.idx.msk [tilespmem:v9+s16+$0x0], $0xffff;
	[tilespmem:s24+$0x0] =	vst v5  }
0x2a9: {  	s14 =	sor.u32 s18, s30;
	v13 =	vld.idx.msk [tilespmem:v13+s16+$0x0], $0xffff;
	[tilespmem:s22+$0x0] =	vst v10;
	v10 =	vadd.s32 $0xC8, v0  }
0x2aa: {  	s25 =	sor.u32 s9, s2;
	v11 =	vld.idx.msk [tilespmem:v12+s16+$0x0], $0xffff;
	v12 =	vadd.s32 $0xC8, v25;
	[tilespmem:s14+$0x0] =	vst v17  }
0x2ab: {  	s26 =	sor.u32 s11, s2;
	v5 =	vld.idx.msk [tilespmem:v6+s16+$0x0], $0xffff;
	[tilespmem:s25+$0x0] =	vst v14;
	v6 =	vadd.s32 $0x2BC, v4  }
0x2ac: {  	s7 =	sor.u32 s0, s30;
	v14 =	vadd.s32 $0xC8, v7;
	[tilespmem:s26+$0x0] =	vst v8;
	v8 =	vld.idx.msk [tilespmem:v15+s16+$0x0], $0xffff  }
0x2ad: {  	s1 =	sadd.s32 $0xFB80, s13;
	s17 =	sor.u32 s21, s30;
	v15 =	vadd.s32 $0xC8, v26;
	[tilespmem:s7+$0x0] =	vst v9;
	v9 =	vld.idx.msk [tilespmem:v16+s16+$0x0], $0xffff  }
0x2ae: {  	s15 =	sor.u32 s12, s1;
	v16 =	vadd.s32 $0x258, v3;
	[tilespmem:s17+$0x0] =	vst v13;
	v10 =	vld.idx.msk [tilespmem:v10+s16+$0x0], $0xffff  }
0x2af: {  	s19 =	sor.u32 s20, s30;
	v17 =	vadd.s32 $0x258, v1;
	v12 =	vld.idx.msk [tilespmem:v12+s16+$0x0], $0xffff;
	[tilespmem:s15+$0x0] =	vst v11  }
0x2b0: {  	s2 =	sor.u32 s10, s2;
	v11 =	vadd.s32 $0xFA, v0;
	v6 =	vld.idx.msk [tilespmem:v6+s16+$0x0], $0xffff;
	[tilespmem:s19+$0x0] =	vst v5  }
0x2b1: {  	s23 =	sadd.s32 $0xB380, s31;
	s22 =	sor.u32 s9, s4;
	v14 =	vld.idx.msk [tilespmem:v14+s16+$0x0], $0xffff;
	[tilespmem:s2+$0x0] =	vst v8  }
0x2b2: {  	s24 =	sor.u32 s0, s23;
	v13 =	vadd.s32 $0xFA, v25;
	v5 =	vld.idx.msk [tilespmem:v15+s16+$0x0], $0xffff;
	[tilespmem:s22+$0x0] =	vst v9  }
0x2b3: {  	v4 =	vadd.s32 $0x2EE, v4;
	s25 =	sor.u32 s18, s23;
	s2 =	sadd.s32 $0x10380, s13;
	v9 =	vld.idx.msk [tilespmem:v16+s16+$0x0], $0xffff;
	[tilespmem:s24+$0x0] =	vst v10  }
0x2b4: {  	v8 =	vadd.s32 $0xFA, v7;
	s26 =	sor.u32 s12, s2;
	v10 =	vld.idx.msk [tilespmem:v17+s16+$0x0], $0xffff;
	[tilespmem:s25+$0x0] =	vst v12  }
0x2b5: {  	s30 =	sor.u32 s21, s23;
	v15 =	vadd.s32 $0xFA, v26;
	v11 =	vld.idx.msk [tilespmem:v11+s16+$0x0], $0xffff;
	[tilespmem:s26+$0x0] =	vst v6  }
0x2b6: {  	s14 =	sor.u32 s20, s23;
	v16 =	vadd.s32 $0x28A, v2;
	[tilespmem:s30+$0x0] =	vst v14  }
0x2b7: {  	s15 =	sor.u32 s11, s4;
	v12 =	vadd.s32 $0x28A, v3;
	v13 =	vld.idx.msk [tilespmem:v13+s16+$0x0], $0xffff;
	[tilespmem:s14+$0x0] =	vst v5  }
0x2b8: {  	s17 =	sadd.s32 $0xBB80, s31;
	s4 =	sor.u32 s10, s4;
	v6 =	vadd.s32 $0x12C, v0;
	v4 =	vld.idx.msk [tilespmem:v4+s16+$0x0], $0xffff;
	[tilespmem:s15+$0x0] =	vst v9  }
0x2b9: {  	s19 =	sor.u32 s0, s17;
	v8 =	vld.idx.msk [tilespmem:v8+s16+$0x0], $0xffff;
	[tilespmem:s4+$0x0] =	vst v10  }
0x2ba: {  	v14 =	vadd.s32 $0x12C, v25;
	v15 =	vld.idx.msk [tilespmem:v15+s16+$0x0], $0xffff;
	[tilespmem:s19+$0x0] =	vst v11  }
0x2bb: {  	s22 =	sor.u32 s18, s17;
	v5 =	vadd.s32 $0x28A, v1;
	v16 =	vld.idx.msk [tilespmem:v16+s16+$0x0], $0xffff;
	[dreg:$0x17] =	wrdreg s13  }
0x2bc: {  	v9 =	vadd.s32 $0x12C, v7;
	s4 =	sadd.s32 $0x10B80, s13;
	v11 =	vld.idx.msk [tilespmem:v12+s16+$0x0], $0xffff;
	[tilespmem:s22+$0x0] =	vst v13  }
0x2bd: {  	v10 =	vadd.s32 $0x12C, v26;
	s23 =	sor.u32 s12, s4;
	v6 =	vld.idx.msk [tilespmem:v6+s16+$0x0], $0xffff;
	[dreg:$0x16] =	wrdreg s12  }
0x2be: {  	s24 =	sor.u32 s21, s17;
	v12 =	vadd.s32 $0x2BC, v2;
	[tilespmem:s23+$0x0] =	vst v4  }
0x2bf: {  	s5 =	sor.u32 s20, s17;
	v13 =	vadd.s32 $0x2BC, v3;
	v14 =	vld.idx.msk [tilespmem:v14+s16+$0x0], $0xffff;
	[tilespmem:s24+$0x0] =	vst v8  }
0x2c0: {  	s25 =	sor.u32 s9, s1;
	v4 =	vadd.s32 $0x15E, v0;
	v5 =	vld.idx.msk [tilespmem:v5+s16+$0x0], $0xffff;
	[tilespmem:s5+$0x0] =	vst v15  }
0x2c1: {  	s26 =	sor.u32 s11, s1;
	s30 =	sadd.s32 $0xC380, s31;
	v8 =	vadd.s32 $0x15E, v25;
	[tilespmem:s25+$0x0] =	vst v16;
	v9 =	vld.idx.msk [tilespmem:v9+s16+$0x0], $0xffff  }
0x2c2: {  	s12 =	sor.u32 s0, s30;
	v15 =	vadd.s32 $0x2BC, v1;
	v10 =	vld.idx.msk [tilespmem:v10+s16+$0x0], $0xffff;
	[tilespmem:s26+$0x0] =	vst v11  }
0x2c3: {  	s13 =	sor.u32 s18, s30;
	v29 =	vld.idx.msk [tilespmem:v12+s16+$0x0], $0xffff;
	[tilespmem:s12+$0x0] =	vst v6  }
0x2c4: {  	v28 =	vadd.s32 $0x15E, v7;
	s1 =	sor.u32 s10, s1;
	v62 =	vld.idx.msk [tilespmem:v13+s16+$0x0], $0xffff;
	[tilespmem:s13+$0x0] =	vst v14  }
0x2c5: {  	s14 =	sor.u32 s21, s30;
	v11 =	vadd.s32 $0x15E, v26;
	v63 =	vld.idx.msk [tilespmem:v4+s16+$0x0], $0xffff;
	[tilespmem:s1+$0x0] =	vst v5  }
0x2c6: {  	s17 =	sor.u32 $0x20, s8;
	v34 =	vld.idx.msk [tilespmem:v8+s16+$0x0], $0xffff;
	[tilespmem:s14+$0x0] =	vst v9  }
0x2c7: {  	v36 =	vadd.s32 $0x2EE, v1;
	s15 =	sor.u32 s20, s30;
	v27 =	vld.idx.msk [tilespmem:v15+s16+$0x0], $0xffff;
	[dreg:$0xf] =	wrdreg s17  }
0x2c8: {  	v24 =	vadd.s32 $0x190, v25;
	v20 =	vadd.s32 $0x1C2, v25;
	v37 =	vadd.s32 $0x2BC, v25;
	s19 =	sor.u32 s9, s2;
	[tilespmem:s15+$0x0] =	vst v10  }
0x2c9: {  	v32 =	vadd.s32 $0x2EE, v25;
	v23 =	vadd.s32 $0x190, v7;
	v2 =	vadd.s32 $0x2EE, v2;
	v30 =	vld.idx.msk [tilespmem:v28+s16+$0x0], $0xffff;
	[tilespmem:s19+$0x0] =	vst v29  }
0x2ca: {  	v22 =	vadd.s32 $0x190, v26;
	v21 =	vadd.s32 $0x1C2, v7;
	s7 =	smov.u32 s20;
	s29 =	sor.u32 s10, s2;
	v3 =	vadd.s32 $0x2EE, v3;
	v31 =	vld.idx.msk [tilespmem:v11+s16+$0x0], $0xffff;
	[dreg:$0x10] =	wrdreg s9  }
0x2cb: {  	v19 =	vadd.s32 $0x1C2, v26;
	v35 =	vadd.s32 $0x190, v0;
	v18 =	vadd.s32 $0x1F4, v26;
	s23 =	sor.u32 s11, s2;
	s24 =	sadd.s32 $0xCB80, s31;
	[dreg:$0x12] =	wrdreg s11  }
0x2cc: {  	v40 =	vadd.s32 $0x2BC, v7;
	v33 =	vadd.s32 $0x2EE, v7;
	v17 =	vadd.s32 $0x1F4, v7;
	s28 =	sor.u32 s11, s4;
	s22 =	simm.s32 $0x4;
	s26 =	sor.u32 s0, s24;
	[tilespmem:s23+$0x0] =	vst v62  }
0x2cd: {  	v16 =	vadd.s32 $0x1F4, v25;
	s25 =	sor.u32 s9, s4;
	s30 =	sor.u32 s18, s24;
	s2 =	sor.u32 s21, s24;
	v12 =	vadd.s32 $0x226, v25;
	v6 =	vadd.s32 $0x28A, v7;
	[tilespmem:s26+$0x0] =	vst v63  }
0x2ce: {  	s6 =	sor.u32 s20, s24;
	s24 =	simm.s32 $0x80;
	v13 =	vadd.s32 $0x258, v25;
	v14 =	vadd.s32 $0x226, v26;
	v15 =	vadd.s32 $0x226, v7;
	v29 =	vld.idx.msk [tilespmem:v2+s16+$0x0], $0xffff;
	[dreg:$0x11] =	wrdreg s10  }
0x2cf: {  	s13 =	smov.u32 s21;
	v9 =	vadd.s32 $0x258, v26;
	v8 =	vadd.s32 $0x28A, v25;
	v25 =	vadd.s32 $0x2EE, v26;
	s17 =	smov.u32 s31;
	s19 =	smov.u32 s0;
	v28 =	vld.idx.msk [tilespmem:v3+s16+$0x0], $0xffff;
	[tilespmem:s30+$0x0] =	vst v34  }
0x2d0: {  	v10 =	vadd.s32 $0x258, v7;
	v7 =	vadd.s32 $0x2BC, v26;
	v11 =	vadd.s32 $0x28A, v26;
	s26 =	sor.u32 s10, s4;
	s23 =	simm.s32 $0x100;
	v26 =	vld.idx.msk [tilespmem:v35+s16+$0x0], $0xffff;
	[dreg:$0xe] =	wrdreg s18  }
.LBB2_7:
0x2d1: {  	s1 =	sand.u32 $0x40, s24;
	s5 =	sand.u32 $0x700, s23  }
0x2d2: {  	[tilespmem:$0x1FF10] =	vst v40;
	s9 =	sadd.s32 $0xB80, s5;
	s15 =	sor.u32 $0x30, s1  }
0x2d3: {  	[tilespmem:$0x1FF30] =	vst v32;
	v24 =	vld.idx.msk [tilespmem:v24+s16+$0x0], $0xffff;
	s10 =	sor.u32 s15, s9  }
0x2d4: {  	[tilespmem:s25+$0x0] =	vst v29;
	s12 =	sor.u32 s1, s9;
	v32 =	vld [tilespmem:s10+$0x0]  }
0x2d5: {  	v1 =	vmov v25;
	[tilespmem:s29+$0x0] =	vst v27;
	v25 =	vld [tilespmem:s12+$0x0]  }
0x2d6: {  	[tilespmem:s2+$0x0] =	vst v30;
	v27 =	vadd.s32 $0x1C2, v0;
	s2 =	sor.u32 $0x10, s1;
	v30 =	vld.idx.msk [tilespmem:v36+s16+$0x0], $0xffff  }
0x2d7: {  	s14 =	sadd.s32 $0xD380, s17;
	s4 =	sor.u32 $0x20, s1;
	v23 =	vld.idx.msk [tilespmem:v23+s16+$0x0], $0xffff;
	s11 =	sor.u32 s2, s9;
	[tilespmem:s28+$0x0] =	vst v28  }
0x2d8: {  	s30 =	sor.u32 s18, s14;
	s25 =	sor.u32 s4, s9;
	[tilespmem:s6+$0x0] =	vst v31;
	v34 =	vld [tilespmem:s11+$0x0]  }
0x2d9: {  	s12 =	sor.u32 s19, s14;
	[tilespmem:s30+$0x0] =	vst v24;
	v52 =	vld [tilespmem:s25+$0x0]  }
0x2da: {  	[tilespmem:s12+$0x0] =	vst v26;
	v20 =	vld.idx.msk [tilespmem:v20+s16+$0x0], $0xffff  }
0x2db: {  	s8 =	sor.u32 s13, s14;
	v24 =	vld.idx.msk [tilespmem:v27+s16+$0x0], $0xffff;
	[tilespmem:s26+$0x0] =	vst v30  }
0x2dc: {  	[tilespmem:s8+$0x0] =	vst v23;
	v22 =	vld.idx.msk [tilespmem:v22+s16+$0x0], $0xffff  }
0x2dd: {  	[tilespmem:$0x1FF40] =	vst v33;
	s12 =	sadd.s32 $0xDB80, s17;
	v23 =	vadd.s32 $0x1F4, v0;
	v21 =	vld.idx.msk [tilespmem:v21+s16+$0x0], $0xffff  }
0x2de: {  	[tilespmem:$0x1FF00] =	vst v1;
	s10 =	sor.u32 s7, s14;
	s14 =	sor.u32 s18, s12;
	v39 =	vld.idx.msk [tilespmem:v32+s16+$0x0], $0xffff  }
0x2df: {  	v1 =	vadd.s32 $0x15E, v52;
	v63 =	vld.idx.msk [tilespmem:v25+s16+$0x0], $0xffff;
	[tilespmem:s14+$0x0] =	vst v20  }
0x2e0: {  	s30 =	sor.u32 s19, s12;
	v45 =	vadd.s32 $0x32, v32;
	[tilespmem:$0x1FF20] =	vst v1;
	v58 =	vld.idx.msk [tilespmem:v16+s16+$0x0], $0xffff  }
0x2e1: {  	v35 =	vadd.s32 $0x32, v25;
	[tilespmem:s30+$0x0] =	vst v24;
	v50 =	vld.idx.msk [tilespmem:v34+s16+$0x0], $0xffff  }
0x2e2: {  	s25 =	sor.u32 s13, s12;
	s8 =	sadd.s32 $0x9380, s5;
	v38 =	vadd.s32 $0x32, v34;
	v46 =	vld.idx.msk [tilespmem:v23+s16+$0x0], $0xffff;
	[tilespmem:s10+$0x0] =	vst v22  }
0x2e3: {  	v51 =	vadd.s32 $0x226, v0;
	v53 =	vadd.s32 $0x64, v25;
	v48 =	vadd.s32 $0x96, v25;
	s26 =	sor.u32 s15, s8;
	[tilespmem:s25+$0x0] =	vst v21;
	v56 =	vld.idx.msk [tilespmem:v52+s16+$0x0], $0xffff  }
0x2e4: {  	s6 =	sor.u32 s7, s12;
	v42 =	vadd.s32 $0xC8, v25;
	v33 =	vadd.s32 $0xFA, v25;
	v31 =	vadd.s32 $0x12C, v25;
	s14 =	sor.u32 s1, s8;
	v57 =	vld.idx.msk [tilespmem:v19+s16+$0x0], $0xffff;
	[tilespmem:s26+$0x0] =	vst v39  }
0x2e5: {  	v27 =	vadd.s32 $0x15E, v25;
	v61 =	vadd.s32 $0x226, v25;
	v44 =	vadd.s32 $0x32, v52;
	s12 =	sor.u32 s2, s8;
	s30 =	sor.u32 s4, s8;
	s8 =	sadd.s32 $0xE380, s17;
	[tilespmem:s14+$0x0] =	vst v63;
	v59 =	vld.idx.msk [tilespmem:v45+s16+$0x0], $0xffff  }
0x2e6: {  	v2 =	vadd.s32 $0x64, v32;
	v4 =	vadd.s32 $0x258, v25;
	v40 =	vadd.s32 $0x2BC, v25;
	s25 =	sor.u32 s18, s8;
	v60 =	vld.idx.msk [tilespmem:v35+s16+$0x0], $0xffff;
	[tilespmem:s12+$0x0] =	vst v50  }
0x2e7: {  	v54 =	vadd.s32 $0x64, v34;
	v55 =	vadd.s32 $0x64, v52;
	v49 =	vadd.s32 $0x96, v52;
	s14 =	sor.u32 s19, s8;
	[tilespmem:s25+$0x0] =	vst v58;
	v5 =	vld.idx.msk [tilespmem:v38+s16+$0x0], $0xffff  }
0x2e8: {  	v26 =	vmovc v37;
	v43 =	vadd.s32 $0xC8, v52;
	v37 =	vadd.s32 $0xFA, v52;
	v30 =	vadd.s32 $0x12C, v52;
	[tilespmem:s14+$0x0] =	vst v46;
	v58 =	vld.idx.msk [tilespmem:v17+s16+$0x0], $0xffff  }
0x2e9: {  	v62 =	vadd.s32 $0x1F4, v52;
	v20 =	vadd.s32 $0x1C2, v25;
	v1 =	vadd.s32 $0x226, v52;
	s26 =	sadd.s32 $0x9B80, s5;
	v3 =	vld.idx.msk [tilespmem:v51+s16+$0x0], $0xffff;
	[tilespmem:s30+$0x0] =	vst v56  }
0x2ea: {  	v16 =	vadd.s32 $0x1F4, v25;
	v24 =	vadd.s32 $0x190, v25;
	v22 =	vadd.s32 $0x190, v52;
	s14 =	sor.u32 s15, s26;
	v56 =	vld.idx.msk [tilespmem:v44+s16+$0x0], $0xffff;
	[tilespmem:s6+$0x0] =	vst v57  }
0x2eb: {  	s9 =	sor.u32 s13, s8;
	s10 =	sor.u32 s7, s8;
	v19 =	vadd.s32 $0x1C2, v52;
	v35 =	vadd.s32 $0x1F4, v34;
	s30 =	sor.u32 s1, s26;
	v57 =	vadd.s32 $0x258, v0;
	[tilespmem:s14+$0x0] =	vst v59;
	v59 =	vld.idx.msk [tilespmem:v18+s16+$0x0], $0xffff  }
0x2ec: {  	s8 =	sor.u32 s2, s26;
	s11 =	sor.u32 s4, s26;
	v50 =	vadd.s32 $0x258, v52;
	v46 =	vadd.s32 $0x28A, v25;
	v17 =	vmovc v35;
	v35 =	vadd.s32 $0x2EE, v25;
	s26 =	sadd.s32 $0xEB80, s17;
	[tilespmem:s30+$0x0] =	vst v60;
	v2 =	vld.idx.msk [tilespmem:v2+s16+$0x0], $0xffff  }
0x2ed: {  	v38 =	vadd.s32 $0x2BC, v52;
	v25 =	vadd.s32 $0x2EE, v52;
	v44 =	vadd.s32 $0x28A, v52;
	s30 =	sor.u32 s19, s26;
	v52 =	vld.idx.msk [tilespmem:v53+s16+$0x0], $0xffff;
	[tilespmem:s8+$0x0] =	vst v5  }
0x2ee: {  	v18 =	vmov v62;
	v62 =	vld.idx.msk [tilespmem:v12+s16+$0x0], $0xffff;
	[tilespmem:s30+$0x0] =	vst v3  }
0x2ef: {  	s28 =	sor.u32 s18, s26;
	s8 =	sadd.s32 $0xA380, s5;
	v3 =	vadd.s32 $0x96, v32;
	v53 =	vld.idx.msk [tilespmem:v54+s16+$0x0], $0xffff;
	[tilespmem:s9+$0x0] =	vst v58  }
0x2f0: {  	v47 =	vadd.s32 $0x96, v34;
	s29 =	sor.u32 s13, s26;
	s6 =	sor.u32 s7, s26;
	s26 =	sor.u32 s15, s8;
	v5 =	vld.idx.msk [tilespmem:v57+s16+$0x0], $0xffff;
	[tilespmem:s11+$0x0] =	vst v56  }
0x2f1: {  	v60 =	vadd.s32 $0x28A, v0;
	s14 =	sor.u32 s1, s8;
	v54 =	vld.idx.msk [tilespmem:v55+s16+$0x0], $0xffff;
	[tilespmem:s26+$0x0] =	vst v2  }
0x2f2: {  	v2 =	vld.idx.msk [tilespmem:v15+s16+$0x0], $0xffff;
	[tilespmem:s14+$0x0] =	vst v52  }
0x2f3: {  	s12 =	sor.u32 s2, s8;
	s30 =	sadd.s32 $0xF380, s17;
	[tilespmem:s10+$0x0] =	vst v59;
	v48 =	vld.idx.msk [tilespmem:v48+s16+$0x0], $0xffff  }
0x2f4: {  	s10 =	sor.u32 s4, s8;
	s8 =	sor.u32 s19, s30;
	v3 =	vld.idx.msk [tilespmem:v3+s16+$0x0], $0xffff;
	[tilespmem:s12+$0x0] =	vst v53  }
0x2f5: {  	v47 =	vld.idx.msk [tilespmem:v47+s16+$0x0], $0xffff;
	[tilespmem:s8+$0x0] =	vst v5  }
0x2f6: {  	s25 =	sor.u32 s7, s30;
	v5 =	vadd.s32 $0xC8, v32;
	v58 =	vld.idx.msk [tilespmem:v60+s16+$0x0], $0xffff;
	[tilespmem:s10+$0x0] =	vst v54  }
0x2f7: {  	v41 =	vadd.s32 $0xC8, v34;
	s14 =	sor.u32 s18, s30;
	s26 =	sor.u32 s13, s30;
	s30 =	sadd.s32 $0xAB80, s5;
	[tilespmem:s28+$0x0] =	vst v62;
	v49 =	vld.idx.msk [tilespmem:v49+s16+$0x0], $0xffff  }
0x2f8: {  	v59 =	vadd.s32 $0x2BC, v0;
	s8 =	sor.u32 s1, s30;
	[tilespmem:s29+$0x0] =	vst v2;
	v2 =	vld.idx.msk [tilespmem:v14+s16+$0x0], $0xffff  }
0x2f9: {  	s12 =	sor.u32 s15, s30;
	v14 =	vmov v1;
	v1 =	vld.idx.msk [tilespmem:v13+s16+$0x0], $0xffff;
	[tilespmem:s8+$0x0] =	vst v48  }
0x2fa: {  	s28 =	sor.u32 s2, s30;
	s29 =	sor.u32 s4, s30;
	s30 =	sadd.s32 $0xFB80, s17;
	v13 =	vmov v4;
	[tilespmem:s12+$0x0] =	vst v3;
	v4 =	vld.idx.msk [tilespmem:v42+s16+$0x0], $0xffff  }
0x2fb: {  	s8 =	sor.u32 s19, s30;
	[tilespmem:s28+$0x0] =	vst v47;
	v3 =	vld.idx.msk [tilespmem:v5+s16+$0x0], $0xffff  }
0x2fc: {  	v5 =	vadd.s32 $0xFA, v32;
	v41 =	vld.idx.msk [tilespmem:v41+s16+$0x0], $0xffff;
	[tilespmem:s8+$0x0] =	vst v58  }
0x2fd: {  	s9 =	sor.u32 s18, s30;
	v60 =	vld.idx.msk [tilespmem:v59+s16+$0x0], $0xffff;
	[tilespmem:s29+$0x0] =	vst v49  }
0x2fe: {  	v36 =	vadd.s32 $0xFA, v34;
	s11 =	sor.u32 s7, s30;
	s12 =	sor.u32 s13, s30;
	s30 =	sadd.s32 $0xB380, s5;
	[tilespmem:s14+$0x0] =	vst v1;
	v1 =	vld.idx.msk [tilespmem:v10+s16+$0x0], $0xffff  }
0x2ff: {  	s29 =	sor.u32 s15, s30;
	v43 =	vld.idx.msk [tilespmem:v43+s16+$0x0], $0xffff;
	[tilespmem:s6+$0x0] =	vst v2  }
0x300: {  	s8 =	sor.u32 s1, s30;
	v2 =	vadd.s32 $0x2EE, v0;
	[tilespmem:s29+$0x0] =	vst v3;
	v3 =	vld.idx.msk [tilespmem:v9+s16+$0x0], $0xffff  }
0x301: {  	s28 =	sor.u32 s2, s30;
	[tilespmem:s8+$0x0] =	vst v4;
	s29 =	sadd.s32 $0x10380, s17;
	v4 =	vld.idx.msk [tilespmem:v5+s16+$0x0], $0xffff  }
0x302: {  	[tilespmem:s28+$0x0] =	vst v41;
	s8 =	sor.u32 s19, s29;
	v5 =	vld.idx.msk [tilespmem:v33+s16+$0x0], $0xffff  }
0x303: {  	v12 =	vmov v61;
	v0 =	vmov v32;
	v61 =	vld.idx.msk [tilespmem:v36+s16+$0x0], $0xffff;
	[tilespmem:s8+$0x0] =	vst v60  }
0x304: {  	s30 =	sor.u32 s4, s30;
	v32 =	vadd.s32 $0x12C, v0;
	[tilespmem:s26+$0x0] =	vst v1;
	v1 =	vld.idx.msk [tilespmem:v8+s16+$0x0], $0xffff  }
0x305: {  	s8 =	sadd.s32 $0xBB80, s5;
	v2 =	vld.idx.msk [tilespmem:v2+s16+$0x0], $0xffff;
	[tilespmem:s30+$0x0] =	vst v43  }
0x306: {  	s14 =	sor.u32 s1, s8;
	v62 =	vld.idx.msk [tilespmem:v37+s16+$0x0], $0xffff;
	[tilespmem:s25+$0x0] =	vst v3  }
0x307: {  	v29 =	vadd.s32 $0x12C, v34;
	s10 =	sor.u32 s18, s29;
	s6 =	sor.u32 s13, s29;
	s26 =	sor.u32 s15, s8;
	v3 =	vld.idx.msk [tilespmem:v6+s16+$0x0], $0xffff;
	[tilespmem:s14+$0x0] =	vst v5  }
0x308: {  	s29 =	sor.u32 s7, s29;
	s30 =	sor.u32 s2, s8;
	[tilespmem:s26+$0x0] =	vst v4;
	s26 =	sadd.s32 $0x10B80, s17;
	v5 =	vld.idx.msk [tilespmem:v31+s16+$0x0], $0xffff  }
0x309: {  	s8 =	sor.u32 s4, s8;
	s17 =	smov.u32 s5;
	v4 =	vld.idx.msk [tilespmem:v32+s16+$0x0], $0xffff;
	s25 =	sor.u32 s18, s26;
	[tilespmem:s9+$0x0] =	vst v1  }
0x30a: {  	[tilespmem:s30+$0x0] =	vst v61;
	s28 =	sor.u32 s13, s26;
	s19 =	sor.u32 s19, s26;
	s26 =	sor.u32 s7, s26;
	v1 =	vld.idx.msk [tilespmem:v26+s16+$0x0], $0xffff  }
0x30b: {  	s18 =	smov.u32 s1;
	s13 =	smov.u32 s2;
	s2 =	sadd.s32 $0xC380, s17;
	[tilespmem:s19+$0x0] =	vst v2  }
0x30c: {  	s7 =	smov.u32 s4;
	v29 =	vld.idx.msk [tilespmem:v29+s16+$0x0], $0xffff;
	s19 =	smov.u32 s15;
	s4 =	sor.u32 s18, s2;
	[tilespmem:s12+$0x0] =	vst v3  }
0x30d: {  	s9 =	sor.u32 s19, s2;
	v3 =	vld [tilespmem:$0x1FF10];
	[tilespmem:s4+$0x0] =	vst v5  }
0x30e: {  	[tilespmem:s9+$0x0] =	vst v4;
	v4 =	vld.idx.msk [tilespmem:v27+s16+$0x0], $0xffff  }
0x30f: {  	[tilespmem:s10+$0x0] =	vst v1;
	v1 =	vld [tilespmem:$0x1FF30];
	_ =	sdelay $0x3  }
0x310: {  	v31 =	vld.idx.msk [tilespmem:v11+s16+$0x0], $0xffff  }
0x311: {  	v63 =	vadd.s32 $0x226, v34;
	v2 =	vadd.s32 $0x15E, v0;
	v26 =	vld [tilespmem:$0x1FF20];
	[tilespmem:s8+$0x0] =	vst v62  }
0x312: {  	v15 =	vmov v63;
	v63 =	vld.idx.msk [tilespmem:v30+s16+$0x0], $0xffff  }
0x313: {  	s8 =	sor.u32 s13, s2;
	v3 =	vld.idx.msk [tilespmem:v3+s16+$0x0], $0xffff  }
0x314: {  	[tilespmem:s8+$0x0] =	vst v29;
	v29 =	vld.idx.msk [tilespmem:v1+s16+$0x0], $0xffff  }
0x315: {  	v1 =	vld [tilespmem:$0x1FF40]  }
0x316: {  	v28 =	vadd.s32 $0x15E, v34;
	v2 =	vld.idx.msk [tilespmem:v2+s16+$0x0], $0xffff  }
0x317: {  	s22 =	sadd.s32 $0x4, s22;
	v5 =	vadd.s32 $0x190, v0  }
0x318: {  	p0 =	slt.u32 s22, $0x3C;
	v36 =	vld [tilespmem:$0x1FF00];
	s1 =	sor.u32 s7, s2;
	[tilespmem:s11+$0x0] =	vst v31  }
.Ltmp4:
0x319: {  	s14 =	sadd.s32 $0xCB80, s17;
	v27 =	vld.idx.msk [tilespmem:v7+s16+$0x0], $0xffff;
	[tilespmem:s1+$0x0] =	vst v63;
	(pc) =	sbr.rel @p0 .LBB2_7-.Ltmp4, $4  }
0x31a: {  	v23 =	vadd.s32 $0x190, v34;
	v21 =	vadd.s32 $0x1C2, v34;
	v39 =	vadd.s32 $0x2BC, v34;
	s30 =	sor.u32 s19, s14;
	v31 =	vld.idx.msk [tilespmem:v26+s16+$0x0], $0xffff  }
0x31b: {  	v45 =	vadd.s32 $0x28A, v34;
	v51 =	vadd.s32 $0x258, v34;
	v34 =	vadd.s32 $0x2EE, v34;
	[tilespmem:s30+$0x0] =	vst v2;
	v30 =	vld.idx.msk [tilespmem:v28+s16+$0x0], $0xffff  }
0x31c: {  	s23 =	sadd.s32 $0x80, s23;
	v10 =	vmovc v51;
	v9 =	vmovc v50;
	v33 =	vmov v34;
	v8 =	vmov v46;
	v37 =	vmov v40;
	s15 =	sor.u32 s18, s14;
	v26 =	vld.idx.msk [tilespmem:v5+s16+$0x0], $0xffff;
	[tilespmem:s6+$0x0] =	vst v3  }
0x31d: {  	s24 =	sadd.s32 $0x40, s24;
	v40 =	vmovc v39;
	v6 =	vmovc v45;
	v11 =	vmov v44;
	v32 =	vmov v35;
	s2 =	sor.u32 s13, s14;
	v7 =	vmov v38;
	[tilespmem:s15+$0x0] =	vst v4;
	s6 =	sor.u32 s7, s14;
	v28 =	vld.idx.msk [tilespmem:v1+s16+$0x0], $0xffff  }
0x31e: {  	_ =	sdelay $0x3  }
0x31f: {  	v1 =	vld.idx.msk [tilespmem:v24+s16+$0x0], $0xffff;
	v2 =	vadd.s32 $0x1C2, v0;
	[tilespmem:s2+$0x0] =	vst v30  }
0x320: {  	[tilespmem:s6+$0x0] =	vst v31;
	v3 =	vld.idx.msk [tilespmem:v23+s16+$0x0], $0xffff  }
0x321: {  	s1 =	sadd.s32 $0xD380, s17;
	v4 =	vld.idx.msk [tilespmem:v22+s16+$0x0], $0xffff  }
0x322: {  	s12 =	sor.u32 s19, s1  }
0x323: {  	s4 =	sor.u32 s18, s1;
	[tilespmem:s12+$0x0] =	vst v26  }
0x324: {  	s14 =	sor.u32 s13, s1;
	[tilespmem:s4+$0x0] =	vst v1;
	v1 =	vld.idx.msk [tilespmem:v2+s16+$0x0], $0xffff  }
0x325: {  	s1 =	sor.u32 s7, s1;
	v2 =	vadd.s32 $0x1F4, v0;
	[tilespmem:s14+$0x0] =	vst v3;
	v3 =	vld.idx.msk [tilespmem:v20+s16+$0x0], $0xffff  }
0x326: {  	[tilespmem:s1+$0x0] =	vst v4;
	v5 =	vld.idx.msk [tilespmem:v21+s16+$0x0], $0xffff  }
0x327: {  	s15 =	sadd.s32 $0xDB80, s17;
	v4 =	vld.idx.msk [tilespmem:v19+s16+$0x0], $0xffff  }
0x328: {  	s22 =	sor.u32 s19, s15  }
0x329: {  	s23 =	sor.u32 s18, s15;
	[tilespmem:s22+$0x0] =	vst v1  }
0x32a: {  	s24 =	sor.u32 s13, s15;
	v1 =	vld.idx.msk [tilespmem:v2+s16+$0x0], $0xffff;
	[tilespmem:s23+$0x0] =	vst v3  }
0x32b: {  	s1 =	sor.u32 s7, s15;
	v2 =	vadd.s32 $0x226, v0;
	[tilespmem:s24+$0x0] =	vst v5;
	v3 =	vld.idx.msk [tilespmem:v16+s16+$0x0], $0xffff  }
0x32c: {  	[tilespmem:s1+$0x0] =	vst v4;
	v4 =	vld.idx.msk [tilespmem:v17+s16+$0x0], $0xffff  }
0x32d: {  	s30 =	sadd.s32 $0xE380, s17;
	v5 =	vld.idx.msk [tilespmem:v18+s16+$0x0], $0xffff  }
0x32e: {  	s4 =	sor.u32 s19, s30  }
0x32f: {  	s5 =	sor.u32 s18, s30;
	[tilespmem:s4+$0x0] =	vst v1  }
0x330: {  	s6 =	sor.u32 s13, s30;
	v1 =	vld.idx.msk [tilespmem:v2+s16+$0x0], $0xffff;
	[tilespmem:s5+$0x0] =	vst v3  }
0x331: {  	s1 =	sor.u32 s7, s30;
	v2 =	vadd.s32 $0x258, v0;
	[tilespmem:s6+$0x0] =	vst v4;
	v3 =	vld.idx.msk [tilespmem:v12+s16+$0x0], $0xffff  }
0x332: {  	[tilespmem:s1+$0x0] =	vst v5;
	v4 =	vld.idx.msk [tilespmem:v15+s16+$0x0], $0xffff  }
0x333: {  	s8 =	sadd.s32 $0xEB80, s17;
	v5 =	vld.idx.msk [tilespmem:v14+s16+$0x0], $0xffff  }
0x334: {  	s9 =	sor.u32 s19, s8  }
0x335: {  	s10 =	sor.u32 s18, s8;
	[tilespmem:s9+$0x0] =	vst v1  }
0x336: {  	s11 =	sor.u32 s13, s8;
	v1 =	vld.idx.msk [tilespmem:v2+s16+$0x0], $0xffff;
	[tilespmem:s10+$0x0] =	vst v3  }
0x337: {  	s1 =	sor.u32 s7, s8;
	v2 =	vadd.s32 $0x28A, v0;
	[tilespmem:s11+$0x0] =	vst v4;
	v3 =	vld.idx.msk [tilespmem:v13+s16+$0x0], $0xffff  }
0x338: {  	[tilespmem:s1+$0x0] =	vst v5;
	v4 =	vld.idx.msk [tilespmem:v10+s16+$0x0], $0xffff  }
0x339: {  	s12 =	sadd.s32 $0xF380, s17;
	v5 =	vld.idx.msk [tilespmem:v9+s16+$0x0], $0xffff  }
0x33a: {  	s14 =	sor.u32 s19, s12  }
0x33b: {  	s15 =	sor.u32 s18, s12;
	[tilespmem:s14+$0x0] =	vst v1  }
0x33c: {  	s22 =	sor.u32 s13, s12;
	v1 =	vld.idx.msk [tilespmem:v2+s16+$0x0], $0xffff;
	[tilespmem:s15+$0x0] =	vst v3  }
0x33d: {  	s1 =	sor.u32 s7, s12;
	v2 =	vadd.s32 $0x2BC, v0;
	[tilespmem:s22+$0x0] =	vst v4;
	v3 =	vld.idx.msk [tilespmem:v8+s16+$0x0], $0xffff  }
0x33e: {  	[tilespmem:s1+$0x0] =	vst v5;
	v4 =	vld.idx.msk [tilespmem:v6+s16+$0x0], $0xffff  }
0x33f: {  	s23 =	sadd.s32 $0xFB80, s17;
	v5 =	vld.idx.msk [tilespmem:v11+s16+$0x0], $0xffff  }
0x340: {  	s24 =	sor.u32 s19, s23  }
0x341: {  	s30 =	sor.u32 s18, s23;
	[tilespmem:s24+$0x0] =	vst v1  }
0x342: {  	s5 =	sor.u32 s13, s23;
	v1 =	vld.idx.msk [tilespmem:v2+s16+$0x0], $0xffff;
	[tilespmem:s30+$0x0] =	vst v3  }
0x343: {  	v0 =	vadd.s32 $0x2EE, v0;
	s1 =	sor.u32 s7, s23;
	v2 =	vld.idx.msk [tilespmem:v37+s16+$0x0], $0xffff;
	[tilespmem:s5+$0x0] =	vst v4  }
0x344: {  	[tilespmem:s1+$0x0] =	vst v5;
	v3 =	vld.idx.msk [tilespmem:v40+s16+$0x0], $0xffff  }
0x345: {  	[tilespmem:s29+$0x0] =	vst v27;
	s6 =	sadd.s32 $0x10380, s17;
	v4 =	vld.idx.msk [tilespmem:v7+s16+$0x0], $0xffff  }
0x346: {  	[tilespmem:s25+$0x0] =	vst v29;
	s8 =	sor.u32 s19, s6  }
0x347: {  	s9 =	sor.u32 s18, s6;
	v5 =	vld.idx.msk [tilespmem:v36+s16+$0x0], $0xffff;
	[tilespmem:s8+$0x0] =	vst v1  }
0x348: {  	s10 =	sor.u32 s13, s6;
	v0 =	vld.idx.msk [tilespmem:v0+s16+$0x0], $0xffff;
	[tilespmem:s9+$0x0] =	vst v2  }
0x349: {  	s1 =	sor.u32 s7, s6;
	v1 =	vld.idx.msk [tilespmem:v32+s16+$0x0], $0xffff;
	[tilespmem:s10+$0x0] =	vst v3  }
0x34a: {  	[tilespmem:s1+$0x0] =	vst v4;
	v2 =	vld.idx.msk [tilespmem:v33+s16+$0x0], $0xffff  }
0x34b: {  	[tilespmem:s28+$0x0] =	vst v28;
	s11 =	sadd.s32 $0x10B80, s17;
	v3 =	vld.idx.msk [tilespmem:v25+s16+$0x0], $0xffff  }
0x34c: {  	s12 =	sor.u32 s19, s11;
	[tilespmem:s26+$0x0] =	vst v5  }
0x34d: {  	s14 =	sor.u32 s18, s11;
	[tilespmem:s12+$0x0] =	vst v0  }
0x34e: {  	s15 =	sor.u32 s13, s11;
	[tilespmem:s14+$0x0] =	vst v1  }
0x34f: {  	s1 =	sor.u32 s7, s11;
	[tilespmem:s15+$0x0] =	vst v2  }
0x350: {  	s12 =	rddreg [dreg:$0x17];
	[tilespmem:s1+$0x0] =	vst v3  }
0x351: {  	s16 =	sadd.s32 $0xC00, s12;
	s11 =	rddreg [dreg:$0x16]  }
0x352: {  	s8 =	rddreg [dreg:$0x10];
	s17 =	sor.u32 s11, s16  }
0x353: {  	s10 =	rddreg [dreg:$0x12];
	s18 =	sor.u32 s8, s16;
	v4 =	vld [tilespmem:s17+$0x0]  }
0x354: {  	s19 =	sor.u32 s10, s16;
	v2 =	vld [tilespmem:s18+$0x0]  }
0x355: {  	v3 =	vld [tilespmem:s19+$0x0]  }
0x356: {  	s9 =	rddreg [dreg:$0x11]  }
0x357: {  	s22 =	sor.u32 s9, s16  }
0x358: {  	v1 =	vld [tilespmem:s22+$0x0];
	_ =	sdelay $0x2  }
0x359: {  	v0 =	vld.idx.msk [tilespmem:v4+s3+$0x0], $0xffff  }
0x35a: {  	v6 =	vadd.s32 $0x32, v4;
	v5 =	vld.idx.msk [tilespmem:v2+s3+$0x0], $0xffff  }
0x35b: {  	v7 =	vadd.s32 $0x32, v2;
	v8 =	vld.idx.msk [tilespmem:v3+s3+$0x0], $0xffff  }
0x35c: {  	s23 =	sadd.s32 $0x9400, s12;
	v9 =	vadd.s32 $0x32, v3  }
0x35d: {  	s24 =	sor.u32 s11, s23  }
0x35e: {  	s25 =	sor.u32 s8, s23;
	v10 =	vld.idx.msk [tilespmem:v1+s3+$0x0], $0xffff;
	[tilespmem:s24+$0x0] =	vst v0  }
0x35f: {  	s26 =	sor.u32 s10, s23;
	v0 =	vadd.s32 $0x32, v1;
	[tilespmem:s25+$0x0] =	vst v5;
	v5 =	vld.idx.msk [tilespmem:v6+s3+$0x0], $0xffff  }
0x360: {  	[tilespmem:s26+$0x0] =	vst v8;
	v6 =	vld.idx.msk [tilespmem:v7+s3+$0x0], $0xffff;
	v7 =	vadd.s32 $0x64, v4  }
0x361: {  	v8 =	vadd.s32 $0x64, v2;
	v9 =	vld.idx.msk [tilespmem:v9+s3+$0x0], $0xffff  }
0x362: {  	s28 =	sadd.s32 $0x9C00, s12;
	s1 =	sor.u32 s9, s23;
	v11 =	vadd.s32 $0x64, v3  }
0x363: {  	s29 =	sor.u32 s11, s28;
	[tilespmem:s1+$0x0] =	vst v10  }
0x364: {  	s30 =	sor.u32 s8, s28;
	v0 =	vld.idx.msk [tilespmem:v0+s3+$0x0], $0xffff;
	[tilespmem:s29+$0x0] =	vst v5  }
0x365: {  	s5 =	sor.u32 s10, s28;
	[tilespmem:s30+$0x0] =	vst v6;
	v6 =	vld.idx.msk [tilespmem:v7+s3+$0x0], $0xffff  }
0x366: {  	v5 =	vadd.s32 $0x64, v1;
	[tilespmem:s5+$0x0] =	vst v9;
	v7 =	vld.idx.msk [tilespmem:v8+s3+$0x0], $0xffff  }
0x367: {  	v8 =	vadd.s32 $0x96, v4;
	v10 =	vld.idx.msk [tilespmem:v11+s3+$0x0], $0xffff  }
0x368: {  	v11 =	vadd.s32 $0x96, v3  }
0x369: {  	s7 =	sadd.s32 $0xA400, s12;
	s6 =	sor.u32 s9, s28;
	v9 =	vadd.s32 $0x96, v2  }
0x36a: {  	s13 =	sor.u32 s11, s7;
	[tilespmem:s6+$0x0] =	vst v0  }
0x36b: {  	s15 =	sor.u32 s10, s7;
	v0 =	vld.idx.msk [tilespmem:v5+s3+$0x0], $0xffff;
	[tilespmem:s13+$0x0] =	vst v6  }
0x36c: {  	s14 =	sor.u32 s8, s7;
	v5 =	vadd.s32 $0x96, v1;
	[tilespmem:s15+$0x0] =	vst v10;
	v6 =	vld.idx.msk [tilespmem:v8+s3+$0x0], $0xffff  }
0x36d: {  	[tilespmem:s14+$0x0] =	vst v7;
	v8 =	vadd.s32 $0xC8, v4;
	v10 =	vld.idx.msk [tilespmem:v11+s3+$0x0], $0xffff  }
0x36e: {  	v7 =	vld.idx.msk [tilespmem:v9+s3+$0x0], $0xffff;
	v11 =	vadd.s32 $0xC8, v3  }
0x36f: {  	s16 =	sor.u32 s9, s7;
	s17 =	sadd.s32 $0xAC00, s12;
	v9 =	vadd.s32 $0xC8, v2  }
0x370: {  	s18 =	sor.u32 s11, s17;
	[tilespmem:s16+$0x0] =	vst v0  }
0x371: {  	s22 =	sor.u32 s10, s17;
	v0 =	vld.idx.msk [tilespmem:v5+s3+$0x0], $0xffff;
	[tilespmem:s18+$0x0] =	vst v6  }
0x372: {  	s19 =	sor.u32 s8, s17;
	v5 =	vadd.s32 $0xC8, v1;
	[tilespmem:s22+$0x0] =	vst v10;
	v6 =	vld.idx.msk [tilespmem:v8+s3+$0x0], $0xffff  }
0x373: {  	[tilespmem:s19+$0x0] =	vst v7;
	v8 =	vadd.s32 $0xFA, v4;
	v10 =	vld.idx.msk [tilespmem:v11+s3+$0x0], $0xffff  }
0x374: {  	v7 =	vld.idx.msk [tilespmem:v9+s3+$0x0], $0xffff;
	v11 =	vadd.s32 $0xFA, v3  }
0x375: {  	s23 =	sor.u32 s9, s17;
	s24 =	sadd.s32 $0xB400, s12;
	v9 =	vadd.s32 $0xFA, v2  }
0x376: {  	s25 =	sor.u32 s11, s24;
	[tilespmem:s23+$0x0] =	vst v0  }
0x377: {  	s28 =	sor.u32 s10, s24;
	v0 =	vld.idx.msk [tilespmem:v5+s3+$0x0], $0xffff;
	[tilespmem:s25+$0x0] =	vst v6  }
0x378: {  	s26 =	sor.u32 s8, s24;
	v5 =	vadd.s32 $0xFA, v1;
	[tilespmem:s28+$0x0] =	vst v10;
	v6 =	vld.idx.msk [tilespmem:v8+s3+$0x0], $0xffff  }
0x379: {  	[tilespmem:s26+$0x0] =	vst v7;
	v8 =	vadd.s32 $0x12C, v4;
	v10 =	vld.idx.msk [tilespmem:v11+s3+$0x0], $0xffff  }
0x37a: {  	v7 =	vld.idx.msk [tilespmem:v9+s3+$0x0], $0xffff;
	v11 =	vadd.s32 $0x12C, v3  }
0x37b: {  	s29 =	sor.u32 s9, s24;
	s30 =	sadd.s32 $0xBC00, s12;
	v9 =	vadd.s32 $0x12C, v2  }
0x37c: {  	s5 =	sor.u32 s11, s30;
	[tilespmem:s29+$0x0] =	vst v0  }
0x37d: {  	s7 =	sor.u32 s10, s30;
	v0 =	vld.idx.msk [tilespmem:v5+s3+$0x0], $0xffff;
	[tilespmem:s5+$0x0] =	vst v6  }
0x37e: {  	s6 =	sor.u32 s8, s30;
	v5 =	vadd.s32 $0x12C, v1;
	[tilespmem:s7+$0x0] =	vst v10;
	v6 =	vld.idx.msk [tilespmem:v8+s3+$0x0], $0xffff  }
0x37f: {  	[tilespmem:s6+$0x0] =	vst v7;
	v8 =	vadd.s32 $0x15E, v4;
	v10 =	vld.idx.msk [tilespmem:v11+s3+$0x0], $0xffff  }
0x380: {  	v7 =	vld.idx.msk [tilespmem:v9+s3+$0x0], $0xffff;
	v11 =	vadd.s32 $0x15E, v3  }
0x381: {  	s13 =	sor.u32 s9, s30;
	s14 =	sadd.s32 $0xC400, s12;
	v9 =	vadd.s32 $0x15E, v2  }
0x382: {  	s15 =	sor.u32 s11, s14;
	[tilespmem:s13+$0x0] =	vst v0  }
0x383: {  	s17 =	sor.u32 s10, s14;
	v0 =	vld.idx.msk [tilespmem:v5+s3+$0x0], $0xffff;
	[tilespmem:s15+$0x0] =	vst v6  }
0x384: {  	s16 =	sor.u32 s8, s14;
	v5 =	vadd.s32 $0x15E, v1;
	[tilespmem:s17+$0x0] =	vst v10;
	v6 =	vld.idx.msk [tilespmem:v8+s3+$0x0], $0xffff  }
0x385: {  	[tilespmem:s16+$0x0] =	vst v7;
	v8 =	vadd.s32 $0x190, v4;
	v10 =	vld.idx.msk [tilespmem:v11+s3+$0x0], $0xffff  }
0x386: {  	s25 =	sadd.s32 $0xC00, s31;
	v7 =	vld.idx.msk [tilespmem:v9+s3+$0x0], $0xffff;
	v11 =	vadd.s32 $0x190, v3  }
0x387: {  	s18 =	sor.u32 s9, s14;
	s19 =	sadd.s32 $0xCC00, s12;
	s26 =	sor.u32 s0, s25;
	v9 =	vadd.s32 $0x190, v2  }
0x388: {  	s22 =	sor.u32 s11, s19;
	[tilespmem:s18+$0x0] =	vst v0;
	v0 =	vld [tilespmem:s26+$0x0]  }
0x389: {  	s24 =	sor.u32 s10, s19;
	v5 =	vld.idx.msk [tilespmem:v5+s3+$0x0], $0xffff;
	[tilespmem:s22+$0x0] =	vst v6  }
0x38a: {  	s23 =	sor.u32 s8, s19;
	[tilespmem:s24+$0x0] =	vst v10;
	v6 =	vld.idx.msk [tilespmem:v8+s3+$0x0], $0xffff  }
0x38b: {  	[tilespmem:s23+$0x0] =	vst v7;
	v10 =	vld.idx.msk [tilespmem:v11+s3+$0x0], $0xffff;
	v11 =	vadd.s32 $0x190, v1  }
0x38c: {  	s29 =	sor.u32 s21, s25;
	v8 =	vld.idx.msk [tilespmem:v9+s3+$0x0], $0xffff;
	v9 =	vadd.s32 $0x1C2, v4;
	s24 =	rddreg [dreg:$0xe]  }
0x38d: {  	v12 =	vadd.s32 $0x1C2, v2;
	v7 =	vld [tilespmem:s29+$0x0];
	s5 =	sor.u32 s24, s25  }
0x38e: {  	v13 =	vadd.s32 $0x1C2, v3;
	s2 =	sor.u32 s9, s19;
	s28 =	sadd.s32 $0xD400, s12;
	s4 =	sor.u32 s20, s25;
	v25 =	vld [tilespmem:s5+$0x0]  }
0x38f: {  	s30 =	sor.u32 s11, s28;
	v26 =	vld [tilespmem:s4+$0x0];
	[tilespmem:s2+$0x0] =	vst v5  }
0x390: {  	s7 =	sor.u32 s8, s28;
	[tilespmem:s30+$0x0] =	vst v6;
	v5 =	vld.idx.msk [tilespmem:v11+s3+$0x0], $0xffff  }
0x391: {  	s13 =	sor.u32 s10, s28;
	[tilespmem:s7+$0x0] =	vst v8;
	v6 =	vld.idx.msk [tilespmem:v9+s3+$0x0], $0xffff  }
0x392: {  	[tilespmem:s13+$0x0] =	vst v10;
	v9 =	vld.idx.msk [tilespmem:v12+s3+$0x0], $0xffff  }
0x393: {  	v11 =	vadd.s32 $0x1C2, v1;
	v10 =	vld.idx.msk [tilespmem:v13+s3+$0x0], $0xffff  }
0x394: {  	s14 =	sadd.s32 $0xDC00, s12;
	s1 =	sor.u32 s9, s28;
	v8 =	vadd.s32 $0x1F4, v4;
	v12 =	vld.idx.msk [tilespmem:v0+s3+$0x0], $0xffff  }
0x395: {  	s15 =	sor.u32 s11, s14;
	v13 =	vadd.s32 $0x1F4, v2;
	v16 =	vld.idx.msk [tilespmem:v7+s3+$0x0], $0xffff;
	[tilespmem:s1+$0x0] =	vst v5  }
0x396: {  	s16 =	sor.u32 s8, s14;
	v17 =	vadd.s32 $0x32, v7;
	v14 =	vld.idx.msk [tilespmem:v25+s3+$0x0], $0xffff;
	[tilespmem:s15+$0x0] =	vst v6  }
0x397: {  	s17 =	sor.u32 s10, s14;
	s18 =	sadd.s32 $0x9400, s31;
	v5 =	vld.idx.msk [tilespmem:v26+s3+$0x0], $0xffff;
	v6 =	vadd.s32 $0x32, v0;
	[tilespmem:s16+$0x0] =	vst v9  }
0x398: {  	s19 =	sor.u32 s0, s18;
	v15 =	vadd.s32 $0x32, v25;
	[tilespmem:s17+$0x0] =	vst v10;
	v10 =	vld.idx.msk [tilespmem:v11+s3+$0x0], $0xffff  }
0x399: {  	s26 =	sor.u32 s21, s18;
	v11 =	vadd.s32 $0x32, v26;
	[tilespmem:s19+$0x0] =	vst v12;
	v8 =	vld.idx.msk [tilespmem:v8+s3+$0x0], $0xffff  }
0x39a: {  	v12 =	vld.idx.msk [tilespmem:v13+s3+$0x0], $0xffff;
	[tilespmem:s26+$0x0] =	vst v16  }
0x39b: {  	s22 =	sor.u32 s24, s18;
	v13 =	vadd.s32 $0x1F4, v3;
	v17 =	vld.idx.msk [tilespmem:v17+s3+$0x0], $0xffff  }
0x39c: {  	s28 =	sor.u32 s20, s18;
	v9 =	vadd.s32 $0x226, v4;
	[tilespmem:s22+$0x0] =	vst v14;
	v6 =	vld.idx.msk [tilespmem:v6+s3+$0x0], $0xffff  }
0x39d: {  	s23 =	sadd.s32 $0xE400, s12;
	s2 =	sor.u32 s9, s14;
	v14 =	vadd.s32 $0x1F4, v1;
	[tilespmem:s28+$0x0] =	vst v5;
	v15 =	vld.idx.msk [tilespmem:v15+s3+$0x0], $0xffff  }
0x39e: {  	s25 =	sor.u32 s11, s23;
	v5 =	vld.idx.msk [tilespmem:v11+s3+$0x0], $0xffff;
	[tilespmem:s2+$0x0] =	vst v10;
	v11 =	vadd.s32 $0x64, v7  }
0x39f: {  	s29 =	sor.u32 s8, s23;
	s30 =	sadd.s32 $0x9C00, s31;
	[tilespmem:s25+$0x0] =	vst v8;
	v8 =	vadd.s32 $0x64, v0  }
0x3a0: {  	s14 =	sor.u32 s21, s30;
	[tilespmem:s29+$0x0] =	vst v12;
	v12 =	vld.idx.msk [tilespmem:v13+s3+$0x0], $0xffff;
	v13 =	vadd.s32 $0x64, v26  }
0x3a1: {  	s6 =	sor.u32 s0, s30;
	v16 =	vadd.s32 $0x64, v25;
	v9 =	vld.idx.msk [tilespmem:v9+s3+$0x0], $0xffff;
	[tilespmem:s14+$0x0] =	vst v17  }
0x3a2: {  	s7 =	sor.u32 s24, s30;
	v10 =	vadd.s32 $0x258, v4;
	[tilespmem:s6+$0x0] =	vst v6;
	v6 =	vld.idx.msk [tilespmem:v14+s3+$0x0], $0xffff  }
0x3a3: {  	s15 =	sor.u32 s20, s30;
	v14 =	vadd.s32 $0x226, v2;
	[tilespmem:s7+$0x0] =	vst v15;
	v11 =	vld.idx.msk [tilespmem:v11+s3+$0x0], $0xffff  }
0x3a4: {  	s16 =	sor.u32 s10, s23;
	s2 =	sadd.s32 $0xEC00, s12;
	v15 =	vadd.s32 $0x226, v3;
	[tilespmem:s15+$0x0] =	vst v5;
	v8 =	vld.idx.msk [tilespmem:v8+s3+$0x0], $0xffff  }
0x3a5: {  	s13 =	sor.u32 s11, s2;
	v5 =	vld.idx.msk [tilespmem:v13+s3+$0x0], $0xffff;
	[tilespmem:s16+$0x0] =	vst v12;
	v13 =	vadd.s32 $0x96, v7  }
0x3a6: {  	s18 =	sadd.s32 $0xA400, s31;
	s17 =	sor.u32 s9, s23;
	v16 =	vld.idx.msk [tilespmem:v16+s3+$0x0], $0xffff;
	[tilespmem:s13+$0x0] =	vst v9;
	v9 =	vadd.s32 $0x96, v0  }
0x3a7: {  	s25 =	sor.u32 s21, s18;
	v17 =	vadd.s32 $0x96, v25;
	v10 =	vld.idx.msk [tilespmem:v10+s3+$0x0], $0xffff;
	[tilespmem:s17+$0x0] =	vst v6  }
0x3a8: {  	s19 =	sor.u32 s0, s18;
	v12 =	vadd.s32 $0x28A, v4;
	v14 =	vld.idx.msk [tilespmem:v14+s3+$0x0], $0xffff;
	[tilespmem:s25+$0x0] =	vst v11  }
0x3a9: {  	v6 =	vadd.s32 $0x96, v26;
	[tilespmem:s19+$0x0] =	vst v8;
	v8 =	vld.idx.msk [tilespmem:v15+s3+$0x0], $0xffff  }
0x3aa: {  	s4 =	sadd.s32 $0xF400, s12;
	s22 =	sor.u32 s24, s18;
	v15 =	vadd.s32 $0x226, v1;
	v13 =	vld.idx.msk [tilespmem:v13+s3+$0x0], $0xffff  }
0x3ab: {  	s23 =	sor.u32 s11, s4;
	[tilespmem:s22+$0x0] =	vst v16;
	v16 =	vadd.s32 $0x258, v2;
	v9 =	vld.idx.msk [tilespmem:v9+s3+$0x0], $0xffff  }
0x3ac: {  	s26 =	sor.u32 s20, s18;
	v17 =	vld.idx.msk [tilespmem:v17+s3+$0x0], $0xffff;
	[tilespmem:s23+$0x0] =	vst v10;
	v10 =	vadd.s32 $0xC8, v0  }
0x3ad: {  	s28 =	sor.u32 s8, s2;
	[tilespmem:s26+$0x0] =	vst v5;
	v11 =	vld.idx.msk [tilespmem:v12+s3+$0x0], $0xffff;
	v12 =	vadd.s32 $0xC8, v25  }
0x3ae: {  	s30 =	sadd.s32 $0xAC00, s31;
	s29 =	sor.u32 s10, s2;
	v5 =	vld.idx.msk [tilespmem:v6+s3+$0x0], $0xffff;
	[tilespmem:s28+$0x0] =	vst v14;
	v6 =	vadd.s32 $0x2BC, v4  }
0x3af: {  	s7 =	sor.u32 s0, s30;
	v14 =	vadd.s32 $0xC8, v7;
	[tilespmem:s29+$0x0] =	vst v8;
	v8 =	vld.idx.msk [tilespmem:v15+s3+$0x0], $0xffff  }
0x3b0: {  	s1 =	sadd.s32 $0xFC00, s12;
	s13 =	sor.u32 s24, s30;
	v15 =	vadd.s32 $0xC8, v26;
	[tilespmem:s7+$0x0] =	vst v9;
	v9 =	vld.idx.msk [tilespmem:v16+s3+$0x0], $0xffff  }
0x3b1: {  	s14 =	sor.u32 s11, s1;
	v16 =	vadd.s32 $0x258, v3;
	[tilespmem:s13+$0x0] =	vst v17;
	v10 =	vld.idx.msk [tilespmem:v10+s3+$0x0], $0xffff  }
0x3b2: {  	s15 =	sor.u32 s21, s30;
	v17 =	vadd.s32 $0x258, v1;
	v12 =	vld.idx.msk [tilespmem:v12+s3+$0x0], $0xffff;
	[tilespmem:s14+$0x0] =	vst v11  }
0x3b3: {  	s16 =	sor.u32 s20, s30;
	[tilespmem:s15+$0x0] =	vst v13;
	v11 =	vadd.s32 $0xFA, v0;
	v6 =	vld.idx.msk [tilespmem:v6+s3+$0x0], $0xffff  }
0x3b4: {  	s2 =	sor.u32 s9, s2;
	v13 =	vadd.s32 $0xFA, v25;
	v14 =	vld.idx.msk [tilespmem:v14+s3+$0x0], $0xffff;
	[tilespmem:s16+$0x0] =	vst v5  }
0x3b5: {  	s18 =	sadd.s32 $0xB400, s31;
	s17 =	sor.u32 s8, s4;
	v4 =	vadd.s32 $0x2EE, v4;
	v5 =	vld.idx.msk [tilespmem:v15+s3+$0x0], $0xffff;
	[tilespmem:s2+$0x0] =	vst v8  }
0x3b6: {  	s19 =	sor.u32 s0, s18;
	v8 =	vadd.s32 $0xFA, v7;
	[tilespmem:s17+$0x0] =	vst v9;
	v9 =	vld.idx.msk [tilespmem:v16+s3+$0x0], $0xffff  }
0x3b7: {  	s22 =	sor.u32 s24, s18;
	v15 =	vadd.s32 $0xFA, v26;
	s2 =	sadd.s32 $0x10400, s12;
	[tilespmem:s19+$0x0] =	vst v10;
	v10 =	vld.idx.msk [tilespmem:v17+s3+$0x0], $0xffff  }
0x3b8: {  	v16 =	vadd.s32 $0x28A, v2;
	s23 =	sor.u32 s11, s2;
	[tilespmem:s22+$0x0] =	vst v12;
	v11 =	vld.idx.msk [tilespmem:v11+s3+$0x0], $0xffff  }
0x3b9: {  	s25 =	sor.u32 s21, s18;
	v12 =	vadd.s32 $0x28A, v3;
	v13 =	vld.idx.msk [tilespmem:v13+s3+$0x0], $0xffff;
	[tilespmem:s23+$0x0] =	vst v6  }
0x3ba: {  	s26 =	sor.u32 s20, s18;
	[tilespmem:s25+$0x0] =	vst v14;
	v6 =	vadd.s32 $0x12C, v0;
	v4 =	vld.idx.msk [tilespmem:v4+s3+$0x0], $0xffff  }
0x3bb: {  	s28 =	sor.u32 s10, s4;
	v14 =	vadd.s32 $0x12C, v25;
	v8 =	vld.idx.msk [tilespmem:v8+s3+$0x0], $0xffff;
	[tilespmem:s26+$0x0] =	vst v5  }
0x3bc: {  	s4 =	sor.u32 s9, s4;
	s29 =	sadd.s32 $0xBC00, s31;
	v5 =	vadd.s32 $0x28A, v1;
	v15 =	vld.idx.msk [tilespmem:v15+s3+$0x0], $0xffff;
	[tilespmem:s28+$0x0] =	vst v9  }
0x3bd: {  	s30 =	sor.u32 s0, s29;
	v9 =	vadd.s32 $0x12C, v7;
	v16 =	vld.idx.msk [tilespmem:v16+s3+$0x0], $0xffff;
	[tilespmem:s4+$0x0] =	vst v10  }
0x3be: {  	s12 =	sadd.s32 $0x10C00, s12;
	v10 =	vadd.s32 $0x12C, v26;
	s4 =	sor.u32 s24, s29;
	[tilespmem:s30+$0x0] =	vst v11;
	v11 =	vld.idx.msk [tilespmem:v12+s3+$0x0], $0xffff  }
0x3bf: {  	s13 =	sor.u32 s11, s12;
	v12 =	vadd.s32 $0x2BC, v2;
	[tilespmem:s4+$0x0] =	vst v13;
	v6 =	vld.idx.msk [tilespmem:v6+s3+$0x0], $0xffff  }
0x3c0: {  	s14 =	sor.u32 s21, s29;
	v13 =	vadd.s32 $0x2BC, v3;
	v14 =	vld.idx.msk [tilespmem:v14+s3+$0x0], $0xffff;
	[tilespmem:s13+$0x0] =	vst v4  }
0x3c1: {  	s5 =	sor.u32 s20, s29;
	[tilespmem:s14+$0x0] =	vst v8;
	v4 =	vadd.s32 $0x15E, v0;
	v5 =	vld.idx.msk [tilespmem:v5+s3+$0x0], $0xffff  }
0x3c2: {  	s15 =	sor.u32 s8, s1;
	v8 =	vadd.s32 $0x15E, v25;
	v9 =	vld.idx.msk [tilespmem:v9+s3+$0x0], $0xffff;
	[tilespmem:s5+$0x0] =	vst v15  }
0x3c3: {  	s16 =	sor.u32 s10, s1;
	s17 =	sadd.s32 $0xC400, s31;
	v15 =	vadd.s32 $0x2BC, v1;
	[tilespmem:s15+$0x0] =	vst v16;
	v10 =	vld.idx.msk [tilespmem:v10+s3+$0x0], $0xffff  }
0x3c4: {  	v36 =	vadd.s32 $0x2EE, v1;
	v22 =	vadd.s32 $0x190, v26;
	v28 =	vadd.s32 $0x15E, v7;
	s18 =	sor.u32 s0, s17;
	v29 =	vld.idx.msk [tilespmem:v12+s3+$0x0], $0xffff;
	[tilespmem:s16+$0x0] =	vst v11  }
0x3c5: {  	v19 =	vadd.s32 $0x1C2, v26;
	v18 =	vadd.s32 $0x1F4, v26;
	s19 =	sor.u32 s24, s17;
	v11 =	vadd.s32 $0x15E, v26;
	[tilespmem:s18+$0x0] =	vst v6;
	v62 =	vld.idx.msk [tilespmem:v13+s3+$0x0], $0xffff  }
0x3c6: {  	v35 =	vadd.s32 $0x190, v0;
	v23 =	vadd.s32 $0x190, v7;
	s1 =	sor.u32 s9, s1;
	v2 =	vadd.s32 $0x2EE, v2;
	[tilespmem:s19+$0x0] =	vst v14;
	v63 =	vld.idx.msk [tilespmem:v4+s3+$0x0], $0xffff  }
0x3c7: {  	v21 =	vadd.s32 $0x1C2, v7;
	v40 =	vadd.s32 $0x2BC, v7;
	s22 =	sor.u32 s21, s17;
	v3 =	vadd.s32 $0x2EE, v3;
	[tilespmem:s1+$0x0] =	vst v5;
	v34 =	vld.idx.msk [tilespmem:v8+s3+$0x0], $0xffff  }
0x3c8: {  	v33 =	vadd.s32 $0x2EE, v7;
	v24 =	vadd.s32 $0x190, v25;
	v20 =	vadd.s32 $0x1C2, v25;
	s23 =	sor.u32 s20, s17;
	[tilespmem:s22+$0x0] =	vst v9;
	v27 =	vld.idx.msk [tilespmem:v15+s3+$0x0], $0xffff  }
0x3c9: {  	v37 =	vadd.s32 $0x2BC, v25;
	v32 =	vadd.s32 $0x2EE, v25;
	s6 =	simm.s32 $0x100;
	v17 =	vadd.s32 $0x1F4, v7;
	s25 =	sor.u32 s8, s2;
	v30 =	vld.idx.msk [tilespmem:v28+s3+$0x0], $0xffff;
	[tilespmem:s23+$0x0] =	vst v10  }
0x3ca: {  	s7 =	simm.s32 $0x4;
	s26 =	sor.u32 s10, s2;
	s28 =	sadd.s32 $0xCC00, s31;
	v16 =	vadd.s32 $0x1F4, v25;
	v12 =	vadd.s32 $0x258, v25;
	v13 =	vadd.s32 $0x226, v25;
	v31 =	vld.idx.msk [tilespmem:v11+s3+$0x0], $0xffff;
	[tilespmem:s25+$0x0] =	vst v29  }
0x3cb: {  	s29 =	sor.u32 s0, s28;
	s11 =	sor.u32 s20, s28;
	s30 =	sor.u32 s24, s28;
	v6 =	vadd.s32 $0x28A, v7;
	v14 =	vadd.s32 $0x226, v26;
	v15 =	vadd.s32 $0x226, v7;
	v29 =	vld.idx.msk [tilespmem:v2+s3+$0x0], $0xffff;
	[tilespmem:s26+$0x0] =	vst v62  }
0x3cc: {  	s14 =	sor.u32 s9, s2;
	s13 =	sor.u32 s10, s12;
	s10 =	sor.u32 s9, s12;
	v9 =	vadd.s32 $0x258, v26;
	v8 =	vadd.s32 $0x28A, v25;
	v25 =	vadd.s32 $0x2EE, v26;
	[tilespmem:s29+$0x0] =	vst v63;
	v28 =	vld.idx.msk [tilespmem:v3+s3+$0x0], $0xffff  }
0x3cd: {  	s2 =	sor.u32 s21, s28;
	s15 =	sor.u32 s8, s12;
	s8 =	simm.s32 $0x80;
	v10 =	vadd.s32 $0x258, v7;
	v7 =	vadd.s32 $0x2BC, v26;
	v11 =	vadd.s32 $0x28A, v26;
	[tilespmem:s30+$0x0] =	vst v34;
	v26 =	vld.idx.msk [tilespmem:v35+s3+$0x0], $0xffff  }
.LBB2_9:
0x3ce: {  	s1 =	sand.u32 $0x40, s8;
	s5 =	sand.u32 $0x700, s6  }
0x3cf: {  	[tilespmem:$0x1FEC0] =	vst v40;
	s12 =	sadd.s32 $0xC00, s5;
	s9 =	sor.u32 $0x30, s1  }
0x3d0: {  	[tilespmem:$0x1FEE0] =	vst v32;
	v24 =	vld.idx.msk [tilespmem:v24+s3+$0x0], $0xffff;
	s17 =	sor.u32 s9, s12  }
0x3d1: {  	[tilespmem:s15+$0x0] =	vst v29;
	s18 =	sor.u32 s1, s12;
	v32 =	vld [tilespmem:s17+$0x0]  }
0x3d2: {  	v1 =	vmov v25;
	[tilespmem:s14+$0x0] =	vst v27;
	v25 =	vld [tilespmem:s18+$0x0]  }
0x3d3: {  	[tilespmem:s2+$0x0] =	vst v30;
	v27 =	vadd.s32 $0x1C2, v0;
	s2 =	sor.u32 $0x10, s1;
	v30 =	vld.idx.msk [tilespmem:v36+s3+$0x0], $0xffff  }
0x3d4: {  	s19 =	sadd.s32 $0xD400, s31;
	s4 =	sor.u32 $0x20, s1;
	v23 =	vld.idx.msk [tilespmem:v23+s3+$0x0], $0xffff;
	s16 =	sor.u32 s2, s12;
	[tilespmem:s13+$0x0] =	vst v28  }
0x3d5: {  	s23 =	sor.u32 s24, s19;
	s22 =	sor.u32 s4, s12;
	[tilespmem:s11+$0x0] =	vst v31;
	v34 =	vld [tilespmem:s16+$0x0]  }
0x3d6: {  	s25 =	sor.u32 s0, s19;
	[tilespmem:s23+$0x0] =	vst v24;
	v52 =	vld [tilespmem:s22+$0x0]  }
0x3d7: {  	[tilespmem:s25+$0x0] =	vst v26;
	v20 =	vld.idx.msk [tilespmem:v20+s3+$0x0], $0xffff  }
0x3d8: {  	s26 =	sor.u32 s21, s19;
	v24 =	vld.idx.msk [tilespmem:v27+s3+$0x0], $0xffff;
	[tilespmem:s10+$0x0] =	vst v30  }
0x3d9: {  	[tilespmem:s26+$0x0] =	vst v23;
	v22 =	vld.idx.msk [tilespmem:v22+s3+$0x0], $0xffff  }
0x3da: {  	[tilespmem:$0x1FEF0] =	vst v33;
	s28 =	sadd.s32 $0xDC00, s31;
	v23 =	vadd.s32 $0x1F4, v0;
	v21 =	vld.idx.msk [tilespmem:v21+s3+$0x0], $0xffff  }
0x3db: {  	[tilespmem:$0x1FEB0] =	vst v1;
	s29 =	sor.u32 s24, s28;
	v39 =	vld.idx.msk [tilespmem:v32+s3+$0x0], $0xffff  }
0x3dc: {  	v1 =	vadd.s32 $0x15E, v52;
	v63 =	vld.idx.msk [tilespmem:v25+s3+$0x0], $0xffff;
	[tilespmem:s29+$0x0] =	vst v20  }
0x3dd: {  	s15 =	sor.u32 s0, s28;
	v45 =	vadd.s32 $0x32, v32;
	[tilespmem:$0x1FED0] =	vst v1;
	v58 =	vld.idx.msk [tilespmem:v16+s3+$0x0], $0xffff  }
0x3de: {  	s14 =	sor.u32 s20, s19;
	v35 =	vadd.s32 $0x32, v25;
	[tilespmem:s15+$0x0] =	vst v24;
	v50 =	vld.idx.msk [tilespmem:v34+s3+$0x0], $0xffff  }
0x3df: {  	s30 =	sor.u32 s21, s28;
	s16 =	sadd.s32 $0x9400, s5;
	v38 =	vadd.s32 $0x32, v34;
	v46 =	vld.idx.msk [tilespmem:v23+s3+$0x0], $0xffff;
	[tilespmem:s14+$0x0] =	vst v22  }
0x3e0: {  	v51 =	vadd.s32 $0x226, v0;
	s19 =	sor.u32 s9, s16;
	v53 =	vadd.s32 $0x64, v25;
	v48 =	vadd.s32 $0x96, v25;
	[tilespmem:s30+$0x0] =	vst v21;
	v56 =	vld.idx.msk [tilespmem:v52+s3+$0x0], $0xffff  }
0x3e1: {  	s17 =	sor.u32 s1, s16;
	v42 =	vadd.s32 $0xC8, v25;
	v33 =	vadd.s32 $0xFA, v25;
	v31 =	vadd.s32 $0x12C, v25;
	v57 =	vld.idx.msk [tilespmem:v19+s3+$0x0], $0xffff;
	[tilespmem:s19+$0x0] =	vst v39  }
0x3e2: {  	s22 =	sadd.s32 $0xE400, s31;
	s18 =	sor.u32 s2, s16;
	v27 =	vadd.s32 $0x15E, v25;
	v61 =	vadd.s32 $0x226, v25;
	v44 =	vadd.s32 $0x32, v52;
	[tilespmem:s17+$0x0] =	vst v63;
	v59 =	vld.idx.msk [tilespmem:v45+s3+$0x0], $0xffff  }
0x3e3: {  	s23 =	sor.u32 s24, s22;
	v2 =	vadd.s32 $0x64, v32;
	v4 =	vadd.s32 $0x258, v25;
	v40 =	vadd.s32 $0x2BC, v25;
	v60 =	vld.idx.msk [tilespmem:v35+s3+$0x0], $0xffff;
	[tilespmem:s18+$0x0] =	vst v50  }
0x3e4: {  	s26 =	sor.u32 s0, s22;
	v54 =	vadd.s32 $0x64, v34;
	v55 =	vadd.s32 $0x64, v52;
	v49 =	vadd.s32 $0x96, v52;
	[tilespmem:s23+$0x0] =	vst v58;
	v5 =	vld.idx.msk [tilespmem:v38+s3+$0x0], $0xffff  }
0x3e5: {  	v26 =	vmovc v37;
	s13 =	sor.u32 s4, s16;
	v43 =	vadd.s32 $0xC8, v52;
	v37 =	vadd.s32 $0xFA, v52;
	v30 =	vadd.s32 $0x12C, v52;
	[tilespmem:s26+$0x0] =	vst v46;
	v58 =	vld.idx.msk [tilespmem:v17+s3+$0x0], $0xffff  }
0x3e6: {  	s10 =	sor.u32 s20, s28;
	s28 =	sadd.s32 $0x9C00, s5;
	v62 =	vadd.s32 $0x1F4, v52;
	v20 =	vadd.s32 $0x1C2, v25;
	v1 =	vadd.s32 $0x226, v52;
	v3 =	vld.idx.msk [tilespmem:v51+s3+$0x0], $0xffff;
	[tilespmem:s13+$0x0] =	vst v56  }
0x3e7: {  	v16 =	vadd.s32 $0x1F4, v25;
	v24 =	vadd.s32 $0x190, v25;
	v22 =	vadd.s32 $0x190, v52;
	s17 =	sor.u32 s9, s28;
	v56 =	vld.idx.msk [tilespmem:v44+s3+$0x0], $0xffff;
	[tilespmem:s10+$0x0] =	vst v57  }
0x3e8: {  	s29 =	sor.u32 s1, s28;
	v19 =	vadd.s32 $0x1C2, v52;
	v35 =	vadd.s32 $0x1F4, v34;
	v57 =	vadd.s32 $0x258, v0;
	[tilespmem:s17+$0x0] =	vst v59;
	v59 =	vld.idx.msk [tilespmem:v18+s3+$0x0], $0xffff  }
0x3e9: {  	s30 =	sor.u32 s2, s28;
	v50 =	vadd.s32 $0x258, v52;
	s18 =	sadd.s32 $0xEC00, s31;
	v46 =	vadd.s32 $0x28A, v25;
	v17 =	vmovc v35;
	v35 =	vadd.s32 $0x2EE, v25;
	[tilespmem:s29+$0x0] =	vst v60;
	v2 =	vld.idx.msk [tilespmem:v2+s3+$0x0], $0xffff  }
0x3ea: {  	v38 =	vadd.s32 $0x2BC, v52;
	v25 =	vadd.s32 $0x2EE, v52;
	s19 =	sor.u32 s0, s18;
	v44 =	vadd.s32 $0x28A, v52;
	v52 =	vld.idx.msk [tilespmem:v53+s3+$0x0], $0xffff;
	[tilespmem:s30+$0x0] =	vst v5  }
0x3eb: {  	s25 =	sor.u32 s21, s22;
	v18 =	vmov v62;
	v62 =	vld.idx.msk [tilespmem:v13+s3+$0x0], $0xffff;
	[tilespmem:s19+$0x0] =	vst v3  }
0x3ec: {  	s12 =	sor.u32 s20, s22;
	s22 =	sadd.s32 $0xA400, s5;
	s13 =	sor.u32 s4, s28;
	v3 =	vadd.s32 $0x96, v32;
	v53 =	vld.idx.msk [tilespmem:v54+s3+$0x0], $0xffff;
	[tilespmem:s25+$0x0] =	vst v58  }
0x3ed: {  	v47 =	vadd.s32 $0x96, v34;
	s26 =	sor.u32 s9, s22;
	v5 =	vld.idx.msk [tilespmem:v57+s3+$0x0], $0xffff;
	[tilespmem:s13+$0x0] =	vst v56  }
0x3ee: {  	s23 =	sor.u32 s1, s22;
	v60 =	vadd.s32 $0x28A, v0;
	v54 =	vld.idx.msk [tilespmem:v55+s3+$0x0], $0xffff;
	[tilespmem:s26+$0x0] =	vst v2  }
0x3ef: {  	v2 =	vld.idx.msk [tilespmem:v15+s3+$0x0], $0xffff;
	[tilespmem:s23+$0x0] =	vst v52  }
0x3f0: {  	s29 =	sadd.s32 $0xF400, s31;
	s25 =	sor.u32 s2, s22;
	[tilespmem:s12+$0x0] =	vst v59;
	v48 =	vld.idx.msk [tilespmem:v48+s3+$0x0], $0xffff  }
0x3f1: {  	s30 =	sor.u32 s0, s29;
	v3 =	vld.idx.msk [tilespmem:v3+s3+$0x0], $0xffff;
	[tilespmem:s25+$0x0] =	vst v53  }
0x3f2: {  	s28 =	sor.u32 s4, s22;
	v47 =	vld.idx.msk [tilespmem:v47+s3+$0x0], $0xffff;
	[tilespmem:s30+$0x0] =	vst v5  }
0x3f3: {  	s15 =	sor.u32 s24, s18;
	v5 =	vadd.s32 $0xC8, v32;
	v58 =	vld.idx.msk [tilespmem:v60+s3+$0x0], $0xffff;
	[tilespmem:s28+$0x0] =	vst v54  }
0x3f4: {  	s16 =	sadd.s32 $0xAC00, s5;
	v41 =	vadd.s32 $0xC8, v34;
	s17 =	sor.u32 s21, s18;
	[tilespmem:s15+$0x0] =	vst v62;
	v49 =	vld.idx.msk [tilespmem:v49+s3+$0x0], $0xffff  }
0x3f5: {  	s19 =	sor.u32 s1, s16;
	v59 =	vadd.s32 $0x2BC, v0;
	[tilespmem:s17+$0x0] =	vst v2;
	v2 =	vld.idx.msk [tilespmem:v14+s3+$0x0], $0xffff  }
0x3f6: {  	s23 =	sor.u32 s9, s16;
	v14 =	vmov v1;
	v1 =	vld.idx.msk [tilespmem:v12+s3+$0x0], $0xffff;
	[tilespmem:s19+$0x0] =	vst v48  }
0x3f7: {  	s22 =	sor.u32 s2, s16;
	s26 =	sadd.s32 $0xFC00, s31;
	v12 =	vmov v4;
	[tilespmem:s23+$0x0] =	vst v3;
	v4 =	vld.idx.msk [tilespmem:v42+s3+$0x0], $0xffff  }
0x3f8: {  	s19 =	sor.u32 s0, s26;
	[tilespmem:s22+$0x0] =	vst v47;
	v3 =	vld.idx.msk [tilespmem:v5+s3+$0x0], $0xffff  }
0x3f9: {  	s25 =	sor.u32 s4, s16;
	v5 =	vadd.s32 $0xFA, v32;
	v41 =	vld.idx.msk [tilespmem:v41+s3+$0x0], $0xffff;
	[tilespmem:s19+$0x0] =	vst v58  }
0x3fa: {  	s14 =	sor.u32 s20, s18;
	s18 =	sor.u32 s24, s29;
	v60 =	vld.idx.msk [tilespmem:v59+s3+$0x0], $0xffff;
	[tilespmem:s25+$0x0] =	vst v49  }
0x3fb: {  	v36 =	vadd.s32 $0xFA, v34;
	s28 =	sadd.s32 $0xB400, s5;
	[tilespmem:s18+$0x0] =	vst v1;
	v1 =	vld.idx.msk [tilespmem:v10+s3+$0x0], $0xffff  }
0x3fc: {  	s22 =	sor.u32 s9, s28;
	v43 =	vld.idx.msk [tilespmem:v43+s3+$0x0], $0xffff;
	[tilespmem:s14+$0x0] =	vst v2  }
0x3fd: {  	s10 =	sor.u32 s20, s29;
	s13 =	sor.u32 s21, s29;
	s29 =	sor.u32 s1, s28;
	v2 =	vadd.s32 $0x2EE, v0;
	[tilespmem:s22+$0x0] =	vst v3;
	v3 =	vld.idx.msk [tilespmem:v9+s3+$0x0], $0xffff  }
0x3fe: {  	s30 =	sor.u32 s2, s28;
	[tilespmem:s29+$0x0] =	vst v4;
	s22 =	sadd.s32 $0x10400, s31;
	v4 =	vld.idx.msk [tilespmem:v5+s3+$0x0], $0xffff  }
0x3ff: {  	[tilespmem:s30+$0x0] =	vst v41;
	s23 =	sor.u32 s0, s22;
	v5 =	vld.idx.msk [tilespmem:v33+s3+$0x0], $0xffff  }
0x400: {  	v13 =	vmov v61;
	v0 =	vmov v32;
	v61 =	vld.idx.msk [tilespmem:v36+s3+$0x0], $0xffff;
	[tilespmem:s23+$0x0] =	vst v60  }
0x401: {  	s15 =	sor.u32 s4, s28;
	v32 =	vadd.s32 $0x12C, v0;
	[tilespmem:s13+$0x0] =	vst v1;
	v1 =	vld.idx.msk [tilespmem:v8+s3+$0x0], $0xffff  }
0x402: {  	s23 =	sadd.s32 $0xBC00, s5;
	v2 =	vld.idx.msk [tilespmem:v2+s3+$0x0], $0xffff;
	[tilespmem:s15+$0x0] =	vst v43  }
0x403: {  	s25 =	sor.u32 s1, s23;
	v62 =	vld.idx.msk [tilespmem:v37+s3+$0x0], $0xffff;
	[tilespmem:s10+$0x0] =	vst v3  }
0x404: {  	v29 =	vadd.s32 $0x12C, v34;
	s12 =	sor.u32 s21, s26;
	s11 =	sor.u32 s20, s26;
	s28 =	sor.u32 s9, s23;
	v3 =	vld.idx.msk [tilespmem:v6+s3+$0x0], $0xffff;
	[tilespmem:s25+$0x0] =	vst v5  }
0x405: {  	s16 =	sor.u32 s24, s26;
	s30 =	sadd.s32 $0x10C00, s31;
	s31 =	smov.u32 s5;
	[tilespmem:s28+$0x0] =	vst v4;
	v5 =	vld.idx.msk [tilespmem:v31+s3+$0x0], $0xffff  }
0x406: {  	s18 =	sor.u32 s24, s22;
	s17 =	sor.u32 s21, s22;
	s26 =	sor.u32 s2, s23;
	v4 =	vld.idx.msk [tilespmem:v32+s3+$0x0], $0xffff;
	[tilespmem:s16+$0x0] =	vst v1  }
0x407: {  	s14 =	sor.u32 s20, s22;
	s13 =	sor.u32 s21, s30;
	s21 =	sor.u32 s0, s30;
	[tilespmem:s26+$0x0] =	vst v61;
	v1 =	vld.idx.msk [tilespmem:v26+s3+$0x0], $0xffff  }
0x408: {  	s22 =	sadd.s32 $0xC400, s31;
	s15 =	sor.u32 s24, s30;
	s24 =	smov.u32 s1;
	[tilespmem:s21+$0x0] =	vst v2  }
0x409: {  	s0 =	smov.u32 s9;
	s29 =	sor.u32 s4, s23;
	s23 =	sor.u32 s24, s22;
	v29 =	vld.idx.msk [tilespmem:v29+s3+$0x0], $0xffff;
	[tilespmem:s12+$0x0] =	vst v3  }
0x40a: {  	s26 =	sor.u32 s0, s22;
	v3 =	vld [tilespmem:$0x1FEC0];
	[tilespmem:s23+$0x0] =	vst v5  }
0x40b: {  	[tilespmem:s26+$0x0] =	vst v4;
	v4 =	vld.idx.msk [tilespmem:v27+s3+$0x0], $0xffff  }
0x40c: {  	[tilespmem:s18+$0x0] =	vst v1;
	v1 =	vld [tilespmem:$0x1FEE0];
	_ =	sdelay $0x3  }
0x40d: {  	v31 =	vld.idx.msk [tilespmem:v11+s3+$0x0], $0xffff  }
0x40e: {  	v63 =	vadd.s32 $0x226, v34;
	v2 =	vadd.s32 $0x15E, v0;
	v26 =	vld [tilespmem:$0x1FED0];
	[tilespmem:s29+$0x0] =	vst v62  }
0x40f: {  	v15 =	vmov v63;
	s21 =	smov.u32 s2;
	v63 =	vld.idx.msk [tilespmem:v30+s3+$0x0], $0xffff  }
0x410: {  	s25 =	sor.u32 s21, s22;
	v3 =	vld.idx.msk [tilespmem:v3+s3+$0x0], $0xffff  }
0x411: {  	[tilespmem:s25+$0x0] =	vst v29;
	v29 =	vld.idx.msk [tilespmem:v1+s3+$0x0], $0xffff  }
0x412: {  	v1 =	vld [tilespmem:$0x1FEF0]  }
0x413: {  	v28 =	vadd.s32 $0x15E, v34;
	v2 =	vld.idx.msk [tilespmem:v2+s3+$0x0], $0xffff  }
0x414: {  	s7 =	sadd.s32 $0x4, s7;
	s10 =	sor.u32 s20, s30;
	s20 =	smov.u32 s4;
	v5 =	vadd.s32 $0x190, v0  }
0x415: {  	p0 =	slt.u32 s7, $0x3C;
	v36 =	vld [tilespmem:$0x1FEB0];
	s1 =	sor.u32 s20, s22;
	[tilespmem:s11+$0x0] =	vst v31  }
.Ltmp5:
0x416: {  	s28 =	sadd.s32 $0xCC00, s31;
	v27 =	vld.idx.msk [tilespmem:v7+s3+$0x0], $0xffff;
	[tilespmem:s1+$0x0] =	vst v63;
	(pc) =	sbr.rel @p0 .LBB2_9-.Ltmp5, $4  }
0x417: {  	v23 =	vadd.s32 $0x190, v34;
	v21 =	vadd.s32 $0x1C2, v34;
	v39 =	vadd.s32 $0x2BC, v34;
	s30 =	sor.u32 s0, s28;
	v31 =	vld.idx.msk [tilespmem:v26+s3+$0x0], $0xffff  }
0x418: {  	v45 =	vadd.s32 $0x28A, v34;
	v51 =	vadd.s32 $0x258, v34;
	v34 =	vadd.s32 $0x2EE, v34;
	[tilespmem:s30+$0x0] =	vst v2;
	v30 =	vld.idx.msk [tilespmem:v28+s3+$0x0], $0xffff  }
0x419: {  	s6 =	sadd.s32 $0x80, s6;
	v10 =	vmovc v51;
	v9 =	vmovc v50;
	v33 =	vmov v34;
	v8 =	vmov v46;
	v37 =	vmov v40;
	s29 =	sor.u32 s24, s28;
	v26 =	vld.idx.msk [tilespmem:v5+s3+$0x0], $0xffff;
	[tilespmem:s17+$0x0] =	vst v3  }
0x41a: {  	s8 =	sadd.s32 $0x40, s8;
	v40 =	vmovc v39;
	v6 =	vmovc v45;
	v11 =	vmov v44;
	v32 =	vmov v35;
	s2 =	sor.u32 s21, s28;
	s11 =	sor.u32 s20, s28;
	v7 =	vmov v38;
	[tilespmem:s29+$0x0] =	vst v4;
	v28 =	vld.idx.msk [tilespmem:v1+s3+$0x0], $0xffff  }
0x41b: {  	_ =	sdelay $0x3  }
0x41c: {  	v1 =	vld.idx.msk [tilespmem:v24+s3+$0x0], $0xffff;
	v2 =	vadd.s32 $0x1C2, v0;
	[tilespmem:s2+$0x0] =	vst v30  }
0x41d: {  	[tilespmem:s11+$0x0] =	vst v31;
	v3 =	vld.idx.msk [tilespmem:v23+s3+$0x0], $0xffff  }
0x41e: {  	s1 =	sadd.s32 $0xD400, s31;
	v4 =	vld.idx.msk [tilespmem:v22+s3+$0x0], $0xffff  }
0x41f: {  	s8 =	sor.u32 s0, s1  }
0x420: {  	s9 =	sor.u32 s24, s1;
	[tilespmem:s8+$0x0] =	vst v26  }
0x421: {  	s11 =	sor.u32 s21, s1;
	[tilespmem:s9+$0x0] =	vst v1;
	v47 =	vld.idx.msk [tilespmem:v2+s3+$0x0], $0xffff  }
0x422: {  	v48 =	vadd.s32 $0x1F4, v0;
	s1 =	sor.u32 s20, s1;
	v49 =	vld.idx.msk [tilespmem:v20+s3+$0x0], $0xffff;
	[tilespmem:s11+$0x0] =	vst v3  }
0x423: {  	[tilespmem:s1+$0x0] =	vst v4;
	v5 =	vld.idx.msk [tilespmem:v21+s3+$0x0], $0xffff  }
0x424: {  	s12 =	sadd.s32 $0xDC00, s31;
	v4 =	vld.idx.msk [tilespmem:v19+s3+$0x0], $0xffff  }
0x425: {  	s16 =	sor.u32 s0, s12  }
0x426: {  	s17 =	sor.u32 s24, s12;
	[tilespmem:s16+$0x0] =	vst v47  }
0x427: {  	s18 =	sor.u32 s21, s12;
	[tilespmem:s17+$0x0] =	vst v49;
	v1 =	vld.idx.msk [tilespmem:v48+s3+$0x0], $0xffff  }
0x428: {  	v50 =	vadd.s32 $0x226, v0;
	s1 =	sor.u32 s20, s12;
	v3 =	vld.idx.msk [tilespmem:v16+s3+$0x0], $0xffff;
	[tilespmem:s18+$0x0] =	vst v5  }
0x429: {  	[tilespmem:s1+$0x0] =	vst v4;
	v51 =	vld.idx.msk [tilespmem:v17+s3+$0x0], $0xffff  }
0x42a: {  	s19 =	sadd.s32 $0xE400, s31;
	v52 =	vld.idx.msk [tilespmem:v18+s3+$0x0], $0xffff  }
0x42b: {  	s22 =	sor.u32 s0, s19  }
0x42c: {  	s23 =	sor.u32 s24, s19;
	[tilespmem:s22+$0x0] =	vst v1  }
0x42d: {  	s25 =	sor.u32 s21, s19;
	[tilespmem:s23+$0x0] =	vst v3;
	v1 =	vld.idx.msk [tilespmem:v50+s3+$0x0], $0xffff  }
0x42e: {  	v53 =	vadd.s32 $0x258, v0;
	s1 =	sor.u32 s20, s19;
	v3 =	vld.idx.msk [tilespmem:v13+s3+$0x0], $0xffff;
	[tilespmem:s25+$0x0] =	vst v51  }
0x42f: {  	[tilespmem:s1+$0x0] =	vst v52;
	v4 =	vld.idx.msk [tilespmem:v15+s3+$0x0], $0xffff  }
0x430: {  	s26 =	sadd.s32 $0xEC00, s31;
	v5 =	vld.idx.msk [tilespmem:v14+s3+$0x0], $0xffff  }
0x431: {  	s28 =	sor.u32 s0, s26  }
0x432: {  	s29 =	sor.u32 s24, s26;
	[tilespmem:s28+$0x0] =	vst v1  }
0x433: {  	s30 =	sor.u32 s21, s26;
	[tilespmem:s29+$0x0] =	vst v3;
	v1 =	vld.idx.msk [tilespmem:v53+s3+$0x0], $0xffff  }
0x434: {  	v54 =	vadd.s32 $0x28A, v0;
	s1 =	sor.u32 s20, s26;
	v3 =	vld.idx.msk [tilespmem:v12+s3+$0x0], $0xffff;
	[tilespmem:s30+$0x0] =	vst v4  }
0x435: {  	[tilespmem:s1+$0x0] =	vst v5;
	v4 =	vld.idx.msk [tilespmem:v10+s3+$0x0], $0xffff  }
0x436: {  	s4 =	sadd.s32 $0xF400, s31;
	v5 =	vld.idx.msk [tilespmem:v9+s3+$0x0], $0xffff  }
0x437: {  	s5 =	sor.u32 s0, s4  }
0x438: {  	s6 =	sor.u32 s24, s4;
	[tilespmem:s5+$0x0] =	vst v1  }
0x439: {  	s7 =	sor.u32 s21, s4;
	[tilespmem:s6+$0x0] =	vst v3;
	v1 =	vld.idx.msk [tilespmem:v54+s3+$0x0], $0xffff  }
0x43a: {  	v55 =	vadd.s32 $0x2BC, v0;
	s1 =	sor.u32 s20, s4;
	v3 =	vld.idx.msk [tilespmem:v8+s3+$0x0], $0xffff;
	[tilespmem:s7+$0x0] =	vst v4  }
0x43b: {  	[tilespmem:s1+$0x0] =	vst v5;
	v4 =	vld.idx.msk [tilespmem:v6+s3+$0x0], $0xffff  }
0x43c: {  	s8 =	sadd.s32 $0xFC00, s31;
	v5 =	vld.idx.msk [tilespmem:v11+s3+$0x0], $0xffff  }
0x43d: {  	s9 =	sor.u32 s0, s8  }
0x43e: {  	s11 =	sor.u32 s24, s8;
	[tilespmem:s9+$0x0] =	vst v1  }
0x43f: {  	s12 =	sor.u32 s21, s8;
	[tilespmem:s11+$0x0] =	vst v3;
	v1 =	vld.idx.msk [tilespmem:v55+s3+$0x0], $0xffff  }
0x440: {  	v56 =	vadd.s32 $0x2EE, v0;
	s1 =	sor.u32 s20, s8;
	v57 =	vld.idx.msk [tilespmem:v37+s3+$0x0], $0xffff;
	[tilespmem:s12+$0x0] =	vst v4  }
0x441: {  	[tilespmem:s1+$0x0] =	vst v5;
	v58 =	vld.idx.msk [tilespmem:v40+s3+$0x0], $0xffff  }
0x442: {  	[tilespmem:s14+$0x0] =	vst v27;
	s14 =	sadd.s32 $0x10400, s31;
	v59 =	vld.idx.msk [tilespmem:v7+s3+$0x0], $0xffff  }
0x443: {  	[tilespmem:s15+$0x0] =	vst v29;
	s16 =	sor.u32 s0, s14  }
0x444: {  	v60 =	vld.idx.msk [tilespmem:v36+s3+$0x0], $0xffff;
	s17 =	sor.u32 s24, s14;
	[tilespmem:s16+$0x0] =	vst v1  }
0x445: {  	s18 =	sor.u32 s21, s14;
	[tilespmem:s17+$0x0] =	vst v57;
	v0 =	vld.idx.msk [tilespmem:v56+s3+$0x0], $0xffff  }
0x446: {  	s1 =	sor.u32 s20, s14;
	v61 =	vld.idx.msk [tilespmem:v32+s3+$0x0], $0xffff;
	[tilespmem:s18+$0x0] =	vst v58  }
0x447: {  	[tilespmem:s1+$0x0] =	vst v59;
	v62 =	vld.idx.msk [tilespmem:v33+s3+$0x0], $0xffff  }
0x448: {  	[tilespmem:s13+$0x0] =	vst v28;
	s19 =	sadd.s32 $0x10C00, s31;
	v63 =	vld.idx.msk [tilespmem:v25+s3+$0x0], $0xffff  }
0x449: {  	[tilespmem:s10+$0x0] =	vst v60;
	s22 =	sor.u32 s0, s19  }
0x44a: {  	s23 =	sor.u32 s24, s19;
	[tilespmem:s22+$0x0] =	vst v0  }
0x44b: {  	s24 =	sor.u32 s21, s19;
	[tilespmem:s23+$0x0] =	vst v61  }
0x44c: {  	s25 =	rddreg [dreg:$0x1];
	s1 =	sor.u32 s20, s19;
	[tilespmem:s24+$0x0] =	vst v62  }
0x44d: {  	s2 =	rddreg [dreg:$0xf];
	[tilespmem:s1+$0x0] =	vst v63  }
0x44e: {  	s26 =	simm.s32 $0x9380;
	s0 =	sadd.s32 s25, s2;
	s1 =	rddreg [dreg:$0xc]  }
0x44f: {  	s4 =	simm.s32 $0x100;
	s5 =	simm.s32 $0x400;
	s0 =	sadd.s32 s1, s0  }
0x450: {  	[hbm4b:s0+s4] =	stream.strided.scatter [tilespmem:s26], [sflag:$0x4], $0x800, s5, s4, $0x38;
	[tilespmem:$0x11380] =	vst v63  }
0x451: {  	s29 =	simm.s32 $0x9B80;
	s28 =	sadd.s32 $0x20000, s0  }
0x452: {  	[hbm4b:s28+s4] =	stream.strided.scatter [tilespmem:s29], [sflag:$0x4], $0x800, s5, s4, $0x38;
	[tilespmem:$0x11380] =	vst v63  }
0x453: {  	s31 =	simm.s32 $0xA380;
	s30 =	sadd.s32 $0x40000, s0  }
0x454: {  	[hbm4b:s30+s4] =	stream.strided.scatter [tilespmem:s31], [sflag:$0x4], $0x800, s5, s4, $0x38;
	[tilespmem:$0x11380] =	vst v63  }
0x455: {  	s7 =	simm.s32 $0xAB80;
	s6 =	sadd.s32 $0x60000, s0  }
0x456: {  	[hbm4b:s6+s4] =	stream.strided.scatter [tilespmem:s7], [sflag:$0x4], $0x800, s5, s4, $0x38;
	[tilespmem:$0x11380] =	vst v63  }
0x457: {  	s9 =	simm.s32 $0xB380;
	s8 =	sadd.s32 $0x80000, s0  }
0x458: {  	[hbm4b:s8+s4] =	stream.strided.scatter [tilespmem:s9], [sflag:$0x4], $0x800, s5, s4, $0x38;
	[tilespmem:$0x11380] =	vst v63  }
0x459: {  	s11 =	simm.s32 $0xBB80;
	s10 =	sadd.s32 $0xA0000, s0  }
0x45a: {  	[hbm4b:s10+s4] =	stream.strided.scatter [tilespmem:s11], [sflag:$0x4], $0x800, s5, s4, $0x38;
	[tilespmem:$0x11380] =	vst v63  }
0x45b: {  	s13 =	simm.s32 $0xC380;
	s12 =	sadd.s32 $0xC0000, s0  }
0x45c: {  	[hbm4b:s12+s4] =	stream.strided.scatter [tilespmem:s13], [sflag:$0x4], $0x800, s5, s4, $0x38;
	[tilespmem:$0x11380] =	vst v63  }
0x45d: {  	s15 =	simm.s32 $0xCB80;
	s14 =	sadd.s32 $0xE0000, s0  }
0x45e: {  	[hbm4b:s14+s4] =	stream.strided.scatter [tilespmem:s15], [sflag:$0x4], $0x800, s5, s4, $0x38;
	[tilespmem:$0x11380] =	vst v63  }
0x45f: {  	s17 =	simm.s32 $0xD380;
	s16 =	sadd.s32 $0x100000, s0  }
0x460: {  	[hbm4b:s16+s4] =	stream.strided.scatter [tilespmem:s17], [sflag:$0x4], $0x800, s5, s4, $0x38;
	[tilespmem:$0x11380] =	vst v63  }
0x461: {  	s19 =	simm.s32 $0xDB80;
	s18 =	sadd.s32 $0x120000, s0  }
0x462: {  	[hbm4b:s18+s4] =	stream.strided.scatter [tilespmem:s19], [sflag:$0x4], $0x800, s5, s4, $0x38;
	[tilespmem:$0x11380] =	vst v63  }
0x463: {  	s21 =	simm.s32 $0xE380;
	s20 =	sadd.s32 $0x140000, s0  }
0x464: {  	[hbm4b:s20+s4] =	stream.strided.scatter [tilespmem:s21], [sflag:$0x4], $0x800, s5, s4, $0x38;
	[tilespmem:$0x11380] =	vst v63  }
0x465: {  	s23 =	simm.s32 $0xEB80;
	s22 =	sadd.s32 $0x160000, s0  }
0x466: {  	[hbm4b:s22+s4] =	stream.strided.scatter [tilespmem:s23], [sflag:$0x4], $0x800, s5, s4, $0x38;
	[tilespmem:$0x11380] =	vst v63  }
0x467: {  	s25 =	simm.s32 $0xF380;
	s24 =	sadd.s32 $0x180000, s0  }
0x468: {  	[hbm4b:s24+s4] =	stream.strided.scatter [tilespmem:s25], [sflag:$0x4], $0x800, s5, s4, $0x38;
	[tilespmem:$0x11380] =	vst v63  }
0x469: {  	s26 =	sadd.s32 $0x1A0000, s0;
	s28 =	simm.s32 $0xFB80  }
0x46a: {  	[hbm4b:s26+s4] =	stream.strided.scatter [tilespmem:s28], [sflag:$0x4], $0x800, s5, s4, $0x38;
	[tilespmem:$0x11380] =	vst v63  }
.Ltmp6:
0x46b: {  	_ = 	snop;
	(pc) =	sbr.rel @p1 .LBB2_12-.Ltmp6, $4  }
0x46c: {  	s29 =	sadd.s32 $0x1C0000, s0;
	s30 =	simm.s32 $0x10380  }
0x46d: {  	[hbm4b:s29+s4] =	stream.strided.scatter [tilespmem:s30], [sflag:$0x4], $0x800, s5, s4, $0x38;
	[tilespmem:$0x11380] =	vst v63  }
0x46e: {  	s0 =	sadd.s32 $0x1E0000, s0;
	s31 =	simm.s32 $0x10B80  }
0x46f: {  	[hbm4b:s0+s4] =	stream.strided.scatter [tilespmem:s31], [sflag:$0x4], $0x800, s5, s4, $0x38;
	[tilespmem:$0x11380] =	vst v63  }
0x470: {  	s0 =	rddreg [dreg:$0xb]  }
0x471: {  	s7 =	rddreg [dreg:$0x4];
	s0 =	sadd.s32 $0x3, s0  }
.Ltmp7:
0x472: {  	s1 =	sshll.u32 s0, $0x8;
	s0 =	sshll.u32 s0, $0x5;
	(pc) =	sbr.rel .LBB2_2-.Ltmp7, $4  }
0x473: {  	s2 =	rddreg [dreg:$0x3];
	s1 =	sadd.s32 s7, s1;
	s0 =	sand.u32 $0x60, s0  }
0x474: {  	s9 =	rddreg [dreg:$0xa];
	s1 =	sand.u32 $0x3FC00, s1;
	s0 =	sadd.s32 s2, s0  }
0x475: {  	s31 =	simm.s32 $0xB80;
	s9 =	sadd.s32 $0x1, s9;
	s0 =	sadd.s32 s1, s0  }
0x476: {  	[tilespmem:s31], [sflag:$0x2] =	stream.strided.gather [hbm4b:s0+s4], $0x800, s5, s4, $0x38;
	[tilespmem:$0x11380] =	vst v63  }
.LBB2_13:
0x477: {  	_ =	sfence.sel $0x180000  }
0x478: {  	[bflag:$0x0] =	sbarrier.arrive $0xFFFF  }
0x479: {  	_ =	strace $0x9000004A  }
0x47a: {  	s0 =	stileid.u32;
	[bflag:$0x2] =	sbarrier.arrive $0xFFFF  }
0x47b: {  	p0 =	sne.s32 s0, $0x0;
	s0 =	rddreg [dreg:$0x2]  }
0x47c: {  	s0 =	sadd.s32 @!p0 $0x100000, s0  }
0x47d: {  	[sflag:s0] =	ssyncadd.tile.s32 @!p0 $0x1;
	_ =	shalt  }
.Lfunc_end2:
_tile_overlayer_lowered:
.L_overlay_start_2:
0x47e: {  	(tag) =	ssettag $0x2  }
0x47f: {  	s0 =	rddreg [dreg:$0x0];
	s2 =	stileid.u32  }
0x480: {  	s1 =	rddreg [dreg:$0x1];
	p0 =	sne.s32 s2, $0x0  }
0x481: {  	s3 =	rddreg [dreg:$0x2];
	[bflag:$0x3] =	sbarrier.arrive $0xFFFF;
	s2 =	simm.s32 @!p0 $0x1C05  }
0x482: {  	[timem:s3], [sflag:s2] =	dma.local @!p0 [hbm:s0], s1  }
0x483: {  	s0 =	simm.s32 @!p0 $0x5  }
0x484: {  	_ =	swait.ge @!p0 [sflag:s0], s1  }
0x485: {  	s1 =	ssub.s32 @!p0 $0x0, s1;
	[sflag:s0] =	ssyncset.done @!p0 $0x0  }
0x486: {  	[sflag:s0] =	ssyncadd.s32 @!p0 s1  }
0x487: {  	[bflag:$0x3] =	sbarrier.arrive $0xFFFF  }
0x488: {  	_ =	shalt  }

</sc_bundles>
